<compile_context>
chip_gen: v7x
topology: tpu7x:2x2x1
jax: 0.10.2.dev20260603
libtpu: 0.0.44.dev20260713+nightly
codegen_flags: <defaults>
</compile_context>

<pallas_src>
import functools

import jax
import jax.numpy as jnp
from jax import lax
from jax.experimental import pallas as pl
from jax.experimental.pallas import tpu as pltpu
from jax.experimental.pallas import tpu_sc as plsc

_PENALTY_WEIGHT = 1.0
_MIN_ENV_SAMPLES = 2.0
_E = 8
_SC_TAIL = 256


def _make_sc_partial(b, d, tail_base, nc, ns):
    s_w = (b - tail_base) // (nc * ns)

    @functools.partial(
        pl.kernel,
        mesh=plsc.VectorSubcoreMesh(core_axis_name="c", subcore_axis_name="s"),
        out_type=jax.ShapeDtypeStruct((nc, _E * d, d), jnp.float32),
        scratch_types=[
            pltpu.VMEM((s_w, d), jnp.int32),
            pltpu.VMEM((2, d, d), jnp.float32),
            pltpu.VMEM_SHARED((_E * d, d), jnp.float32),
            pltpu.SemaphoreType.DMA,
            pltpu.SemaphoreType.DMA,
        ],
    )
    def sc_partial(a_hbm, dest_hbm, zeros_hbm, out_hbm,
                   idx_v, slab_v, acc_sh, sem0, sem1):
        c = lax.axis_index("c")
        s = lax.axis_index("s")
        my_base = tail_base + (c * ns + s) * s_w
        sems = [sem0, sem1]

        @pl.when(s == 0)
        def _zero():
            pltpu.sync_copy(zeros_hbm, acc_sh)

        plsc.subcore_barrier()

        pltpu.sync_copy(dest_hbm.at[pl.ds(my_base, s_w)], idx_v)
        pending = pltpu.async_copy(
            a_hbm.at[pl.ds(my_base * d, d)], slab_v.at[0], sems[0])
        for g in range(s_w):
            nxt = None
            if g + 1 < s_w:
                nxt = pltpu.async_copy(
                    a_hbm.at[pl.ds((my_base + g + 1) * d, d)],
                    slab_v.at[(g + 1) % 2], sems[(g + 1) % 2])
            pending.wait()
            pltpu.sync_copy(slab_v.at[g % 2], acc_sh.at[idx_v.at[g]], add=True)
            pending = nxt

        plsc.subcore_barrier()

        @pl.when(s == 0)
        def _flush():
            pltpu.sync_copy(acc_sh, out_hbm.at[c])

    return sc_partial


def _make_tc_partial(bb, d):
    def _tc_partial(lab_ref, a_ref, acc_ref):
        i = pl.program_id(0)

        @pl.when(i == 0)
        def _init():
            acc_ref[...] = jnp.zeros_like(acc_ref)

        def _body(s, carry):
            lab = lab_ref[0, i * bb + s]
            acc_ref[pl.ds(lab * d, d), :] += a_ref[pl.ds(s * d, d), :]
            return carry

        jax.lax.fori_loop(0, bb, _body, 0, unroll=True)

    return _tc_partial


def _make_finisher(b, d, nc):
    def _finisher(lab_ref, tc_ref, sc_ref, out_ref, cnt_ref):
        for e in range(_E):
            cnt_ref[0, e] = 0.0

        def _cbody(t, carry):
            lab = lab_ref[0, t]
            cnt_ref[0, lab] += 1.0
            return carry

        jax.lax.fori_loop(0, b, _cbody, 0)

        counts = [cnt_ref[0, e] for e in range(_E)]
        valid = [jnp.where(c >= _MIN_ENV_SAMPLES, 1.0, 0.0) for c in counts]
        safe = [jnp.maximum(c, 1.0) for c in counts]
        n_valid = sum(valid)

        def _sums(e):
            r = tc_ref[e * d:(e + 1) * d, :]
            for c in range(nc):
                r = r + sc_ref[c, e * d:(e + 1) * d, :]
            return r

        mom = jnp.zeros((d, d), jnp.float32)
        for e in range(_E):
            mom += (valid[e] / (safe[e] * n_valid)) * _sums(e)
        var = jnp.zeros((d, d), jnp.float32)
        for e in range(_E):
            diff = _sums(e) / safe[e] - mom
            var += valid[e] * diff * diff
        out_ref[0, 0] = jnp.sum(var) / (n_valid - 1.0)

    return _finisher


def kernel(A_batch, env_labels):
    b, d, _ = A_batch.shape
    a2 = A_batch.reshape(b * d, d)
    labs32 = env_labels.astype(jnp.int32)
    labs = labs32.reshape(1, b)

    info = plsc.get_sparse_core_info()
    nc, ns = info.num_cores, info.num_subcores
    tail_base = b - _SC_TAIL
    zeros = jnp.zeros((_E * d, d), jnp.float32)
    dest = labs32[:, None] * d + jnp.arange(d, dtype=jnp.int32)[None, :]
    sc_acc = _make_sc_partial(b, d, tail_base, nc, ns)(a2, dest, zeros)

    bb = 128
    g = tail_base // bb
    tc_acc = pl.pallas_call(
        _make_tc_partial(bb, d),
        grid=(g,),
        in_specs=[
            pl.BlockSpec(memory_space=pltpu.SMEM),
            pl.BlockSpec((bb * d, d), lambda i: (i, 0)),
        ],
        out_specs=pl.BlockSpec((_E * d, d), lambda i: (0, 0)),
        out_shape=jax.ShapeDtypeStruct((_E * d, d), jnp.float32),
        compiler_params=pltpu.CompilerParams(
            dimension_semantics=("arbitrary",),
        ),
    )(labs, a2)

    out = pl.pallas_call(
        _make_finisher(b, d, nc),
        in_specs=[
            pl.BlockSpec(memory_space=pltpu.SMEM),
            pl.BlockSpec((_E * d, d), lambda: (0, 0)),
            pl.BlockSpec((nc, _E * d, d), lambda: (0, 0, 0)),
        ],
        out_specs=pl.BlockSpec((1, 1), lambda: (0, 0),
                               memory_space=pltpu.SMEM),
        out_shape=jax.ShapeDtypeStruct((1, 1), jnp.float32),
        scratch_shapes=[pltpu.SMEM((1, _E), jnp.float32)],
    )(labs, tc_acc, sc_acc)
    return out[0, 0] * (_PENALTY_WEIGHT / (d * d))

# --- scband reference (transcript-rebuilt; emitter-appended) ---
"""Pipeline reference for scband-irm-invariance-7009386627197 (READ-ONLY COPY).

The authoritative reference and input builder live on the scoring server;
editing this copy changes nothing except your own understanding.
"""

import jax, jax.numpy as jnp
import numpy as np

PENALTY_WEIGHT = 1.0
MIN_ENV_SAMPLES = 2
NUM_ENVS = 8
B = 1024
D = 128


def setup_inputs(seed: int = 0) -> dict:
    key = jax.random.key(seed)
    k1, k2 = jax.random.split(key)
    A_batch = jax.random.normal(k1, (B, D, D), dtype=jnp.float32)
    env_labels = jax.random.randint(k2, (B,), 0, NUM_ENVS, dtype=jnp.int64) if jax.config.jax_enable_x64 else jax.random.randint(k2, (B,), 0, NUM_ENVS, dtype=jnp.int32)
    return {"A_batch": A_batch, "env_labels": env_labels}


def reference(A_batch, env_labels):
    # Per-environment counts and sums via segment reduction
    counts = jax.ops.segment_sum(jnp.ones((A_batch.shape[0],), jnp.float32), env_labels, num_segments=NUM_ENVS)  # [E]
    sums = jax.ops.segment_sum(A_batch, env_labels, num_segments=NUM_ENVS)  # [E, d, d]
    # Keep only environments with at least MIN_ENV_SAMPLES samples
    valid = (counts >= MIN_ENV_SAMPLES).astype(jnp.float32)  # [E]
    safe_counts = jnp.maximum(counts, 1.0)
    means = sums / safe_counts[:, None, None]  # [E, d, d] per-env mean adjacency
    n_valid = jnp.sum(valid)
    w = valid[:, None, None]
    # Unbiased variance across valid environments (matches torch.var default, unbiased=True)
    mean_of_means = jnp.sum(means * w, axis=0) / n_valid  # [d, d]
    variance = jnp.sum(w * (means - mean_of_means) ** 2, axis=0) / (n_valid - 1.0)  # [d, d]
    penalty = PENALTY_WEIGHT * jnp.mean(variance)
    return penalty

if __name__ == "__main__":
    import jax
    _d = setup_inputs()
    print(jax.jit(kernel)(*tuple(_d.values())))

</pallas_src>

<mosaic_0001>
#map = affine_map<(d0, d1) -> (0, 0)>
#map1 = affine_map<(d0, d1) -> (0, 0, 0)>
module attributes {stable_mosaic.version = 14 : i64} {
  func.func @sc_partial(%arg0: i32, %arg1: i32, %arg2: memref<131072x128xf32, #tpu.memory_space<hbm>>, %arg3: memref<1024x128xi32, #tpu.memory_space<hbm>>, %arg4: memref<1024x128xf32, #tpu.memory_space<hbm>>, %arg5: memref<2x1024x128xf32, #tpu.memory_space<hbm>>, %arg6: memref<8x128xi32, #tpu.memory_space<vmem>>, %arg7: memref<2x128x128xf32, #tpu.memory_space<vmem>>, %arg8: memref<1024x128xf32, #tpu.memory_space<vmem_shared>>, %arg9: memref<!tpu.dma_semaphore, #tpu.memory_space<semaphore_mem>>, %arg10: memref<!tpu.dma_semaphore, #tpu.memory_space<semaphore_mem>>) attributes {dimension_semantics = [#tpu.dimension_semantics<core_parallel>, #tpu.dimension_semantics<subcore_parallel>], iteration_bounds = array<i64: 2, 16>, scalar_prefetch = 0 : i64, scratch_operands = 5 : i64, tpu.core_type = #tpu.core_type<sc_vector_subcore>, window_params = [{transform_indices = #map}, {transform_indices = #map}, {transform_indices = #map}, {transform_indices = #map1}]} {
    %mul3A = arith.constant 16 : i32
    %mul3A_0 = arith.muli %arg0, %mul3A : i32
    %add3A = arith.addi %mul3A_0, %arg1 : i32
    %mul3A_1 = arith.constant 8 : i32
    %mul3A_2 = arith.muli %add3A, %mul3A_1 : i32
    %add3A_3 = arith.constant 768 : i32
    %add3A_4 = arith.addi %add3A_3, %mul3A_2 : i32
    %eq3A = arith.constant 0 : i32
    %eq3A_5 = arith.cmpi eq, %arg1, %eq3A : i32
    %convert_element_type3A = arith.extui %eq3A_5 : i1 to i32
    %cond3A = arith.constant 0 : i32
    %cond3A_6 = arith.cmpi ne, %convert_element_type3A, %cond3A : i32
    scf.if %cond3A_6 {
      "tpu.region"() ({
        %run_scoped3A_278 = tpu.sem_alloc : memref<!tpu.dma_semaphore, #tpu.memory_space<semaphore_mem>>
        tpu.enqueue_dma source(%arg4 : memref<1024x128xf32, #tpu.memory_space<hbm>>) target(%arg8 : memref<1024x128xf32, #tpu.memory_space<vmem_shared>>) target_semaphore(%run_scoped3A_278 : memref<!tpu.dma_semaphore, #tpu.memory_space<semaphore_mem>>)
        tpu.wait_dma2 semaphore(%run_scoped3A_278 : memref<!tpu.dma_semaphore, #tpu.memory_space<semaphore_mem>>) src(%arg4 : memref<1024x128xf32, #tpu.memory_space<hbm>>) dst(%arg8 : memref<1024x128xf32, #tpu.memory_space<vmem_shared>>)
        tpu.yield
      }) : () -> ()
    } else {
    }
    %barrier3A = arith.constant 0 : index
    tpu.barrier barrier_id(%barrier3A)
    "tpu.region"() ({
      %run_scoped3A_278 = tpu.sem_alloc : memref<!tpu.dma_semaphore, #tpu.memory_space<semaphore_mem>>
      %dma_start3A_279 = arith.constant 0 : i32
      %dma_start3A_280 = tpu.memref_slice %arg3[%add3A_4, %dma_start3A_279] : memref<1024x128xi32, #tpu.memory_space<hbm>> -> memref<8x128xi32, #tpu.memory_space<hbm>>
      %dma_start3A_281 = arith.constant 0 : i32
      %dma_start3A_282 = tpu.memref_slice %arg3[%add3A_4, %dma_start3A_281] : memref<1024x128xi32, #tpu.memory_space<hbm>> -> memref<8x128xi32, #tpu.memory_space<hbm>>
      tpu.enqueue_dma source(%dma_start3A_282 : memref<8x128xi32, #tpu.memory_space<hbm>>) target(%arg6 : memref<8x128xi32, #tpu.memory_space<vmem>>) target_semaphore(%run_scoped3A_278 : memref<!tpu.dma_semaphore, #tpu.memory_space<semaphore_mem>>)
      %dma_wait3A_283 = arith.constant 0 : i32
      %dma_wait3A_284 = tpu.memref_slice %arg3[%add3A_4, %dma_wait3A_283] : memref<1024x128xi32, #tpu.memory_space<hbm>> -> memref<8x128xi32, #tpu.memory_space<hbm>>
      %dma_wait3A_285 = arith.constant 0 : i32
      %dma_wait3A_286 = tpu.memref_slice %arg3[%add3A_4, %dma_wait3A_285] : memref<1024x128xi32, #tpu.memory_space<hbm>> -> memref<8x128xi32, #tpu.memory_space<hbm>>
      tpu.wait_dma2 semaphore(%run_scoped3A_278 : memref<!tpu.dma_semaphore, #tpu.memory_space<semaphore_mem>>) src(%dma_wait3A_286 : memref<8x128xi32, #tpu.memory_space<hbm>>) dst(%arg6 : memref<8x128xi32, #tpu.memory_space<vmem>>)
      tpu.yield
    }) : () -> ()
    %mul3A_7 = arith.constant 128 : i32
    %mul3A_8 = arith.muli %add3A_4, %mul3A_7 : i32
    %dma_start3A = arith.constant 0 : i32
    %dma_start3A_9 = arith.constant 0 : i32
    %dma_start3A_10 = arith.constant 0 : i32
    %dma_start3A_11 = tpu.memref_slice %arg7[%dma_start3A, %dma_start3A_9, %dma_start3A_10] : memref<2x128x128xf32, #tpu.memory_space<vmem>> -> memref<1x128x128xf32, #tpu.memory_space<vmem>>
    %dma_start3A_12 = tpu.memref_squeeze %dma_start3A_11 : memref<1x128x128xf32, #tpu.memory_space<vmem>> -> memref<128x128xf32, #tpu.memory_space<vmem>>
    %dma_start3A_13 = arith.constant 0 : i32
    %dma_start3A_14 = tpu.memref_slice %arg2[%mul3A_8, %dma_start3A_13] : memref<131072x128xf32, #tpu.memory_space<hbm>> -> memref<128x128xf32, #tpu.memory_space<hbm>>
    %dma_start3A_15 = arith.constant 0 : i32
    %dma_start3A_16 = arith.constant 0 : i32
    %dma_start3A_17 = tpu.memref_slice %arg7[%dma_start3A, %dma_start3A_15, %dma_start3A_16] : memref<2x128x128xf32, #tpu.memory_space<vmem>> -> memref<1x128x128xf32, #tpu.memory_space<vmem>>
    %dma_start3A_18 = tpu.memref_squeeze %dma_start3A_17 : memref<1x128x128xf32, #tpu.memory_space<vmem>> -> memref<128x128xf32, #tpu.memory_space<vmem>>
    %dma_start3A_19 = arith.constant 0 : i32
    %dma_start3A_20 = tpu.memref_slice %arg2[%mul3A_8, %dma_start3A_19] : memref<131072x128xf32, #tpu.memory_space<hbm>> -> memref<128x128xf32, #tpu.memory_space<hbm>>
    tpu.enqueue_dma source(%dma_start3A_20 : memref<128x128xf32, #tpu.memory_space<hbm>>) target(%dma_start3A_18 : memref<128x128xf32, #tpu.memory_space<vmem>>) target_semaphore(%arg9 : memref<!tpu.dma_semaphore, #tpu.memory_space<semaphore_mem>>)
    %add3A_21 = arith.constant 0 : i32
    %add3A_22 = arith.addi %add3A_4, %add3A_21 : i32
    %add3A_23 = arith.constant 1 : i32
    %add3A_24 = arith.addi %add3A_22, %add3A_23 : i32
    %mul3A_25 = arith.constant 128 : i32
    %mul3A_26 = arith.muli %add3A_24, %mul3A_25 : i32
    %dma_start3A_27 = arith.constant 1 : i32
    %dma_start3A_28 = arith.constant 0 : i32
    %dma_start3A_29 = arith.constant 0 : i32
    %dma_start3A_30 = tpu.memref_slice %arg7[%dma_start3A_27, %dma_start3A_28, %dma_start3A_29] : memref<2x128x128xf32, #tpu.memory_space<vmem>> -> memref<1x128x128xf32, #tpu.memory_space<vmem>>
    %dma_start3A_31 = tpu.memref_squeeze %dma_start3A_30 : memref<1x128x128xf32, #tpu.memory_space<vmem>> -> memref<128x128xf32, #tpu.memory_space<vmem>>
    %dma_start3A_32 = arith.constant 0 : i32
    %dma_start3A_33 = tpu.memref_slice %arg2[%mul3A_26, %dma_start3A_32] : memref<131072x128xf32, #tpu.memory_space<hbm>> -> memref<128x128xf32, #tpu.memory_space<hbm>>
    %dma_start3A_34 = arith.constant 0 : i32
    %dma_start3A_35 = arith.constant 0 : i32
    %dma_start3A_36 = tpu.memref_slice %arg7[%dma_start3A_27, %dma_start3A_34, %dma_start3A_35] : memref<2x128x128xf32, #tpu.memory_space<vmem>> -> memref<1x128x128xf32, #tpu.memory_space<vmem>>
    %dma_start3A_37 = tpu.memref_squeeze %dma_start3A_36 : memref<1x128x128xf32, #tpu.memory_space<vmem>> -> memref<128x128xf32, #tpu.memory_space<vmem>>
    %dma_start3A_38 = arith.constant 0 : i32
    %dma_start3A_39 = tpu.memref_slice %arg2[%mul3A_26, %dma_start3A_38] : memref<131072x128xf32, #tpu.memory_space<hbm>> -> memref<128x128xf32, #tpu.memory_space<hbm>>
    tpu.enqueue_dma source(%dma_start3A_39 : memref<128x128xf32, #tpu.memory_space<hbm>>) target(%dma_start3A_37 : memref<128x128xf32, #tpu.memory_space<vmem>>) target_semaphore(%arg10 : memref<!tpu.dma_semaphore, #tpu.memory_space<semaphore_mem>>)
    %dma_wait3A = arith.constant 0 : i32
    %dma_wait3A_40 = arith.constant 0 : i32
    %dma_wait3A_41 = arith.constant 0 : i32
    %dma_wait3A_42 = tpu.memref_slice %arg7[%dma_wait3A, %dma_wait3A_40, %dma_wait3A_41] : memref<2x128x128xf32, #tpu.memory_space<vmem>> -> memref<1x128x128xf32, #tpu.memory_space<vmem>>
    %dma_wait3A_43 = tpu.memref_squeeze %dma_wait3A_42 : memref<1x128x128xf32, #tpu.memory_space<vmem>> -> memref<128x128xf32, #tpu.memory_space<vmem>>
    %dma_wait3A_44 = arith.constant 0 : i32
    %dma_wait3A_45 = tpu.memref_slice %arg2[%mul3A_8, %dma_wait3A_44] : memref<131072x128xf32, #tpu.memory_space<hbm>> -> memref<128x128xf32, #tpu.memory_space<hbm>>
    %dma_wait3A_46 = arith.constant 0 : i32
    %dma_wait3A_47 = arith.constant 0 : i32
    %dma_wait3A_48 = tpu.memref_slice %arg7[%dma_wait3A, %dma_wait3A_46, %dma_wait3A_47] : memref<2x128x128xf32, #tpu.memory_space<vmem>> -> memref<1x128x128xf32, #tpu.memory_space<vmem>>
    %dma_wait3A_49 = tpu.memref_squeeze %dma_wait3A_48 : memref<1x128x128xf32, #tpu.memory_space<vmem>> -> memref<128x128xf32, #tpu.memory_space<vmem>>
    %dma_wait3A_50 = arith.constant 0 : i32
    %dma_wait3A_51 = tpu.memref_slice %arg2[%mul3A_8, %dma_wait3A_50] : memref<131072x128xf32, #tpu.memory_space<hbm>> -> memref<128x128xf32, #tpu.memory_space<hbm>>
    tpu.wait_dma2 semaphore(%arg9 : memref<!tpu.dma_semaphore, #tpu.memory_space<semaphore_mem>>) src(%dma_wait3A_51 : memref<128x128xf32, #tpu.memory_space<hbm>>) dst(%dma_wait3A_49 : memref<128x128xf32, #tpu.memory_space<vmem>>)
    %run_scoped3A = arith.constant 0 : i32
    %run_scoped3A_52 = arith.constant 0 : i32
    "tpu.region"() ({
      %run_scoped3A_278 = tpu.sem_alloc : memref<!tpu.dma_semaphore, #tpu.memory_space<semaphore_mem>>
      %dma_start3A_279 = arith.constant 0 : i32
      %dma_start3A_280 = arith.constant 0 : i32
      %dma_start3A_281 = tpu.memref_slice %arg7[%run_scoped3A, %dma_start3A_279, %dma_start3A_280] : memref<2x128x128xf32, #tpu.memory_space<vmem>> -> memref<1x128x128xf32, #tpu.memory_space<vmem>>
      %dma_start3A_282 = tpu.memref_squeeze %dma_start3A_281 : memref<1x128x128xf32, #tpu.memory_space<vmem>> -> memref<128x128xf32, #tpu.memory_space<vmem>>
      %dma_start3A_283 = arith.constant 0 : i32
      %dma_start3A_284 = tpu.memref_slice %arg6[%run_scoped3A_52, %dma_start3A_283] : memref<8x128xi32, #tpu.memory_space<vmem>> -> memref<1x128xi32, #tpu.memory_space<vmem>>
      %dma_start3A_285 = tpu.memref_squeeze %dma_start3A_284 : memref<1x128xi32, #tpu.memory_space<vmem>> -> memref<128xi32, #tpu.memory_space<vmem>>
      %dma_start3A_286 = arith.constant 0 : i32
      %dma_start3A_287 = arith.constant 0 : i32
      %dma_start3A_288 = tpu.memref_slice %arg8[%dma_start3A_286, %dma_start3A_287] : memref<1024x128xf32, #tpu.memory_space<vmem_shared>> -> memref<1024x128xf32, #tpu.memory_space<vmem_shared>>
      tpu.enqueue_indirect_dma source(%dma_start3A_282 : memref<128x128xf32, #tpu.memory_space<vmem>>) target(%dma_start3A_288 : memref<1024x128xf32, #tpu.memory_space<vmem_shared>>) offsets(%dma_start3A_285 : memref<128xi32, #tpu.memory_space<vmem>>) semaphore(%run_scoped3A_278 : memref<!tpu.dma_semaphore, #tpu.memory_space<semaphore_mem>>) {add = true}
      %dma_wait3A_289 = arith.constant 0 : i32
      %dma_wait3A_290 = arith.constant 0 : i32
      %dma_wait3A_291 = tpu.memref_slice %arg7[%run_scoped3A, %dma_wait3A_289, %dma_wait3A_290] : memref<2x128x128xf32, #tpu.memory_space<vmem>> -> memref<1x128x128xf32, #tpu.memory_space<vmem>>
      %dma_wait3A_292 = tpu.memref_squeeze %dma_wait3A_291 : memref<1x128x128xf32, #tpu.memory_space<vmem>> -> memref<128x128xf32, #tpu.memory_space<vmem>>
      %dma_wait3A_293 = arith.constant 0 : i32
      %dma_wait3A_294 = tpu.memref_slice %arg6[%run_scoped3A_52, %dma_wait3A_293] : memref<8x128xi32, #tpu.memory_space<vmem>> -> memref<1x128xi32, #tpu.memory_space<vmem>>
      %dma_wait3A_295 = tpu.memref_squeeze %dma_wait3A_294 : memref<1x128xi32, #tpu.memory_space<vmem>> -> memref<128xi32, #tpu.memory_space<vmem>>
      %dma_wait3A_296 = arith.constant 0 : i32
      %dma_wait3A_297 = arith.constant 0 : i32
      %dma_wait3A_298 = tpu.memref_slice %arg8[%dma_wait3A_296, %dma_wait3A_297] : memref<1024x128xf32, #tpu.memory_space<vmem_shared>> -> memref<1024x128xf32, #tpu.memory_space<vmem_shared>>
      tpu.wait_indirect_dma semaphore(%run_scoped3A_278 : memref<!tpu.dma_semaphore, #tpu.memory_space<semaphore_mem>>) src(%dma_wait3A_292 : memref<128x128xf32, #tpu.memory_space<vmem>>) dst(%dma_wait3A_298 : memref<1024x128xf32, #tpu.memory_space<vmem_shared>>)
      tpu.yield
    }) : () -> ()
    %add3A_53 = arith.constant 1 : i32
    %add3A_54 = arith.addi %add3A_4, %add3A_53 : i32
    %add3A_55 = arith.constant 1 : i32
    %add3A_56 = arith.addi %add3A_54, %add3A_55 : i32
    %mul3A_57 = arith.constant 128 : i32
    %mul3A_58 = arith.muli %add3A_56, %mul3A_57 : i32
    %dma_start3A_59 = arith.constant 0 : i32
    %dma_start3A_60 = arith.constant 0 : i32
    %dma_start3A_61 = arith.constant 0 : i32
    %dma_start3A_62 = tpu.memref_slice %arg7[%dma_start3A_59, %dma_start3A_60, %dma_start3A_61] : memref<2x128x128xf32, #tpu.memory_space<vmem>> -> memref<1x128x128xf32, #tpu.memory_space<vmem>>
    %dma_start3A_63 = tpu.memref_squeeze %dma_start3A_62 : memref<1x128x128xf32, #tpu.memory_space<vmem>> -> memref<128x128xf32, #tpu.memory_space<vmem>>
    %dma_start3A_64 = arith.constant 0 : i32
    %dma_start3A_65 = tpu.memref_slice %arg2[%mul3A_58, %dma_start3A_64] : memref<131072x128xf32, #tpu.memory_space<hbm>> -> memref<128x128xf32, #tpu.memory_space<hbm>>
    %dma_start3A_66 = arith.constant 0 : i32
    %dma_start3A_67 = arith.constant 0 : i32
    %dma_start3A_68 = tpu.memref_slice %arg7[%dma_start3A_59, %dma_start3A_66, %dma_start3A_67] : memref<2x128x128xf32, #tpu.memory_space<vmem>> -> memref<1x128x128xf32, #tpu.memory_space<vmem>>
    %dma_start3A_69 = tpu.memref_squeeze %dma_start3A_68 : memref<1x128x128xf32, #tpu.memory_space<vmem>> -> memref<128x128xf32, #tpu.memory_space<vmem>>
    %dma_start3A_70 = arith.constant 0 : i32
    %dma_start3A_71 = tpu.memref_slice %arg2[%mul3A_58, %dma_start3A_70] : memref<131072x128xf32, #tpu.memory_space<hbm>> -> memref<128x128xf32, #tpu.memory_space<hbm>>
    tpu.enqueue_dma source(%dma_start3A_71 : memref<128x128xf32, #tpu.memory_space<hbm>>) target(%dma_start3A_69 : memref<128x128xf32, #tpu.memory_space<vmem>>) target_semaphore(%arg9 : memref<!tpu.dma_semaphore, #tpu.memory_space<semaphore_mem>>)
    %dma_wait3A_72 = arith.constant 1 : i32
    %dma_wait3A_73 = arith.constant 0 : i32
    %dma_wait3A_74 = arith.constant 0 : i32
    %dma_wait3A_75 = tpu.memref_slice %arg7[%dma_wait3A_72, %dma_wait3A_73, %dma_wait3A_74] : memref<2x128x128xf32, #tpu.memory_space<vmem>> -> memref<1x128x128xf32, #tpu.memory_space<vmem>>
    %dma_wait3A_76 = tpu.memref_squeeze %dma_wait3A_75 : memref<1x128x128xf32, #tpu.memory_space<vmem>> -> memref<128x128xf32, #tpu.memory_space<vmem>>
    %dma_wait3A_77 = arith.constant 0 : i32
    %dma_wait3A_78 = tpu.memref_slice %arg2[%mul3A_26, %dma_wait3A_77] : memref<131072x128xf32, #tpu.memory_space<hbm>> -> memref<128x128xf32, #tpu.memory_space<hbm>>
    %dma_wait3A_79 = arith.constant 0 : i32
    %dma_wait3A_80 = arith.constant 0 : i32
    %dma_wait3A_81 = tpu.memref_slice %arg7[%dma_wait3A_72, %dma_wait3A_79, %dma_wait3A_80] : memref<2x128x128xf32, #tpu.memory_space<vmem>> -> memref<1x128x128xf32, #tpu.memory_space<vmem>>
    %dma_wait3A_82 = tpu.memref_squeeze %dma_wait3A_81 : memref<1x128x128xf32, #tpu.memory_space<vmem>> -> memref<128x128xf32, #tpu.memory_space<vmem>>
    %dma_wait3A_83 = arith.constant 0 : i32
    %dma_wait3A_84 = tpu.memref_slice %arg2[%mul3A_26, %dma_wait3A_83] : memref<131072x128xf32, #tpu.memory_space<hbm>> -> memref<128x128xf32, #tpu.memory_space<hbm>>
    tpu.wait_dma2 semaphore(%arg10 : memref<!tpu.dma_semaphore, #tpu.memory_space<semaphore_mem>>) src(%dma_wait3A_84 : memref<128x128xf32, #tpu.memory_space<hbm>>) dst(%dma_wait3A_82 : memref<128x128xf32, #tpu.memory_space<vmem>>)
    %run_scoped3A_85 = arith.constant 1 : i32
    %run_scoped3A_86 = arith.constant 1 : i32
    "tpu.region"() ({
      %run_scoped3A_278 = tpu.sem_alloc : memref<!tpu.dma_semaphore, #tpu.memory_space<semaphore_mem>>
      %dma_start3A_279 = arith.constant 0 : i32
      %dma_start3A_280 = arith.constant 0 : i32
      %dma_start3A_281 = tpu.memref_slice %arg7[%run_scoped3A_85, %dma_start3A_279, %dma_start3A_280] : memref<2x128x128xf32, #tpu.memory_space<vmem>> -> memref<1x128x128xf32, #tpu.memory_space<vmem>>
      %dma_start3A_282 = tpu.memref_squeeze %dma_start3A_281 : memref<1x128x128xf32, #tpu.memory_space<vmem>> -> memref<128x128xf32, #tpu.memory_space<vmem>>
      %dma_start3A_283 = arith.constant 0 : i32
      %dma_start3A_284 = tpu.memref_slice %arg6[%run_scoped3A_86, %dma_start3A_283] : memref<8x128xi32, #tpu.memory_space<vmem>> -> memref<1x128xi32, #tpu.memory_space<vmem>>
      %dma_start3A_285 = tpu.memref_squeeze %dma_start3A_284 : memref<1x128xi32, #tpu.memory_space<vmem>> -> memref<128xi32, #tpu.memory_space<vmem>>
      %dma_start3A_286 = arith.constant 0 : i32
      %dma_start3A_287 = arith.constant 0 : i32
      %dma_start3A_288 = tpu.memref_slice %arg8[%dma_start3A_286, %dma_start3A_287] : memref<1024x128xf32, #tpu.memory_space<vmem_shared>> -> memref<1024x128xf32, #tpu.memory_space<vmem_shared>>
      tpu.enqueue_indirect_dma source(%dma_start3A_282 : memref<128x128xf32, #tpu.memory_space<vmem>>) target(%dma_start3A_288 : memref<1024x128xf32, #tpu.memory_space<vmem_shared>>) offsets(%dma_start3A_285 : memref<128xi32, #tpu.memory_space<vmem>>) semaphore(%run_scoped3A_278 : memref<!tpu.dma_semaphore, #tpu.memory_space<semaphore_mem>>) {add = true}
      %dma_wait3A_289 = arith.constant 0 : i32
      %dma_wait3A_290 = arith.constant 0 : i32
      %dma_wait3A_291 = tpu.memref_slice %arg7[%run_scoped3A_85, %dma_wait3A_289, %dma_wait3A_290] : memref<2x128x128xf32, #tpu.memory_space<vmem>> -> memref<1x128x128xf32, #tpu.memory_space<vmem>>
      %dma_wait3A_292 = tpu.memref_squeeze %dma_wait3A_291 : memref<1x128x128xf32, #tpu.memory_space<vmem>> -> memref<128x128xf32, #tpu.memory_space<vmem>>
      %dma_wait3A_293 = arith.constant 0 : i32
      %dma_wait3A_294 = tpu.memref_slice %arg6[%run_scoped3A_86, %dma_wait3A_293] : memref<8x128xi32, #tpu.memory_space<vmem>> -> memref<1x128xi32, #tpu.memory_space<vmem>>
      %dma_wait3A_295 = tpu.memref_squeeze %dma_wait3A_294 : memref<1x128xi32, #tpu.memory_space<vmem>> -> memref<128xi32, #tpu.memory_space<vmem>>
      %dma_wait3A_296 = arith.constant 0 : i32
      %dma_wait3A_297 = arith.constant 0 : i32
      %dma_wait3A_298 = tpu.memref_slice %arg8[%dma_wait3A_296, %dma_wait3A_297] : memref<1024x128xf32, #tpu.memory_space<vmem_shared>> -> memref<1024x128xf32, #tpu.memory_space<vmem_shared>>
      tpu.wait_indirect_dma semaphore(%run_scoped3A_278 : memref<!tpu.dma_semaphore, #tpu.memory_space<semaphore_mem>>) src(%dma_wait3A_292 : memref<128x128xf32, #tpu.memory_space<vmem>>) dst(%dma_wait3A_298 : memref<1024x128xf32, #tpu.memory_space<vmem_shared>>)
      tpu.yield
    }) : () -> ()
    %add3A_87 = arith.constant 2 : i32
    %add3A_88 = arith.addi %add3A_4, %add3A_87 : i32
    %add3A_89 = arith.constant 1 : i32
    %add3A_90 = arith.addi %add3A_88, %add3A_89 : i32
    %mul3A_91 = arith.constant 128 : i32
    %mul3A_92 = arith.muli %add3A_90, %mul3A_91 : i32
    %dma_start3A_93 = arith.constant 1 : i32
    %dma_start3A_94 = arith.constant 0 : i32
    %dma_start3A_95 = arith.constant 0 : i32
    %dma_start3A_96 = tpu.memref_slice %arg7[%dma_start3A_93, %dma_start3A_94, %dma_start3A_95] : memref<2x128x128xf32, #tpu.memory_space<vmem>> -> memref<1x128x128xf32, #tpu.memory_space<vmem>>
    %dma_start3A_97 = tpu.memref_squeeze %dma_start3A_96 : memref<1x128x128xf32, #tpu.memory_space<vmem>> -> memref<128x128xf32, #tpu.memory_space<vmem>>
    %dma_start3A_98 = arith.constant 0 : i32
    %dma_start3A_99 = tpu.memref_slice %arg2[%mul3A_92, %dma_start3A_98] : memref<131072x128xf32, #tpu.memory_space<hbm>> -> memref<128x128xf32, #tpu.memory_space<hbm>>
    %dma_start3A_100 = arith.constant 0 : i32
    %dma_start3A_101 = arith.constant 0 : i32
    %dma_start3A_102 = tpu.memref_slice %arg7[%dma_start3A_93, %dma_start3A_100, %dma_start3A_101] : memref<2x128x128xf32, #tpu.memory_space<vmem>> -> memref<1x128x128xf32, #tpu.memory_space<vmem>>
    %dma_start3A_103 = tpu.memref_squeeze %dma_start3A_102 : memref<1x128x128xf32, #tpu.memory_space<vmem>> -> memref<128x128xf32, #tpu.memory_space<vmem>>
    %dma_start3A_104 = arith.constant 0 : i32
    %dma_start3A_105 = tpu.memref_slice %arg2[%mul3A_92, %dma_start3A_104] : memref<131072x128xf32, #tpu.memory_space<hbm>> -> memref<128x128xf32, #tpu.memory_space<hbm>>
    tpu.enqueue_dma source(%dma_start3A_105 : memref<128x128xf32, #tpu.memory_space<hbm>>) target(%dma_start3A_103 : memref<128x128xf32, #tpu.memory_space<vmem>>) target_semaphore(%arg10 : memref<!tpu.dma_semaphore, #tpu.memory_space<semaphore_mem>>)
    %dma_wait3A_106 = arith.constant 0 : i32
    %dma_wait3A_107 = arith.constant 0 : i32
    %dma_wait3A_108 = arith.constant 0 : i32
    %dma_wait3A_109 = tpu.memref_slice %arg7[%dma_wait3A_106, %dma_wait3A_107, %dma_wait3A_108] : memref<2x128x128xf32, #tpu.memory_space<vmem>> -> memref<1x128x128xf32, #tpu.memory_space<vmem>>
    %dma_wait3A_110 = tpu.memref_squeeze %dma_wait3A_109 : memref<1x128x128xf32, #tpu.memory_space<vmem>> -> memref<128x128xf32, #tpu.memory_space<vmem>>
    %dma_wait3A_111 = arith.constant 0 : i32
    %dma_wait3A_112 = tpu.memref_slice %arg2[%mul3A_58, %dma_wait3A_111] : memref<131072x128xf32, #tpu.memory_space<hbm>> -> memref<128x128xf32, #tpu.memory_space<hbm>>
    %dma_wait3A_113 = arith.constant 0 : i32
    %dma_wait3A_114 = arith.constant 0 : i32
    %dma_wait3A_115 = tpu.memref_slice %arg7[%dma_wait3A_106, %dma_wait3A_113, %dma_wait3A_114] : memref<2x128x128xf32, #tpu.memory_space<vmem>> -> memref<1x128x128xf32, #tpu.memory_space<vmem>>
    %dma_wait3A_116 = tpu.memref_squeeze %dma_wait3A_115 : memref<1x128x128xf32, #tpu.memory_space<vmem>> -> memref<128x128xf32, #tpu.memory_space<vmem>>
    %dma_wait3A_117 = arith.constant 0 : i32
    %dma_wait3A_118 = tpu.memref_slice %arg2[%mul3A_58, %dma_wait3A_117] : memref<131072x128xf32, #tpu.memory_space<hbm>> -> memref<128x128xf32, #tpu.memory_space<hbm>>
    tpu.wait_dma2 semaphore(%arg9 : memref<!tpu.dma_semaphore, #tpu.memory_space<semaphore_mem>>) src(%dma_wait3A_118 : memref<128x128xf32, #tpu.memory_space<hbm>>) dst(%dma_wait3A_116 : memref<128x128xf32, #tpu.memory_space<vmem>>)
    %run_scoped3A_119 = arith.constant 0 : i32
    %run_scoped3A_120 = arith.constant 2 : i32
    "tpu.region"() ({
      %run_scoped3A_278 = tpu.sem_alloc : memref<!tpu.dma_semaphore, #tpu.memory_space<semaphore_mem>>
      %dma_start3A_279 = arith.constant 0 : i32
      %dma_start3A_280 = arith.constant 0 : i32
      %dma_start3A_281 = tpu.memref_slice %arg7[%run_scoped3A_119, %dma_start3A_279, %dma_start3A_280] : memref<2x128x128xf32, #tpu.memory_space<vmem>> -> memref<1x128x128xf32, #tpu.memory_space<vmem>>
      %dma_start3A_282 = tpu.memref_squeeze %dma_start3A_281 : memref<1x128x128xf32, #tpu.memory_space<vmem>> -> memref<128x128xf32, #tpu.memory_space<vmem>>
      %dma_start3A_283 = arith.constant 0 : i32
      %dma_start3A_284 = tpu.memref_slice %arg6[%run_scoped3A_120, %dma_start3A_283] : memref<8x128xi32, #tpu.memory_space<vmem>> -> memref<1x128xi32, #tpu.memory_space<vmem>>
      %dma_start3A_285 = tpu.memref_squeeze %dma_start3A_284 : memref<1x128xi32, #tpu.memory_space<vmem>> -> memref<128xi32, #tpu.memory_space<vmem>>
      %dma_start3A_286 = arith.constant 0 : i32
      %dma_start3A_287 = arith.constant 0 : i32
      %dma_start3A_288 = tpu.memref_slice %arg8[%dma_start3A_286, %dma_start3A_287] : memref<1024x128xf32, #tpu.memory_space<vmem_shared>> -> memref<1024x128xf32, #tpu.memory_space<vmem_shared>>
      tpu.enqueue_indirect_dma source(%dma_start3A_282 : memref<128x128xf32, #tpu.memory_space<vmem>>) target(%dma_start3A_288 : memref<1024x128xf32, #tpu.memory_space<vmem_shared>>) offsets(%dma_start3A_285 : memref<128xi32, #tpu.memory_space<vmem>>) semaphore(%run_scoped3A_278 : memref<!tpu.dma_semaphore, #tpu.memory_space<semaphore_mem>>) {add = true}
      %dma_wait3A_289 = arith.constant 0 : i32
      %dma_wait3A_290 = arith.constant 0 : i32
      %dma_wait3A_291 = tpu.memref_slice %arg7[%run_scoped3A_119, %dma_wait3A_289, %dma_wait3A_290] : memref<2x128x128xf32, #tpu.memory_space<vmem>> -> memref<1x128x128xf32, #tpu.memory_space<vmem>>
      %dma_wait3A_292 = tpu.memref_squeeze %dma_wait3A_291 : memref<1x128x128xf32, #tpu.memory_space<vmem>> -> memref<128x128xf32, #tpu.memory_space<vmem>>
      %dma_wait3A_293 = arith.constant 0 : i32
      %dma_wait3A_294 = tpu.memref_slice %arg6[%run_scoped3A_120, %dma_wait3A_293] : memref<8x128xi32, #tpu.memory_space<vmem>> -> memref<1x128xi32, #tpu.memory_space<vmem>>
      %dma_wait3A_295 = tpu.memref_squeeze %dma_wait3A_294 : memref<1x128xi32, #tpu.memory_space<vmem>> -> memref<128xi32, #tpu.memory_space<vmem>>
      %dma_wait3A_296 = arith.constant 0 : i32
      %dma_wait3A_297 = arith.constant 0 : i32
      %dma_wait3A_298 = tpu.memref_slice %arg8[%dma_wait3A_296, %dma_wait3A_297] : memref<1024x128xf32, #tpu.memory_space<vmem_shared>> -> memref<1024x128xf32, #tpu.memory_space<vmem_shared>>
      tpu.wait_indirect_dma semaphore(%run_scoped3A_278 : memref<!tpu.dma_semaphore, #tpu.memory_space<semaphore_mem>>) src(%dma_wait3A_292 : memref<128x128xf32, #tpu.memory_space<vmem>>) dst(%dma_wait3A_298 : memref<1024x128xf32, #tpu.memory_space<vmem_shared>>)
      tpu.yield
    }) : () -> ()
    %add3A_121 = arith.constant 3 : i32
    %add3A_122 = arith.addi %add3A_4, %add3A_121 : i32
    %add3A_123 = arith.constant 1 : i32
    %add3A_124 = arith.addi %add3A_122, %add3A_123 : i32
    %mul3A_125 = arith.constant 128 : i32
    %mul3A_126 = arith.muli %add3A_124, %mul3A_125 : i32
    %dma_start3A_127 = arith.constant 0 : i32
    %dma_start3A_128 = arith.constant 0 : i32
    %dma_start3A_129 = arith.constant 0 : i32
    %dma_start3A_130 = tpu.memref_slice %arg7[%dma_start3A_127, %dma_start3A_128, %dma_start3A_129] : memref<2x128x128xf32, #tpu.memory_space<vmem>> -> memref<1x128x128xf32, #tpu.memory_space<vmem>>
    %dma_start3A_131 = tpu.memref_squeeze %dma_start3A_130 : memref<1x128x128xf32, #tpu.memory_space<vmem>> -> memref<128x128xf32, #tpu.memory_space<vmem>>
    %dma_start3A_132 = arith.constant 0 : i32
    %dma_start3A_133 = tpu.memref_slice %arg2[%mul3A_126, %dma_start3A_132] : memref<131072x128xf32, #tpu.memory_space<hbm>> -> memref<128x128xf32, #tpu.memory_space<hbm>>
    %dma_start3A_134 = arith.constant 0 : i32
    %dma_start3A_135 = arith.constant 0 : i32
    %dma_start3A_136 = tpu.memref_slice %arg7[%dma_start3A_127, %dma_start3A_134, %dma_start3A_135] : memref<2x128x128xf32, #tpu.memory_space<vmem>> -> memref<1x128x128xf32, #tpu.memory_space<vmem>>
    %dma_start3A_137 = tpu.memref_squeeze %dma_start3A_136 : memref<1x128x128xf32, #tpu.memory_space<vmem>> -> memref<128x128xf32, #tpu.memory_space<vmem>>
    %dma_start3A_138 = arith.constant 0 : i32
    %dma_start3A_139 = tpu.memref_slice %arg2[%mul3A_126, %dma_start3A_138] : memref<131072x128xf32, #tpu.memory_space<hbm>> -> memref<128x128xf32, #tpu.memory_space<hbm>>
    tpu.enqueue_dma source(%dma_start3A_139 : memref<128x128xf32, #tpu.memory_space<hbm>>) target(%dma_start3A_137 : memref<128x128xf32, #tpu.memory_space<vmem>>) target_semaphore(%arg9 : memref<!tpu.dma_semaphore, #tpu.memory_space<semaphore_mem>>)
    %dma_wait3A_140 = arith.constant 1 : i32
    %dma_wait3A_141 = arith.constant 0 : i32
    %dma_wait3A_142 = arith.constant 0 : i32
    %dma_wait3A_143 = tpu.memref_slice %arg7[%dma_wait3A_140, %dma_wait3A_141, %dma_wait3A_142] : memref<2x128x128xf32, #tpu.memory_space<vmem>> -> memref<1x128x128xf32, #tpu.memory_space<vmem>>
    %dma_wait3A_144 = tpu.memref_squeeze %dma_wait3A_143 : memref<1x128x128xf32, #tpu.memory_space<vmem>> -> memref<128x128xf32, #tpu.memory_space<vmem>>
    %dma_wait3A_145 = arith.constant 0 : i32
    %dma_wait3A_146 = tpu.memref_slice %arg2[%mul3A_92, %dma_wait3A_145] : memref<131072x128xf32, #tpu.memory_space<hbm>> -> memref<128x128xf32, #tpu.memory_space<hbm>>
    %dma_wait3A_147 = arith.constant 0 : i32
    %dma_wait3A_148 = arith.constant 0 : i32
    %dma_wait3A_149 = tpu.memref_slice %arg7[%dma_wait3A_140, %dma_wait3A_147, %dma_wait3A_148] : memref<2x128x128xf32, #tpu.memory_space<vmem>> -> memref<1x128x128xf32, #tpu.memory_space<vmem>>
    %dma_wait3A_150 = tpu.memref_squeeze %dma_wait3A_149 : memref<1x128x128xf32, #tpu.memory_space<vmem>> -> memref<128x128xf32, #tpu.memory_space<vmem>>
    %dma_wait3A_151 = arith.constant 0 : i32
    %dma_wait3A_152 = tpu.memref_slice %arg2[%mul3A_92, %dma_wait3A_151] : memref<131072x128xf32, #tpu.memory_space<hbm>> -> memref<128x128xf32, #tpu.memory_space<hbm>>
    tpu.wait_dma2 semaphore(%arg10 : memref<!tpu.dma_semaphore, #tpu.memory_space<semaphore_mem>>) src(%dma_wait3A_152 : memref<128x128xf32, #tpu.memory_space<hbm>>) dst(%dma_wait3A_150 : memref<128x128xf32, #tpu.memory_space<vmem>>)
    %run_scoped3A_153 = arith.constant 1 : i32
    %run_scoped3A_154 = arith.constant 3 : i32
    "tpu.region"() ({
      %run_scoped3A_278 = tpu.sem_alloc : memref<!tpu.dma_semaphore, #tpu.memory_space<semaphore_mem>>
      %dma_start3A_279 = arith.constant 0 : i32
      %dma_start3A_280 = arith.constant 0 : i32
      %dma_start3A_281 = tpu.memref_slice %arg7[%run_scoped3A_153, %dma_start3A_279, %dma_start3A_280] : memref<2x128x128xf32, #tpu.memory_space<vmem>> -> memref<1x128x128xf32, #tpu.memory_space<vmem>>
      %dma_start3A_282 = tpu.memref_squeeze %dma_start3A_281 : memref<1x128x128xf32, #tpu.memory_space<vmem>> -> memref<128x128xf32, #tpu.memory_space<vmem>>
      %dma_start3A_283 = arith.constant 0 : i32
      %dma_start3A_284 = tpu.memref_slice %arg6[%run_scoped3A_154, %dma_start3A_283] : memref<8x128xi32, #tpu.memory_space<vmem>> -> memref<1x128xi32, #tpu.memory_space<vmem>>
      %dma_start3A_285 = tpu.memref_squeeze %dma_start3A_284 : memref<1x128xi32, #tpu.memory_space<vmem>> -> memref<128xi32, #tpu.memory_space<vmem>>
      %dma_start3A_286 = arith.constant 0 : i32
      %dma_start3A_287 = arith.constant 0 : i32
      %dma_start3A_288 = tpu.memref_slice %arg8[%dma_start3A_286, %dma_start3A_287] : memref<1024x128xf32, #tpu.memory_space<vmem_shared>> -> memref<1024x128xf32, #tpu.memory_space<vmem_shared>>
      tpu.enqueue_indirect_dma source(%dma_start3A_282 : memref<128x128xf32, #tpu.memory_space<vmem>>) target(%dma_start3A_288 : memref<1024x128xf32, #tpu.memory_space<vmem_shared>>) offsets(%dma_start3A_285 : memref<128xi32, #tpu.memory_space<vmem>>) semaphore(%run_scoped3A_278 : memref<!tpu.dma_semaphore, #tpu.memory_space<semaphore_mem>>) {add = true}
      %dma_wait3A_289 = arith.constant 0 : i32
      %dma_wait3A_290 = arith.constant 0 : i32
      %dma_wait3A_291 = tpu.memref_slice %arg7[%run_scoped3A_153, %dma_wait3A_289, %dma_wait3A_290] : memref<2x128x128xf32, #tpu.memory_space<vmem>> -> memref<1x128x128xf32, #tpu.memory_space<vmem>>
      %dma_wait3A_292 = tpu.memref_squeeze %dma_wait3A_291 : memref<1x128x128xf32, #tpu.memory_space<vmem>> -> memref<128x128xf32, #tpu.memory_space<vmem>>
      %dma_wait3A_293 = arith.constant 0 : i32
      %dma_wait3A_294 = tpu.memref_slice %arg6[%run_scoped3A_154, %dma_wait3A_293] : memref<8x128xi32, #tpu.memory_space<vmem>> -> memref<1x128xi32, #tpu.memory_space<vmem>>
      %dma_wait3A_295 = tpu.memref_squeeze %dma_wait3A_294 : memref<1x128xi32, #tpu.memory_space<vmem>> -> memref<128xi32, #tpu.memory_space<vmem>>
      %dma_wait3A_296 = arith.constant 0 : i32
      %dma_wait3A_297 = arith.constant 0 : i32
      %dma_wait3A_298 = tpu.memref_slice %arg8[%dma_wait3A_296, %dma_wait3A_297] : memref<1024x128xf32, #tpu.memory_space<vmem_shared>> -> memref<1024x128xf32, #tpu.memory_space<vmem_shared>>
      tpu.wait_indirect_dma semaphore(%run_scoped3A_278 : memref<!tpu.dma_semaphore, #tpu.memory_space<semaphore_mem>>) src(%dma_wait3A_292 : memref<128x128xf32, #tpu.memory_space<vmem>>) dst(%dma_wait3A_298 : memref<1024x128xf32, #tpu.memory_space<vmem_shared>>)
      tpu.yield
    }) : () -> ()
    %add3A_155 = arith.constant 4 : i32
    %add3A_156 = arith.addi %add3A_4, %add3A_155 : i32
    %add3A_157 = arith.constant 1 : i32
    %add3A_158 = arith.addi %add3A_156, %add3A_157 : i32
    %mul3A_159 = arith.constant 128 : i32
    %mul3A_160 = arith.muli %add3A_158, %mul3A_159 : i32
    %dma_start3A_161 = arith.constant 1 : i32
    %dma_start3A_162 = arith.constant 0 : i32
    %dma_start3A_163 = arith.constant 0 : i32
    %dma_start3A_164 = tpu.memref_slice %arg7[%dma_start3A_161, %dma_start3A_162, %dma_start3A_163] : memref<2x128x128xf32, #tpu.memory_space<vmem>> -> memref<1x128x128xf32, #tpu.memory_space<vmem>>
    %dma_start3A_165 = tpu.memref_squeeze %dma_start3A_164 : memref<1x128x128xf32, #tpu.memory_space<vmem>> -> memref<128x128xf32, #tpu.memory_space<vmem>>
    %dma_start3A_166 = arith.constant 0 : i32
    %dma_start3A_167 = tpu.memref_slice %arg2[%mul3A_160, %dma_start3A_166] : memref<131072x128xf32, #tpu.memory_space<hbm>> -> memref<128x128xf32, #tpu.memory_space<hbm>>
    %dma_start3A_168 = arith.constant 0 : i32
    %dma_start3A_169 = arith.constant 0 : i32
    %dma_start3A_170 = tpu.memref_slice %arg7[%dma_start3A_161, %dma_start3A_168, %dma_start3A_169] : memref<2x128x128xf32, #tpu.memory_space<vmem>> -> memref<1x128x128xf32, #tpu.memory_space<vmem>>
    %dma_start3A_171 = tpu.memref_squeeze %dma_start3A_170 : memref<1x128x128xf32, #tpu.memory_space<vmem>> -> memref<128x128xf32, #tpu.memory_space<vmem>>
    %dma_start3A_172 = arith.constant 0 : i32
    %dma_start3A_173 = tpu.memref_slice %arg2[%mul3A_160, %dma_start3A_172] : memref<131072x128xf32, #tpu.memory_space<hbm>> -> memref<128x128xf32, #tpu.memory_space<hbm>>
    tpu.enqueue_dma source(%dma_start3A_173 : memref<128x128xf32, #tpu.memory_space<hbm>>) target(%dma_start3A_171 : memref<128x128xf32, #tpu.memory_space<vmem>>) target_semaphore(%arg10 : memref<!tpu.dma_semaphore, #tpu.memory_space<semaphore_mem>>)
    %dma_wait3A_174 = arith.constant 0 : i32
    %dma_wait3A_175 = arith.constant 0 : i32
    %dma_wait3A_176 = arith.constant 0 : i32
    %dma_wait3A_177 = tpu.memref_slice %arg7[%dma_wait3A_174, %dma_wait3A_175, %dma_wait3A_176] : memref<2x128x128xf32, #tpu.memory_space<vmem>> -> memref<1x128x128xf32, #tpu.memory_space<vmem>>
    %dma_wait3A_178 = tpu.memref_squeeze %dma_wait3A_177 : memref<1x128x128xf32, #tpu.memory_space<vmem>> -> memref<128x128xf32, #tpu.memory_space<vmem>>
    %dma_wait3A_179 = arith.constant 0 : i32
    %dma_wait3A_180 = tpu.memref_slice %arg2[%mul3A_126, %dma_wait3A_179] : memref<131072x128xf32, #tpu.memory_space<hbm>> -> memref<128x128xf32, #tpu.memory_space<hbm>>
    %dma_wait3A_181 = arith.constant 0 : i32
    %dma_wait3A_182 = arith.constant 0 : i32
    %dma_wait3A_183 = tpu.memref_slice %arg7[%dma_wait3A_174, %dma_wait3A_181, %dma_wait3A_182] : memref<2x128x128xf32, #tpu.memory_space<vmem>> -> memref<1x128x128xf32, #tpu.memory_space<vmem>>
    %dma_wait3A_184 = tpu.memref_squeeze %dma_wait3A_183 : memref<1x128x128xf32, #tpu.memory_space<vmem>> -> memref<128x128xf32, #tpu.memory_space<vmem>>
    %dma_wait3A_185 = arith.constant 0 : i32
    %dma_wait3A_186 = tpu.memref_slice %arg2[%mul3A_126, %dma_wait3A_185] : memref<131072x128xf32, #tpu.memory_space<hbm>> -> memref<128x128xf32, #tpu.memory_space<hbm>>
    tpu.wait_dma2 semaphore(%arg9 : memref<!tpu.dma_semaphore, #tpu.memory_space<semaphore_mem>>) src(%dma_wait3A_186 : memref<128x128xf32, #tpu.memory_space<hbm>>) dst(%dma_wait3A_184 : memref<128x128xf32, #tpu.memory_space<vmem>>)
    %run_scoped3A_187 = arith.constant 0 : i32
    %run_scoped3A_188 = arith.constant 4 : i32
    "tpu.region"() ({
      %run_scoped3A_278 = tpu.sem_alloc : memref<!tpu.dma_semaphore, #tpu.memory_space<semaphore_mem>>
      %dma_start3A_279 = arith.constant 0 : i32
      %dma_start3A_280 = arith.constant 0 : i32
      %dma_start3A_281 = tpu.memref_slice %arg7[%run_scoped3A_187, %dma_start3A_279, %dma_start3A_280] : memref<2x128x128xf32, #tpu.memory_space<vmem>> -> memref<1x128x128xf32, #tpu.memory_space<vmem>>
      %dma_start3A_282 = tpu.memref_squeeze %dma_start3A_281 : memref<1x128x128xf32, #tpu.memory_space<vmem>> -> memref<128x128xf32, #tpu.memory_space<vmem>>
      %dma_start3A_283 = arith.constant 0 : i32
      %dma_start3A_284 = tpu.memref_slice %arg6[%run_scoped3A_188, %dma_start3A_283] : memref<8x128xi32, #tpu.memory_space<vmem>> -> memref<1x128xi32, #tpu.memory_space<vmem>>
      %dma_start3A_285 = tpu.memref_squeeze %dma_start3A_284 : memref<1x128xi32, #tpu.memory_space<vmem>> -> memref<128xi32, #tpu.memory_space<vmem>>
      %dma_start3A_286 = arith.constant 0 : i32
      %dma_start3A_287 = arith.constant 0 : i32
      %dma_start3A_288 = tpu.memref_slice %arg8[%dma_start3A_286, %dma_start3A_287] : memref<1024x128xf32, #tpu.memory_space<vmem_shared>> -> memref<1024x128xf32, #tpu.memory_space<vmem_shared>>
      tpu.enqueue_indirect_dma source(%dma_start3A_282 : memref<128x128xf32, #tpu.memory_space<vmem>>) target(%dma_start3A_288 : memref<1024x128xf32, #tpu.memory_space<vmem_shared>>) offsets(%dma_start3A_285 : memref<128xi32, #tpu.memory_space<vmem>>) semaphore(%run_scoped3A_278 : memref<!tpu.dma_semaphore, #tpu.memory_space<semaphore_mem>>) {add = true}
      %dma_wait3A_289 = arith.constant 0 : i32
      %dma_wait3A_290 = arith.constant 0 : i32
      %dma_wait3A_291 = tpu.memref_slice %arg7[%run_scoped3A_187, %dma_wait3A_289, %dma_wait3A_290] : memref<2x128x128xf32, #tpu.memory_space<vmem>> -> memref<1x128x128xf32, #tpu.memory_space<vmem>>
      %dma_wait3A_292 = tpu.memref_squeeze %dma_wait3A_291 : memref<1x128x128xf32, #tpu.memory_space<vmem>> -> memref<128x128xf32, #tpu.memory_space<vmem>>
      %dma_wait3A_293 = arith.constant 0 : i32
      %dma_wait3A_294 = tpu.memref_slice %arg6[%run_scoped3A_188, %dma_wait3A_293] : memref<8x128xi32, #tpu.memory_space<vmem>> -> memref<1x128xi32, #tpu.memory_space<vmem>>
      %dma_wait3A_295 = tpu.memref_squeeze %dma_wait3A_294 : memref<1x128xi32, #tpu.memory_space<vmem>> -> memref<128xi32, #tpu.memory_space<vmem>>
      %dma_wait3A_296 = arith.constant 0 : i32
      %dma_wait3A_297 = arith.constant 0 : i32
      %dma_wait3A_298 = tpu.memref_slice %arg8[%dma_wait3A_296, %dma_wait3A_297] : memref<1024x128xf32, #tpu.memory_space<vmem_shared>> -> memref<1024x128xf32, #tpu.memory_space<vmem_shared>>
      tpu.wait_indirect_dma semaphore(%run_scoped3A_278 : memref<!tpu.dma_semaphore, #tpu.memory_space<semaphore_mem>>) src(%dma_wait3A_292 : memref<128x128xf32, #tpu.memory_space<vmem>>) dst(%dma_wait3A_298 : memref<1024x128xf32, #tpu.memory_space<vmem_shared>>)
      tpu.yield
    }) : () -> ()
    %add3A_189 = arith.constant 5 : i32
    %add3A_190 = arith.addi %add3A_4, %add3A_189 : i32
    %add3A_191 = arith.constant 1 : i32
    %add3A_192 = arith.addi %add3A_190, %add3A_191 : i32
    %mul3A_193 = arith.constant 128 : i32
    %mul3A_194 = arith.muli %add3A_192, %mul3A_193 : i32
    %dma_start3A_195 = arith.constant 0 : i32
    %dma_start3A_196 = arith.constant 0 : i32
    %dma_start3A_197 = arith.constant 0 : i32
    %dma_start3A_198 = tpu.memref_slice %arg7[%dma_start3A_195, %dma_start3A_196, %dma_start3A_197] : memref<2x128x128xf32, #tpu.memory_space<vmem>> -> memref<1x128x128xf32, #tpu.memory_space<vmem>>
    %dma_start3A_199 = tpu.memref_squeeze %dma_start3A_198 : memref<1x128x128xf32, #tpu.memory_space<vmem>> -> memref<128x128xf32, #tpu.memory_space<vmem>>
    %dma_start3A_200 = arith.constant 0 : i32
    %dma_start3A_201 = tpu.memref_slice %arg2[%mul3A_194, %dma_start3A_200] : memref<131072x128xf32, #tpu.memory_space<hbm>> -> memref<128x128xf32, #tpu.memory_space<hbm>>
    %dma_start3A_202 = arith.constant 0 : i32
    %dma_start3A_203 = arith.constant 0 : i32
    %dma_start3A_204 = tpu.memref_slice %arg7[%dma_start3A_195, %dma_start3A_202, %dma_start3A_203] : memref<2x128x128xf32, #tpu.memory_space<vmem>> -> memref<1x128x128xf32, #tpu.memory_space<vmem>>
    %dma_start3A_205 = tpu.memref_squeeze %dma_start3A_204 : memref<1x128x128xf32, #tpu.memory_space<vmem>> -> memref<128x128xf32, #tpu.memory_space<vmem>>
    %dma_start3A_206 = arith.constant 0 : i32
    %dma_start3A_207 = tpu.memref_slice %arg2[%mul3A_194, %dma_start3A_206] : memref<131072x128xf32, #tpu.memory_space<hbm>> -> memref<128x128xf32, #tpu.memory_space<hbm>>
    tpu.enqueue_dma source(%dma_start3A_207 : memref<128x128xf32, #tpu.memory_space<hbm>>) target(%dma_start3A_205 : memref<128x128xf32, #tpu.memory_space<vmem>>) target_semaphore(%arg9 : memref<!tpu.dma_semaphore, #tpu.memory_space<semaphore_mem>>)
    %dma_wait3A_208 = arith.constant 1 : i32
    %dma_wait3A_209 = arith.constant 0 : i32
    %dma_wait3A_210 = arith.constant 0 : i32
    %dma_wait3A_211 = tpu.memref_slice %arg7[%dma_wait3A_208, %dma_wait3A_209, %dma_wait3A_210] : memref<2x128x128xf32, #tpu.memory_space<vmem>> -> memref<1x128x128xf32, #tpu.memory_space<vmem>>
    %dma_wait3A_212 = tpu.memref_squeeze %dma_wait3A_211 : memref<1x128x128xf32, #tpu.memory_space<vmem>> -> memref<128x128xf32, #tpu.memory_space<vmem>>
    %dma_wait3A_213 = arith.constant 0 : i32
    %dma_wait3A_214 = tpu.memref_slice %arg2[%mul3A_160, %dma_wait3A_213] : memref<131072x128xf32, #tpu.memory_space<hbm>> -> memref<128x128xf32, #tpu.memory_space<hbm>>
    %dma_wait3A_215 = arith.constant 0 : i32
    %dma_wait3A_216 = arith.constant 0 : i32
    %dma_wait3A_217 = tpu.memref_slice %arg7[%dma_wait3A_208, %dma_wait3A_215, %dma_wait3A_216] : memref<2x128x128xf32, #tpu.memory_space<vmem>> -> memref<1x128x128xf32, #tpu.memory_space<vmem>>
    %dma_wait3A_218 = tpu.memref_squeeze %dma_wait3A_217 : memref<1x128x128xf32, #tpu.memory_space<vmem>> -> memref<128x128xf32, #tpu.memory_space<vmem>>
    %dma_wait3A_219 = arith.constant 0 : i32
    %dma_wait3A_220 = tpu.memref_slice %arg2[%mul3A_160, %dma_wait3A_219] : memref<131072x128xf32, #tpu.memory_space<hbm>> -> memref<128x128xf32, #tpu.memory_space<hbm>>
    tpu.wait_dma2 semaphore(%arg10 : memref<!tpu.dma_semaphore, #tpu.memory_space<semaphore_mem>>) src(%dma_wait3A_220 : memref<128x128xf32, #tpu.memory_space<hbm>>) dst(%dma_wait3A_218 : memref<128x128xf32, #tpu.memory_space<vmem>>)
    %run_scoped3A_221 = arith.constant 1 : i32
    %run_scoped3A_222 = arith.constant 5 : i32
    "tpu.region"() ({
      %run_scoped3A_278 = tpu.sem_alloc : memref<!tpu.dma_semaphore, #tpu.memory_space<semaphore_mem>>
      %dma_start3A_279 = arith.constant 0 : i32
      %dma_start3A_280 = arith.constant 0 : i32
      %dma_start3A_281 = tpu.memref_slice %arg7[%run_scoped3A_221, %dma_start3A_279, %dma_start3A_280] : memref<2x128x128xf32, #tpu.memory_space<vmem>> -> memref<1x128x128xf32, #tpu.memory_space<vmem>>
      %dma_start3A_282 = tpu.memref_squeeze %dma_start3A_281 : memref<1x128x128xf32, #tpu.memory_space<vmem>> -> memref<128x128xf32, #tpu.memory_space<vmem>>
      %dma_start3A_283 = arith.constant 0 : i32
      %dma_start3A_284 = tpu.memref_slice %arg6[%run_scoped3A_222, %dma_start3A_283] : memref<8x128xi32, #tpu.memory_space<vmem>> -> memref<1x128xi32, #tpu.memory_space<vmem>>
      %dma_start3A_285 = tpu.memref_squeeze %dma_start3A_284 : memref<1x128xi32, #tpu.memory_space<vmem>> -> memref<128xi32, #tpu.memory_space<vmem>>
      %dma_start3A_286 = arith.constant 0 : i32
      %dma_start3A_287 = arith.constant 0 : i32
      %dma_start3A_288 = tpu.memref_slice %arg8[%dma_start3A_286, %dma_start3A_287] : memref<1024x128xf32, #tpu.memory_space<vmem_shared>> -> memref<1024x128xf32, #tpu.memory_space<vmem_shared>>
      tpu.enqueue_indirect_dma source(%dma_start3A_282 : memref<128x128xf32, #tpu.memory_space<vmem>>) target(%dma_start3A_288 : memref<1024x128xf32, #tpu.memory_space<vmem_shared>>) offsets(%dma_start3A_285 : memref<128xi32, #tpu.memory_space<vmem>>) semaphore(%run_scoped3A_278 : memref<!tpu.dma_semaphore, #tpu.memory_space<semaphore_mem>>) {add = true}
      %dma_wait3A_289 = arith.constant 0 : i32
      %dma_wait3A_290 = arith.constant 0 : i32
      %dma_wait3A_291 = tpu.memref_slice %arg7[%run_scoped3A_221, %dma_wait3A_289, %dma_wait3A_290] : memref<2x128x128xf32, #tpu.memory_space<vmem>> -> memref<1x128x128xf32, #tpu.memory_space<vmem>>
      %dma_wait3A_292 = tpu.memref_squeeze %dma_wait3A_291 : memref<1x128x128xf32, #tpu.memory_space<vmem>> -> memref<128x128xf32, #tpu.memory_space<vmem>>
      %dma_wait3A_293 = arith.constant 0 : i32
      %dma_wait3A_294 = tpu.memref_slice %arg6[%run_scoped3A_222, %dma_wait3A_293] : memref<8x128xi32, #tpu.memory_space<vmem>> -> memref<1x128xi32, #tpu.memory_space<vmem>>
      %dma_wait3A_295 = tpu.memref_squeeze %dma_wait3A_294 : memref<1x128xi32, #tpu.memory_space<vmem>> -> memref<128xi32, #tpu.memory_space<vmem>>
      %dma_wait3A_296 = arith.constant 0 : i32
      %dma_wait3A_297 = arith.constant 0 : i32
      %dma_wait3A_298 = tpu.memref_slice %arg8[%dma_wait3A_296, %dma_wait3A_297] : memref<1024x128xf32, #tpu.memory_space<vmem_shared>> -> memref<1024x128xf32, #tpu.memory_space<vmem_shared>>
      tpu.wait_indirect_dma semaphore(%run_scoped3A_278 : memref<!tpu.dma_semaphore, #tpu.memory_space<semaphore_mem>>) src(%dma_wait3A_292 : memref<128x128xf32, #tpu.memory_space<vmem>>) dst(%dma_wait3A_298 : memref<1024x128xf32, #tpu.memory_space<vmem_shared>>)
      tpu.yield
    }) : () -> ()
    %add3A_223 = arith.constant 6 : i32
    %add3A_224 = arith.addi %add3A_4, %add3A_223 : i32
    %add3A_225 = arith.constant 1 : i32
    %add3A_226 = arith.addi %add3A_224, %add3A_225 : i32
    %mul3A_227 = arith.constant 128 : i32
    %mul3A_228 = arith.muli %add3A_226, %mul3A_227 : i32
    %dma_start3A_229 = arith.constant 1 : i32
    %dma_start3A_230 = arith.constant 0 : i32
    %dma_start3A_231 = arith.constant 0 : i32
    %dma_start3A_232 = tpu.memref_slice %arg7[%dma_start3A_229, %dma_start3A_230, %dma_start3A_231] : memref<2x128x128xf32, #tpu.memory_space<vmem>> -> memref<1x128x128xf32, #tpu.memory_space<vmem>>
    %dma_start3A_233 = tpu.memref_squeeze %dma_start3A_232 : memref<1x128x128xf32, #tpu.memory_space<vmem>> -> memref<128x128xf32, #tpu.memory_space<vmem>>
    %dma_start3A_234 = arith.constant 0 : i32
    %dma_start3A_235 = tpu.memref_slice %arg2[%mul3A_228, %dma_start3A_234] : memref<131072x128xf32, #tpu.memory_space<hbm>> -> memref<128x128xf32, #tpu.memory_space<hbm>>
    %dma_start3A_236 = arith.constant 0 : i32
    %dma_start3A_237 = arith.constant 0 : i32
    %dma_start3A_238 = tpu.memref_slice %arg7[%dma_start3A_229, %dma_start3A_236, %dma_start3A_237] : memref<2x128x128xf32, #tpu.memory_space<vmem>> -> memref<1x128x128xf32, #tpu.memory_space<vmem>>
    %dma_start3A_239 = tpu.memref_squeeze %dma_start3A_238 : memref<1x128x128xf32, #tpu.memory_space<vmem>> -> memref<128x128xf32, #tpu.memory_space<vmem>>
    %dma_start3A_240 = arith.constant 0 : i32
    %dma_start3A_241 = tpu.memref_slice %arg2[%mul3A_228, %dma_start3A_240] : memref<131072x128xf32, #tpu.memory_space<hbm>> -> memref<128x128xf32, #tpu.memory_space<hbm>>
    tpu.enqueue_dma source(%dma_start3A_241 : memref<128x128xf32, #tpu.memory_space<hbm>>) target(%dma_start3A_239 : memref<128x128xf32, #tpu.memory_space<vmem>>) target_semaphore(%arg10 : memref<!tpu.dma_semaphore, #tpu.memory_space<semaphore_mem>>)
    %dma_wait3A_242 = arith.constant 0 : i32
    %dma_wait3A_243 = arith.constant 0 : i32
    %dma_wait3A_244 = arith.constant 0 : i32
    %dma_wait3A_245 = tpu.memref_slice %arg7[%dma_wait3A_242, %dma_wait3A_243, %dma_wait3A_244] : memref<2x128x128xf32, #tpu.memory_space<vmem>> -> memref<1x128x128xf32, #tpu.memory_space<vmem>>
    %dma_wait3A_246 = tpu.memref_squeeze %dma_wait3A_245 : memref<1x128x128xf32, #tpu.memory_space<vmem>> -> memref<128x128xf32, #tpu.memory_space<vmem>>
    %dma_wait3A_247 = arith.constant 0 : i32
    %dma_wait3A_248 = tpu.memref_slice %arg2[%mul3A_194, %dma_wait3A_247] : memref<131072x128xf32, #tpu.memory_space<hbm>> -> memref<128x128xf32, #tpu.memory_space<hbm>>
    %dma_wait3A_249 = arith.constant 0 : i32
    %dma_wait3A_250 = arith.constant 0 : i32
    %dma_wait3A_251 = tpu.memref_slice %arg7[%dma_wait3A_242, %dma_wait3A_249, %dma_wait3A_250] : memref<2x128x128xf32, #tpu.memory_space<vmem>> -> memref<1x128x128xf32, #tpu.memory_space<vmem>>
    %dma_wait3A_252 = tpu.memref_squeeze %dma_wait3A_251 : memref<1x128x128xf32, #tpu.memory_space<vmem>> -> memref<128x128xf32, #tpu.memory_space<vmem>>
    %dma_wait3A_253 = arith.constant 0 : i32
    %dma_wait3A_254 = tpu.memref_slice %arg2[%mul3A_194, %dma_wait3A_253] : memref<131072x128xf32, #tpu.memory_space<hbm>> -> memref<128x128xf32, #tpu.memory_space<hbm>>
    tpu.wait_dma2 semaphore(%arg9 : memref<!tpu.dma_semaphore, #tpu.memory_space<semaphore_mem>>) src(%dma_wait3A_254 : memref<128x128xf32, #tpu.memory_space<hbm>>) dst(%dma_wait3A_252 : memref<128x128xf32, #tpu.memory_space<vmem>>)
    %run_scoped3A_255 = arith.constant 0 : i32
    %run_scoped3A_256 = arith.constant 6 : i32
    "tpu.region"() ({
      %run_scoped3A_278 = tpu.sem_alloc : memref<!tpu.dma_semaphore, #tpu.memory_space<semaphore_mem>>
      %dma_start3A_279 = arith.constant 0 : i32
      %dma_start3A_280 = arith.constant 0 : i32
      %dma_start3A_281 = tpu.memref_slice %arg7[%run_scoped3A_255, %dma_start3A_279, %dma_start3A_280] : memref<2x128x128xf32, #tpu.memory_space<vmem>> -> memref<1x128x128xf32, #tpu.memory_space<vmem>>
      %dma_start3A_282 = tpu.memref_squeeze %dma_start3A_281 : memref<1x128x128xf32, #tpu.memory_space<vmem>> -> memref<128x128xf32, #tpu.memory_space<vmem>>
      %dma_start3A_283 = arith.constant 0 : i32
      %dma_start3A_284 = tpu.memref_slice %arg6[%run_scoped3A_256, %dma_start3A_283] : memref<8x128xi32, #tpu.memory_space<vmem>> -> memref<1x128xi32, #tpu.memory_space<vmem>>
      %dma_start3A_285 = tpu.memref_squeeze %dma_start3A_284 : memref<1x128xi32, #tpu.memory_space<vmem>> -> memref<128xi32, #tpu.memory_space<vmem>>
      %dma_start3A_286 = arith.constant 0 : i32
      %dma_start3A_287 = arith.constant 0 : i32
      %dma_start3A_288 = tpu.memref_slice %arg8[%dma_start3A_286, %dma_start3A_287] : memref<1024x128xf32, #tpu.memory_space<vmem_shared>> -> memref<1024x128xf32, #tpu.memory_space<vmem_shared>>
      tpu.enqueue_indirect_dma source(%dma_start3A_282 : memref<128x128xf32, #tpu.memory_space<vmem>>) target(%dma_start3A_288 : memref<1024x128xf32, #tpu.memory_space<vmem_shared>>) offsets(%dma_start3A_285 : memref<128xi32, #tpu.memory_space<vmem>>) semaphore(%run_scoped3A_278 : memref<!tpu.dma_semaphore, #tpu.memory_space<semaphore_mem>>) {add = true}
      %dma_wait3A_289 = arith.constant 0 : i32
      %dma_wait3A_290 = arith.constant 0 : i32
      %dma_wait3A_291 = tpu.memref_slice %arg7[%run_scoped3A_255, %dma_wait3A_289, %dma_wait3A_290] : memref<2x128x128xf32, #tpu.memory_space<vmem>> -> memref<1x128x128xf32, #tpu.memory_space<vmem>>
      %dma_wait3A_292 = tpu.memref_squeeze %dma_wait3A_291 : memref<1x128x128xf32, #tpu.memory_space<vmem>> -> memref<128x128xf32, #tpu.memory_space<vmem>>
      %dma_wait3A_293 = arith.constant 0 : i32
      %dma_wait3A_294 = tpu.memref_slice %arg6[%run_scoped3A_256, %dma_wait3A_293] : memref<8x128xi32, #tpu.memory_space<vmem>> -> memref<1x128xi32, #tpu.memory_space<vmem>>
      %dma_wait3A_295 = tpu.memref_squeeze %dma_wait3A_294 : memref<1x128xi32, #tpu.memory_space<vmem>> -> memref<128xi32, #tpu.memory_space<vmem>>
      %dma_wait3A_296 = arith.constant 0 : i32
      %dma_wait3A_297 = arith.constant 0 : i32
      %dma_wait3A_298 = tpu.memref_slice %arg8[%dma_wait3A_296, %dma_wait3A_297] : memref<1024x128xf32, #tpu.memory_space<vmem_shared>> -> memref<1024x128xf32, #tpu.memory_space<vmem_shared>>
      tpu.wait_indirect_dma semaphore(%run_scoped3A_278 : memref<!tpu.dma_semaphore, #tpu.memory_space<semaphore_mem>>) src(%dma_wait3A_292 : memref<128x128xf32, #tpu.memory_space<vmem>>) dst(%dma_wait3A_298 : memref<1024x128xf32, #tpu.memory_space<vmem_shared>>)
      tpu.yield
    }) : () -> ()
    %dma_wait3A_257 = arith.constant 1 : i32
    %dma_wait3A_258 = arith.constant 0 : i32
    %dma_wait3A_259 = arith.constant 0 : i32
    %dma_wait3A_260 = tpu.memref_slice %arg7[%dma_wait3A_257, %dma_wait3A_258, %dma_wait3A_259] : memref<2x128x128xf32, #tpu.memory_space<vmem>> -> memref<1x128x128xf32, #tpu.memory_space<vmem>>
    %dma_wait3A_261 = tpu.memref_squeeze %dma_wait3A_260 : memref<1x128x128xf32, #tpu.memory_space<vmem>> -> memref<128x128xf32, #tpu.memory_space<vmem>>
    %dma_wait3A_262 = arith.constant 0 : i32
    %dma_wait3A_263 = tpu.memref_slice %arg2[%mul3A_228, %dma_wait3A_262] : memref<131072x128xf32, #tpu.memory_space<hbm>> -> memref<128x128xf32, #tpu.memory_space<hbm>>
    %dma_wait3A_264 = arith.constant 0 : i32
    %dma_wait3A_265 = arith.constant 0 : i32
    %dma_wait3A_266 = tpu.memref_slice %arg7[%dma_wait3A_257, %dma_wait3A_264, %dma_wait3A_265] : memref<2x128x128xf32, #tpu.memory_space<vmem>> -> memref<1x128x128xf32, #tpu.memory_space<vmem>>
    %dma_wait3A_267 = tpu.memref_squeeze %dma_wait3A_266 : memref<1x128x128xf32, #tpu.memory_space<vmem>> -> memref<128x128xf32, #tpu.memory_space<vmem>>
    %dma_wait3A_268 = arith.constant 0 : i32
    %dma_wait3A_269 = tpu.memref_slice %arg2[%mul3A_228, %dma_wait3A_268] : memref<131072x128xf32, #tpu.memory_space<hbm>> -> memref<128x128xf32, #tpu.memory_space<hbm>>
    tpu.wait_dma2 semaphore(%arg10 : memref<!tpu.dma_semaphore, #tpu.memory_space<semaphore_mem>>) src(%dma_wait3A_269 : memref<128x128xf32, #tpu.memory_space<hbm>>) dst(%dma_wait3A_267 : memref<128x128xf32, #tpu.memory_space<vmem>>)
    %run_scoped3A_270 = arith.constant 1 : i32
    %run_scoped3A_271 = arith.constant 7 : i32
    "tpu.region"() ({
      %run_scoped3A_278 = tpu.sem_alloc : memref<!tpu.dma_semaphore, #tpu.memory_space<semaphore_mem>>
      %dma_start3A_279 = arith.constant 0 : i32
      %dma_start3A_280 = arith.constant 0 : i32
      %dma_start3A_281 = tpu.memref_slice %arg7[%run_scoped3A_270, %dma_start3A_279, %dma_start3A_280] : memref<2x128x128xf32, #tpu.memory_space<vmem>> -> memref<1x128x128xf32, #tpu.memory_space<vmem>>
      %dma_start3A_282 = tpu.memref_squeeze %dma_start3A_281 : memref<1x128x128xf32, #tpu.memory_space<vmem>> -> memref<128x128xf32, #tpu.memory_space<vmem>>
      %dma_start3A_283 = arith.constant 0 : i32
      %dma_start3A_284 = tpu.memref_slice %arg6[%run_scoped3A_271, %dma_start3A_283] : memref<8x128xi32, #tpu.memory_space<vmem>> -> memref<1x128xi32, #tpu.memory_space<vmem>>
      %dma_start3A_285 = tpu.memref_squeeze %dma_start3A_284 : memref<1x128xi32, #tpu.memory_space<vmem>> -> memref<128xi32, #tpu.memory_space<vmem>>
      %dma_start3A_286 = arith.constant 0 : i32
      %dma_start3A_287 = arith.constant 0 : i32
      %dma_start3A_288 = tpu.memref_slice %arg8[%dma_start3A_286, %dma_start3A_287] : memref<1024x128xf32, #tpu.memory_space<vmem_shared>> -> memref<1024x128xf32, #tpu.memory_space<vmem_shared>>
      tpu.enqueue_indirect_dma source(%dma_start3A_282 : memref<128x128xf32, #tpu.memory_space<vmem>>) target(%dma_start3A_288 : memref<1024x128xf32, #tpu.memory_space<vmem_shared>>) offsets(%dma_start3A_285 : memref<128xi32, #tpu.memory_space<vmem>>) semaphore(%run_scoped3A_278 : memref<!tpu.dma_semaphore, #tpu.memory_space<semaphore_mem>>) {add = true}
      %dma_wait3A_289 = arith.constant 0 : i32
      %dma_wait3A_290 = arith.constant 0 : i32
      %dma_wait3A_291 = tpu.memref_slice %arg7[%run_scoped3A_270, %dma_wait3A_289, %dma_wait3A_290] : memref<2x128x128xf32, #tpu.memory_space<vmem>> -> memref<1x128x128xf32, #tpu.memory_space<vmem>>
      %dma_wait3A_292 = tpu.memref_squeeze %dma_wait3A_291 : memref<1x128x128xf32, #tpu.memory_space<vmem>> -> memref<128x128xf32, #tpu.memory_space<vmem>>
      %dma_wait3A_293 = arith.constant 0 : i32
      %dma_wait3A_294 = tpu.memref_slice %arg6[%run_scoped3A_271, %dma_wait3A_293] : memref<8x128xi32, #tpu.memory_space<vmem>> -> memref<1x128xi32, #tpu.memory_space<vmem>>
      %dma_wait3A_295 = tpu.memref_squeeze %dma_wait3A_294 : memref<1x128xi32, #tpu.memory_space<vmem>> -> memref<128xi32, #tpu.memory_space<vmem>>
      %dma_wait3A_296 = arith.constant 0 : i32
      %dma_wait3A_297 = arith.constant 0 : i32
      %dma_wait3A_298 = tpu.memref_slice %arg8[%dma_wait3A_296, %dma_wait3A_297] : memref<1024x128xf32, #tpu.memory_space<vmem_shared>> -> memref<1024x128xf32, #tpu.memory_space<vmem_shared>>
      tpu.wait_indirect_dma semaphore(%run_scoped3A_278 : memref<!tpu.dma_semaphore, #tpu.memory_space<semaphore_mem>>) src(%dma_wait3A_292 : memref<128x128xf32, #tpu.memory_space<vmem>>) dst(%dma_wait3A_298 : memref<1024x128xf32, #tpu.memory_space<vmem_shared>>)
      tpu.yield
    }) : () -> ()
    %barrier3A_272 = arith.constant 0 : index
    tpu.barrier barrier_id(%barrier3A_272)
    %eq3A_273 = arith.constant 0 : i32
    %eq3A_274 = arith.cmpi eq, %arg1, %eq3A_273 : i32
    %convert_element_type3A_275 = arith.extui %eq3A_274 : i1 to i32
    %cond3A_276 = arith.constant 0 : i32
    %cond3A_277 = arith.cmpi ne, %convert_element_type3A_275, %cond3A_276 : i32
    scf.if %cond3A_277 {
      "tpu.region"() ({
        %run_scoped3A_278 = tpu.sem_alloc : memref<!tpu.dma_semaphore, #tpu.memory_space<semaphore_mem>>
        %dma_start3A_279 = arith.constant 0 : i32
        %dma_start3A_280 = arith.constant 0 : i32
        %dma_start3A_281 = tpu.memref_slice %arg5[%arg0, %dma_start3A_279, %dma_start3A_280] : memref<2x1024x128xf32, #tpu.memory_space<hbm>> -> memref<1x1024x128xf32, #tpu.memory_space<hbm>>
        %dma_start3A_282 = tpu.memref_squeeze %dma_start3A_281 : memref<1x1024x128xf32, #tpu.memory_space<hbm>> -> memref<1024x128xf32, #tpu.memory_space<hbm>>
        tpu.enqueue_dma source(%arg8 : memref<1024x128xf32, #tpu.memory_space<vmem_shared>>) target(%dma_start3A_282 : memref<1024x128xf32, #tpu.memory_space<hbm>>) target_semaphore(%run_scoped3A_278 : memref<!tpu.dma_semaphore, #tpu.memory_space<semaphore_mem>>)
        %dma_wait3A_283 = arith.constant 0 : i32
        %dma_wait3A_284 = arith.constant 0 : i32
        %dma_wait3A_285 = tpu.memref_slice %arg5[%arg0, %dma_wait3A_283, %dma_wait3A_284] : memref<2x1024x128xf32, #tpu.memory_space<hbm>> -> memref<1x1024x128xf32, #tpu.memory_space<hbm>>
        %dma_wait3A_286 = tpu.memref_squeeze %dma_wait3A_285 : memref<1x1024x128xf32, #tpu.memory_space<hbm>> -> memref<1024x128xf32, #tpu.memory_space<hbm>>
        tpu.wait_dma2 semaphore(%run_scoped3A_278 : memref<!tpu.dma_semaphore, #tpu.memory_space<semaphore_mem>>) src(%arg8 : memref<1024x128xf32, #tpu.memory_space<vmem_shared>>) dst(%dma_wait3A_286 : memref<1024x128xf32, #tpu.memory_space<hbm>>)
        tpu.yield
      }) : () -> ()
    } else {
    }
    return
  }
}

module attributes {stable_mosaic.version = 14 : i64} {
  func.func @_finisher(%arg0: memref<1x1024xi32, #tpu.memory_space<smem>>, %arg1: memref<1024x128xf32, #tpu.memory_space<vmem>>, %arg2: memref<2x1024x128xf32, #tpu.memory_space<vmem>>, %arg3: memref<1x1xf32, #tpu.memory_space<smem>>, %arg4: memref<1x8xf32, #tpu.memory_space<smem>>) attributes {dimension_semantics = [], scalar_prefetch = 0 : i64, scratch_operands = 1 : i64, tpu.core_type = #tpu.core_type<tc>} {
    %swap3A = arith.constant 0.000000e+00 : f32
    %swap3A_0 = arith.constant 0 : index
    %swap3A_1 = arith.constant 0 : index
    %swap3A_2 = memref.load %arg4[%swap3A_0, %swap3A_1] : memref<1x8xf32, #tpu.memory_space<smem>>
    memref.store %swap3A, %arg4[%swap3A_0, %swap3A_1] : memref<1x8xf32, #tpu.memory_space<smem>>
    %swap3A_3 = arith.constant 0.000000e+00 : f32
    %swap3A_4 = arith.constant 0 : index
    %swap3A_5 = arith.constant 1 : index
    %swap3A_6 = memref.load %arg4[%swap3A_4, %swap3A_5] : memref<1x8xf32, #tpu.memory_space<smem>>
    memref.store %swap3A_3, %arg4[%swap3A_4, %swap3A_5] : memref<1x8xf32, #tpu.memory_space<smem>>
    %swap3A_7 = arith.constant 0.000000e+00 : f32
    %swap3A_8 = arith.constant 0 : index
    %swap3A_9 = arith.constant 2 : index
    %swap3A_10 = memref.load %arg4[%swap3A_8, %swap3A_9] : memref<1x8xf32, #tpu.memory_space<smem>>
    memref.store %swap3A_7, %arg4[%swap3A_8, %swap3A_9] : memref<1x8xf32, #tpu.memory_space<smem>>
    %swap3A_11 = arith.constant 0.000000e+00 : f32
    %swap3A_12 = arith.constant 0 : index
    %swap3A_13 = arith.constant 3 : index
    %swap3A_14 = memref.load %arg4[%swap3A_12, %swap3A_13] : memref<1x8xf32, #tpu.memory_space<smem>>
    memref.store %swap3A_11, %arg4[%swap3A_12, %swap3A_13] : memref<1x8xf32, #tpu.memory_space<smem>>
    %swap3A_15 = arith.constant 0.000000e+00 : f32
    %swap3A_16 = arith.constant 0 : index
    %swap3A_17 = arith.constant 4 : index
    %swap3A_18 = memref.load %arg4[%swap3A_16, %swap3A_17] : memref<1x8xf32, #tpu.memory_space<smem>>
    memref.store %swap3A_15, %arg4[%swap3A_16, %swap3A_17] : memref<1x8xf32, #tpu.memory_space<smem>>
    %swap3A_19 = arith.constant 0.000000e+00 : f32
    %swap3A_20 = arith.constant 0 : index
    %swap3A_21 = arith.constant 5 : index
    %swap3A_22 = memref.load %arg4[%swap3A_20, %swap3A_21] : memref<1x8xf32, #tpu.memory_space<smem>>
    memref.store %swap3A_19, %arg4[%swap3A_20, %swap3A_21] : memref<1x8xf32, #tpu.memory_space<smem>>
    %swap3A_23 = arith.constant 0.000000e+00 : f32
    %swap3A_24 = arith.constant 0 : index
    %swap3A_25 = arith.constant 6 : index
    %swap3A_26 = memref.load %arg4[%swap3A_24, %swap3A_25] : memref<1x8xf32, #tpu.memory_space<smem>>
    memref.store %swap3A_23, %arg4[%swap3A_24, %swap3A_25] : memref<1x8xf32, #tpu.memory_space<smem>>
    %swap3A_27 = arith.constant 0.000000e+00 : f32
    %swap3A_28 = arith.constant 0 : index
    %swap3A_29 = arith.constant 7 : index
    %swap3A_30 = memref.load %arg4[%swap3A_28, %swap3A_29] : memref<1x8xf32, #tpu.memory_space<smem>>
    memref.store %swap3A_27, %arg4[%swap3A_28, %swap3A_29] : memref<1x8xf32, #tpu.memory_space<smem>>
    %scan3A = arith.constant 0 : i32
    %scan3A_31 = arith.constant 1024 : i32
    %scan3A_32 = arith.addi %scan3A, %scan3A_31 : i32
    %scan3A_33 = arith.constant 1 : i32
    scf.for %scan3A_464 = %scan3A to %scan3A_32 step %scan3A_33  : i32 {
      %get3A_465 = arith.constant 0 : index
      %get3A_466 = arith.index_cast %scan3A_464 : i32 to index
      %get3A_467 = memref.load %arg0[%get3A_465, %get3A_466] : memref<1x1024xi32, #tpu.memory_space<smem>>
      %get3A_468 = arith.constant 0 : index
      %get3A_469 = arith.index_cast %get3A_467 : i32 to index
      %get3A_470 = memref.load %arg4[%get3A_468, %get3A_469] : memref<1x8xf32, #tpu.memory_space<smem>>
      %add3A_471 = arith.constant 1.000000e+00 : f32
      %add3A_472 = arith.addf %get3A_470, %add3A_471 : f32
      %swap3A_473 = arith.constant 0 : index
      %swap3A_474 = arith.index_cast %get3A_467 : i32 to index
      %swap3A_475 = memref.load %arg4[%swap3A_473, %swap3A_474] : memref<1x8xf32, #tpu.memory_space<smem>>
      memref.store %add3A_472, %arg4[%swap3A_473, %swap3A_474] : memref<1x8xf32, #tpu.memory_space<smem>>
    }
    %scan3A_34 = arith.constant 1024 : i32
    %get3A = arith.constant 0 : index
    %get3A_35 = arith.constant 0 : index
    %get3A_36 = memref.load %arg4[%get3A, %get3A_35] : memref<1x8xf32, #tpu.memory_space<smem>>
    %get3A_37 = arith.constant 0 : index
    %get3A_38 = arith.constant 1 : index
    %get3A_39 = memref.load %arg4[%get3A_37, %get3A_38] : memref<1x8xf32, #tpu.memory_space<smem>>
    %get3A_40 = arith.constant 0 : index
    %get3A_41 = arith.constant 2 : index
    %get3A_42 = memref.load %arg4[%get3A_40, %get3A_41] : memref<1x8xf32, #tpu.memory_space<smem>>
    %get3A_43 = arith.constant 0 : index
    %get3A_44 = arith.constant 3 : index
    %get3A_45 = memref.load %arg4[%get3A_43, %get3A_44] : memref<1x8xf32, #tpu.memory_space<smem>>
    %get3A_46 = arith.constant 0 : index
    %get3A_47 = arith.constant 4 : index
    %get3A_48 = memref.load %arg4[%get3A_46, %get3A_47] : memref<1x8xf32, #tpu.memory_space<smem>>
    %get3A_49 = arith.constant 0 : index
    %get3A_50 = arith.constant 5 : index
    %get3A_51 = memref.load %arg4[%get3A_49, %get3A_50] : memref<1x8xf32, #tpu.memory_space<smem>>
    %get3A_52 = arith.constant 0 : index
    %get3A_53 = arith.constant 6 : index
    %get3A_54 = memref.load %arg4[%get3A_52, %get3A_53] : memref<1x8xf32, #tpu.memory_space<smem>>
    %get3A_55 = arith.constant 0 : index
    %get3A_56 = arith.constant 7 : index
    %get3A_57 = memref.load %arg4[%get3A_55, %get3A_56] : memref<1x8xf32, #tpu.memory_space<smem>>
    %ge3A = arith.constant 2.000000e+00 : f32
    %ge3A_58 = arith.cmpf oge, %get3A_36, %ge3A : f32
    %jit3A = arith.constant 1.000000e+00 : f32
    %jit3A_59 = arith.constant 0.000000e+00 : f32
    %select_n3A = arith.select %ge3A_58, %jit3A, %jit3A_59 : f32
    %ge3A_60 = arith.constant 2.000000e+00 : f32
    %ge3A_61 = arith.cmpf oge, %get3A_39, %ge3A_60 : f32
    %jit3A_62 = arith.constant 1.000000e+00 : f32
    %jit3A_63 = arith.constant 0.000000e+00 : f32
    %select_n3A_64 = arith.select %ge3A_61, %jit3A_62, %jit3A_63 : f32
    %ge3A_65 = arith.constant 2.000000e+00 : f32
    %ge3A_66 = arith.cmpf oge, %get3A_42, %ge3A_65 : f32
    %jit3A_67 = arith.constant 1.000000e+00 : f32
    %jit3A_68 = arith.constant 0.000000e+00 : f32
    %select_n3A_69 = arith.select %ge3A_66, %jit3A_67, %jit3A_68 : f32
    %ge3A_70 = arith.constant 2.000000e+00 : f32
    %ge3A_71 = arith.cmpf oge, %get3A_45, %ge3A_70 : f32
    %jit3A_72 = arith.constant 1.000000e+00 : f32
    %jit3A_73 = arith.constant 0.000000e+00 : f32
    %select_n3A_74 = arith.select %ge3A_71, %jit3A_72, %jit3A_73 : f32
    %ge3A_75 = arith.constant 2.000000e+00 : f32
    %ge3A_76 = arith.cmpf oge, %get3A_48, %ge3A_75 : f32
    %jit3A_77 = arith.constant 1.000000e+00 : f32
    %jit3A_78 = arith.constant 0.000000e+00 : f32
    %select_n3A_79 = arith.select %ge3A_76, %jit3A_77, %jit3A_78 : f32
    %ge3A_80 = arith.constant 2.000000e+00 : f32
    %ge3A_81 = arith.cmpf oge, %get3A_51, %ge3A_80 : f32
    %jit3A_82 = arith.constant 1.000000e+00 : f32
    %jit3A_83 = arith.constant 0.000000e+00 : f32
    %select_n3A_84 = arith.select %ge3A_81, %jit3A_82, %jit3A_83 : f32
    %ge3A_85 = arith.constant 2.000000e+00 : f32
    %ge3A_86 = arith.cmpf oge, %get3A_54, %ge3A_85 : f32
    %jit3A_87 = arith.constant 1.000000e+00 : f32
    %jit3A_88 = arith.constant 0.000000e+00 : f32
    %select_n3A_89 = arith.select %ge3A_86, %jit3A_87, %jit3A_88 : f32
    %ge3A_90 = arith.constant 2.000000e+00 : f32
    %ge3A_91 = arith.cmpf oge, %get3A_57, %ge3A_90 : f32
    %jit3A_92 = arith.constant 1.000000e+00 : f32
    %jit3A_93 = arith.constant 0.000000e+00 : f32
    %select_n3A_94 = arith.select %ge3A_91, %jit3A_92, %jit3A_93 : f32
    %max3A = arith.constant 1.000000e+00 : f32
    %max3A_95 = arith.maximumf %get3A_36, %max3A : f32
    %max3A_96 = arith.constant 1.000000e+00 : f32
    %max3A_97 = arith.maximumf %get3A_39, %max3A_96 : f32
    %max3A_98 = arith.constant 1.000000e+00 : f32
    %max3A_99 = arith.maximumf %get3A_42, %max3A_98 : f32
    %max3A_100 = arith.constant 1.000000e+00 : f32
    %max3A_101 = arith.maximumf %get3A_45, %max3A_100 : f32
    %max3A_102 = arith.constant 1.000000e+00 : f32
    %max3A_103 = arith.maximumf %get3A_48, %max3A_102 : f32
    %max3A_104 = arith.constant 1.000000e+00 : f32
    %max3A_105 = arith.maximumf %get3A_51, %max3A_104 : f32
    %max3A_106 = arith.constant 1.000000e+00 : f32
    %max3A_107 = arith.maximumf %get3A_54, %max3A_106 : f32
    %max3A_108 = arith.constant 1.000000e+00 : f32
    %max3A_109 = arith.maximumf %get3A_57, %max3A_108 : f32
    %add3A = arith.constant 0.000000e+00 : f32
    %add3A_110 = arith.addf %add3A, %select_n3A : f32
    %add3A_111 = arith.addf %add3A_110, %select_n3A_64 : f32
    %add3A_112 = arith.addf %add3A_111, %select_n3A_69 : f32
    %add3A_113 = arith.addf %add3A_112, %select_n3A_74 : f32
    %add3A_114 = arith.addf %add3A_113, %select_n3A_79 : f32
    %add3A_115 = arith.addf %add3A_114, %select_n3A_84 : f32
    %add3A_116 = arith.addf %add3A_115, %select_n3A_89 : f32
    %add3A_117 = arith.addf %add3A_116, %select_n3A_94 : f32
    %broadcast_in_dim3A = arith.constant 0.000000e+00 : f32
    %broadcast_in_dim3A_118 = vector.broadcast %broadcast_in_dim3A : f32 to vector<128x128xf32>
    %mul3A = arith.mulf %max3A_95, %add3A_117 : f32
    %div3A = arith.divf %select_n3A, %mul3A : f32
    %get3A_119 = arith.constant 0 : index
    %get3A_120 = arith.constant 0 : index
    %get3A_121 = vector.load %arg1[%get3A_119, %get3A_120] : memref<1024x128xf32, #tpu.memory_space<vmem>>, vector<128x128xf32>
    %get3A_122 = arith.constant 0 : index
    %get3A_123 = arith.constant 0 : index
    %get3A_124 = arith.constant 0 : index
    %get3A_125 = vector.load %arg2[%get3A_122, %get3A_123, %get3A_124] : memref<2x1024x128xf32, #tpu.memory_space<vmem>>, vector<1x128x128xf32>
    %get3A_126 = vector.shape_cast %get3A_125 : vector<1x128x128xf32> to vector<128x128xf32>
    %add3A_127 = arith.addf %get3A_121, %get3A_126 : vector<128x128xf32>
    %get3A_128 = arith.constant 1 : index
    %get3A_129 = arith.constant 0 : index
    %get3A_130 = arith.constant 0 : index
    %get3A_131 = vector.load %arg2[%get3A_128, %get3A_129, %get3A_130] : memref<2x1024x128xf32, #tpu.memory_space<vmem>>, vector<1x128x128xf32>
    %get3A_132 = vector.shape_cast %get3A_131 : vector<1x128x128xf32> to vector<128x128xf32>
    %add3A_133 = arith.addf %add3A_127, %get3A_132 : vector<128x128xf32>
    %mul3A_134 = vector.broadcast %div3A : f32 to vector<128x128xf32>
    %mul3A_135 = arith.mulf %mul3A_134, %add3A_133 : vector<128x128xf32>
    %add3A_136 = arith.addf %broadcast_in_dim3A_118, %mul3A_135 : vector<128x128xf32>
    %mul3A_137 = arith.mulf %max3A_97, %add3A_117 : f32
    %div3A_138 = arith.divf %select_n3A_64, %mul3A_137 : f32
    %get3A_139 = arith.constant 128 : index
    %get3A_140 = arith.constant 0 : index
    %get3A_141 = vector.load %arg1[%get3A_139, %get3A_140] : memref<1024x128xf32, #tpu.memory_space<vmem>>, vector<128x128xf32>
    %get3A_142 = arith.constant 0 : index
    %get3A_143 = arith.constant 128 : index
    %get3A_144 = arith.constant 0 : index
    %get3A_145 = vector.load %arg2[%get3A_142, %get3A_143, %get3A_144] : memref<2x1024x128xf32, #tpu.memory_space<vmem>>, vector<1x128x128xf32>
    %get3A_146 = vector.shape_cast %get3A_145 : vector<1x128x128xf32> to vector<128x128xf32>
    %add3A_147 = arith.addf %get3A_141, %get3A_146 : vector<128x128xf32>
    %get3A_148 = arith.constant 1 : index
    %get3A_149 = arith.constant 128 : index
    %get3A_150 = arith.constant 0 : index
    %get3A_151 = vector.load %arg2[%get3A_148, %get3A_149, %get3A_150] : memref<2x1024x128xf32, #tpu.memory_space<vmem>>, vector<1x128x128xf32>
    %get3A_152 = vector.shape_cast %get3A_151 : vector<1x128x128xf32> to vector<128x128xf32>
    %add3A_153 = arith.addf %add3A_147, %get3A_152 : vector<128x128xf32>
    %mul3A_154 = vector.broadcast %div3A_138 : f32 to vector<128x128xf32>
    %mul3A_155 = arith.mulf %mul3A_154, %add3A_153 : vector<128x128xf32>
    %add3A_156 = arith.addf %add3A_136, %mul3A_155 : vector<128x128xf32>
    %mul3A_157 = arith.mulf %max3A_99, %add3A_117 : f32
    %div3A_158 = arith.divf %select_n3A_69, %mul3A_157 : f32
    %get3A_159 = arith.constant 256 : index
    %get3A_160 = arith.constant 0 : index
    %get3A_161 = vector.load %arg1[%get3A_159, %get3A_160] : memref<1024x128xf32, #tpu.memory_space<vmem>>, vector<128x128xf32>
    %get3A_162 = arith.constant 0 : index
    %get3A_163 = arith.constant 256 : index
    %get3A_164 = arith.constant 0 : index
    %get3A_165 = vector.load %arg2[%get3A_162, %get3A_163, %get3A_164] : memref<2x1024x128xf32, #tpu.memory_space<vmem>>, vector<1x128x128xf32>
    %get3A_166 = vector.shape_cast %get3A_165 : vector<1x128x128xf32> to vector<128x128xf32>
    %add3A_167 = arith.addf %get3A_161, %get3A_166 : vector<128x128xf32>
    %get3A_168 = arith.constant 1 : index
    %get3A_169 = arith.constant 256 : index
    %get3A_170 = arith.constant 0 : index
    %get3A_171 = vector.load %arg2[%get3A_168, %get3A_169, %get3A_170] : memref<2x1024x128xf32, #tpu.memory_space<vmem>>, vector<1x128x128xf32>
    %get3A_172 = vector.shape_cast %get3A_171 : vector<1x128x128xf32> to vector<128x128xf32>
    %add3A_173 = arith.addf %add3A_167, %get3A_172 : vector<128x128xf32>
    %mul3A_174 = vector.broadcast %div3A_158 : f32 to vector<128x128xf32>
    %mul3A_175 = arith.mulf %mul3A_174, %add3A_173 : vector<128x128xf32>
    %add3A_176 = arith.addf %add3A_156, %mul3A_175 : vector<128x128xf32>
    %mul3A_177 = arith.mulf %max3A_101, %add3A_117 : f32
    %div3A_178 = arith.divf %select_n3A_74, %mul3A_177 : f32
    %get3A_179 = arith.constant 384 : index
    %get3A_180 = arith.constant 0 : index
    %get3A_181 = vector.load %arg1[%get3A_179, %get3A_180] : memref<1024x128xf32, #tpu.memory_space<vmem>>, vector<128x128xf32>
    %get3A_182 = arith.constant 0 : index
    %get3A_183 = arith.constant 384 : index
    %get3A_184 = arith.constant 0 : index
    %get3A_185 = vector.load %arg2[%get3A_182, %get3A_183, %get3A_184] : memref<2x1024x128xf32, #tpu.memory_space<vmem>>, vector<1x128x128xf32>
    %get3A_186 = vector.shape_cast %get3A_185 : vector<1x128x128xf32> to vector<128x128xf32>
    %add3A_187 = arith.addf %get3A_181, %get3A_186 : vector<128x128xf32>
    %get3A_188 = arith.constant 1 : index
    %get3A_189 = arith.constant 384 : index
    %get3A_190 = arith.constant 0 : index
    %get3A_191 = vector.load %arg2[%get3A_188, %get3A_189, %get3A_190] : memref<2x1024x128xf32, #tpu.memory_space<vmem>>, vector<1x128x128xf32>
    %get3A_192 = vector.shape_cast %get3A_191 : vector<1x128x128xf32> to vector<128x128xf32>
    %add3A_193 = arith.addf %add3A_187, %get3A_192 : vector<128x128xf32>
    %mul3A_194 = vector.broadcast %div3A_178 : f32 to vector<128x128xf32>
    %mul3A_195 = arith.mulf %mul3A_194, %add3A_193 : vector<128x128xf32>
    %add3A_196 = arith.addf %add3A_176, %mul3A_195 : vector<128x128xf32>
    %mul3A_197 = arith.mulf %max3A_103, %add3A_117 : f32
    %div3A_198 = arith.divf %select_n3A_79, %mul3A_197 : f32
    %get3A_199 = arith.constant 512 : index
    %get3A_200 = arith.constant 0 : index
    %get3A_201 = vector.load %arg1[%get3A_199, %get3A_200] : memref<1024x128xf32, #tpu.memory_space<vmem>>, vector<128x128xf32>
    %get3A_202 = arith.constant 0 : index
    %get3A_203 = arith.constant 512 : index
    %get3A_204 = arith.constant 0 : index
    %get3A_205 = vector.load %arg2[%get3A_202, %get3A_203, %get3A_204] : memref<2x1024x128xf32, #tpu.memory_space<vmem>>, vector<1x128x128xf32>
    %get3A_206 = vector.shape_cast %get3A_205 : vector<1x128x128xf32> to vector<128x128xf32>
    %add3A_207 = arith.addf %get3A_201, %get3A_206 : vector<128x128xf32>
    %get3A_208 = arith.constant 1 : index
    %get3A_209 = arith.constant 512 : index
    %get3A_210 = arith.constant 0 : index
    %get3A_211 = vector.load %arg2[%get3A_208, %get3A_209, %get3A_210] : memref<2x1024x128xf32, #tpu.memory_space<vmem>>, vector<1x128x128xf32>
    %get3A_212 = vector.shape_cast %get3A_211 : vector<1x128x128xf32> to vector<128x128xf32>
    %add3A_213 = arith.addf %add3A_207, %get3A_212 : vector<128x128xf32>
    %mul3A_214 = vector.broadcast %div3A_198 : f32 to vector<128x128xf32>
    %mul3A_215 = arith.mulf %mul3A_214, %add3A_213 : vector<128x128xf32>
    %add3A_216 = arith.addf %add3A_196, %mul3A_215 : vector<128x128xf32>
    %mul3A_217 = arith.mulf %max3A_105, %add3A_117 : f32
    %div3A_218 = arith.divf %select_n3A_84, %mul3A_217 : f32
    %get3A_219 = arith.constant 640 : index
    %get3A_220 = arith.constant 0 : index
    %get3A_221 = vector.load %arg1[%get3A_219, %get3A_220] : memref<1024x128xf32, #tpu.memory_space<vmem>>, vector<128x128xf32>
    %get3A_222 = arith.constant 0 : index
    %get3A_223 = arith.constant 640 : index
    %get3A_224 = arith.constant 0 : index
    %get3A_225 = vector.load %arg2[%get3A_222, %get3A_223, %get3A_224] : memref<2x1024x128xf32, #tpu.memory_space<vmem>>, vector<1x128x128xf32>
    %get3A_226 = vector.shape_cast %get3A_225 : vector<1x128x128xf32> to vector<128x128xf32>
    %add3A_227 = arith.addf %get3A_221, %get3A_226 : vector<128x128xf32>
    %get3A_228 = arith.constant 1 : index
    %get3A_229 = arith.constant 640 : index
    %get3A_230 = arith.constant 0 : index
    %get3A_231 = vector.load %arg2[%get3A_228, %get3A_229, %get3A_230] : memref<2x1024x128xf32, #tpu.memory_space<vmem>>, vector<1x128x128xf32>
    %get3A_232 = vector.shape_cast %get3A_231 : vector<1x128x128xf32> to vector<128x128xf32>
    %add3A_233 = arith.addf %add3A_227, %get3A_232 : vector<128x128xf32>
    %mul3A_234 = vector.broadcast %div3A_218 : f32 to vector<128x128xf32>
    %mul3A_235 = arith.mulf %mul3A_234, %add3A_233 : vector<128x128xf32>
    %add3A_236 = arith.addf %add3A_216, %mul3A_235 : vector<128x128xf32>
    %mul3A_237 = arith.mulf %max3A_107, %add3A_117 : f32
    %div3A_238 = arith.divf %select_n3A_89, %mul3A_237 : f32
    %get3A_239 = arith.constant 768 : index
    %get3A_240 = arith.constant 0 : index
    %get3A_241 = vector.load %arg1[%get3A_239, %get3A_240] : memref<1024x128xf32, #tpu.memory_space<vmem>>, vector<128x128xf32>
    %get3A_242 = arith.constant 0 : index
    %get3A_243 = arith.constant 768 : index
    %get3A_244 = arith.constant 0 : index
    %get3A_245 = vector.load %arg2[%get3A_242, %get3A_243, %get3A_244] : memref<2x1024x128xf32, #tpu.memory_space<vmem>>, vector<1x128x128xf32>
    %get3A_246 = vector.shape_cast %get3A_245 : vector<1x128x128xf32> to vector<128x128xf32>
    %add3A_247 = arith.addf %get3A_241, %get3A_246 : vector<128x128xf32>
    %get3A_248 = arith.constant 1 : index
    %get3A_249 = arith.constant 768 : index
    %get3A_250 = arith.constant 0 : index
    %get3A_251 = vector.load %arg2[%get3A_248, %get3A_249, %get3A_250] : memref<2x1024x128xf32, #tpu.memory_space<vmem>>, vector<1x128x128xf32>
    %get3A_252 = vector.shape_cast %get3A_251 : vector<1x128x128xf32> to vector<128x128xf32>
    %add3A_253 = arith.addf %add3A_247, %get3A_252 : vector<128x128xf32>
    %mul3A_254 = vector.broadcast %div3A_238 : f32 to vector<128x128xf32>
    %mul3A_255 = arith.mulf %mul3A_254, %add3A_253 : vector<128x128xf32>
    %add3A_256 = arith.addf %add3A_236, %mul3A_255 : vector<128x128xf32>
    %mul3A_257 = arith.mulf %max3A_109, %add3A_117 : f32
    %div3A_258 = arith.divf %select_n3A_94, %mul3A_257 : f32
    %get3A_259 = arith.constant 896 : index
    %get3A_260 = arith.constant 0 : index
    %get3A_261 = vector.load %arg1[%get3A_259, %get3A_260] : memref<1024x128xf32, #tpu.memory_space<vmem>>, vector<128x128xf32>
    %get3A_262 = arith.constant 0 : index
    %get3A_263 = arith.constant 896 : index
    %get3A_264 = arith.constant 0 : index
    %get3A_265 = vector.load %arg2[%get3A_262, %get3A_263, %get3A_264] : memref<2x1024x128xf32, #tpu.memory_space<vmem>>, vector<1x128x128xf32>
    %get3A_266 = vector.shape_cast %get3A_265 : vector<1x128x128xf32> to vector<128x128xf32>
    %add3A_267 = arith.addf %get3A_261, %get3A_266 : vector<128x128xf32>
    %get3A_268 = arith.constant 1 : index
    %get3A_269 = arith.constant 896 : index
    %get3A_270 = arith.constant 0 : index
    %get3A_271 = vector.load %arg2[%get3A_268, %get3A_269, %get3A_270] : memref<2x1024x128xf32, #tpu.memory_space<vmem>>, vector<1x128x128xf32>
    %get3A_272 = vector.shape_cast %get3A_271 : vector<1x128x128xf32> to vector<128x128xf32>
    %add3A_273 = arith.addf %add3A_267, %get3A_272 : vector<128x128xf32>
    %mul3A_274 = vector.broadcast %div3A_258 : f32 to vector<128x128xf32>
    %mul3A_275 = arith.mulf %mul3A_274, %add3A_273 : vector<128x128xf32>
    %add3A_276 = arith.addf %add3A_256, %mul3A_275 : vector<128x128xf32>
    %broadcast_in_dim3A_277 = arith.constant 0.000000e+00 : f32
    %broadcast_in_dim3A_278 = vector.broadcast %broadcast_in_dim3A_277 : f32 to vector<128x128xf32>
    %get3A_279 = arith.constant 0 : index
    %get3A_280 = arith.constant 0 : index
    %get3A_281 = vector.load %arg1[%get3A_279, %get3A_280] : memref<1024x128xf32, #tpu.memory_space<vmem>>, vector<128x128xf32>
    %get3A_282 = arith.constant 0 : index
    %get3A_283 = arith.constant 0 : index
    %get3A_284 = arith.constant 0 : index
    %get3A_285 = vector.load %arg2[%get3A_282, %get3A_283, %get3A_284] : memref<2x1024x128xf32, #tpu.memory_space<vmem>>, vector<1x128x128xf32>
    %get3A_286 = vector.shape_cast %get3A_285 : vector<1x128x128xf32> to vector<128x128xf32>
    %add3A_287 = arith.addf %get3A_281, %get3A_286 : vector<128x128xf32>
    %get3A_288 = arith.constant 1 : index
    %get3A_289 = arith.constant 0 : index
    %get3A_290 = arith.constant 0 : index
    %get3A_291 = vector.load %arg2[%get3A_288, %get3A_289, %get3A_290] : memref<2x1024x128xf32, #tpu.memory_space<vmem>>, vector<1x128x128xf32>
    %get3A_292 = vector.shape_cast %get3A_291 : vector<1x128x128xf32> to vector<128x128xf32>
    %add3A_293 = arith.addf %add3A_287, %get3A_292 : vector<128x128xf32>
    %div3A_294 = vector.broadcast %max3A_95 : f32 to vector<128x128xf32>
    %div3A_295 = arith.divf %add3A_293, %div3A_294 : vector<128x128xf32>
    %sub3A = arith.subf %div3A_295, %add3A_276 : vector<128x128xf32>
    %mul3A_296 = vector.broadcast %select_n3A : f32 to vector<128x128xf32>
    %mul3A_297 = arith.mulf %mul3A_296, %sub3A : vector<128x128xf32>
    %mul3A_298 = arith.mulf %mul3A_297, %sub3A : vector<128x128xf32>
    %add3A_299 = arith.addf %broadcast_in_dim3A_278, %mul3A_298 : vector<128x128xf32>
    %get3A_300 = arith.constant 128 : index
    %get3A_301 = arith.constant 0 : index
    %get3A_302 = vector.load %arg1[%get3A_300, %get3A_301] : memref<1024x128xf32, #tpu.memory_space<vmem>>, vector<128x128xf32>
    %get3A_303 = arith.constant 0 : index
    %get3A_304 = arith.constant 128 : index
    %get3A_305 = arith.constant 0 : index
    %get3A_306 = vector.load %arg2[%get3A_303, %get3A_304, %get3A_305] : memref<2x1024x128xf32, #tpu.memory_space<vmem>>, vector<1x128x128xf32>
    %get3A_307 = vector.shape_cast %get3A_306 : vector<1x128x128xf32> to vector<128x128xf32>
    %add3A_308 = arith.addf %get3A_302, %get3A_307 : vector<128x128xf32>
    %get3A_309 = arith.constant 1 : index
    %get3A_310 = arith.constant 128 : index
    %get3A_311 = arith.constant 0 : index
    %get3A_312 = vector.load %arg2[%get3A_309, %get3A_310, %get3A_311] : memref<2x1024x128xf32, #tpu.memory_space<vmem>>, vector<1x128x128xf32>
    %get3A_313 = vector.shape_cast %get3A_312 : vector<1x128x128xf32> to vector<128x128xf32>
    %add3A_314 = arith.addf %add3A_308, %get3A_313 : vector<128x128xf32>
    %div3A_315 = vector.broadcast %max3A_97 : f32 to vector<128x128xf32>
    %div3A_316 = arith.divf %add3A_314, %div3A_315 : vector<128x128xf32>
    %sub3A_317 = arith.subf %div3A_316, %add3A_276 : vector<128x128xf32>
    %mul3A_318 = vector.broadcast %select_n3A_64 : f32 to vector<128x128xf32>
    %mul3A_319 = arith.mulf %mul3A_318, %sub3A_317 : vector<128x128xf32>
    %mul3A_320 = arith.mulf %mul3A_319, %sub3A_317 : vector<128x128xf32>
    %add3A_321 = arith.addf %add3A_299, %mul3A_320 : vector<128x128xf32>
    %get3A_322 = arith.constant 256 : index
    %get3A_323 = arith.constant 0 : index
    %get3A_324 = vector.load %arg1[%get3A_322, %get3A_323] : memref<1024x128xf32, #tpu.memory_space<vmem>>, vector<128x128xf32>
    %get3A_325 = arith.constant 0 : index
    %get3A_326 = arith.constant 256 : index
    %get3A_327 = arith.constant 0 : index
    %get3A_328 = vector.load %arg2[%get3A_325, %get3A_326, %get3A_327] : memref<2x1024x128xf32, #tpu.memory_space<vmem>>, vector<1x128x128xf32>
    %get3A_329 = vector.shape_cast %get3A_328 : vector<1x128x128xf32> to vector<128x128xf32>
    %add3A_330 = arith.addf %get3A_324, %get3A_329 : vector<128x128xf32>
    %get3A_331 = arith.constant 1 : index
    %get3A_332 = arith.constant 256 : index
    %get3A_333 = arith.constant 0 : index
    %get3A_334 = vector.load %arg2[%get3A_331, %get3A_332, %get3A_333] : memref<2x1024x128xf32, #tpu.memory_space<vmem>>, vector<1x128x128xf32>
    %get3A_335 = vector.shape_cast %get3A_334 : vector<1x128x128xf32> to vector<128x128xf32>
    %add3A_336 = arith.addf %add3A_330, %get3A_335 : vector<128x128xf32>
    %div3A_337 = vector.broadcast %max3A_99 : f32 to vector<128x128xf32>
    %div3A_338 = arith.divf %add3A_336, %div3A_337 : vector<128x128xf32>
    %sub3A_339 = arith.subf %div3A_338, %add3A_276 : vector<128x128xf32>
    %mul3A_340 = vector.broadcast %select_n3A_69 : f32 to vector<128x128xf32>
    %mul3A_341 = arith.mulf %mul3A_340, %sub3A_339 : vector<128x128xf32>
    %mul3A_342 = arith.mulf %mul3A_341, %sub3A_339 : vector<128x128xf32>
    %add3A_343 = arith.addf %add3A_321, %mul3A_342 : vector<128x128xf32>
    %get3A_344 = arith.constant 384 : index
    %get3A_345 = arith.constant 0 : index
    %get3A_346 = vector.load %arg1[%get3A_344, %get3A_345] : memref<1024x128xf32, #tpu.memory_space<vmem>>, vector<128x128xf32>
    %get3A_347 = arith.constant 0 : index
    %get3A_348 = arith.constant 384 : index
    %get3A_349 = arith.constant 0 : index
    %get3A_350 = vector.load %arg2[%get3A_347, %get3A_348, %get3A_349] : memref<2x1024x128xf32, #tpu.memory_space<vmem>>, vector<1x128x128xf32>
    %get3A_351 = vector.shape_cast %get3A_350 : vector<1x128x128xf32> to vector<128x128xf32>
    %add3A_352 = arith.addf %get3A_346, %get3A_351 : vector<128x128xf32>
    %get3A_353 = arith.constant 1 : index
    %get3A_354 = arith.constant 384 : index
    %get3A_355 = arith.constant 0 : index
    %get3A_356 = vector.load %arg2[%get3A_353, %get3A_354, %get3A_355] : memref<2x1024x128xf32, #tpu.memory_space<vmem>>, vector<1x128x128xf32>
    %get3A_357 = vector.shape_cast %get3A_356 : vector<1x128x128xf32> to vector<128x128xf32>
    %add3A_358 = arith.addf %add3A_352, %get3A_357 : vector<128x128xf32>
    %div3A_359 = vector.broadcast %max3A_101 : f32 to vector<128x128xf32>
    %div3A_360 = arith.divf %add3A_358, %div3A_359 : vector<128x128xf32>
    %sub3A_361 = arith.subf %div3A_360, %add3A_276 : vector<128x128xf32>
    %mul3A_362 = vector.broadcast %select_n3A_74 : f32 to vector<128x128xf32>
    %mul3A_363 = arith.mulf %mul3A_362, %sub3A_361 : vector<128x128xf32>
    %mul3A_364 = arith.mulf %mul3A_363, %sub3A_361 : vector<128x128xf32>
    %add3A_365 = arith.addf %add3A_343, %mul3A_364 : vector<128x128xf32>
    %get3A_366 = arith.constant 512 : index
    %get3A_367 = arith.constant 0 : index
    %get3A_368 = vector.load %arg1[%get3A_366, %get3A_367] : memref<1024x128xf32, #tpu.memory_space<vmem>>, vector<128x128xf32>
    %get3A_369 = arith.constant 0 : index
    %get3A_370 = arith.constant 512 : index
    %get3A_371 = arith.constant 0 : index
    %get3A_372 = vector.load %arg2[%get3A_369, %get3A_370, %get3A_371] : memref<2x1024x128xf32, #tpu.memory_space<vmem>>, vector<1x128x128xf32>
    %get3A_373 = vector.shape_cast %get3A_372 : vector<1x128x128xf32> to vector<128x128xf32>
    %add3A_374 = arith.addf %get3A_368, %get3A_373 : vector<128x128xf32>
    %get3A_375 = arith.constant 1 : index
    %get3A_376 = arith.constant 512 : index
    %get3A_377 = arith.constant 0 : index
    %get3A_378 = vector.load %arg2[%get3A_375, %get3A_376, %get3A_377] : memref<2x1024x128xf32, #tpu.memory_space<vmem>>, vector<1x128x128xf32>
    %get3A_379 = vector.shape_cast %get3A_378 : vector<1x128x128xf32> to vector<128x128xf32>
    %add3A_380 = arith.addf %add3A_374, %get3A_379 : vector<128x128xf32>
    %div3A_381 = vector.broadcast %max3A_103 : f32 to vector<128x128xf32>
    %div3A_382 = arith.divf %add3A_380, %div3A_381 : vector<128x128xf32>
    %sub3A_383 = arith.subf %div3A_382, %add3A_276 : vector<128x128xf32>
    %mul3A_384 = vector.broadcast %select_n3A_79 : f32 to vector<128x128xf32>
    %mul3A_385 = arith.mulf %mul3A_384, %sub3A_383 : vector<128x128xf32>
    %mul3A_386 = arith.mulf %mul3A_385, %sub3A_383 : vector<128x128xf32>
    %add3A_387 = arith.addf %add3A_365, %mul3A_386 : vector<128x128xf32>
    %get3A_388 = arith.constant 640 : index
    %get3A_389 = arith.constant 0 : index
    %get3A_390 = vector.load %arg1[%get3A_388, %get3A_389] : memref<1024x128xf32, #tpu.memory_space<vmem>>, vector<128x128xf32>
    %get3A_391 = arith.constant 0 : index
    %get3A_392 = arith.constant 640 : index
    %get3A_393 = arith.constant 0 : index
    %get3A_394 = vector.load %arg2[%get3A_391, %get3A_392, %get3A_393] : memref<2x1024x128xf32, #tpu.memory_space<vmem>>, vector<1x128x128xf32>
    %get3A_395 = vector.shape_cast %get3A_394 : vector<1x128x128xf32> to vector<128x128xf32>
    %add3A_396 = arith.addf %get3A_390, %get3A_395 : vector<128x128xf32>
    %get3A_397 = arith.constant 1 : index
    %get3A_398 = arith.constant 640 : index
    %get3A_399 = arith.constant 0 : index
    %get3A_400 = vector.load %arg2[%get3A_397, %get3A_398, %get3A_399] : memref<2x1024x128xf32, #tpu.memory_space<vmem>>, vector<1x128x128xf32>
    %get3A_401 = vector.shape_cast %get3A_400 : vector<1x128x128xf32> to vector<128x128xf32>
    %add3A_402 = arith.addf %add3A_396, %get3A_401 : vector<128x128xf32>
    %div3A_403 = vector.broadcast %max3A_105 : f32 to vector<128x128xf32>
    %div3A_404 = arith.divf %add3A_402, %div3A_403 : vector<128x128xf32>
    %sub3A_405 = arith.subf %div3A_404, %add3A_276 : vector<128x128xf32>
    %mul3A_406 = vector.broadcast %select_n3A_84 : f32 to vector<128x128xf32>
    %mul3A_407 = arith.mulf %mul3A_406, %sub3A_405 : vector<128x128xf32>
    %mul3A_408 = arith.mulf %mul3A_407, %sub3A_405 : vector<128x128xf32>
    %add3A_409 = arith.addf %add3A_387, %mul3A_408 : vector<128x128xf32>
    %get3A_410 = arith.constant 768 : index
    %get3A_411 = arith.constant 0 : index
    %get3A_412 = vector.load %arg1[%get3A_410, %get3A_411] : memref<1024x128xf32, #tpu.memory_space<vmem>>, vector<128x128xf32>
    %get3A_413 = arith.constant 0 : index
    %get3A_414 = arith.constant 768 : index
    %get3A_415 = arith.constant 0 : index
    %get3A_416 = vector.load %arg2[%get3A_413, %get3A_414, %get3A_415] : memref<2x1024x128xf32, #tpu.memory_space<vmem>>, vector<1x128x128xf32>
    %get3A_417 = vector.shape_cast %get3A_416 : vector<1x128x128xf32> to vector<128x128xf32>
    %add3A_418 = arith.addf %get3A_412, %get3A_417 : vector<128x128xf32>
    %get3A_419 = arith.constant 1 : index
    %get3A_420 = arith.constant 768 : index
    %get3A_421 = arith.constant 0 : index
    %get3A_422 = vector.load %arg2[%get3A_419, %get3A_420, %get3A_421] : memref<2x1024x128xf32, #tpu.memory_space<vmem>>, vector<1x128x128xf32>
    %get3A_423 = vector.shape_cast %get3A_422 : vector<1x128x128xf32> to vector<128x128xf32>
    %add3A_424 = arith.addf %add3A_418, %get3A_423 : vector<128x128xf32>
    %div3A_425 = vector.broadcast %max3A_107 : f32 to vector<128x128xf32>
    %div3A_426 = arith.divf %add3A_424, %div3A_425 : vector<128x128xf32>
    %sub3A_427 = arith.subf %div3A_426, %add3A_276 : vector<128x128xf32>
    %mul3A_428 = vector.broadcast %select_n3A_89 : f32 to vector<128x128xf32>
    %mul3A_429 = arith.mulf %mul3A_428, %sub3A_427 : vector<128x128xf32>
    %mul3A_430 = arith.mulf %mul3A_429, %sub3A_427 : vector<128x128xf32>
    %add3A_431 = arith.addf %add3A_409, %mul3A_430 : vector<128x128xf32>
    %get3A_432 = arith.constant 896 : index
    %get3A_433 = arith.constant 0 : index
    %get3A_434 = vector.load %arg1[%get3A_432, %get3A_433] : memref<1024x128xf32, #tpu.memory_space<vmem>>, vector<128x128xf32>
    %get3A_435 = arith.constant 0 : index
    %get3A_436 = arith.constant 896 : index
    %get3A_437 = arith.constant 0 : index
    %get3A_438 = vector.load %arg2[%get3A_435, %get3A_436, %get3A_437] : memref<2x1024x128xf32, #tpu.memory_space<vmem>>, vector<1x128x128xf32>
    %get3A_439 = vector.shape_cast %get3A_438 : vector<1x128x128xf32> to vector<128x128xf32>
    %add3A_440 = arith.addf %get3A_434, %get3A_439 : vector<128x128xf32>
    %get3A_441 = arith.constant 1 : index
    %get3A_442 = arith.constant 896 : index
    %get3A_443 = arith.constant 0 : index
    %get3A_444 = vector.load %arg2[%get3A_441, %get3A_442, %get3A_443] : memref<2x1024x128xf32, #tpu.memory_space<vmem>>, vector<1x128x128xf32>
    %get3A_445 = vector.shape_cast %get3A_444 : vector<1x128x128xf32> to vector<128x128xf32>
    %add3A_446 = arith.addf %add3A_440, %get3A_445 : vector<128x128xf32>
    %div3A_447 = vector.broadcast %max3A_109 : f32 to vector<128x128xf32>
    %div3A_448 = arith.divf %add3A_446, %div3A_447 : vector<128x128xf32>
    %sub3A_449 = arith.subf %div3A_448, %add3A_276 : vector<128x128xf32>
    %mul3A_450 = vector.broadcast %select_n3A_94 : f32 to vector<128x128xf32>
    %mul3A_451 = arith.mulf %mul3A_450, %sub3A_449 : vector<128x128xf32>
    %mul3A_452 = arith.mulf %mul3A_451, %sub3A_449 : vector<128x128xf32>
    %add3A_453 = arith.addf %add3A_431, %mul3A_452 : vector<128x128xf32>
    %reduce_sum3A = vector.shape_cast %add3A_453 : vector<128x128xf32> to vector<1x128x128xf32>
    %reduce_sum3A_454 = arith.constant dense<0.000000e+00> : vector<1xf32>
    %reduce_sum3A_455 = vector.multi_reduction <add>, %reduce_sum3A, %reduce_sum3A_454 [1, 2] : vector<1x128x128xf32> to vector<1xf32>
    %reduce_sum3A_456 = vector.shape_cast %reduce_sum3A_455 : vector<1xf32> to vector<1x1x1xf32>
    %reduce_sum3A_457 = vector.extract %reduce_sum3A_456[0, 0, 0] : f32 from vector<1x1x1xf32>
    %sub3A_458 = arith.constant 1.000000e+00 : f32
    %sub3A_459 = arith.subf %add3A_117, %sub3A_458 : f32
    %div3A_460 = arith.divf %reduce_sum3A_457, %sub3A_459 : f32
    %swap3A_461 = arith.constant 0 : index
    %swap3A_462 = arith.constant 0 : index
    %swap3A_463 = memref.load %arg3[%swap3A_461, %swap3A_462] : memref<1x1xf32, #tpu.memory_space<smem>>
    memref.store %div3A_460, %arg3[%swap3A_461, %swap3A_462] : memref<1x1xf32, #tpu.memory_space<smem>>
    return
  }
}

module attributes {stable_mosaic.version = 14 : i64} {
  func.func @_tc_partial(%arg0: i32, %arg1: memref<1x1024xi32, #tpu.memory_space<smem>>, %arg2: memref<16384x128xf32, #tpu.memory_space<vmem>>, %arg3: memref<1024x128xf32, #tpu.memory_space<vmem>>) attributes {dimension_semantics = [#tpu.dimension_semantics<arbitrary>], iteration_bounds = array<i64: 6>, scalar_prefetch = 0 : i64, scratch_operands = 0 : i64, tpu.core_type = #tpu.core_type<tc>, window_params = [{transform_indices = @transform_0, window_bounds = array<i64: 1, 1024>}, {transform_indices = @transform_1, window_bounds = array<i64: 16384, 128>}, {pipeline_mode = #tpu.pipeline_mode<synchronous>, transform_indices = @transform_2, window_bounds = array<i64: 1024, 128>}]} {
    %eq3A = arith.constant 0 : i32
    %eq3A_0 = arith.cmpi eq, %arg0, %eq3A : i32
    %convert_element_type3A = arith.extui %eq3A_0 : i1 to i32
    %cond3A = arith.constant 0 : i32
    %cond3A_1 = arith.cmpi ne, %convert_element_type3A, %cond3A : i32
    scf.if %cond3A_1 {
      %broadcast_in_dim3A = arith.constant 0.000000e+00 : f32
      %broadcast_in_dim3A_2686 = vector.broadcast %broadcast_in_dim3A : f32 to vector<1024x128xf32>
      %swap3A_2687 = arith.constant 0 : index
      %swap3A_2688 = arith.constant 0 : index
      %swap3A_2689 = vector.load %arg3[%swap3A_2687, %swap3A_2688] : memref<1024x128xf32, #tpu.memory_space<vmem>>, vector<1024x128xf32>
      tpu.vector_store %arg3[%swap3A_2687, %swap3A_2688], %broadcast_in_dim3A_2686 {strides = array<i32>} : memref<1024x128xf32, #tpu.memory_space<vmem>>, vector<1024x128xf32>,
    } else {
    }
    %scan3A = arith.constant 0 : i32
    %mul3A = arith.constant 128 : i32
    %mul3A_2 = arith.muli %arg0, %mul3A : i32
    %add3A = arith.addi %mul3A_2, %scan3A : i32
    %get3A = arith.constant 0 : index
    %get3A_3 = arith.index_cast %add3A : i32 to index
    %get3A_4 = memref.load %arg1[%get3A, %get3A_3] : memref<1x1024xi32, #tpu.memory_space<smem>>
    %mul3A_5 = arith.constant 128 : i32
    %mul3A_6 = arith.muli %get3A_4, %mul3A_5 : i32
    %get3A_7 = arith.index_cast %mul3A_6 : i32 to index
    %get3A_8 = arith.constant 0 : index
    %get3A_9 = vector.load %arg3[%get3A_7, %get3A_8] : memref<1024x128xf32, #tpu.memory_space<vmem>>, vector<128x128xf32>
    %mul3A_10 = arith.constant 128 : i32
    %mul3A_11 = arith.muli %scan3A, %mul3A_10 : i32
    %get3A_12 = arith.index_cast %mul3A_11 : i32 to index
    %get3A_13 = arith.constant 0 : index
    %get3A_14 = vector.load %arg2[%get3A_12, %get3A_13] : memref<16384x128xf32, #tpu.memory_space<vmem>>, vector<128x128xf32>
    %add3A_15 = arith.addf %get3A_9, %get3A_14 : vector<128x128xf32>
    %swap3A = arith.index_cast %mul3A_6 : i32 to index
    %swap3A_16 = arith.constant 0 : index
    %swap3A_17 = vector.load %arg3[%swap3A, %swap3A_16] : memref<1024x128xf32, #tpu.memory_space<vmem>>, vector<128x128xf32>
    tpu.vector_store %arg3[%swap3A, %swap3A_16], %add3A_15 {strides = array<i32>} : memref<1024x128xf32, #tpu.memory_space<vmem>>, vector<128x128xf32>,
    %scan3A_18 = arith.constant 1 : i32
    %mul3A_19 = arith.constant 128 : i32
    %mul3A_20 = arith.muli %arg0, %mul3A_19 : i32
    %add3A_21 = arith.addi %mul3A_20, %scan3A_18 : i32
    %get3A_22 = arith.constant 0 : index
    %get3A_23 = arith.index_cast %add3A_21 : i32 to index
    %get3A_24 = memref.load %arg1[%get3A_22, %get3A_23] : memref<1x1024xi32, #tpu.memory_space<smem>>
    %mul3A_25 = arith.constant 128 : i32
    %mul3A_26 = arith.muli %get3A_24, %mul3A_25 : i32
    %get3A_27 = arith.index_cast %mul3A_26 : i32 to index
    %get3A_28 = arith.constant 0 : index
    %get3A_29 = vector.load %arg3[%get3A_27, %get3A_28] : memref<1024x128xf32, #tpu.memory_space<vmem>>, vector<128x128xf32>
    %mul3A_30 = arith.constant 128 : i32
    %mul3A_31 = arith.muli %scan3A_18, %mul3A_30 : i32
    %get3A_32 = arith.index_cast %mul3A_31 : i32 to index
    %get3A_33 = arith.constant 0 : index
    %get3A_34 = vector.load %arg2[%get3A_32, %get3A_33] : memref<16384x128xf32, #tpu.memory_space<vmem>>, vector<128x128xf32>
    %add3A_35 = arith.addf %get3A_29, %get3A_34 : vector<128x128xf32>
    %swap3A_36 = arith.index_cast %mul3A_26 : i32 to index
    %swap3A_37 = arith.constant 0 : index
    %swap3A_38 = vector.load %arg3[%swap3A_36, %swap3A_37] : memref<1024x128xf32, #tpu.memory_space<vmem>>, vector<128x128xf32>
    tpu.vector_store %arg3[%swap3A_36, %swap3A_37], %add3A_35 {strides = array<i32>} : memref<1024x128xf32, #tpu.memory_space<vmem>>, vector<128x128xf32>,
    %scan3A_39 = arith.constant 2 : i32
    %mul3A_40 = arith.constant 128 : i32
    %mul3A_41 = arith.muli %arg0, %mul3A_40 : i32
    %add3A_42 = arith.addi %mul3A_41, %scan3A_39 : i32
    %get3A_43 = arith.constant 0 : index
    %get3A_44 = arith.index_cast %add3A_42 : i32 to index
    %get3A_45 = memref.load %arg1[%get3A_43, %get3A_44] : memref<1x1024xi32, #tpu.memory_space<smem>>
    %mul3A_46 = arith.constant 128 : i32
    %mul3A_47 = arith.muli %get3A_45, %mul3A_46 : i32
    %get3A_48 = arith.index_cast %mul3A_47 : i32 to index
    %get3A_49 = arith.constant 0 : index
    %get3A_50 = vector.load %arg3[%get3A_48, %get3A_49] : memref<1024x128xf32, #tpu.memory_space<vmem>>, vector<128x128xf32>
    %mul3A_51 = arith.constant 128 : i32
    %mul3A_52 = arith.muli %scan3A_39, %mul3A_51 : i32
    %get3A_53 = arith.index_cast %mul3A_52 : i32 to index
    %get3A_54 = arith.constant 0 : index
    %get3A_55 = vector.load %arg2[%get3A_53, %get3A_54] : memref<16384x128xf32, #tpu.memory_space<vmem>>, vector<128x128xf32>
    %add3A_56 = arith.addf %get3A_50, %get3A_55 : vector<128x128xf32>
    %swap3A_57 = arith.index_cast %mul3A_47 : i32 to index
    %swap3A_58 = arith.constant 0 : index
    %swap3A_59 = vector.load %arg3[%swap3A_57, %swap3A_58] : memref<1024x128xf32, #tpu.memory_space<vmem>>, vector<128x128xf32>
    tpu.vector_store %arg3[%swap3A_57, %swap3A_58], %add3A_56 {strides = array<i32>} : memref<1024x128xf32, #tpu.memory_space<vmem>>, vector<128x128xf32>,
    %scan3A_60 = arith.constant 3 : i32
    %mul3A_61 = arith.constant 128 : i32
    %mul3A_62 = arith.muli %arg0, %mul3A_61 : i32
    %add3A_63 = arith.addi %mul3A_62, %scan3A_60 : i32
    %get3A_64 = arith.constant 0 : index
    %get3A_65 = arith.index_cast %add3A_63 : i32 to index
    %get3A_66 = memref.load %arg1[%get3A_64, %get3A_65] : memref<1x1024xi32, #tpu.memory_space<smem>>
    %mul3A_67 = arith.constant 128 : i32
    %mul3A_68 = arith.muli %get3A_66, %mul3A_67 : i32
    %get3A_69 = arith.index_cast %mul3A_68 : i32 to index
    %get3A_70 = arith.constant 0 : index
    %get3A_71 = vector.load %arg3[%get3A_69, %get3A_70] : memref<1024x128xf32, #tpu.memory_space<vmem>>, vector<128x128xf32>
    %mul3A_72 = arith.constant 128 : i32
    %mul3A_73 = arith.muli %scan3A_60, %mul3A_72 : i32
    %get3A_74 = arith.index_cast %mul3A_73 : i32 to index
    %get3A_75 = arith.constant 0 : index
    %get3A_76 = vector.load %arg2[%get3A_74, %get3A_75] : memref<16384x128xf32, #tpu.memory_space<vmem>>, vector<128x128xf32>
    %add3A_77 = arith.addf %get3A_71, %get3A_76 : vector<128x128xf32>
    %swap3A_78 = arith.index_cast %mul3A_68 : i32 to index
    %swap3A_79 = arith.constant 0 : index
    %swap3A_80 = vector.load %arg3[%swap3A_78, %swap3A_79] : memref<1024x128xf32, #tpu.memory_space<vmem>>, vector<128x128xf32>
    tpu.vector_store %arg3[%swap3A_78, %swap3A_79], %add3A_77 {strides = array<i32>} : memref<1024x128xf32, #tpu.memory_space<vmem>>, vector<128x128xf32>,
    %scan3A_81 = arith.constant 4 : i32
    %mul3A_82 = arith.constant 128 : i32
    %mul3A_83 = arith.muli %arg0, %mul3A_82 : i32
    %add3A_84 = arith.addi %mul3A_83, %scan3A_81 : i32
    %get3A_85 = arith.constant 0 : index
    %get3A_86 = arith.index_cast %add3A_84 : i32 to index
    %get3A_87 = memref.load %arg1[%get3A_85, %get3A_86] : memref<1x1024xi32, #tpu.memory_space<smem>>
    %mul3A_88 = arith.constant 128 : i32
    %mul3A_89 = arith.muli %get3A_87, %mul3A_88 : i32
    %get3A_90 = arith.index_cast %mul3A_89 : i32 to index
    %get3A_91 = arith.constant 0 : index
    %get3A_92 = vector.load %arg3[%get3A_90, %get3A_91] : memref<1024x128xf32, #tpu.memory_space<vmem>>, vector<128x128xf32>
    %mul3A_93 = arith.constant 128 : i32
    %mul3A_94 = arith.muli %scan3A_81, %mul3A_93 : i32
    %get3A_95 = arith.index_cast %mul3A_94 : i32 to index
    %get3A_96 = arith.constant 0 : index
    %get3A_97 = vector.load %arg2[%get3A_95, %get3A_96] : memref<16384x128xf32, #tpu.memory_space<vmem>>, vector<128x128xf32>
    %add3A_98 = arith.addf %get3A_92, %get3A_97 : vector<128x128xf32>
    %swap3A_99 = arith.index_cast %mul3A_89 : i32 to index
    %swap3A_100 = arith.constant 0 : index
    %swap3A_101 = vector.load %arg3[%swap3A_99, %swap3A_100] : memref<1024x128xf32, #tpu.memory_space<vmem>>, vector<128x128xf32>
    tpu.vector_store %arg3[%swap3A_99, %swap3A_100], %add3A_98 {strides = array<i32>} : memref<1024x128xf32, #tpu.memory_space<vmem>>, vector<128x128xf32>,
    %scan3A_102 = arith.constant 5 : i32
    %mul3A_103 = arith.constant 128 : i32
    %mul3A_104 = arith.muli %arg0, %mul3A_103 : i32
    %add3A_105 = arith.addi %mul3A_104, %scan3A_102 : i32
    %get3A_106 = arith.constant 0 : index
    %get3A_107 = arith.index_cast %add3A_105 : i32 to index
    %get3A_108 = memref.load %arg1[%get3A_106, %get3A_107] : memref<1x1024xi32, #tpu.memory_space<smem>>
    %mul3A_109 = arith.constant 128 : i32
    %mul3A_110 = arith.muli %get3A_108, %mul3A_109 : i32
    %get3A_111 = arith.index_cast %mul3A_110 : i32 to index
    %get3A_112 = arith.constant 0 : index
    %get3A_113 = vector.load %arg3[%get3A_111, %get3A_112] : memref<1024x128xf32, #tpu.memory_space<vmem>>, vector<128x128xf32>
    %mul3A_114 = arith.constant 128 : i32
    %mul3A_115 = arith.muli %scan3A_102, %mul3A_114 : i32
    %get3A_116 = arith.index_cast %mul3A_115 : i32 to index
    %get3A_117 = arith.constant 0 : index
    %get3A_118 = vector.load %arg2[%get3A_116, %get3A_117] : memref<16384x128xf32, #tpu.memory_space<vmem>>, vector<128x128xf32>
    %add3A_119 = arith.addf %get3A_113, %get3A_118 : vector<128x128xf32>
    %swap3A_120 = arith.index_cast %mul3A_110 : i32 to index
    %swap3A_121 = arith.constant 0 : index
    %swap3A_122 = vector.load %arg3[%swap3A_120, %swap3A_121] : memref<1024x128xf32, #tpu.memory_space<vmem>>, vector<128x128xf32>
    tpu.vector_store %arg3[%swap3A_120, %swap3A_121], %add3A_119 {strides = array<i32>} : memref<1024x128xf32, #tpu.memory_space<vmem>>, vector<128x128xf32>,
    %scan3A_123 = arith.constant 6 : i32
    %mul3A_124 = arith.constant 128 : i32
    %mul3A_125 = arith.muli %arg0, %mul3A_124 : i32
    %add3A_126 = arith.addi %mul3A_125, %scan3A_123 : i32
    %get3A_127 = arith.constant 0 : index
    %get3A_128 = arith.index_cast %add3A_126 : i32 to index
    %get3A_129 = memref.load %arg1[%get3A_127, %get3A_128] : memref<1x1024xi32, #tpu.memory_space<smem>>
    %mul3A_130 = arith.constant 128 : i32
    %mul3A_131 = arith.muli %get3A_129, %mul3A_130 : i32
    %get3A_132 = arith.index_cast %mul3A_131 : i32 to index
    %get3A_133 = arith.constant 0 : index
    %get3A_134 = vector.load %arg3[%get3A_132, %get3A_133] : memref<1024x128xf32, #tpu.memory_space<vmem>>, vector<128x128xf32>
    %mul3A_135 = arith.constant 128 : i32
    %mul3A_136 = arith.muli %scan3A_123, %mul3A_135 : i32
    %get3A_137 = arith.index_cast %mul3A_136 : i32 to index
    %get3A_138 = arith.constant 0 : index
    %get3A_139 = vector.load %arg2[%get3A_137, %get3A_138] : memref<16384x128xf32, #tpu.memory_space<vmem>>, vector<128x128xf32>
    %add3A_140 = arith.addf %get3A_134, %get3A_139 : vector<128x128xf32>
    %swap3A_141 = arith.index_cast %mul3A_131 : i32 to index
    %swap3A_142 = arith.constant 0 : index
    %swap3A_143 = vector.load %arg3[%swap3A_141, %swap3A_142] : memref<1024x128xf32, #tpu.memory_space<vmem>>, vector<128x128xf32>
    tpu.vector_store %arg3[%swap3A_141, %swap3A_142], %add3A_140 {strides = array<i32>} : memref<1024x128xf32, #tpu.memory_space<vmem>>, vector<128x128xf32>,
    %scan3A_144 = arith.constant 7 : i32
    %mul3A_145 = arith.constant 128 : i32
    %mul3A_146 = arith.muli %arg0, %mul3A_145 : i32
    %add3A_147 = arith.addi %mul3A_146, %scan3A_144 : i32
    %get3A_148 = arith.constant 0 : index
    %get3A_149 = arith.index_cast %add3A_147 : i32 to index
    %get3A_150 = memref.load %arg1[%get3A_148, %get3A_149] : memref<1x1024xi32, #tpu.memory_space<smem>>
    %mul3A_151 = arith.constant 128 : i32
    %mul3A_152 = arith.muli %get3A_150, %mul3A_151 : i32
    %get3A_153 = arith.index_cast %mul3A_152 : i32 to index
    %get3A_154 = arith.constant 0 : index
    %get3A_155 = vector.load %arg3[%get3A_153, %get3A_154] : memref<1024x128xf32, #tpu.memory_space<vmem>>, vector<128x128xf32>
    %mul3A_156 = arith.constant 128 : i32
    %mul3A_157 = arith.muli %scan3A_144, %mul3A_156 : i32
    %get3A_158 = arith.index_cast %mul3A_157 : i32 to index
    %get3A_159 = arith.constant 0 : index
    %get3A_160 = vector.load %arg2[%get3A_158, %get3A_159] : memref<16384x128xf32, #tpu.memory_space<vmem>>, vector<128x128xf32>
    %add3A_161 = arith.addf %get3A_155, %get3A_160 : vector<128x128xf32>
    %swap3A_162 = arith.index_cast %mul3A_152 : i32 to index
    %swap3A_163 = arith.constant 0 : index
    %swap3A_164 = vector.load %arg3[%swap3A_162, %swap3A_163] : memref<1024x128xf32, #tpu.memory_space<vmem>>, vector<128x128xf32>
    tpu.vector_store %arg3[%swap3A_162, %swap3A_163], %add3A_161 {strides = array<i32>} : memref<1024x128xf32, #tpu.memory_space<vmem>>, vector<128x128xf32>,
    %scan3A_165 = arith.constant 8 : i32
    %mul3A_166 = arith.constant 128 : i32
    %mul3A_167 = arith.muli %arg0, %mul3A_166 : i32
    %add3A_168 = arith.addi %mul3A_167, %scan3A_165 : i32
    %get3A_169 = arith.constant 0 : index
    %get3A_170 = arith.index_cast %add3A_168 : i32 to index
    %get3A_171 = memref.load %arg1[%get3A_169, %get3A_170] : memref<1x1024xi32, #tpu.memory_space<smem>>
    %mul3A_172 = arith.constant 128 : i32
    %mul3A_173 = arith.muli %get3A_171, %mul3A_172 : i32
    %get3A_174 = arith.index_cast %mul3A_173 : i32 to index
    %get3A_175 = arith.constant 0 : index
    %get3A_176 = vector.load %arg3[%get3A_174, %get3A_175] : memref<1024x128xf32, #tpu.memory_space<vmem>>, vector<128x128xf32>
    %mul3A_177 = arith.constant 128 : i32
    %mul3A_178 = arith.muli %scan3A_165, %mul3A_177 : i32
    %get3A_179 = arith.index_cast %mul3A_178 : i32 to index
    %get3A_180 = arith.constant 0 : index
    %get3A_181 = vector.load %arg2[%get3A_179, %get3A_180] : memref<16384x128xf32, #tpu.memory_space<vmem>>, vector<128x128xf32>
    %add3A_182 = arith.addf %get3A_176, %get3A_181 : vector<128x128xf32>
    %swap3A_183 = arith.index_cast %mul3A_173 : i32 to index
    %swap3A_184 = arith.constant 0 : index
    %swap3A_185 = vector.load %arg3[%swap3A_183, %swap3A_184] : memref<1024x128xf32, #tpu.memory_space<vmem>>, vector<128x128xf32>
    tpu.vector_store %arg3[%swap3A_183, %swap3A_184], %add3A_182 {strides = array<i32>} : memref<1024x128xf32, #tpu.memory_space<vmem>>, vector<128x128xf32>,
    %scan3A_186 = arith.constant 9 : i32
    %mul3A_187 = arith.constant 128 : i32
    %mul3A_188 = arith.muli %arg0, %mul3A_187 : i32
    %add3A_189 = arith.addi %mul3A_188, %scan3A_186 : i32
    %get3A_190 = arith.constant 0 : index
    %get3A_191 = arith.index_cast %add3A_189 : i32 to index
    %get3A_192 = memref.load %arg1[%get3A_190, %get3A_191] : memref<1x1024xi32, #tpu.memory_space<smem>>
    %mul3A_193 = arith.constant 128 : i32
    %mul3A_194 = arith.muli %get3A_192, %mul3A_193 : i32
    %get3A_195 = arith.index_cast %mul3A_194 : i32 to index
    %get3A_196 = arith.constant 0 : index
    %get3A_197 = vector.load %arg3[%get3A_195, %get3A_196] : memref<1024x128xf32, #tpu.memory_space<vmem>>, vector<128x128xf32>
    %mul3A_198 = arith.constant 128 : i32
    %mul3A_199 = arith.muli %scan3A_186, %mul3A_198 : i32
    %get3A_200 = arith.index_cast %mul3A_199 : i32 to index
    %get3A_201 = arith.constant 0 : index
    %get3A_202 = vector.load %arg2[%get3A_200, %get3A_201] : memref<16384x128xf32, #tpu.memory_space<vmem>>, vector<128x128xf32>
    %add3A_203 = arith.addf %get3A_197, %get3A_202 : vector<128x128xf32>
    %swap3A_204 = arith.index_cast %mul3A_194 : i32 to index
    %swap3A_205 = arith.constant 0 : index
    %swap3A_206 = vector.load %arg3[%swap3A_204, %swap3A_205] : memref<1024x128xf32, #tpu.memory_space<vmem>>, vector<128x128xf32>
    tpu.vector_store %arg3[%swap3A_204, %swap3A_205], %add3A_203 {strides = array<i32>} : memref<1024x128xf32, #tpu.memory_space<vmem>>, vector<128x128xf32>,
    %scan3A_207 = arith.constant 10 : i32
    %mul3A_208 = arith.constant 128 : i32
    %mul3A_209 = arith.muli %arg0, %mul3A_208 : i32
    %add3A_210 = arith.addi %mul3A_209, %scan3A_207 : i32
    %get3A_211 = arith.constant 0 : index
    %get3A_212 = arith.index_cast %add3A_210 : i32 to index
    %get3A_213 = memref.load %arg1[%get3A_211, %get3A_212] : memref<1x1024xi32, #tpu.memory_space<smem>>
    %mul3A_214 = arith.constant 128 : i32
    %mul3A_215 = arith.muli %get3A_213, %mul3A_214 : i32
    %get3A_216 = arith.index_cast %mul3A_215 : i32 to index
    %get3A_217 = arith.constant 0 : index
    %get3A_218 = vector.load %arg3[%get3A_216, %get3A_217] : memref<1024x128xf32, #tpu.memory_space<vmem>>, vector<128x128xf32>
    %mul3A_219 = arith.constant 128 : i32
    %mul3A_220 = arith.muli %scan3A_207, %mul3A_219 : i32
    %get3A_221 = arith.index_cast %mul3A_220 : i32 to index
    %get3A_222 = arith.constant 0 : index
    %get3A_223 = vector.load %arg2[%get3A_221, %get3A_222] : memref<16384x128xf32, #tpu.memory_space<vmem>>, vector<128x128xf32>
    %add3A_224 = arith.addf %get3A_218, %get3A_223 : vector<128x128xf32>
    %swap3A_225 = arith.index_cast %mul3A_215 : i32 to index
    %swap3A_226 = arith.constant 0 : index
    %swap3A_227 = vector.load %arg3[%swap3A_225, %swap3A_226] : memref<1024x128xf32, #tpu.memory_space<vmem>>, vector<128x128xf32>
    tpu.vector_store %arg3[%swap3A_225, %swap3A_226], %add3A_224 {strides = array<i32>} : memref<1024x128xf32, #tpu.memory_space<vmem>>, vector<128x128xf32>,
    %scan3A_228 = arith.constant 11 : i32
    %mul3A_229 = arith.constant 128 : i32
    %mul3A_230 = arith.muli %arg0, %mul3A_229 : i32
    %add3A_231 = arith.addi %mul3A_230, %scan3A_228 : i32
    %get3A_232 = arith.constant 0 : index
    %get3A_233 = arith.index_cast %add3A_231 : i32 to index
    %get3A_234 = memref.load %arg1[%get3A_232, %get3A_233] : memref<1x1024xi32, #tpu.memory_space<smem>>
    %mul3A_235 = arith.constant 128 : i32
    %mul3A_236 = arith.muli %get3A_234, %mul3A_235 : i32
    %get3A_237 = arith.index_cast %mul3A_236 : i32 to index
    %get3A_238 = arith.constant 0 : index
    %get3A_239 = vector.load %arg3[%get3A_237, %get3A_238] : memref<1024x128xf32, #tpu.memory_space<vmem>>, vector<128x128xf32>
    %mul3A_240 = arith.constant 128 : i32
    %mul3A_241 = arith.muli %scan3A_228, %mul3A_240 : i32
    %get3A_242 = arith.index_cast %mul3A_241 : i32 to index
    %get3A_243 = arith.constant 0 : index
    %get3A_244 = vector.load %arg2[%get3A_242, %get3A_243] : memref<16384x128xf32, #tpu.memory_space<vmem>>, vector<128x128xf32>
    %add3A_245 = arith.addf %get3A_239, %get3A_244 : vector<128x128xf32>
    %swap3A_246 = arith.index_cast %mul3A_236 : i32 to index
    %swap3A_247 = arith.constant 0 : index
    %swap3A_248 = vector.load %arg3[%swap3A_246, %swap3A_247] : memref<1024x128xf32, #tpu.memory_space<vmem>>, vector<128x128xf32>
    tpu.vector_store %arg3[%swap3A_246, %swap3A_247], %add3A_245 {strides = array<i32>} : memref<1024x128xf32, #tpu.memory_space<vmem>>, vector<128x128xf32>,
    %scan3A_249 = arith.constant 12 : i32
    %mul3A_250 = arith.constant 128 : i32
    %mul3A_251 = arith.muli %arg0, %mul3A_250 : i32
    %add3A_252 = arith.addi %mul3A_251, %scan3A_249 : i32
    %get3A_253 = arith.constant 0 : index
    %get3A_254 = arith.index_cast %add3A_252 : i32 to index
    %get3A_255 = memref.load %arg1[%get3A_253, %get3A_254] : memref<1x1024xi32, #tpu.memory_space<smem>>
    %mul3A_256 = arith.constant 128 : i32
    %mul3A_257 = arith.muli %get3A_255, %mul3A_256 : i32
    %get3A_258 = arith.index_cast %mul3A_257 : i32 to index
    %get3A_259 = arith.constant 0 : index
    %get3A_260 = vector.load %arg3[%get3A_258, %get3A_259] : memref<1024x128xf32, #tpu.memory_space<vmem>>, vector<128x128xf32>
    %mul3A_261 = arith.constant 128 : i32
    %mul3A_262 = arith.muli %scan3A_249, %mul3A_261 : i32
    %get3A_263 = arith.index_cast %mul3A_262 : i32 to index
    %get3A_264 = arith.constant 0 : index
    %get3A_265 = vector.load %arg2[%get3A_263, %get3A_264] : memref<16384x128xf32, #tpu.memory_space<vmem>>, vector<128x128xf32>
    %add3A_266 = arith.addf %get3A_260, %get3A_265 : vector<128x128xf32>
    %swap3A_267 = arith.index_cast %mul3A_257 : i32 to index
    %swap3A_268 = arith.constant 0 : index
    %swap3A_269 = vector.load %arg3[%swap3A_267, %swap3A_268] : memref<1024x128xf32, #tpu.memory_space<vmem>>, vector<128x128xf32>
    tpu.vector_store %arg3[%swap3A_267, %swap3A_268], %add3A_266 {strides = array<i32>} : memref<1024x128xf32, #tpu.memory_space<vmem>>, vector<128x128xf32>,
    %scan3A_270 = arith.constant 13 : i32
    %mul3A_271 = arith.constant 128 : i32
    %mul3A_272 = arith.muli %arg0, %mul3A_271 : i32
    %add3A_273 = arith.addi %mul3A_272, %scan3A_270 : i32
    %get3A_274 = arith.constant 0 : index
    %get3A_275 = arith.index_cast %add3A_273 : i32 to index
    %get3A_276 = memref.load %arg1[%get3A_274, %get3A_275] : memref<1x1024xi32, #tpu.memory_space<smem>>
    %mul3A_277 = arith.constant 128 : i32
    %mul3A_278 = arith.muli %get3A_276, %mul3A_277 : i32
    %get3A_279 = arith.index_cast %mul3A_278 : i32 to index
    %get3A_280 = arith.constant 0 : index
    %get3A_281 = vector.load %arg3[%get3A_279, %get3A_280] : memref<1024x128xf32, #tpu.memory_space<vmem>>, vector<128x128xf32>
    %mul3A_282 = arith.constant 128 : i32
    %mul3A_283 = arith.muli %scan3A_270, %mul3A_282 : i32
    %get3A_284 = arith.index_cast %mul3A_283 : i32 to index
    %get3A_285 = arith.constant 0 : index
    %get3A_286 = vector.load %arg2[%get3A_284, %get3A_285] : memref<16384x128xf32, #tpu.memory_space<vmem>>, vector<128x128xf32>
    %add3A_287 = arith.addf %get3A_281, %get3A_286 : vector<128x128xf32>
    %swap3A_288 = arith.index_cast %mul3A_278 : i32 to index
    %swap3A_289 = arith.constant 0 : index
    %swap3A_290 = vector.load %arg3[%swap3A_288, %swap3A_289] : memref<1024x128xf32, #tpu.memory_space<vmem>>, vector<128x128xf32>
    tpu.vector_store %arg3[%swap3A_288, %swap3A_289], %add3A_287 {strides = array<i32>} : memref<1024x128xf32, #tpu.memory_space<vmem>>, vector<128x128xf32>,
    %scan3A_291 = arith.constant 14 : i32
    %mul3A_292 = arith.constant 128 : i32
    %mul3A_293 = arith.muli %arg0, %mul3A_292 : i32
    %add3A_294 = arith.addi %mul3A_293, %scan3A_291 : i32
    %get3A_295 = arith.constant 0 : index
    %get3A_296 = arith.index_cast %add3A_294 : i32 to index
    %get3A_297 = memref.load %arg1[%get3A_295, %get3A_296] : memref<1x1024xi32, #tpu.memory_space<smem>>
    %mul3A_298 = arith.constant 128 : i32
    %mul3A_299 = arith.muli %get3A_297, %mul3A_298 : i32
    %get3A_300 = arith.index_cast %mul3A_299 : i32 to index
    %get3A_301 = arith.constant 0 : index
    %get3A_302 = vector.load %arg3[%get3A_300, %get3A_301] : memref<1024x128xf32, #tpu.memory_space<vmem>>, vector<128x128xf32>
    %mul3A_303 = arith.constant 128 : i32
    %mul3A_304 = arith.muli %scan3A_291, %mul3A_303 : i32
    %get3A_305 = arith.index_cast %mul3A_304 : i32 to index
    %get3A_306 = arith.constant 0 : index
    %get3A_307 = vector.load %arg2[%get3A_305, %get3A_306] : memref<16384x128xf32, #tpu.memory_space<vmem>>, vector<128x128xf32>
    %add3A_308 = arith.addf %get3A_302, %get3A_307 : vector<128x128xf32>
    %swap3A_309 = arith.index_cast %mul3A_299 : i32 to index
    %swap3A_310 = arith.constant 0 : index
    %swap3A_311 = vector.load %arg3[%swap3A_309, %swap3A_310] : memref<1024x128xf32, #tpu.memory_space<vmem>>, vector<128x128xf32>
    tpu.vector_store %arg3[%swap3A_309, %swap3A_310], %add3A_308 {strides = array<i32>} : memref<1024x128xf32, #tpu.memory_space<vmem>>, vector<128x128xf32>,
    %scan3A_312 = arith.constant 15 : i32
    %mul3A_313 = arith.constant 128 : i32
    %mul3A_314 = arith.muli %arg0, %mul3A_313 : i32
    %add3A_315 = arith.addi %mul3A_314, %scan3A_312 : i32
    %get3A_316 = arith.constant 0 : index
    %get3A_317 = arith.index_cast %add3A_315 : i32 to index
    %get3A_318 = memref.load %arg1[%get3A_316, %get3A_317] : memref<1x1024xi32, #tpu.memory_space<smem>>
    %mul3A_319 = arith.constant 128 : i32
    %mul3A_320 = arith.muli %get3A_318, %mul3A_319 : i32
    %get3A_321 = arith.index_cast %mul3A_320 : i32 to index
    %get3A_322 = arith.constant 0 : index
    %get3A_323 = vector.load %arg3[%get3A_321, %get3A_322] : memref<1024x128xf32, #tpu.memory_space<vmem>>, vector<128x128xf32>
    %mul3A_324 = arith.constant 128 : i32
    %mul3A_325 = arith.muli %scan3A_312, %mul3A_324 : i32
    %get3A_326 = arith.index_cast %mul3A_325 : i32 to index
    %get3A_327 = arith.constant 0 : index
    %get3A_328 = vector.load %arg2[%get3A_326, %get3A_327] : memref<16384x128xf32, #tpu.memory_space<vmem>>, vector<128x128xf32>
    %add3A_329 = arith.addf %get3A_323, %get3A_328 : vector<128x128xf32>
    %swap3A_330 = arith.index_cast %mul3A_320 : i32 to index
    %swap3A_331 = arith.constant 0 : index
    %swap3A_332 = vector.load %arg3[%swap3A_330, %swap3A_331] : memref<1024x128xf32, #tpu.memory_space<vmem>>, vector<128x128xf32>
    tpu.vector_store %arg3[%swap3A_330, %swap3A_331], %add3A_329 {strides = array<i32>} : memref<1024x128xf32, #tpu.memory_space<vmem>>, vector<128x128xf32>,
    %scan3A_333 = arith.constant 16 : i32
    %mul3A_334 = arith.constant 128 : i32
    %mul3A_335 = arith.muli %arg0, %mul3A_334 : i32
    %add3A_336 = arith.addi %mul3A_335, %scan3A_333 : i32
    %get3A_337 = arith.constant 0 : index
    %get3A_338 = arith.index_cast %add3A_336 : i32 to index
    %get3A_339 = memref.load %arg1[%get3A_337, %get3A_338] : memref<1x1024xi32, #tpu.memory_space<smem>>
    %mul3A_340 = arith.constant 128 : i32
    %mul3A_341 = arith.muli %get3A_339, %mul3A_340 : i32
    %get3A_342 = arith.index_cast %mul3A_341 : i32 to index
    %get3A_343 = arith.constant 0 : index
    %get3A_344 = vector.load %arg3[%get3A_342, %get3A_343] : memref<1024x128xf32, #tpu.memory_space<vmem>>, vector<128x128xf32>
    %mul3A_345 = arith.constant 128 : i32
    %mul3A_346 = arith.muli %scan3A_333, %mul3A_345 : i32
    %get3A_347 = arith.index_cast %mul3A_346 : i32 to index
    %get3A_348 = arith.constant 0 : index
    %get3A_349 = vector.load %arg2[%get3A_347, %get3A_348] : memref<16384x128xf32, #tpu.memory_space<vmem>>, vector<128x128xf32>
    %add3A_350 = arith.addf %get3A_344, %get3A_349 : vector<128x128xf32>
    %swap3A_351 = arith.index_cast %mul3A_341 : i32 to index
    %swap3A_352 = arith.constant 0 : index
    %swap3A_353 = vector.load %arg3[%swap3A_351, %swap3A_352] : memref<1024x128xf32, #tpu.memory_space<vmem>>, vector<128x128xf32>
    tpu.vector_store %arg3[%swap3A_351, %swap3A_352], %add3A_350 {strides = array<i32>} : memref<1024x128xf32, #tpu.memory_space<vmem>>, vector<128x128xf32>,
    %scan3A_354 = arith.constant 17 : i32
    %mul3A_355 = arith.constant 128 : i32
    %mul3A_356 = arith.muli %arg0, %mul3A_355 : i32
    %add3A_357 = arith.addi %mul3A_356, %scan3A_354 : i32
    %get3A_358 = arith.constant 0 : index
    %get3A_359 = arith.index_cast %add3A_357 : i32 to index
    %get3A_360 = memref.load %arg1[%get3A_358, %get3A_359] : memref<1x1024xi32, #tpu.memory_space<smem>>
    %mul3A_361 = arith.constant 128 : i32
    %mul3A_362 = arith.muli %get3A_360, %mul3A_361 : i32
    %get3A_363 = arith.index_cast %mul3A_362 : i32 to index
    %get3A_364 = arith.constant 0 : index
    %get3A_365 = vector.load %arg3[%get3A_363, %get3A_364] : memref<1024x128xf32, #tpu.memory_space<vmem>>, vector<128x128xf32>
    %mul3A_366 = arith.constant 128 : i32
    %mul3A_367 = arith.muli %scan3A_354, %mul3A_366 : i32
    %get3A_368 = arith.index_cast %mul3A_367 : i32 to index
    %get3A_369 = arith.constant 0 : index
    %get3A_370 = vector.load %arg2[%get3A_368, %get3A_369] : memref<16384x128xf32, #tpu.memory_space<vmem>>, vector<128x128xf32>
    %add3A_371 = arith.addf %get3A_365, %get3A_370 : vector<128x128xf32>
    %swap3A_372 = arith.index_cast %mul3A_362 : i32 to index
    %swap3A_373 = arith.constant 0 : index
    %swap3A_374 = vector.load %arg3[%swap3A_372, %swap3A_373] : memref<1024x128xf32, #tpu.memory_space<vmem>>, vector<128x128xf32>
    tpu.vector_store %arg3[%swap3A_372, %swap3A_373], %add3A_371 {strides = array<i32>} : memref<1024x128xf32, #tpu.memory_space<vmem>>, vector<128x128xf32>,
    %scan3A_375 = arith.constant 18 : i32
    %mul3A_376 = arith.constant 128 : i32
    %mul3A_377 = arith.muli %arg0, %mul3A_376 : i32
    %add3A_378 = arith.addi %mul3A_377, %scan3A_375 : i32
    %get3A_379 = arith.constant 0 : index
    %get3A_380 = arith.index_cast %add3A_378 : i32 to index
    %get3A_381 = memref.load %arg1[%get3A_379, %get3A_380] : memref<1x1024xi32, #tpu.memory_space<smem>>
    %mul3A_382 = arith.constant 128 : i32
    %mul3A_383 = arith.muli %get3A_381, %mul3A_382 : i32
    %get3A_384 = arith.index_cast %mul3A_383 : i32 to index
    %get3A_385 = arith.constant 0 : index
    %get3A_386 = vector.load %arg3[%get3A_384, %get3A_385] : memref<1024x128xf32, #tpu.memory_space<vmem>>, vector<128x128xf32>
    %mul3A_387 = arith.constant 128 : i32
    %mul3A_388 = arith.muli %scan3A_375, %mul3A_387 : i32
    %get3A_389 = arith.index_cast %mul3A_388 : i32 to index
    %get3A_390 = arith.constant 0 : index
    %get3A_391 = vector.load %arg2[%get3A_389, %get3A_390] : memref<16384x128xf32, #tpu.memory_space<vmem>>, vector<128x128xf32>
    %add3A_392 = arith.addf %get3A_386, %get3A_391 : vector<128x128xf32>
    %swap3A_393 = arith.index_cast %mul3A_383 : i32 to index
    %swap3A_394 = arith.constant 0 : index
    %swap3A_395 = vector.load %arg3[%swap3A_393, %swap3A_394] : memref<1024x128xf32, #tpu.memory_space<vmem>>, vector<128x128xf32>
    tpu.vector_store %arg3[%swap3A_393, %swap3A_394], %add3A_392 {strides = array<i32>} : memref<1024x128xf32, #tpu.memory_space<vmem>>, vector<128x128xf32>,
    %scan3A_396 = arith.constant 19 : i32
    %mul3A_397 = arith.constant 128 : i32
    %mul3A_398 = arith.muli %arg0, %mul3A_397 : i32
    %add3A_399 = arith.addi %mul3A_398, %scan3A_396 : i32
    %get3A_400 = arith.constant 0 : index
    %get3A_401 = arith.index_cast %add3A_399 : i32 to index
    %get3A_402 = memref.load %arg1[%get3A_400, %get3A_401] : memref<1x1024xi32, #tpu.memory_space<smem>>
    %mul3A_403 = arith.constant 128 : i32
    %mul3A_404 = arith.muli %get3A_402, %mul3A_403 : i32
    %get3A_405 = arith.index_cast %mul3A_404 : i32 to index
    %get3A_406 = arith.constant 0 : index
    %get3A_407 = vector.load %arg3[%get3A_405, %get3A_406] : memref<1024x128xf32, #tpu.memory_space<vmem>>, vector<128x128xf32>
    %mul3A_408 = arith.constant 128 : i32
    %mul3A_409 = arith.muli %scan3A_396, %mul3A_408 : i32
    %get3A_410 = arith.index_cast %mul3A_409 : i32 to index
    %get3A_411 = arith.constant 0 : index
    %get3A_412 = vector.load %arg2[%get3A_410, %get3A_411] : memref<16384x128xf32, #tpu.memory_space<vmem>>, vector<128x128xf32>
    %add3A_413 = arith.addf %get3A_407, %get3A_412 : vector<128x128xf32>
    %swap3A_414 = arith.index_cast %mul3A_404 : i32 to index
    %swap3A_415 = arith.constant 0 : index
    %swap3A_416 = vector.load %arg3[%swap3A_414, %swap3A_415] : memref<1024x128xf32, #tpu.memory_space<vmem>>, vector<128x128xf32>
    tpu.vector_store %arg3[%swap3A_414, %swap3A_415], %add3A_413 {strides = array<i32>} : memref<1024x128xf32, #tpu.memory_space<vmem>>, vector<128x128xf32>,
    %scan3A_417 = arith.constant 20 : i32
    %mul3A_418 = arith.constant 128 : i32
    %mul3A_419 = arith.muli %arg0, %mul3A_418 : i32
    %add3A_420 = arith.addi %mul3A_419, %scan3A_417 : i32
    %get3A_421 = arith.constant 0 : index
    %get3A_422 = arith.index_cast %add3A_420 : i32 to index
    %get3A_423 = memref.load %arg1[%get3A_421, %get3A_422] : memref<1x1024xi32, #tpu.memory_space<smem>>
    %mul3A_424 = arith.constant 128 : i32
    %mul3A_425 = arith.muli %get3A_423, %mul3A_424 : i32
    %get3A_426 = arith.index_cast %mul3A_425 : i32 to index
    %get3A_427 = arith.constant 0 : index
    %get3A_428 = vector.load %arg3[%get3A_426, %get3A_427] : memref<1024x128xf32, #tpu.memory_space<vmem>>, vector<128x128xf32>
    %mul3A_429 = arith.constant 128 : i32
    %mul3A_430 = arith.muli %scan3A_417, %mul3A_429 : i32
    %get3A_431 = arith.index_cast %mul3A_430 : i32 to index
    %get3A_432 = arith.constant 0 : index
    %get3A_433 = vector.load %arg2[%get3A_431, %get3A_432] : memref<16384x128xf32, #tpu.memory_space<vmem>>, vector<128x128xf32>
    %add3A_434 = arith.addf %get3A_428, %get3A_433 : vector<128x128xf32>
    %swap3A_435 = arith.index_cast %mul3A_425 : i32 to index
    %swap3A_436 = arith.constant 0 : index
    %swap3A_437 = vector.load %arg3[%swap3A_435, %swap3A_436] : memref<1024x128xf32, #tpu.memory_space<vmem>>, vector<128x128xf32>
    tpu.vector_store %arg3[%swap3A_435, %swap3A_436], %add3A_434 {strides = array<i32>} : memref<1024x128xf32, #tpu.memory_space<vmem>>, vector<128x128xf32>,
    %scan3A_438 = arith.constant 21 : i32
    %mul3A_439 = arith.constant 128 : i32
    %mul3A_440 = arith.muli %arg0, %mul3A_439 : i32
    %add3A_441 = arith.addi %mul3A_440, %scan3A_438 : i32
    %get3A_442 = arith.constant 0 : index
    %get3A_443 = arith.index_cast %add3A_441 : i32 to index
    %get3A_444 = memref.load %arg1[%get3A_442, %get3A_443] : memref<1x1024xi32, #tpu.memory_space<smem>>
    %mul3A_445 = arith.constant 128 : i32
    %mul3A_446 = arith.muli %get3A_444, %mul3A_445 : i32
    %get3A_447 = arith.index_cast %mul3A_446 : i32 to index
    %get3A_448 = arith.constant 0 : index
    %get3A_449 = vector.load %arg3[%get3A_447, %get3A_448] : memref<1024x128xf32, #tpu.memory_space<vmem>>, vector<128x128xf32>
    %mul3A_450 = arith.constant 128 : i32
    %mul3A_451 = arith.muli %scan3A_438, %mul3A_450 : i32
    %get3A_452 = arith.index_cast %mul3A_451 : i32 to index
    %get3A_453 = arith.constant 0 : index
    %get3A_454 = vector.load %arg2[%get3A_452, %get3A_453] : memref<16384x128xf32, #tpu.memory_space<vmem>>, vector<128x128xf32>
    %add3A_455 = arith.addf %get3A_449, %get3A_454 : vector<128x128xf32>
    %swap3A_456 = arith.index_cast %mul3A_446 : i32 to index
    %swap3A_457 = arith.constant 0 : index
    %swap3A_458 = vector.load %arg3[%swap3A_456, %swap3A_457] : memref<1024x128xf32, #tpu.memory_space<vmem>>, vector<128x128xf32>
    tpu.vector_store %arg3[%swap3A_456, %swap3A_457], %add3A_455 {strides = array<i32>} : memref<1024x128xf32, #tpu.memory_space<vmem>>, vector<128x128xf32>,
    %scan3A_459 = arith.constant 22 : i32
    %mul3A_460 = arith.constant 128 : i32
    %mul3A_461 = arith.muli %arg0, %mul3A_460 : i32
    %add3A_462 = arith.addi %mul3A_461, %scan3A_459 : i32
    %get3A_463 = arith.constant 0 : index
    %get3A_464 = arith.index_cast %add3A_462 : i32 to index
    %get3A_465 = memref.load %arg1[%get3A_463, %get3A_464] : memref<1x1024xi32, #tpu.memory_space<smem>>
    %mul3A_466 = arith.constant 128 : i32
    %mul3A_467 = arith.muli %get3A_465, %mul3A_466 : i32
    %get3A_468 = arith.index_cast %mul3A_467 : i32 to index
    %get3A_469 = arith.constant 0 : index
    %get3A_470 = vector.load %arg3[%get3A_468, %get3A_469] : memref<1024x128xf32, #tpu.memory_space<vmem>>, vector<128x128xf32>
    %mul3A_471 = arith.constant 128 : i32
    %mul3A_472 = arith.muli %scan3A_459, %mul3A_471 : i32
    %get3A_473 = arith.index_cast %mul3A_472 : i32 to index
    %get3A_474 = arith.constant 0 : index
    %get3A_475 = vector.load %arg2[%get3A_473, %get3A_474] : memref<16384x128xf32, #tpu.memory_space<vmem>>, vector<128x128xf32>
    %add3A_476 = arith.addf %get3A_470, %get3A_475 : vector<128x128xf32>
    %swap3A_477 = arith.index_cast %mul3A_467 : i32 to index
    %swap3A_478 = arith.constant 0 : index
    %swap3A_479 = vector.load %arg3[%swap3A_477, %swap3A_478] : memref<1024x128xf32, #tpu.memory_space<vmem>>, vector<128x128xf32>
    tpu.vector_store %arg3[%swap3A_477, %swap3A_478], %add3A_476 {strides = array<i32>} : memref<1024x128xf32, #tpu.memory_space<vmem>>, vector<128x128xf32>,
    %scan3A_480 = arith.constant 23 : i32
    %mul3A_481 = arith.constant 128 : i32
    %mul3A_482 = arith.muli %arg0, %mul3A_481 : i32
    %add3A_483 = arith.addi %mul3A_482, %scan3A_480 : i32
    %get3A_484 = arith.constant 0 : index
    %get3A_485 = arith.index_cast %add3A_483 : i32 to index
    %get3A_486 = memref.load %arg1[%get3A_484, %get3A_485] : memref<1x1024xi32, #tpu.memory_space<smem>>
    %mul3A_487 = arith.constant 128 : i32
    %mul3A_488 = arith.muli %get3A_486, %mul3A_487 : i32
    %get3A_489 = arith.index_cast %mul3A_488 : i32 to index
    %get3A_490 = arith.constant 0 : index
    %get3A_491 = vector.load %arg3[%get3A_489, %get3A_490] : memref<1024x128xf32, #tpu.memory_space<vmem>>, vector<128x128xf32>
    %mul3A_492 = arith.constant 128 : i32
    %mul3A_493 = arith.muli %scan3A_480, %mul3A_492 : i32
    %get3A_494 = arith.index_cast %mul3A_493 : i32 to index
    %get3A_495 = arith.constant 0 : index
    %get3A_496 = vector.load %arg2[%get3A_494, %get3A_495] : memref<16384x128xf32, #tpu.memory_space<vmem>>, vector<128x128xf32>
    %add3A_497 = arith.addf %get3A_491, %get3A_496 : vector<128x128xf32>
    %swap3A_498 = arith.index_cast %mul3A_488 : i32 to index
    %swap3A_499 = arith.constant 0 : index
    %swap3A_500 = vector.load %arg3[%swap3A_498, %swap3A_499] : memref<1024x128xf32, #tpu.memory_space<vmem>>, vector<128x128xf32>
    tpu.vector_store %arg3[%swap3A_498, %swap3A_499], %add3A_497 {strides = array<i32>} : memref<1024x128xf32, #tpu.memory_space<vmem>>, vector<128x128xf32>,
    %scan3A_501 = arith.constant 24 : i32
    %mul3A_502 = arith.constant 128 : i32
    %mul3A_503 = arith.muli %arg0, %mul3A_502 : i32
    %add3A_504 = arith.addi %mul3A_503, %scan3A_501 : i32
    %get3A_505 = arith.constant 0 : index
    %get3A_506 = arith.index_cast %add3A_504 : i32 to index
    %get3A_507 = memref.load %arg1[%get3A_505, %get3A_506] : memref<1x1024xi32, #tpu.memory_space<smem>>
    %mul3A_508 = arith.constant 128 : i32
    %mul3A_509 = arith.muli %get3A_507, %mul3A_508 : i32
    %get3A_510 = arith.index_cast %mul3A_509 : i32 to index
    %get3A_511 = arith.constant 0 : index
    %get3A_512 = vector.load %arg3[%get3A_510, %get3A_511] : memref<1024x128xf32, #tpu.memory_space<vmem>>, vector<128x128xf32>
    %mul3A_513 = arith.constant 128 : i32
    %mul3A_514 = arith.muli %scan3A_501, %mul3A_513 : i32
    %get3A_515 = arith.index_cast %mul3A_514 : i32 to index
    %get3A_516 = arith.constant 0 : index
    %get3A_517 = vector.load %arg2[%get3A_515, %get3A_516] : memref<16384x128xf32, #tpu.memory_space<vmem>>, vector<128x128xf32>
    %add3A_518 = arith.addf %get3A_512, %get3A_517 : vector<128x128xf32>
    %swap3A_519 = arith.index_cast %mul3A_509 : i32 to index
    %swap3A_520 = arith.constant 0 : index
    %swap3A_521 = vector.load %arg3[%swap3A_519, %swap3A_520] : memref<1024x128xf32, #tpu.memory_space<vmem>>, vector<128x128xf32>
    tpu.vector_store %arg3[%swap3A_519, %swap3A_520], %add3A_518 {strides = array<i32>} : memref<1024x128xf32, #tpu.memory_space<vmem>>, vector<128x128xf32>,
    %scan3A_522 = arith.constant 25 : i32
    %mul3A_523 = arith.constant 128 : i32
    %mul3A_524 = arith.muli %arg0, %mul3A_523 : i32
    %add3A_525 = arith.addi %mul3A_524, %scan3A_522 : i32
    %get3A_526 = arith.constant 0 : index
    %get3A_527 = arith.index_cast %add3A_525 : i32 to index
    %get3A_528 = memref.load %arg1[%get3A_526, %get3A_527] : memref<1x1024xi32, #tpu.memory_space<smem>>
    %mul3A_529 = arith.constant 128 : i32
    %mul3A_530 = arith.muli %get3A_528, %mul3A_529 : i32
    %get3A_531 = arith.index_cast %mul3A_530 : i32 to index
    %get3A_532 = arith.constant 0 : index
    %get3A_533 = vector.load %arg3[%get3A_531, %get3A_532] : memref<1024x128xf32, #tpu.memory_space<vmem>>, vector<128x128xf32>
    %mul3A_534 = arith.constant 128 : i32
    %mul3A_535 = arith.muli %scan3A_522, %mul3A_534 : i32
    %get3A_536 = arith.index_cast %mul3A_535 : i32 to index
    %get3A_537 = arith.constant 0 : index
    %get3A_538 = vector.load %arg2[%get3A_536, %get3A_537] : memref<16384x128xf32, #tpu.memory_space<vmem>>, vector<128x128xf32>
    %add3A_539 = arith.addf %get3A_533, %get3A_538 : vector<128x128xf32>
    %swap3A_540 = arith.index_cast %mul3A_530 : i32 to index
    %swap3A_541 = arith.constant 0 : index
    %swap3A_542 = vector.load %arg3[%swap3A_540, %swap3A_541] : memref<1024x128xf32, #tpu.memory_space<vmem>>, vector<128x128xf32>
    tpu.vector_store %arg3[%swap3A_540, %swap3A_541], %add3A_539 {strides = array<i32>} : memref<1024x128xf32, #tpu.memory_space<vmem>>, vector<128x128xf32>,
    %scan3A_543 = arith.constant 26 : i32
    %mul3A_544 = arith.constant 128 : i32
    %mul3A_545 = arith.muli %arg0, %mul3A_544 : i32
    %add3A_546 = arith.addi %mul3A_545, %scan3A_543 : i32
    %get3A_547 = arith.constant 0 : index
    %get3A_548 = arith.index_cast %add3A_546 : i32 to index
    %get3A_549 = memref.load %arg1[%get3A_547, %get3A_548] : memref<1x1024xi32, #tpu.memory_space<smem>>
    %mul3A_550 = arith.constant 128 : i32
    %mul3A_551 = arith.muli %get3A_549, %mul3A_550 : i32
    %get3A_552 = arith.index_cast %mul3A_551 : i32 to index
    %get3A_553 = arith.constant 0 : index
    %get3A_554 = vector.load %arg3[%get3A_552, %get3A_553] : memref<1024x128xf32, #tpu.memory_space<vmem>>, vector<128x128xf32>
    %mul3A_555 = arith.constant 128 : i32
    %mul3A_556 = arith.muli %scan3A_543, %mul3A_555 : i32
    %get3A_557 = arith.index_cast %mul3A_556 : i32 to index
    %get3A_558 = arith.constant 0 : index
    %get3A_559 = vector.load %arg2[%get3A_557, %get3A_558] : memref<16384x128xf32, #tpu.memory_space<vmem>>, vector<128x128xf32>
    %add3A_560 = arith.addf %get3A_554, %get3A_559 : vector<128x128xf32>
    %swap3A_561 = arith.index_cast %mul3A_551 : i32 to index
    %swap3A_562 = arith.constant 0 : index
    %swap3A_563 = vector.load %arg3[%swap3A_561, %swap3A_562] : memref<1024x128xf32, #tpu.memory_space<vmem>>, vector<128x128xf32>
    tpu.vector_store %arg3[%swap3A_561, %swap3A_562], %add3A_560 {strides = array<i32>} : memref<1024x128xf32, #tpu.memory_space<vmem>>, vector<128x128xf32>,
    %scan3A_564 = arith.constant 27 : i32
    %mul3A_565 = arith.constant 128 : i32
    %mul3A_566 = arith.muli %arg0, %mul3A_565 : i32
    %add3A_567 = arith.addi %mul3A_566, %scan3A_564 : i32
    %get3A_568 = arith.constant 0 : index
    %get3A_569 = arith.index_cast %add3A_567 : i32 to index
    %get3A_570 = memref.load %arg1[%get3A_568, %get3A_569] : memref<1x1024xi32, #tpu.memory_space<smem>>
    %mul3A_571 = arith.constant 128 : i32
    %mul3A_572 = arith.muli %get3A_570, %mul3A_571 : i32
    %get3A_573 = arith.index_cast %mul3A_572 : i32 to index
    %get3A_574 = arith.constant 0 : index
    %get3A_575 = vector.load %arg3[%get3A_573, %get3A_574] : memref<1024x128xf32, #tpu.memory_space<vmem>>, vector<128x128xf32>
    %mul3A_576 = arith.constant 128 : i32
    %mul3A_577 = arith.muli %scan3A_564, %mul3A_576 : i32
    %get3A_578 = arith.index_cast %mul3A_577 : i32 to index
    %get3A_579 = arith.constant 0 : index
    %get3A_580 = vector.load %arg2[%get3A_578, %get3A_579] : memref<16384x128xf32, #tpu.memory_space<vmem>>, vector<128x128xf32>
    %add3A_581 = arith.addf %get3A_575, %get3A_580 : vector<128x128xf32>
    %swap3A_582 = arith.index_cast %mul3A_572 : i32 to index
    %swap3A_583 = arith.constant 0 : index
    %swap3A_584 = vector.load %arg3[%swap3A_582, %swap3A_583] : memref<1024x128xf32, #tpu.memory_space<vmem>>, vector<128x128xf32>
    tpu.vector_store %arg3[%swap3A_582, %swap3A_583], %add3A_581 {strides = array<i32>} : memref<1024x128xf32, #tpu.memory_space<vmem>>, vector<128x128xf32>,
    %scan3A_585 = arith.constant 28 : i32
    %mul3A_586 = arith.constant 128 : i32
    %mul3A_587 = arith.muli %arg0, %mul3A_586 : i32
    %add3A_588 = arith.addi %mul3A_587, %scan3A_585 : i32
    %get3A_589 = arith.constant 0 : index
    %get3A_590 = arith.index_cast %add3A_588 : i32 to index
    %get3A_591 = memref.load %arg1[%get3A_589, %get3A_590] : memref<1x1024xi32, #tpu.memory_space<smem>>
    %mul3A_592 = arith.constant 128 : i32
    %mul3A_593 = arith.muli %get3A_591, %mul3A_592 : i32
    %get3A_594 = arith.index_cast %mul3A_593 : i32 to index
    %get3A_595 = arith.constant 0 : index
    %get3A_596 = vector.load %arg3[%get3A_594, %get3A_595] : memref<1024x128xf32, #tpu.memory_space<vmem>>, vector<128x128xf32>
    %mul3A_597 = arith.constant 128 : i32
    %mul3A_598 = arith.muli %scan3A_585, %mul3A_597 : i32
    %get3A_599 = arith.index_cast %mul3A_598 : i32 to index
    %get3A_600 = arith.constant 0 : index
    %get3A_601 = vector.load %arg2[%get3A_599, %get3A_600] : memref<16384x128xf32, #tpu.memory_space<vmem>>, vector<128x128xf32>
    %add3A_602 = arith.addf %get3A_596, %get3A_601 : vector<128x128xf32>
    %swap3A_603 = arith.index_cast %mul3A_593 : i32 to index
    %swap3A_604 = arith.constant 0 : index
    %swap3A_605 = vector.load %arg3[%swap3A_603, %swap3A_604] : memref<1024x128xf32, #tpu.memory_space<vmem>>, vector<128x128xf32>
    tpu.vector_store %arg3[%swap3A_603, %swap3A_604], %add3A_602 {strides = array<i32>} : memref<1024x128xf32, #tpu.memory_space<vmem>>, vector<128x128xf32>,
    %scan3A_606 = arith.constant 29 : i32
    %mul3A_607 = arith.constant 128 : i32
    %mul3A_608 = arith.muli %arg0, %mul3A_607 : i32
    %add3A_609 = arith.addi %mul3A_608, %scan3A_606 : i32
    %get3A_610 = arith.constant 0 : index
    %get3A_611 = arith.index_cast %add3A_609 : i32 to index
    %get3A_612 = memref.load %arg1[%get3A_610, %get3A_611] : memref<1x1024xi32, #tpu.memory_space<smem>>
    %mul3A_613 = arith.constant 128 : i32
    %mul3A_614 = arith.muli %get3A_612, %mul3A_613 : i32
    %get3A_615 = arith.index_cast %mul3A_614 : i32 to index
    %get3A_616 = arith.constant 0 : index
    %get3A_617 = vector.load %arg3[%get3A_615, %get3A_616] : memref<1024x128xf32, #tpu.memory_space<vmem>>, vector<128x128xf32>
    %mul3A_618 = arith.constant 128 : i32
    %mul3A_619 = arith.muli %scan3A_606, %mul3A_618 : i32
    %get3A_620 = arith.index_cast %mul3A_619 : i32 to index
    %get3A_621 = arith.constant 0 : index
    %get3A_622 = vector.load %arg2[%get3A_620, %get3A_621] : memref<16384x128xf32, #tpu.memory_space<vmem>>, vector<128x128xf32>
    %add3A_623 = arith.addf %get3A_617, %get3A_622 : vector<128x128xf32>
    %swap3A_624 = arith.index_cast %mul3A_614 : i32 to index
    %swap3A_625 = arith.constant 0 : index
    %swap3A_626 = vector.load %arg3[%swap3A_624, %swap3A_625] : memref<1024x128xf32, #tpu.memory_space<vmem>>, vector<128x128xf32>
    tpu.vector_store %arg3[%swap3A_624, %swap3A_625], %add3A_623 {strides = array<i32>} : memref<1024x128xf32, #tpu.memory_space<vmem>>, vector<128x128xf32>,
    %scan3A_627 = arith.constant 30 : i32
    %mul3A_628 = arith.constant 128 : i32
    %mul3A_629 = arith.muli %arg0, %mul3A_628 : i32
    %add3A_630 = arith.addi %mul3A_629, %scan3A_627 : i32
    %get3A_631 = arith.constant 0 : index
    %get3A_632 = arith.index_cast %add3A_630 : i32 to index
    %get3A_633 = memref.load %arg1[%get3A_631, %get3A_632] : memref<1x1024xi32, #tpu.memory_space<smem>>
    %mul3A_634 = arith.constant 128 : i32
    %mul3A_635 = arith.muli %get3A_633, %mul3A_634 : i32
    %get3A_636 = arith.index_cast %mul3A_635 : i32 to index
    %get3A_637 = arith.constant 0 : index
    %get3A_638 = vector.load %arg3[%get3A_636, %get3A_637] : memref<1024x128xf32, #tpu.memory_space<vmem>>, vector<128x128xf32>
    %mul3A_639 = arith.constant 128 : i32
    %mul3A_640 = arith.muli %scan3A_627, %mul3A_639 : i32
    %get3A_641 = arith.index_cast %mul3A_640 : i32 to index
    %get3A_642 = arith.constant 0 : index
    %get3A_643 = vector.load %arg2[%get3A_641, %get3A_642] : memref<16384x128xf32, #tpu.memory_space<vmem>>, vector<128x128xf32>
    %add3A_644 = arith.addf %get3A_638, %get3A_643 : vector<128x128xf32>
    %swap3A_645 = arith.index_cast %mul3A_635 : i32 to index
    %swap3A_646 = arith.constant 0 : index
    %swap3A_647 = vector.load %arg3[%swap3A_645, %swap3A_646] : memref<1024x128xf32, #tpu.memory_space<vmem>>, vector<128x128xf32>
    tpu.vector_store %arg3[%swap3A_645, %swap3A_646], %add3A_644 {strides = array<i32>} : memref<1024x128xf32, #tpu.memory_space<vmem>>, vector<128x128xf32>,
    %scan3A_648 = arith.constant 31 : i32
    %mul3A_649 = arith.constant 128 : i32
    %mul3A_650 = arith.muli %arg0, %mul3A_649 : i32
    %add3A_651 = arith.addi %mul3A_650, %scan3A_648 : i32
    %get3A_652 = arith.constant 0 : index
    %get3A_653 = arith.index_cast %add3A_651 : i32 to index
    %get3A_654 = memref.load %arg1[%get3A_652, %get3A_653] : memref<1x1024xi32, #tpu.memory_space<smem>>
    %mul3A_655 = arith.constant 128 : i32
    %mul3A_656 = arith.muli %get3A_654, %mul3A_655 : i32
    %get3A_657 = arith.index_cast %mul3A_656 : i32 to index
    %get3A_658 = arith.constant 0 : index
    %get3A_659 = vector.load %arg3[%get3A_657, %get3A_658] : memref<1024x128xf32, #tpu.memory_space<vmem>>, vector<128x128xf32>
    %mul3A_660 = arith.constant 128 : i32
    %mul3A_661 = arith.muli %scan3A_648, %mul3A_660 : i32
    %get3A_662 = arith.index_cast %mul3A_661 : i32 to index
    %get3A_663 = arith.constant 0 : index
    %get3A_664 = vector.load %arg2[%get3A_662, %get3A_663] : memref<16384x128xf32, #tpu.memory_space<vmem>>, vector<128x128xf32>
    %add3A_665 = arith.addf %get3A_659, %get3A_664 : vector<128x128xf32>
    %swap3A_666 = arith.index_cast %mul3A_656 : i32 to index
    %swap3A_667 = arith.constant 0 : index
    %swap3A_668 = vector.load %arg3[%swap3A_666, %swap3A_667] : memref<1024x128xf32, #tpu.memory_space<vmem>>, vector<128x128xf32>
    tpu.vector_store %arg3[%swap3A_666, %swap3A_667], %add3A_665 {strides = array<i32>} : memref<1024x128xf32, #tpu.memory_space<vmem>>, vector<128x128xf32>,
    %scan3A_669 = arith.constant 32 : i32
    %mul3A_670 = arith.constant 128 : i32
    %mul3A_671 = arith.muli %arg0, %mul3A_670 : i32
    %add3A_672 = arith.addi %mul3A_671, %scan3A_669 : i32
    %get3A_673 = arith.constant 0 : index
    %get3A_674 = arith.index_cast %add3A_672 : i32 to index
    %get3A_675 = memref.load %arg1[%get3A_673, %get3A_674] : memref<1x1024xi32, #tpu.memory_space<smem>>
    %mul3A_676 = arith.constant 128 : i32
    %mul3A_677 = arith.muli %get3A_675, %mul3A_676 : i32
    %get3A_678 = arith.index_cast %mul3A_677 : i32 to index
    %get3A_679 = arith.constant 0 : index
    %get3A_680 = vector.load %arg3[%get3A_678, %get3A_679] : memref<1024x128xf32, #tpu.memory_space<vmem>>, vector<128x128xf32>
    %mul3A_681 = arith.constant 128 : i32
    %mul3A_682 = arith.muli %scan3A_669, %mul3A_681 : i32
    %get3A_683 = arith.index_cast %mul3A_682 : i32 to index
    %get3A_684 = arith.constant 0 : index
    %get3A_685 = vector.load %arg2[%get3A_683, %get3A_684] : memref<16384x128xf32, #tpu.memory_space<vmem>>, vector<128x128xf32>
    %add3A_686 = arith.addf %get3A_680, %get3A_685 : vector<128x128xf32>
    %swap3A_687 = arith.index_cast %mul3A_677 : i32 to index
    %swap3A_688 = arith.constant 0 : index
    %swap3A_689 = vector.load %arg3[%swap3A_687, %swap3A_688] : memref<1024x128xf32, #tpu.memory_space<vmem>>, vector<128x128xf32>
    tpu.vector_store %arg3[%swap3A_687, %swap3A_688], %add3A_686 {strides = array<i32>} : memref<1024x128xf32, #tpu.memory_space<vmem>>, vector<128x128xf32>,
    %scan3A_690 = arith.constant 33 : i32
    %mul3A_691 = arith.constant 128 : i32
    %mul3A_692 = arith.muli %arg0, %mul3A_691 : i32
    %add3A_693 = arith.addi %mul3A_692, %scan3A_690 : i32
    %get3A_694 = arith.constant 0 : index
    %get3A_695 = arith.index_cast %add3A_693 : i32 to index
    %get3A_696 = memref.load %arg1[%get3A_694, %get3A_695] : memref<1x1024xi32, #tpu.memory_space<smem>>
    %mul3A_697 = arith.constant 128 : i32
    %mul3A_698 = arith.muli %get3A_696, %mul3A_697 : i32
    %get3A_699 = arith.index_cast %mul3A_698 : i32 to index
    %get3A_700 = arith.constant 0 : index
    %get3A_701 = vector.load %arg3[%get3A_699, %get3A_700] : memref<1024x128xf32, #tpu.memory_space<vmem>>, vector<128x128xf32>
    %mul3A_702 = arith.constant 128 : i32
    %mul3A_703 = arith.muli %scan3A_690, %mul3A_702 : i32
    %get3A_704 = arith.index_cast %mul3A_703 : i32 to index
    %get3A_705 = arith.constant 0 : index
    %get3A_706 = vector.load %arg2[%get3A_704, %get3A_705] : memref<16384x128xf32, #tpu.memory_space<vmem>>, vector<128x128xf32>
    %add3A_707 = arith.addf %get3A_701, %get3A_706 : vector<128x128xf32>
    %swap3A_708 = arith.index_cast %mul3A_698 : i32 to index
    %swap3A_709 = arith.constant 0 : index
    %swap3A_710 = vector.load %arg3[%swap3A_708, %swap3A_709] : memref<1024x128xf32, #tpu.memory_space<vmem>>, vector<128x128xf32>
    tpu.vector_store %arg3[%swap3A_708, %swap3A_709], %add3A_707 {strides = array<i32>} : memref<1024x128xf32, #tpu.memory_space<vmem>>, vector<128x128xf32>,
    %scan3A_711 = arith.constant 34 : i32
    %mul3A_712 = arith.constant 128 : i32
    %mul3A_713 = arith.muli %arg0, %mul3A_712 : i32
    %add3A_714 = arith.addi %mul3A_713, %scan3A_711 : i32
    %get3A_715 = arith.constant 0 : index
    %get3A_716 = arith.index_cast %add3A_714 : i32 to index
    %get3A_717 = memref.load %arg1[%get3A_715, %get3A_716] : memref<1x1024xi32, #tpu.memory_space<smem>>
    %mul3A_718 = arith.constant 128 : i32
    %mul3A_719 = arith.muli %get3A_717, %mul3A_718 : i32
    %get3A_720 = arith.index_cast %mul3A_719 : i32 to index
    %get3A_721 = arith.constant 0 : index
    %get3A_722 = vector.load %arg3[%get3A_720, %get3A_721] : memref<1024x128xf32, #tpu.memory_space<vmem>>, vector<128x128xf32>
    %mul3A_723 = arith.constant 128 : i32
    %mul3A_724 = arith.muli %scan3A_711, %mul3A_723 : i32
    %get3A_725 = arith.index_cast %mul3A_724 : i32 to index
    %get3A_726 = arith.constant 0 : index
    %get3A_727 = vector.load %arg2[%get3A_725, %get3A_726] : memref<16384x128xf32, #tpu.memory_space<vmem>>, vector<128x128xf32>
    %add3A_728 = arith.addf %get3A_722, %get3A_727 : vector<128x128xf32>
    %swap3A_729 = arith.index_cast %mul3A_719 : i32 to index
    %swap3A_730 = arith.constant 0 : index
    %swap3A_731 = vector.load %arg3[%swap3A_729, %swap3A_730] : memref<1024x128xf32, #tpu.memory_space<vmem>>, vector<128x128xf32>
    tpu.vector_store %arg3[%swap3A_729, %swap3A_730], %add3A_728 {strides = array<i32>} : memref<1024x128xf32, #tpu.memory_space<vmem>>, vector<128x128xf32>,
    %scan3A_732 = arith.constant 35 : i32
    %mul3A_733 = arith.constant 128 : i32
    %mul3A_734 = arith.muli %arg0, %mul3A_733 : i32
    %add3A_735 = arith.addi %mul3A_734, %scan3A_732 : i32
    %get3A_736 = arith.constant 0 : index
    %get3A_737 = arith.index_cast %add3A_735 : i32 to index
    %get3A_738 = memref.load %arg1[%get3A_736, %get3A_737] : memref<1x1024xi32, #tpu.memory_space<smem>>
    %mul3A_739 = arith.constant 128 : i32
    %mul3A_740 = arith.muli %get3A_738, %mul3A_739 : i32
    %get3A_741 = arith.index_cast %mul3A_740 : i32 to index
    %get3A_742 = arith.constant 0 : index
    %get3A_743 = vector.load %arg3[%get3A_741, %get3A_742] : memref<1024x128xf32, #tpu.memory_space<vmem>>, vector<128x128xf32>
    %mul3A_744 = arith.constant 128 : i32
    %mul3A_745 = arith.muli %scan3A_732, %mul3A_744 : i32
    %get3A_746 = arith.index_cast %mul3A_745 : i32 to index
    %get3A_747 = arith.constant 0 : index
    %get3A_748 = vector.load %arg2[%get3A_746, %get3A_747] : memref<16384x128xf32, #tpu.memory_space<vmem>>, vector<128x128xf32>
    %add3A_749 = arith.addf %get3A_743, %get3A_748 : vector<128x128xf32>
    %swap3A_750 = arith.index_cast %mul3A_740 : i32 to index
    %swap3A_751 = arith.constant 0 : index
    %swap3A_752 = vector.load %arg3[%swap3A_750, %swap3A_751] : memref<1024x128xf32, #tpu.memory_space<vmem>>, vector<128x128xf32>
    tpu.vector_store %arg3[%swap3A_750, %swap3A_751], %add3A_749 {strides = array<i32>} : memref<1024x128xf32, #tpu.memory_space<vmem>>, vector<128x128xf32>,
    %scan3A_753 = arith.constant 36 : i32
    %mul3A_754 = arith.constant 128 : i32
    %mul3A_755 = arith.muli %arg0, %mul3A_754 : i32
    %add3A_756 = arith.addi %mul3A_755, %scan3A_753 : i32
    %get3A_757 = arith.constant 0 : index
    %get3A_758 = arith.index_cast %add3A_756 : i32 to index
    %get3A_759 = memref.load %arg1[%get3A_757, %get3A_758] : memref<1x1024xi32, #tpu.memory_space<smem>>
    %mul3A_760 = arith.constant 128 : i32
    %mul3A_761 = arith.muli %get3A_759, %mul3A_760 : i32
    %get3A_762 = arith.index_cast %mul3A_761 : i32 to index
    %get3A_763 = arith.constant 0 : index
    %get3A_764 = vector.load %arg3[%get3A_762, %get3A_763] : memref<1024x128xf32, #tpu.memory_space<vmem>>, vector<128x128xf32>
    %mul3A_765 = arith.constant 128 : i32
    %mul3A_766 = arith.muli %scan3A_753, %mul3A_765 : i32
    %get3A_767 = arith.index_cast %mul3A_766 : i32 to index
    %get3A_768 = arith.constant 0 : index
    %get3A_769 = vector.load %arg2[%get3A_767, %get3A_768] : memref<16384x128xf32, #tpu.memory_space<vmem>>, vector<128x128xf32>
    %add3A_770 = arith.addf %get3A_764, %get3A_769 : vector<128x128xf32>
    %swap3A_771 = arith.index_cast %mul3A_761 : i32 to index
    %swap3A_772 = arith.constant 0 : index
    %swap3A_773 = vector.load %arg3[%swap3A_771, %swap3A_772] : memref<1024x128xf32, #tpu.memory_space<vmem>>, vector<128x128xf32>
    tpu.vector_store %arg3[%swap3A_771, %swap3A_772], %add3A_770 {strides = array<i32>} : memref<1024x128xf32, #tpu.memory_space<vmem>>, vector<128x128xf32>,
    %scan3A_774 = arith.constant 37 : i32
    %mul3A_775 = arith.constant 128 : i32
    %mul3A_776 = arith.muli %arg0, %mul3A_775 : i32
    %add3A_777 = arith.addi %mul3A_776, %scan3A_774 : i32
    %get3A_778 = arith.constant 0 : index
    %get3A_779 = arith.index_cast %add3A_777 : i32 to index
    %get3A_780 = memref.load %arg1[%get3A_778, %get3A_779] : memref<1x1024xi32, #tpu.memory_space<smem>>
    %mul3A_781 = arith.constant 128 : i32
    %mul3A_782 = arith.muli %get3A_780, %mul3A_781 : i32
    %get3A_783 = arith.index_cast %mul3A_782 : i32 to index
    %get3A_784 = arith.constant 0 : index
    %get3A_785 = vector.load %arg3[%get3A_783, %get3A_784] : memref<1024x128xf32, #tpu.memory_space<vmem>>, vector<128x128xf32>
    %mul3A_786 = arith.constant 128 : i32
    %mul3A_787 = arith.muli %scan3A_774, %mul3A_786 : i32
    %get3A_788 = arith.index_cast %mul3A_787 : i32 to index
    %get3A_789 = arith.constant 0 : index
    %get3A_790 = vector.load %arg2[%get3A_788, %get3A_789] : memref<16384x128xf32, #tpu.memory_space<vmem>>, vector<128x128xf32>
    %add3A_791 = arith.addf %get3A_785, %get3A_790 : vector<128x128xf32>
    %swap3A_792 = arith.index_cast %mul3A_782 : i32 to index
    %swap3A_793 = arith.constant 0 : index
    %swap3A_794 = vector.load %arg3[%swap3A_792, %swap3A_793] : memref<1024x128xf32, #tpu.memory_space<vmem>>, vector<128x128xf32>
    tpu.vector_store %arg3[%swap3A_792, %swap3A_793], %add3A_791 {strides = array<i32>} : memref<1024x128xf32, #tpu.memory_space<vmem>>, vector<128x128xf32>,
    %scan3A_795 = arith.constant 38 : i32
    %mul3A_796 = arith.constant 128 : i32
    %mul3A_797 = arith.muli %arg0, %mul3A_796 : i32
    %add3A_798 = arith.addi %mul3A_797, %scan3A_795 : i32
    %get3A_799 = arith.constant 0 : index
    %get3A_800 = arith.index_cast %add3A_798 : i32 to index
    %get3A_801 = memref.load %arg1[%get3A_799, %get3A_800] : memref<1x1024xi32, #tpu.memory_space<smem>>
    %mul3A_802 = arith.constant 128 : i32
    %mul3A_803 = arith.muli %get3A_801, %mul3A_802 : i32
    %get3A_804 = arith.index_cast %mul3A_803 : i32 to index
    %get3A_805 = arith.constant 0 : index
    %get3A_806 = vector.load %arg3[%get3A_804, %get3A_805] : memref<1024x128xf32, #tpu.memory_space<vmem>>, vector<128x128xf32>
    %mul3A_807 = arith.constant 128 : i32
    %mul3A_808 = arith.muli %scan3A_795, %mul3A_807 : i32
    %get3A_809 = arith.index_cast %mul3A_808 : i32 to index
    %get3A_810 = arith.constant 0 : index
    %get3A_811 = vector.load %arg2[%get3A_809, %get3A_810] : memref<16384x128xf32, #tpu.memory_space<vmem>>, vector<128x128xf32>
    %add3A_812 = arith.addf %get3A_806, %get3A_811 : vector<128x128xf32>
    %swap3A_813 = arith.index_cast %mul3A_803 : i32 to index
    %swap3A_814 = arith.constant 0 : index
    %swap3A_815 = vector.load %arg3[%swap3A_813, %swap3A_814] : memref<1024x128xf32, #tpu.memory_space<vmem>>, vector<128x128xf32>
    tpu.vector_store %arg3[%swap3A_813, %swap3A_814], %add3A_812 {strides = array<i32>} : memref<1024x128xf32, #tpu.memory_space<vmem>>, vector<128x128xf32>,
    %scan3A_816 = arith.constant 39 : i32
    %mul3A_817 = arith.constant 128 : i32
    %mul3A_818 = arith.muli %arg0, %mul3A_817 : i32
    %add3A_819 = arith.addi %mul3A_818, %scan3A_816 : i32
    %get3A_820 = arith.constant 0 : index
    %get3A_821 = arith.index_cast %add3A_819 : i32 to index
    %get3A_822 = memref.load %arg1[%get3A_820, %get3A_821] : memref<1x1024xi32, #tpu.memory_space<smem>>
    %mul3A_823 = arith.constant 128 : i32
    %mul3A_824 = arith.muli %get3A_822, %mul3A_823 : i32
    %get3A_825 = arith.index_cast %mul3A_824 : i32 to index
    %get3A_826 = arith.constant 0 : index
    %get3A_827 = vector.load %arg3[%get3A_825, %get3A_826] : memref<1024x128xf32, #tpu.memory_space<vmem>>, vector<128x128xf32>
    %mul3A_828 = arith.constant 128 : i32
    %mul3A_829 = arith.muli %scan3A_816, %mul3A_828 : i32
    %get3A_830 = arith.index_cast %mul3A_829 : i32 to index
    %get3A_831 = arith.constant 0 : index
    %get3A_832 = vector.load %arg2[%get3A_830, %get3A_831] : memref<16384x128xf32, #tpu.memory_space<vmem>>, vector<128x128xf32>
    %add3A_833 = arith.addf %get3A_827, %get3A_832 : vector<128x128xf32>
    %swap3A_834 = arith.index_cast %mul3A_824 : i32 to index
    %swap3A_835 = arith.constant 0 : index
    %swap3A_836 = vector.load %arg3[%swap3A_834, %swap3A_835] : memref<1024x128xf32, #tpu.memory_space<vmem>>, vector<128x128xf32>
    tpu.vector_store %arg3[%swap3A_834, %swap3A_835], %add3A_833 {strides = array<i32>} : memref<1024x128xf32, #tpu.memory_space<vmem>>, vector<128x128xf32>,
    %scan3A_837 = arith.constant 40 : i32
    %mul3A_838 = arith.constant 128 : i32
    %mul3A_839 = arith.muli %arg0, %mul3A_838 : i32
    %add3A_840 = arith.addi %mul3A_839, %scan3A_837 : i32
    %get3A_841 = arith.constant 0 : index
    %get3A_842 = arith.index_cast %add3A_840 : i32 to index
    %get3A_843 = memref.load %arg1[%get3A_841, %get3A_842] : memref<1x1024xi32, #tpu.memory_space<smem>>
    %mul3A_844 = arith.constant 128 : i32
    %mul3A_845 = arith.muli %get3A_843, %mul3A_844 : i32
    %get3A_846 = arith.index_cast %mul3A_845 : i32 to index
    %get3A_847 = arith.constant 0 : index
    %get3A_848 = vector.load %arg3[%get3A_846, %get3A_847] : memref<1024x128xf32, #tpu.memory_space<vmem>>, vector<128x128xf32>
    %mul3A_849 = arith.constant 128 : i32
    %mul3A_850 = arith.muli %scan3A_837, %mul3A_849 : i32
    %get3A_851 = arith.index_cast %mul3A_850 : i32 to index
    %get3A_852 = arith.constant 0 : index
    %get3A_853 = vector.load %arg2[%get3A_851, %get3A_852] : memref<16384x128xf32, #tpu.memory_space<vmem>>, vector<128x128xf32>
    %add3A_854 = arith.addf %get3A_848, %get3A_853 : vector<128x128xf32>
    %swap3A_855 = arith.index_cast %mul3A_845 : i32 to index
    %swap3A_856 = arith.constant 0 : index
    %swap3A_857 = vector.load %arg3[%swap3A_855, %swap3A_856] : memref<1024x128xf32, #tpu.memory_space<vmem>>, vector<128x128xf32>
    tpu.vector_store %arg3[%swap3A_855, %swap3A_856], %add3A_854 {strides = array<i32>} : memref<1024x128xf32, #tpu.memory_space<vmem>>, vector<128x128xf32>,
    %scan3A_858 = arith.constant 41 : i32
    %mul3A_859 = arith.constant 128 : i32
    %mul3A_860 = arith.muli %arg0, %mul3A_859 : i32
    %add3A_861 = arith.addi %mul3A_860, %scan3A_858 : i32
    %get3A_862 = arith.constant 0 : index
    %get3A_863 = arith.index_cast %add3A_861 : i32 to index
    %get3A_864 = memref.load %arg1[%get3A_862, %get3A_863] : memref<1x1024xi32, #tpu.memory_space<smem>>
    %mul3A_865 = arith.constant 128 : i32
    %mul3A_866 = arith.muli %get3A_864, %mul3A_865 : i32
    %get3A_867 = arith.index_cast %mul3A_866 : i32 to index
    %get3A_868 = arith.constant 0 : index
    %get3A_869 = vector.load %arg3[%get3A_867, %get3A_868] : memref<1024x128xf32, #tpu.memory_space<vmem>>, vector<128x128xf32>
    %mul3A_870 = arith.constant 128 : i32
    %mul3A_871 = arith.muli %scan3A_858, %mul3A_870 : i32
    %get3A_872 = arith.index_cast %mul3A_871 : i32 to index
    %get3A_873 = arith.constant 0 : index
    %get3A_874 = vector.load %arg2[%get3A_872, %get3A_873] : memref<16384x128xf32, #tpu.memory_space<vmem>>, vector<128x128xf32>
    %add3A_875 = arith.addf %get3A_869, %get3A_874 : vector<128x128xf32>
    %swap3A_876 = arith.index_cast %mul3A_866 : i32 to index
    %swap3A_877 = arith.constant 0 : index
    %swap3A_878 = vector.load %arg3[%swap3A_876, %swap3A_877] : memref<1024x128xf32, #tpu.memory_space<vmem>>, vector<128x128xf32>
    tpu.vector_store %arg3[%swap3A_876, %swap3A_877], %add3A_875 {strides = array<i32>} : memref<1024x128xf32, #tpu.memory_space<vmem>>, vector<128x128xf32>,
    %scan3A_879 = arith.constant 42 : i32
    %mul3A_880 = arith.constant 128 : i32
    %mul3A_881 = arith.muli %arg0, %mul3A_880 : i32
    %add3A_882 = arith.addi %mul3A_881, %scan3A_879 : i32
    %get3A_883 = arith.constant 0 : index
    %get3A_884 = arith.index_cast %add3A_882 : i32 to index
    %get3A_885 = memref.load %arg1[%get3A_883, %get3A_884] : memref<1x1024xi32, #tpu.memory_space<smem>>
    %mul3A_886 = arith.constant 128 : i32
    %mul3A_887 = arith.muli %get3A_885, %mul3A_886 : i32
    %get3A_888 = arith.index_cast %mul3A_887 : i32 to index
    %get3A_889 = arith.constant 0 : index
    %get3A_890 = vector.load %arg3[%get3A_888, %get3A_889] : memref<1024x128xf32, #tpu.memory_space<vmem>>, vector<128x128xf32>
    %mul3A_891 = arith.constant 128 : i32
    %mul3A_892 = arith.muli %scan3A_879, %mul3A_891 : i32
    %get3A_893 = arith.index_cast %mul3A_892 : i32 to index
    %get3A_894 = arith.constant 0 : index
    %get3A_895 = vector.load %arg2[%get3A_893, %get3A_894] : memref<16384x128xf32, #tpu.memory_space<vmem>>, vector<128x128xf32>
    %add3A_896 = arith.addf %get3A_890, %get3A_895 : vector<128x128xf32>
    %swap3A_897 = arith.index_cast %mul3A_887 : i32 to index
    %swap3A_898 = arith.constant 0 : index
    %swap3A_899 = vector.load %arg3[%swap3A_897, %swap3A_898] : memref<1024x128xf32, #tpu.memory_space<vmem>>, vector<128x128xf32>
    tpu.vector_store %arg3[%swap3A_897, %swap3A_898], %add3A_896 {strides = array<i32>} : memref<1024x128xf32, #tpu.memory_space<vmem>>, vector<128x128xf32>,
    %scan3A_900 = arith.constant 43 : i32
    %mul3A_901 = arith.constant 128 : i32
    %mul3A_902 = arith.muli %arg0, %mul3A_901 : i32
    %add3A_903 = arith.addi %mul3A_902, %scan3A_900 : i32
    %get3A_904 = arith.constant 0 : index
    %get3A_905 = arith.index_cast %add3A_903 : i32 to index
    %get3A_906 = memref.load %arg1[%get3A_904, %get3A_905] : memref<1x1024xi32, #tpu.memory_space<smem>>
    %mul3A_907 = arith.constant 128 : i32
    %mul3A_908 = arith.muli %get3A_906, %mul3A_907 : i32
    %get3A_909 = arith.index_cast %mul3A_908 : i32 to index
    %get3A_910 = arith.constant 0 : index
    %get3A_911 = vector.load %arg3[%get3A_909, %get3A_910] : memref<1024x128xf32, #tpu.memory_space<vmem>>, vector<128x128xf32>
    %mul3A_912 = arith.constant 128 : i32
    %mul3A_913 = arith.muli %scan3A_900, %mul3A_912 : i32
    %get3A_914 = arith.index_cast %mul3A_913 : i32 to index
    %get3A_915 = arith.constant 0 : index
    %get3A_916 = vector.load %arg2[%get3A_914, %get3A_915] : memref<16384x128xf32, #tpu.memory_space<vmem>>, vector<128x128xf32>
    %add3A_917 = arith.addf %get3A_911, %get3A_916 : vector<128x128xf32>
    %swap3A_918 = arith.index_cast %mul3A_908 : i32 to index
    %swap3A_919 = arith.constant 0 : index
    %swap3A_920 = vector.load %arg3[%swap3A_918, %swap3A_919] : memref<1024x128xf32, #tpu.memory_space<vmem>>, vector<128x128xf32>
    tpu.vector_store %arg3[%swap3A_918, %swap3A_919], %add3A_917 {strides = array<i32>} : memref<1024x128xf32, #tpu.memory_space<vmem>>, vector<128x128xf32>,
    %scan3A_921 = arith.constant 44 : i32
    %mul3A_922 = arith.constant 128 : i32
    %mul3A_923 = arith.muli %arg0, %mul3A_922 : i32
    %add3A_924 = arith.addi %mul3A_923, %scan3A_921 : i32
    %get3A_925 = arith.constant 0 : index
    %get3A_926 = arith.index_cast %add3A_924 : i32 to index
    %get3A_927 = memref.load %arg1[%get3A_925, %get3A_926] : memref<1x1024xi32, #tpu.memory_space<smem>>
    %mul3A_928 = arith.constant 128 : i32
    %mul3A_929 = arith.muli %get3A_927, %mul3A_928 : i32
    %get3A_930 = arith.index_cast %mul3A_929 : i32 to index
    %get3A_931 = arith.constant 0 : index
    %get3A_932 = vector.load %arg3[%get3A_930, %get3A_931] : memref<1024x128xf32, #tpu.memory_space<vmem>>, vector<128x128xf32>
    %mul3A_933 = arith.constant 128 : i32
    %mul3A_934 = arith.muli %scan3A_921, %mul3A_933 : i32
    %get3A_935 = arith.index_cast %mul3A_934 : i32 to index
    %get3A_936 = arith.constant 0 : index
    %get3A_937 = vector.load %arg2[%get3A_935, %get3A_936] : memref<16384x128xf32, #tpu.memory_space<vmem>>, vector<128x128xf32>
    %add3A_938 = arith.addf %get3A_932, %get3A_937 : vector<128x128xf32>
    %swap3A_939 = arith.index_cast %mul3A_929 : i32 to index
    %swap3A_940 = arith.constant 0 : index
    %swap3A_941 = vector.load %arg3[%swap3A_939, %swap3A_940] : memref<1024x128xf32, #tpu.memory_space<vmem>>, vector<128x128xf32>
    tpu.vector_store %arg3[%swap3A_939, %swap3A_940], %add3A_938 {strides = array<i32>} : memref<1024x128xf32, #tpu.memory_space<vmem>>, vector<128x128xf32>,
    %scan3A_942 = arith.constant 45 : i32
    %mul3A_943 = arith.constant 128 : i32
    %mul3A_944 = arith.muli %arg0, %mul3A_943 : i32
    %add3A_945 = arith.addi %mul3A_944, %scan3A_942 : i32
    %get3A_946 = arith.constant 0 : index
    %get3A_947 = arith.index_cast %add3A_945 : i32 to index
    %get3A_948 = memref.load %arg1[%get3A_946, %get3A_947] : memref<1x1024xi32, #tpu.memory_space<smem>>
    %mul3A_949 = arith.constant 128 : i32
    %mul3A_950 = arith.muli %get3A_948, %mul3A_949 : i32
    %get3A_951 = arith.index_cast %mul3A_950 : i32 to index
    %get3A_952 = arith.constant 0 : index
    %get3A_953 = vector.load %arg3[%get3A_951, %get3A_952] : memref<1024x128xf32, #tpu.memory_space<vmem>>, vector<128x128xf32>
    %mul3A_954 = arith.constant 128 : i32
    %mul3A_955 = arith.muli %scan3A_942, %mul3A_954 : i32
    %get3A_956 = arith.index_cast %mul3A_955 : i32 to index
    %get3A_957 = arith.constant 0 : index
    %get3A_958 = vector.load %arg2[%get3A_956, %get3A_957] : memref<16384x128xf32, #tpu.memory_space<vmem>>, vector<128x128xf32>
    %add3A_959 = arith.addf %get3A_953, %get3A_958 : vector<128x128xf32>
    %swap3A_960 = arith.index_cast %mul3A_950 : i32 to index
    %swap3A_961 = arith.constant 0 : index
    %swap3A_962 = vector.load %arg3[%swap3A_960, %swap3A_961] : memref<1024x128xf32, #tpu.memory_space<vmem>>, vector<128x128xf32>
    tpu.vector_store %arg3[%swap3A_960, %swap3A_961], %add3A_959 {strides = array<i32>} : memref<1024x128xf32, #tpu.memory_space<vmem>>, vector<128x128xf32>,
    %scan3A_963 = arith.constant 46 : i32
    %mul3A_964 = arith.constant 128 : i32
    %mul3A_965 = arith.muli %arg0, %mul3A_964 : i32
    %add3A_966 = arith.addi %mul3A_965, %scan3A_963 : i32
    %get3A_967 = arith.constant 0 : index
    %get3A_968 = arith.index_cast %add3A_966 : i32 to index
    %get3A_969 = memref.load %arg1[%get3A_967, %get3A_968] : memref<1x1024xi32, #tpu.memory_space<smem>>
    %mul3A_970 = arith.constant 128 : i32
    %mul3A_971 = arith.muli %get3A_969, %mul3A_970 : i32
    %get3A_972 = arith.index_cast %mul3A_971 : i32 to index
    %get3A_973 = arith.constant 0 : index
    %get3A_974 = vector.load %arg3[%get3A_972, %get3A_973] : memref<1024x128xf32, #tpu.memory_space<vmem>>, vector<128x128xf32>
    %mul3A_975 = arith.constant 128 : i32
    %mul3A_976 = arith.muli %scan3A_963, %mul3A_975 : i32
    %get3A_977 = arith.index_cast %mul3A_976 : i32 to index
    %get3A_978 = arith.constant 0 : index
    %get3A_979 = vector.load %arg2[%get3A_977, %get3A_978] : memref<16384x128xf32, #tpu.memory_space<vmem>>, vector<128x128xf32>
    %add3A_980 = arith.addf %get3A_974, %get3A_979 : vector<128x128xf32>
    %swap3A_981 = arith.index_cast %mul3A_971 : i32 to index
    %swap3A_982 = arith.constant 0 : index
    %swap3A_983 = vector.load %arg3[%swap3A_981, %swap3A_982] : memref<1024x128xf32, #tpu.memory_space<vmem>>, vector<128x128xf32>
    tpu.vector_store %arg3[%swap3A_981, %swap3A_982], %add3A_980 {strides = array<i32>} : memref<1024x128xf32, #tpu.memory_space<vmem>>, vector<128x128xf32>,
    %scan3A_984 = arith.constant 47 : i32
    %mul3A_985 = arith.constant 128 : i32
    %mul3A_986 = arith.muli %arg0, %mul3A_985 : i32
    %add3A_987 = arith.addi %mul3A_986, %scan3A_984 : i32
    %get3A_988 = arith.constant 0 : index
    %get3A_989 = arith.index_cast %add3A_987 : i32 to index
    %get3A_990 = memref.load %arg1[%get3A_988, %get3A_989] : memref<1x1024xi32, #tpu.memory_space<smem>>
    %mul3A_991 = arith.constant 128 : i32
    %mul3A_992 = arith.muli %get3A_990, %mul3A_991 : i32
    %get3A_993 = arith.index_cast %mul3A_992 : i32 to index
    %get3A_994 = arith.constant 0 : index
    %get3A_995 = vector.load %arg3[%get3A_993, %get3A_994] : memref<1024x128xf32, #tpu.memory_space<vmem>>, vector<128x128xf32>
    %mul3A_996 = arith.constant 128 : i32
    %mul3A_997 = arith.muli %scan3A_984, %mul3A_996 : i32
    %get3A_998 = arith.index_cast %mul3A_997 : i32 to index
    %get3A_999 = arith.constant 0 : index
    %get3A_1000 = vector.load %arg2[%get3A_998, %get3A_999] : memref<16384x128xf32, #tpu.memory_space<vmem>>, vector<128x128xf32>
    %add3A_1001 = arith.addf %get3A_995, %get3A_1000 : vector<128x128xf32>
    %swap3A_1002 = arith.index_cast %mul3A_992 : i32 to index
    %swap3A_1003 = arith.constant 0 : index
    %swap3A_1004 = vector.load %arg3[%swap3A_1002, %swap3A_1003] : memref<1024x128xf32, #tpu.memory_space<vmem>>, vector<128x128xf32>
    tpu.vector_store %arg3[%swap3A_1002, %swap3A_1003], %add3A_1001 {strides = array<i32>} : memref<1024x128xf32, #tpu.memory_space<vmem>>, vector<128x128xf32>,
    %scan3A_1005 = arith.constant 48 : i32
    %mul3A_1006 = arith.constant 128 : i32
    %mul3A_1007 = arith.muli %arg0, %mul3A_1006 : i32
    %add3A_1008 = arith.addi %mul3A_1007, %scan3A_1005 : i32
    %get3A_1009 = arith.constant 0 : index
    %get3A_1010 = arith.index_cast %add3A_1008 : i32 to index
    %get3A_1011 = memref.load %arg1[%get3A_1009, %get3A_1010] : memref<1x1024xi32, #tpu.memory_space<smem>>
    %mul3A_1012 = arith.constant 128 : i32
    %mul3A_1013 = arith.muli %get3A_1011, %mul3A_1012 : i32
    %get3A_1014 = arith.index_cast %mul3A_1013 : i32 to index
    %get3A_1015 = arith.constant 0 : index
    %get3A_1016 = vector.load %arg3[%get3A_1014, %get3A_1015] : memref<1024x128xf32, #tpu.memory_space<vmem>>, vector<128x128xf32>
    %mul3A_1017 = arith.constant 128 : i32
    %mul3A_1018 = arith.muli %scan3A_1005, %mul3A_1017 : i32
    %get3A_1019 = arith.index_cast %mul3A_1018 : i32 to index
    %get3A_1020 = arith.constant 0 : index
    %get3A_1021 = vector.load %arg2[%get3A_1019, %get3A_1020] : memref<16384x128xf32, #tpu.memory_space<vmem>>, vector<128x128xf32>
    %add3A_1022 = arith.addf %get3A_1016, %get3A_1021 : vector<128x128xf32>
    %swap3A_1023 = arith.index_cast %mul3A_1013 : i32 to index
    %swap3A_1024 = arith.constant 0 : index
    %swap3A_1025 = vector.load %arg3[%swap3A_1023, %swap3A_1024] : memref<1024x128xf32, #tpu.memory_space<vmem>>, vector<128x128xf32>
    tpu.vector_store %arg3[%swap3A_1023, %swap3A_1024], %add3A_1022 {strides = array<i32>} : memref<1024x128xf32, #tpu.memory_space<vmem>>, vector<128x128xf32>,
    %scan3A_1026 = arith.constant 49 : i32
    %mul3A_1027 = arith.constant 128 : i32
    %mul3A_1028 = arith.muli %arg0, %mul3A_1027 : i32
    %add3A_1029 = arith.addi %mul3A_1028, %scan3A_1026 : i32
    %get3A_1030 = arith.constant 0 : index
    %get3A_1031 = arith.index_cast %add3A_1029 : i32 to index
    %get3A_1032 = memref.load %arg1[%get3A_1030, %get3A_1031] : memref<1x1024xi32, #tpu.memory_space<smem>>
    %mul3A_1033 = arith.constant 128 : i32
    %mul3A_1034 = arith.muli %get3A_1032, %mul3A_1033 : i32
    %get3A_1035 = arith.index_cast %mul3A_1034 : i32 to index
    %get3A_1036 = arith.constant 0 : index
    %get3A_1037 = vector.load %arg3[%get3A_1035, %get3A_1036] : memref<1024x128xf32, #tpu.memory_space<vmem>>, vector<128x128xf32>
    %mul3A_1038 = arith.constant 128 : i32
    %mul3A_1039 = arith.muli %scan3A_1026, %mul3A_1038 : i32
    %get3A_1040 = arith.index_cast %mul3A_1039 : i32 to index
    %get3A_1041 = arith.constant 0 : index
    %get3A_1042 = vector.load %arg2[%get3A_1040, %get3A_1041] : memref<16384x128xf32, #tpu.memory_space<vmem>>, vector<128x128xf32>
    %add3A_1043 = arith.addf %get3A_1037, %get3A_1042 : vector<128x128xf32>
    %swap3A_1044 = arith.index_cast %mul3A_1034 : i32 to index
    %swap3A_1045 = arith.constant 0 : index
    %swap3A_1046 = vector.load %arg3[%swap3A_1044, %swap3A_1045] : memref<1024x128xf32, #tpu.memory_space<vmem>>, vector<128x128xf32>
    tpu.vector_store %arg3[%swap3A_1044, %swap3A_1045], %add3A_1043 {strides = array<i32>} : memref<1024x128xf32, #tpu.memory_space<vmem>>, vector<128x128xf32>,
    %scan3A_1047 = arith.constant 50 : i32
    %mul3A_1048 = arith.constant 128 : i32
    %mul3A_1049 = arith.muli %arg0, %mul3A_1048 : i32
    %add3A_1050 = arith.addi %mul3A_1049, %scan3A_1047 : i32
    %get3A_1051 = arith.constant 0 : index
    %get3A_1052 = arith.index_cast %add3A_1050 : i32 to index
    %get3A_1053 = memref.load %arg1[%get3A_1051, %get3A_1052] : memref<1x1024xi32, #tpu.memory_space<smem>>
    %mul3A_1054 = arith.constant 128 : i32
    %mul3A_1055 = arith.muli %get3A_1053, %mul3A_1054 : i32
    %get3A_1056 = arith.index_cast %mul3A_1055 : i32 to index
    %get3A_1057 = arith.constant 0 : index
    %get3A_1058 = vector.load %arg3[%get3A_1056, %get3A_1057] : memref<1024x128xf32, #tpu.memory_space<vmem>>, vector<128x128xf32>
    %mul3A_1059 = arith.constant 128 : i32
    %mul3A_1060 = arith.muli %scan3A_1047, %mul3A_1059 : i32
    %get3A_1061 = arith.index_cast %mul3A_1060 : i32 to index
    %get3A_1062 = arith.constant 0 : index
    %get3A_1063 = vector.load %arg2[%get3A_1061, %get3A_1062] : memref<16384x128xf32, #tpu.memory_space<vmem>>, vector<128x128xf32>
    %add3A_1064 = arith.addf %get3A_1058, %get3A_1063 : vector<128x128xf32>
    %swap3A_1065 = arith.index_cast %mul3A_1055 : i32 to index
    %swap3A_1066 = arith.constant 0 : index
    %swap3A_1067 = vector.load %arg3[%swap3A_1065, %swap3A_1066] : memref<1024x128xf32, #tpu.memory_space<vmem>>, vector<128x128xf32>
    tpu.vector_store %arg3[%swap3A_1065, %swap3A_1066], %add3A_1064 {strides = array<i32>} : memref<1024x128xf32, #tpu.memory_space<vmem>>, vector<128x128xf32>,
    %scan3A_1068 = arith.constant 51 : i32
    %mul3A_1069 = arith.constant 128 : i32
    %mul3A_1070 = arith.muli %arg0, %mul3A_1069 : i32
    %add3A_1071 = arith.addi %mul3A_1070, %scan3A_1068 : i32
    %get3A_1072 = arith.constant 0 : index
    %get3A_1073 = arith.index_cast %add3A_1071 : i32 to index
    %get3A_1074 = memref.load %arg1[%get3A_1072, %get3A_1073] : memref<1x1024xi32, #tpu.memory_space<smem>>
    %mul3A_1075 = arith.constant 128 : i32
    %mul3A_1076 = arith.muli %get3A_1074, %mul3A_1075 : i32
    %get3A_1077 = arith.index_cast %mul3A_1076 : i32 to index
    %get3A_1078 = arith.constant 0 : index
    %get3A_1079 = vector.load %arg3[%get3A_1077, %get3A_1078] : memref<1024x128xf32, #tpu.memory_space<vmem>>, vector<128x128xf32>
    %mul3A_1080 = arith.constant 128 : i32
    %mul3A_1081 = arith.muli %scan3A_1068, %mul3A_1080 : i32
    %get3A_1082 = arith.index_cast %mul3A_1081 : i32 to index
    %get3A_1083 = arith.constant 0 : index
    %get3A_1084 = vector.load %arg2[%get3A_1082, %get3A_1083] : memref<16384x128xf32, #tpu.memory_space<vmem>>, vector<128x128xf32>
    %add3A_1085 = arith.addf %get3A_1079, %get3A_1084 : vector<128x128xf32>
    %swap3A_1086 = arith.index_cast %mul3A_1076 : i32 to index
    %swap3A_1087 = arith.constant 0 : index
    %swap3A_1088 = vector.load %arg3[%swap3A_1086, %swap3A_1087] : memref<1024x128xf32, #tpu.memory_space<vmem>>, vector<128x128xf32>
    tpu.vector_store %arg3[%swap3A_1086, %swap3A_1087], %add3A_1085 {strides = array<i32>} : memref<1024x128xf32, #tpu.memory_space<vmem>>, vector<128x128xf32>,
    %scan3A_1089 = arith.constant 52 : i32
    %mul3A_1090 = arith.constant 128 : i32
    %mul3A_1091 = arith.muli %arg0, %mul3A_1090 : i32
    %add3A_1092 = arith.addi %mul3A_1091, %scan3A_1089 : i32
    %get3A_1093 = arith.constant 0 : index
    %get3A_1094 = arith.index_cast %add3A_1092 : i32 to index
    %get3A_1095 = memref.load %arg1[%get3A_1093, %get3A_1094] : memref<1x1024xi32, #tpu.memory_space<smem>>
    %mul3A_1096 = arith.constant 128 : i32
    %mul3A_1097 = arith.muli %get3A_1095, %mul3A_1096 : i32
    %get3A_1098 = arith.index_cast %mul3A_1097 : i32 to index
    %get3A_1099 = arith.constant 0 : index
    %get3A_1100 = vector.load %arg3[%get3A_1098, %get3A_1099] : memref<1024x128xf32, #tpu.memory_space<vmem>>, vector<128x128xf32>
    %mul3A_1101 = arith.constant 128 : i32
    %mul3A_1102 = arith.muli %scan3A_1089, %mul3A_1101 : i32
    %get3A_1103 = arith.index_cast %mul3A_1102 : i32 to index
    %get3A_1104 = arith.constant 0 : index
    %get3A_1105 = vector.load %arg2[%get3A_1103, %get3A_1104] : memref<16384x128xf32, #tpu.memory_space<vmem>>, vector<128x128xf32>
    %add3A_1106 = arith.addf %get3A_1100, %get3A_1105 : vector<128x128xf32>
    %swap3A_1107 = arith.index_cast %mul3A_1097 : i32 to index
    %swap3A_1108 = arith.constant 0 : index
    %swap3A_1109 = vector.load %arg3[%swap3A_1107, %swap3A_1108] : memref<1024x128xf32, #tpu.memory_space<vmem>>, vector<128x128xf32>
    tpu.vector_store %arg3[%swap3A_1107, %swap3A_1108], %add3A_1106 {strides = array<i32>} : memref<1024x128xf32, #tpu.memory_space<vmem>>, vector<128x128xf32>,
    %scan3A_1110 = arith.constant 53 : i32
    %mul3A_1111 = arith.constant 128 : i32
    %mul3A_1112 = arith.muli %arg0, %mul3A_1111 : i32
    %add3A_1113 = arith.addi %mul3A_1112, %scan3A_1110 : i32
    %get3A_1114 = arith.constant 0 : index
    %get3A_1115 = arith.index_cast %add3A_1113 : i32 to index
    %get3A_1116 = memref.load %arg1[%get3A_1114, %get3A_1115] : memref<1x1024xi32, #tpu.memory_space<smem>>
    %mul3A_1117 = arith.constant 128 : i32
    %mul3A_1118 = arith.muli %get3A_1116, %mul3A_1117 : i32
    %get3A_1119 = arith.index_cast %mul3A_1118 : i32 to index
    %get3A_1120 = arith.constant 0 : index
    %get3A_1121 = vector.load %arg3[%get3A_1119, %get3A_1120] : memref<1024x128xf32, #tpu.memory_space<vmem>>, vector<128x128xf32>
    %mul3A_1122 = arith.constant 128 : i32
    %mul3A_1123 = arith.muli %scan3A_1110, %mul3A_1122 : i32
    %get3A_1124 = arith.index_cast %mul3A_1123 : i32 to index
    %get3A_1125 = arith.constant 0 : index
    %get3A_1126 = vector.load %arg2[%get3A_1124, %get3A_1125] : memref<16384x128xf32, #tpu.memory_space<vmem>>, vector<128x128xf32>
    %add3A_1127 = arith.addf %get3A_1121, %get3A_1126 : vector<128x128xf32>
    %swap3A_1128 = arith.index_cast %mul3A_1118 : i32 to index
    %swap3A_1129 = arith.constant 0 : index
    %swap3A_1130 = vector.load %arg3[%swap3A_1128, %swap3A_1129] : memref<1024x128xf32, #tpu.memory_space<vmem>>, vector<128x128xf32>
    tpu.vector_store %arg3[%swap3A_1128, %swap3A_1129], %add3A_1127 {strides = array<i32>} : memref<1024x128xf32, #tpu.memory_space<vmem>>, vector<128x128xf32>,
    %scan3A_1131 = arith.constant 54 : i32
    %mul3A_1132 = arith.constant 128 : i32
    %mul3A_1133 = arith.muli %arg0, %mul3A_1132 : i32
    %add3A_1134 = arith.addi %mul3A_1133, %scan3A_1131 : i32
    %get3A_1135 = arith.constant 0 : index
    %get3A_1136 = arith.index_cast %add3A_1134 : i32 to index
    %get3A_1137 = memref.load %arg1[%get3A_1135, %get3A_1136] : memref<1x1024xi32, #tpu.memory_space<smem>>
    %mul3A_1138 = arith.constant 128 : i32
    %mul3A_1139 = arith.muli %get3A_1137, %mul3A_1138 : i32
    %get3A_1140 = arith.index_cast %mul3A_1139 : i32 to index
    %get3A_1141 = arith.constant 0 : index
    %get3A_1142 = vector.load %arg3[%get3A_1140, %get3A_1141] : memref<1024x128xf32, #tpu.memory_space<vmem>>, vector<128x128xf32>
    %mul3A_1143 = arith.constant 128 : i32
    %mul3A_1144 = arith.muli %scan3A_1131, %mul3A_1143 : i32
    %get3A_1145 = arith.index_cast %mul3A_1144 : i32 to index
    %get3A_1146 = arith.constant 0 : index
    %get3A_1147 = vector.load %arg2[%get3A_1145, %get3A_1146] : memref<16384x128xf32, #tpu.memory_space<vmem>>, vector<128x128xf32>
    %add3A_1148 = arith.addf %get3A_1142, %get3A_1147 : vector<128x128xf32>
    %swap3A_1149 = arith.index_cast %mul3A_1139 : i32 to index
    %swap3A_1150 = arith.constant 0 : index
    %swap3A_1151 = vector.load %arg3[%swap3A_1149, %swap3A_1150] : memref<1024x128xf32, #tpu.memory_space<vmem>>, vector<128x128xf32>
    tpu.vector_store %arg3[%swap3A_1149, %swap3A_1150], %add3A_1148 {strides = array<i32>} : memref<1024x128xf32, #tpu.memory_space<vmem>>, vector<128x128xf32>,
    %scan3A_1152 = arith.constant 55 : i32
    %mul3A_1153 = arith.constant 128 : i32
    %mul3A_1154 = arith.muli %arg0, %mul3A_1153 : i32
    %add3A_1155 = arith.addi %mul3A_1154, %scan3A_1152 : i32
    %get3A_1156 = arith.constant 0 : index
    %get3A_1157 = arith.index_cast %add3A_1155 : i32 to index
    %get3A_1158 = memref.load %arg1[%get3A_1156, %get3A_1157] : memref<1x1024xi32, #tpu.memory_space<smem>>
    %mul3A_1159 = arith.constant 128 : i32
    %mul3A_1160 = arith.muli %get3A_1158, %mul3A_1159 : i32
    %get3A_1161 = arith.index_cast %mul3A_1160 : i32 to index
    %get3A_1162 = arith.constant 0 : index
    %get3A_1163 = vector.load %arg3[%get3A_1161, %get3A_1162] : memref<1024x128xf32, #tpu.memory_space<vmem>>, vector<128x128xf32>
    %mul3A_1164 = arith.constant 128 : i32
    %mul3A_1165 = arith.muli %scan3A_1152, %mul3A_1164 : i32
    %get3A_1166 = arith.index_cast %mul3A_1165 : i32 to index
    %get3A_1167 = arith.constant 0 : index
    %get3A_1168 = vector.load %arg2[%get3A_1166, %get3A_1167] : memref<16384x128xf32, #tpu.memory_space<vmem>>, vector<128x128xf32>
    %add3A_1169 = arith.addf %get3A_1163, %get3A_1168 : vector<128x128xf32>
    %swap3A_1170 = arith.index_cast %mul3A_1160 : i32 to index
    %swap3A_1171 = arith.constant 0 : index
    %swap3A_1172 = vector.load %arg3[%swap3A_1170, %swap3A_1171] : memref<1024x128xf32, #tpu.memory_space<vmem>>, vector<128x128xf32>
    tpu.vector_store %arg3[%swap3A_1170, %swap3A_1171], %add3A_1169 {strides = array<i32>} : memref<1024x128xf32, #tpu.memory_space<vmem>>, vector<128x128xf32>,
    %scan3A_1173 = arith.constant 56 : i32
    %mul3A_1174 = arith.constant 128 : i32
    %mul3A_1175 = arith.muli %arg0, %mul3A_1174 : i32
    %add3A_1176 = arith.addi %mul3A_1175, %scan3A_1173 : i32
    %get3A_1177 = arith.constant 0 : index
    %get3A_1178 = arith.index_cast %add3A_1176 : i32 to index
    %get3A_1179 = memref.load %arg1[%get3A_1177, %get3A_1178] : memref<1x1024xi32, #tpu.memory_space<smem>>
    %mul3A_1180 = arith.constant 128 : i32
    %mul3A_1181 = arith.muli %get3A_1179, %mul3A_1180 : i32
    %get3A_1182 = arith.index_cast %mul3A_1181 : i32 to index
    %get3A_1183 = arith.constant 0 : index
    %get3A_1184 = vector.load %arg3[%get3A_1182, %get3A_1183] : memref<1024x128xf32, #tpu.memory_space<vmem>>, vector<128x128xf32>
    %mul3A_1185 = arith.constant 128 : i32
    %mul3A_1186 = arith.muli %scan3A_1173, %mul3A_1185 : i32
    %get3A_1187 = arith.index_cast %mul3A_1186 : i32 to index
    %get3A_1188 = arith.constant 0 : index
    %get3A_1189 = vector.load %arg2[%get3A_1187, %get3A_1188] : memref<16384x128xf32, #tpu.memory_space<vmem>>, vector<128x128xf32>
    %add3A_1190 = arith.addf %get3A_1184, %get3A_1189 : vector<128x128xf32>
    %swap3A_1191 = arith.index_cast %mul3A_1181 : i32 to index
    %swap3A_1192 = arith.constant 0 : index
    %swap3A_1193 = vector.load %arg3[%swap3A_1191, %swap3A_1192] : memref<1024x128xf32, #tpu.memory_space<vmem>>, vector<128x128xf32>
    tpu.vector_store %arg3[%swap3A_1191, %swap3A_1192], %add3A_1190 {strides = array<i32>} : memref<1024x128xf32, #tpu.memory_space<vmem>>, vector<128x128xf32>,
    %scan3A_1194 = arith.constant 57 : i32
    %mul3A_1195 = arith.constant 128 : i32
    %mul3A_1196 = arith.muli %arg0, %mul3A_1195 : i32
    %add3A_1197 = arith.addi %mul3A_1196, %scan3A_1194 : i32
    %get3A_1198 = arith.constant 0 : index
    %get3A_1199 = arith.index_cast %add3A_1197 : i32 to index
    %get3A_1200 = memref.load %arg1[%get3A_1198, %get3A_1199] : memref<1x1024xi32, #tpu.memory_space<smem>>
    %mul3A_1201 = arith.constant 128 : i32
    %mul3A_1202 = arith.muli %get3A_1200, %mul3A_1201 : i32
    %get3A_1203 = arith.index_cast %mul3A_1202 : i32 to index
    %get3A_1204 = arith.constant 0 : index
    %get3A_1205 = vector.load %arg3[%get3A_1203, %get3A_1204] : memref<1024x128xf32, #tpu.memory_space<vmem>>, vector<128x128xf32>
    %mul3A_1206 = arith.constant 128 : i32
    %mul3A_1207 = arith.muli %scan3A_1194, %mul3A_1206 : i32
    %get3A_1208 = arith.index_cast %mul3A_1207 : i32 to index
    %get3A_1209 = arith.constant 0 : index
    %get3A_1210 = vector.load %arg2[%get3A_1208, %get3A_1209] : memref<16384x128xf32, #tpu.memory_space<vmem>>, vector<128x128xf32>
    %add3A_1211 = arith.addf %get3A_1205, %get3A_1210 : vector<128x128xf32>
    %swap3A_1212 = arith.index_cast %mul3A_1202 : i32 to index
    %swap3A_1213 = arith.constant 0 : index
    %swap3A_1214 = vector.load %arg3[%swap3A_1212, %swap3A_1213] : memref<1024x128xf32, #tpu.memory_space<vmem>>, vector<128x128xf32>
    tpu.vector_store %arg3[%swap3A_1212, %swap3A_1213], %add3A_1211 {strides = array<i32>} : memref<1024x128xf32, #tpu.memory_space<vmem>>, vector<128x128xf32>,
    %scan3A_1215 = arith.constant 58 : i32
    %mul3A_1216 = arith.constant 128 : i32
    %mul3A_1217 = arith.muli %arg0, %mul3A_1216 : i32
    %add3A_1218 = arith.addi %mul3A_1217, %scan3A_1215 : i32
    %get3A_1219 = arith.constant 0 : index
    %get3A_1220 = arith.index_cast %add3A_1218 : i32 to index
    %get3A_1221 = memref.load %arg1[%get3A_1219, %get3A_1220] : memref<1x1024xi32, #tpu.memory_space<smem>>
    %mul3A_1222 = arith.constant 128 : i32
    %mul3A_1223 = arith.muli %get3A_1221, %mul3A_1222 : i32
    %get3A_1224 = arith.index_cast %mul3A_1223 : i32 to index
    %get3A_1225 = arith.constant 0 : index
    %get3A_1226 = vector.load %arg3[%get3A_1224, %get3A_1225] : memref<1024x128xf32, #tpu.memory_space<vmem>>, vector<128x128xf32>
    %mul3A_1227 = arith.constant 128 : i32
    %mul3A_1228 = arith.muli %scan3A_1215, %mul3A_1227 : i32
    %get3A_1229 = arith.index_cast %mul3A_1228 : i32 to index
    %get3A_1230 = arith.constant 0 : index
    %get3A_1231 = vector.load %arg2[%get3A_1229, %get3A_1230] : memref<16384x128xf32, #tpu.memory_space<vmem>>, vector<128x128xf32>
    %add3A_1232 = arith.addf %get3A_1226, %get3A_1231 : vector<128x128xf32>
    %swap3A_1233 = arith.index_cast %mul3A_1223 : i32 to index
    %swap3A_1234 = arith.constant 0 : index
    %swap3A_1235 = vector.load %arg3[%swap3A_1233, %swap3A_1234] : memref<1024x128xf32, #tpu.memory_space<vmem>>, vector<128x128xf32>
    tpu.vector_store %arg3[%swap3A_1233, %swap3A_1234], %add3A_1232 {strides = array<i32>} : memref<1024x128xf32, #tpu.memory_space<vmem>>, vector<128x128xf32>,
    %scan3A_1236 = arith.constant 59 : i32
    %mul3A_1237 = arith.constant 128 : i32
    %mul3A_1238 = arith.muli %arg0, %mul3A_1237 : i32
    %add3A_1239 = arith.addi %mul3A_1238, %scan3A_1236 : i32
    %get3A_1240 = arith.constant 0 : index
    %get3A_1241 = arith.index_cast %add3A_1239 : i32 to index
    %get3A_1242 = memref.load %arg1[%get3A_1240, %get3A_1241] : memref<1x1024xi32, #tpu.memory_space<smem>>
    %mul3A_1243 = arith.constant 128 : i32
    %mul3A_1244 = arith.muli %get3A_1242, %mul3A_1243 : i32
    %get3A_1245 = arith.index_cast %mul3A_1244 : i32 to index
    %get3A_1246 = arith.constant 0 : index
    %get3A_1247 = vector.load %arg3[%get3A_1245, %get3A_1246] : memref<1024x128xf32, #tpu.memory_space<vmem>>, vector<128x128xf32>
    %mul3A_1248 = arith.constant 128 : i32
    %mul3A_1249 = arith.muli %scan3A_1236, %mul3A_1248 : i32
    %get3A_1250 = arith.index_cast %mul3A_1249 : i32 to index
    %get3A_1251 = arith.constant 0 : index
    %get3A_1252 = vector.load %arg2[%get3A_1250, %get3A_1251] : memref<16384x128xf32, #tpu.memory_space<vmem>>, vector<128x128xf32>
    %add3A_1253 = arith.addf %get3A_1247, %get3A_1252 : vector<128x128xf32>
    %swap3A_1254 = arith.index_cast %mul3A_1244 : i32 to index
    %swap3A_1255 = arith.constant 0 : index
    %swap3A_1256 = vector.load %arg3[%swap3A_1254, %swap3A_1255] : memref<1024x128xf32, #tpu.memory_space<vmem>>, vector<128x128xf32>
    tpu.vector_store %arg3[%swap3A_1254, %swap3A_1255], %add3A_1253 {strides = array<i32>} : memref<1024x128xf32, #tpu.memory_space<vmem>>, vector<128x128xf32>,
    %scan3A_1257 = arith.constant 60 : i32
    %mul3A_1258 = arith.constant 128 : i32
    %mul3A_1259 = arith.muli %arg0, %mul3A_1258 : i32
    %add3A_1260 = arith.addi %mul3A_1259, %scan3A_1257 : i32
    %get3A_1261 = arith.constant 0 : index
    %get3A_1262 = arith.index_cast %add3A_1260 : i32 to index
    %get3A_1263 = memref.load %arg1[%get3A_1261, %get3A_1262] : memref<1x1024xi32, #tpu.memory_space<smem>>
    %mul3A_1264 = arith.constant 128 : i32
    %mul3A_1265 = arith.muli %get3A_1263, %mul3A_1264 : i32
    %get3A_1266 = arith.index_cast %mul3A_1265 : i32 to index
    %get3A_1267 = arith.constant 0 : index
    %get3A_1268 = vector.load %arg3[%get3A_1266, %get3A_1267] : memref<1024x128xf32, #tpu.memory_space<vmem>>, vector<128x128xf32>
    %mul3A_1269 = arith.constant 128 : i32
    %mul3A_1270 = arith.muli %scan3A_1257, %mul3A_1269 : i32
    %get3A_1271 = arith.index_cast %mul3A_1270 : i32 to index
    %get3A_1272 = arith.constant 0 : index
    %get3A_1273 = vector.load %arg2[%get3A_1271, %get3A_1272] : memref<16384x128xf32, #tpu.memory_space<vmem>>, vector<128x128xf32>
    %add3A_1274 = arith.addf %get3A_1268, %get3A_1273 : vector<128x128xf32>
    %swap3A_1275 = arith.index_cast %mul3A_1265 : i32 to index
    %swap3A_1276 = arith.constant 0 : index
    %swap3A_1277 = vector.load %arg3[%swap3A_1275, %swap3A_1276] : memref<1024x128xf32, #tpu.memory_space<vmem>>, vector<128x128xf32>
    tpu.vector_store %arg3[%swap3A_1275, %swap3A_1276], %add3A_1274 {strides = array<i32>} : memref<1024x128xf32, #tpu.memory_space<vmem>>, vector<128x128xf32>,
    %scan3A_1278 = arith.constant 61 : i32
    %mul3A_1279 = arith.constant 128 : i32
    %mul3A_1280 = arith.muli %arg0, %mul3A_1279 : i32
    %add3A_1281 = arith.addi %mul3A_1280, %scan3A_1278 : i32
    %get3A_1282 = arith.constant 0 : index
    %get3A_1283 = arith.index_cast %add3A_1281 : i32 to index
    %get3A_1284 = memref.load %arg1[%get3A_1282, %get3A_1283] : memref<1x1024xi32, #tpu.memory_space<smem>>
    %mul3A_1285 = arith.constant 128 : i32
    %mul3A_1286 = arith.muli %get3A_1284, %mul3A_1285 : i32
    %get3A_1287 = arith.index_cast %mul3A_1286 : i32 to index
    %get3A_1288 = arith.constant 0 : index
    %get3A_1289 = vector.load %arg3[%get3A_1287, %get3A_1288] : memref<1024x128xf32, #tpu.memory_space<vmem>>, vector<128x128xf32>
    %mul3A_1290 = arith.constant 128 : i32
    %mul3A_1291 = arith.muli %scan3A_1278, %mul3A_1290 : i32
    %get3A_1292 = arith.index_cast %mul3A_1291 : i32 to index
    %get3A_1293 = arith.constant 0 : index
    %get3A_1294 = vector.load %arg2[%get3A_1292, %get3A_1293] : memref<16384x128xf32, #tpu.memory_space<vmem>>, vector<128x128xf32>
    %add3A_1295 = arith.addf %get3A_1289, %get3A_1294 : vector<128x128xf32>
    %swap3A_1296 = arith.index_cast %mul3A_1286 : i32 to index
    %swap3A_1297 = arith.constant 0 : index
    %swap3A_1298 = vector.load %arg3[%swap3A_1296, %swap3A_1297] : memref<1024x128xf32, #tpu.memory_space<vmem>>, vector<128x128xf32>
    tpu.vector_store %arg3[%swap3A_1296, %swap3A_1297], %add3A_1295 {strides = array<i32>} : memref<1024x128xf32, #tpu.memory_space<vmem>>, vector<128x128xf32>,
    %scan3A_1299 = arith.constant 62 : i32
    %mul3A_1300 = arith.constant 128 : i32
    %mul3A_1301 = arith.muli %arg0, %mul3A_1300 : i32
    %add3A_1302 = arith.addi %mul3A_1301, %scan3A_1299 : i32
    %get3A_1303 = arith.constant 0 : index
    %get3A_1304 = arith.index_cast %add3A_1302 : i32 to index
    %get3A_1305 = memref.load %arg1[%get3A_1303, %get3A_1304] : memref<1x1024xi32, #tpu.memory_space<smem>>
    %mul3A_1306 = arith.constant 128 : i32
    %mul3A_1307 = arith.muli %get3A_1305, %mul3A_1306 : i32
    %get3A_1308 = arith.index_cast %mul3A_1307 : i32 to index
    %get3A_1309 = arith.constant 0 : index
    %get3A_1310 = vector.load %arg3[%get3A_1308, %get3A_1309] : memref<1024x128xf32, #tpu.memory_space<vmem>>, vector<128x128xf32>
    %mul3A_1311 = arith.constant 128 : i32
    %mul3A_1312 = arith.muli %scan3A_1299, %mul3A_1311 : i32
    %get3A_1313 = arith.index_cast %mul3A_1312 : i32 to index
    %get3A_1314 = arith.constant 0 : index
    %get3A_1315 = vector.load %arg2[%get3A_1313, %get3A_1314] : memref<16384x128xf32, #tpu.memory_space<vmem>>, vector<128x128xf32>
    %add3A_1316 = arith.addf %get3A_1310, %get3A_1315 : vector<128x128xf32>
    %swap3A_1317 = arith.index_cast %mul3A_1307 : i32 to index
    %swap3A_1318 = arith.constant 0 : index
    %swap3A_1319 = vector.load %arg3[%swap3A_1317, %swap3A_1318] : memref<1024x128xf32, #tpu.memory_space<vmem>>, vector<128x128xf32>
    tpu.vector_store %arg3[%swap3A_1317, %swap3A_1318], %add3A_1316 {strides = array<i32>} : memref<1024x128xf32, #tpu.memory_space<vmem>>, vector<128x128xf32>,
    %scan3A_1320 = arith.constant 63 : i32
    %mul3A_1321 = arith.constant 128 : i32
    %mul3A_1322 = arith.muli %arg0, %mul3A_1321 : i32
    %add3A_1323 = arith.addi %mul3A_1322, %scan3A_1320 : i32
    %get3A_1324 = arith.constant 0 : index
    %get3A_1325 = arith.index_cast %add3A_1323 : i32 to index
    %get3A_1326 = memref.load %arg1[%get3A_1324, %get3A_1325] : memref<1x1024xi32, #tpu.memory_space<smem>>
    %mul3A_1327 = arith.constant 128 : i32
    %mul3A_1328 = arith.muli %get3A_1326, %mul3A_1327 : i32
    %get3A_1329 = arith.index_cast %mul3A_1328 : i32 to index
    %get3A_1330 = arith.constant 0 : index
    %get3A_1331 = vector.load %arg3[%get3A_1329, %get3A_1330] : memref<1024x128xf32, #tpu.memory_space<vmem>>, vector<128x128xf32>
    %mul3A_1332 = arith.constant 128 : i32
    %mul3A_1333 = arith.muli %scan3A_1320, %mul3A_1332 : i32
    %get3A_1334 = arith.index_cast %mul3A_1333 : i32 to index
    %get3A_1335 = arith.constant 0 : index
    %get3A_1336 = vector.load %arg2[%get3A_1334, %get3A_1335] : memref<16384x128xf32, #tpu.memory_space<vmem>>, vector<128x128xf32>
    %add3A_1337 = arith.addf %get3A_1331, %get3A_1336 : vector<128x128xf32>
    %swap3A_1338 = arith.index_cast %mul3A_1328 : i32 to index
    %swap3A_1339 = arith.constant 0 : index
    %swap3A_1340 = vector.load %arg3[%swap3A_1338, %swap3A_1339] : memref<1024x128xf32, #tpu.memory_space<vmem>>, vector<128x128xf32>
    tpu.vector_store %arg3[%swap3A_1338, %swap3A_1339], %add3A_1337 {strides = array<i32>} : memref<1024x128xf32, #tpu.memory_space<vmem>>, vector<128x128xf32>,
    %scan3A_1341 = arith.constant 64 : i32
    %mul3A_1342 = arith.constant 128 : i32
    %mul3A_1343 = arith.muli %arg0, %mul3A_1342 : i32
    %add3A_1344 = arith.addi %mul3A_1343, %scan3A_1341 : i32
    %get3A_1345 = arith.constant 0 : index
    %get3A_1346 = arith.index_cast %add3A_1344 : i32 to index
    %get3A_1347 = memref.load %arg1[%get3A_1345, %get3A_1346] : memref<1x1024xi32, #tpu.memory_space<smem>>
    %mul3A_1348 = arith.constant 128 : i32
    %mul3A_1349 = arith.muli %get3A_1347, %mul3A_1348 : i32
    %get3A_1350 = arith.index_cast %mul3A_1349 : i32 to index
    %get3A_1351 = arith.constant 0 : index
    %get3A_1352 = vector.load %arg3[%get3A_1350, %get3A_1351] : memref<1024x128xf32, #tpu.memory_space<vmem>>, vector<128x128xf32>
    %mul3A_1353 = arith.constant 128 : i32
    %mul3A_1354 = arith.muli %scan3A_1341, %mul3A_1353 : i32
    %get3A_1355 = arith.index_cast %mul3A_1354 : i32 to index
    %get3A_1356 = arith.constant 0 : index
    %get3A_1357 = vector.load %arg2[%get3A_1355, %get3A_1356] : memref<16384x128xf32, #tpu.memory_space<vmem>>, vector<128x128xf32>
    %add3A_1358 = arith.addf %get3A_1352, %get3A_1357 : vector<128x128xf32>
    %swap3A_1359 = arith.index_cast %mul3A_1349 : i32 to index
    %swap3A_1360 = arith.constant 0 : index
    %swap3A_1361 = vector.load %arg3[%swap3A_1359, %swap3A_1360] : memref<1024x128xf32, #tpu.memory_space<vmem>>, vector<128x128xf32>
    tpu.vector_store %arg3[%swap3A_1359, %swap3A_1360], %add3A_1358 {strides = array<i32>} : memref<1024x128xf32, #tpu.memory_space<vmem>>, vector<128x128xf32>,
    %scan3A_1362 = arith.constant 65 : i32
    %mul3A_1363 = arith.constant 128 : i32
    %mul3A_1364 = arith.muli %arg0, %mul3A_1363 : i32
    %add3A_1365 = arith.addi %mul3A_1364, %scan3A_1362 : i32
    %get3A_1366 = arith.constant 0 : index
    %get3A_1367 = arith.index_cast %add3A_1365 : i32 to index
    %get3A_1368 = memref.load %arg1[%get3A_1366, %get3A_1367] : memref<1x1024xi32, #tpu.memory_space<smem>>
    %mul3A_1369 = arith.constant 128 : i32
    %mul3A_1370 = arith.muli %get3A_1368, %mul3A_1369 : i32
    %get3A_1371 = arith.index_cast %mul3A_1370 : i32 to index
    %get3A_1372 = arith.constant 0 : index
    %get3A_1373 = vector.load %arg3[%get3A_1371, %get3A_1372] : memref<1024x128xf32, #tpu.memory_space<vmem>>, vector<128x128xf32>
    %mul3A_1374 = arith.constant 128 : i32
    %mul3A_1375 = arith.muli %scan3A_1362, %mul3A_1374 : i32
    %get3A_1376 = arith.index_cast %mul3A_1375 : i32 to index
    %get3A_1377 = arith.constant 0 : index
    %get3A_1378 = vector.load %arg2[%get3A_1376, %get3A_1377] : memref<16384x128xf32, #tpu.memory_space<vmem>>, vector<128x128xf32>
    %add3A_1379 = arith.addf %get3A_1373, %get3A_1378 : vector<128x128xf32>
    %swap3A_1380 = arith.index_cast %mul3A_1370 : i32 to index
    %swap3A_1381 = arith.constant 0 : index
    %swap3A_1382 = vector.load %arg3[%swap3A_1380, %swap3A_1381] : memref<1024x128xf32, #tpu.memory_space<vmem>>, vector<128x128xf32>
    tpu.vector_store %arg3[%swap3A_1380, %swap3A_1381], %add3A_1379 {strides = array<i32>} : memref<1024x128xf32, #tpu.memory_space<vmem>>, vector<128x128xf32>,
    %scan3A_1383 = arith.constant 66 : i32
    %mul3A_1384 = arith.constant 128 : i32
    %mul3A_1385 = arith.muli %arg0, %mul3A_1384 : i32
    %add3A_1386 = arith.addi %mul3A_1385, %scan3A_1383 : i32
    %get3A_1387 = arith.constant 0 : index
    %get3A_1388 = arith.index_cast %add3A_1386 : i32 to index
    %get3A_1389 = memref.load %arg1[%get3A_1387, %get3A_1388] : memref<1x1024xi32, #tpu.memory_space<smem>>
    %mul3A_1390 = arith.constant 128 : i32
    %mul3A_1391 = arith.muli %get3A_1389, %mul3A_1390 : i32
    %get3A_1392 = arith.index_cast %mul3A_1391 : i32 to index
    %get3A_1393 = arith.constant 0 : index
    %get3A_1394 = vector.load %arg3[%get3A_1392, %get3A_1393] : memref<1024x128xf32, #tpu.memory_space<vmem>>, vector<128x128xf32>
    %mul3A_1395 = arith.constant 128 : i32
    %mul3A_1396 = arith.muli %scan3A_1383, %mul3A_1395 : i32
    %get3A_1397 = arith.index_cast %mul3A_1396 : i32 to index
    %get3A_1398 = arith.constant 0 : index
    %get3A_1399 = vector.load %arg2[%get3A_1397, %get3A_1398] : memref<16384x128xf32, #tpu.memory_space<vmem>>, vector<128x128xf32>
    %add3A_1400 = arith.addf %get3A_1394, %get3A_1399 : vector<128x128xf32>
    %swap3A_1401 = arith.index_cast %mul3A_1391 : i32 to index
    %swap3A_1402 = arith.constant 0 : index
    %swap3A_1403 = vector.load %arg3[%swap3A_1401, %swap3A_1402] : memref<1024x128xf32, #tpu.memory_space<vmem>>, vector<128x128xf32>
    tpu.vector_store %arg3[%swap3A_1401, %swap3A_1402], %add3A_1400 {strides = array<i32>} : memref<1024x128xf32, #tpu.memory_space<vmem>>, vector<128x128xf32>,
    %scan3A_1404 = arith.constant 67 : i32
    %mul3A_1405 = arith.constant 128 : i32
    %mul3A_1406 = arith.muli %arg0, %mul3A_1405 : i32
    %add3A_1407 = arith.addi %mul3A_1406, %scan3A_1404 : i32
    %get3A_1408 = arith.constant 0 : index
    %get3A_1409 = arith.index_cast %add3A_1407 : i32 to index
    %get3A_1410 = memref.load %arg1[%get3A_1408, %get3A_1409] : memref<1x1024xi32, #tpu.memory_space<smem>>
    %mul3A_1411 = arith.constant 128 : i32
    %mul3A_1412 = arith.muli %get3A_1410, %mul3A_1411 : i32
    %get3A_1413 = arith.index_cast %mul3A_1412 : i32 to index
    %get3A_1414 = arith.constant 0 : index
    %get3A_1415 = vector.load %arg3[%get3A_1413, %get3A_1414] : memref<1024x128xf32, #tpu.memory_space<vmem>>, vector<128x128xf32>
    %mul3A_1416 = arith.constant 128 : i32
    %mul3A_1417 = arith.muli %scan3A_1404, %mul3A_1416 : i32
    %get3A_1418 = arith.index_cast %mul3A_1417 : i32 to index
    %get3A_1419 = arith.constant 0 : index
    %get3A_1420 = vector.load %arg2[%get3A_1418, %get3A_1419] : memref<16384x128xf32, #tpu.memory_space<vmem>>, vector<128x128xf32>
    %add3A_1421 = arith.addf %get3A_1415, %get3A_1420 : vector<128x128xf32>
    %swap3A_1422 = arith.index_cast %mul3A_1412 : i32 to index
    %swap3A_1423 = arith.constant 0 : index
    %swap3A_1424 = vector.load %arg3[%swap3A_1422, %swap3A_1423] : memref<1024x128xf32, #tpu.memory_space<vmem>>, vector<128x128xf32>
    tpu.vector_store %arg3[%swap3A_1422, %swap3A_1423], %add3A_1421 {strides = array<i32>} : memref<1024x128xf32, #tpu.memory_space<vmem>>, vector<128x128xf32>,
    %scan3A_1425 = arith.constant 68 : i32
    %mul3A_1426 = arith.constant 128 : i32
    %mul3A_1427 = arith.muli %arg0, %mul3A_1426 : i32
    %add3A_1428 = arith.addi %mul3A_1427, %scan3A_1425 : i32
    %get3A_1429 = arith.constant 0 : index
    %get3A_1430 = arith.index_cast %add3A_1428 : i32 to index
    %get3A_1431 = memref.load %arg1[%get3A_1429, %get3A_1430] : memref<1x1024xi32, #tpu.memory_space<smem>>
    %mul3A_1432 = arith.constant 128 : i32
    %mul3A_1433 = arith.muli %get3A_1431, %mul3A_1432 : i32
    %get3A_1434 = arith.index_cast %mul3A_1433 : i32 to index
    %get3A_1435 = arith.constant 0 : index
    %get3A_1436 = vector.load %arg3[%get3A_1434, %get3A_1435] : memref<1024x128xf32, #tpu.memory_space<vmem>>, vector<128x128xf32>
    %mul3A_1437 = arith.constant 128 : i32
    %mul3A_1438 = arith.muli %scan3A_1425, %mul3A_1437 : i32
    %get3A_1439 = arith.index_cast %mul3A_1438 : i32 to index
    %get3A_1440 = arith.constant 0 : index
    %get3A_1441 = vector.load %arg2[%get3A_1439, %get3A_1440] : memref<16384x128xf32, #tpu.memory_space<vmem>>, vector<128x128xf32>
    %add3A_1442 = arith.addf %get3A_1436, %get3A_1441 : vector<128x128xf32>
    %swap3A_1443 = arith.index_cast %mul3A_1433 : i32 to index
    %swap3A_1444 = arith.constant 0 : index
    %swap3A_1445 = vector.load %arg3[%swap3A_1443, %swap3A_1444] : memref<1024x128xf32, #tpu.memory_space<vmem>>, vector<128x128xf32>
    tpu.vector_store %arg3[%swap3A_1443, %swap3A_1444], %add3A_1442 {strides = array<i32>} : memref<1024x128xf32, #tpu.memory_space<vmem>>, vector<128x128xf32>,
    %scan3A_1446 = arith.constant 69 : i32
    %mul3A_1447 = arith.constant 128 : i32
    %mul3A_1448 = arith.muli %arg0, %mul3A_1447 : i32
    %add3A_1449 = arith.addi %mul3A_1448, %scan3A_1446 : i32
    %get3A_1450 = arith.constant 0 : index
    %get3A_1451 = arith.index_cast %add3A_1449 : i32 to index
    %get3A_1452 = memref.load %arg1[%get3A_1450, %get3A_1451] : memref<1x1024xi32, #tpu.memory_space<smem>>
    %mul3A_1453 = arith.constant 128 : i32
    %mul3A_1454 = arith.muli %get3A_1452, %mul3A_1453 : i32
    %get3A_1455 = arith.index_cast %mul3A_1454 : i32 to index
    %get3A_1456 = arith.constant 0 : index
    %get3A_1457 = vector.load %arg3[%get3A_1455, %get3A_1456] : memref<1024x128xf32, #tpu.memory_space<vmem>>, vector<128x128xf32>
    %mul3A_1458 = arith.constant 128 : i32
    %mul3A_1459 = arith.muli %scan3A_1446, %mul3A_1458 : i32
    %get3A_1460 = arith.index_cast %mul3A_1459 : i32 to index
    %get3A_1461 = arith.constant 0 : index
    %get3A_1462 = vector.load %arg2[%get3A_1460, %get3A_1461] : memref<16384x128xf32, #tpu.memory_space<vmem>>, vector<128x128xf32>
    %add3A_1463 = arith.addf %get3A_1457, %get3A_1462 : vector<128x128xf32>
    %swap3A_1464 = arith.index_cast %mul3A_1454 : i32 to index
    %swap3A_1465 = arith.constant 0 : index
    %swap3A_1466 = vector.load %arg3[%swap3A_1464, %swap3A_1465] : memref<1024x128xf32, #tpu.memory_space<vmem>>, vector<128x128xf32>
    tpu.vector_store %arg3[%swap3A_1464, %swap3A_1465], %add3A_1463 {strides = array<i32>} : memref<1024x128xf32, #tpu.memory_space<vmem>>, vector<128x128xf32>,
    %scan3A_1467 = arith.constant 70 : i32
    %mul3A_1468 = arith.constant 128 : i32
    %mul3A_1469 = arith.muli %arg0, %mul3A_1468 : i32
    %add3A_1470 = arith.addi %mul3A_1469, %scan3A_1467 : i32
    %get3A_1471 = arith.constant 0 : index
    %get3A_1472 = arith.index_cast %add3A_1470 : i32 to index
    %get3A_1473 = memref.load %arg1[%get3A_1471, %get3A_1472] : memref<1x1024xi32, #tpu.memory_space<smem>>
    %mul3A_1474 = arith.constant 128 : i32
    %mul3A_1475 = arith.muli %get3A_1473, %mul3A_1474 : i32
    %get3A_1476 = arith.index_cast %mul3A_1475 : i32 to index
    %get3A_1477 = arith.constant 0 : index
    %get3A_1478 = vector.load %arg3[%get3A_1476, %get3A_1477] : memref<1024x128xf32, #tpu.memory_space<vmem>>, vector<128x128xf32>
    %mul3A_1479 = arith.constant 128 : i32
    %mul3A_1480 = arith.muli %scan3A_1467, %mul3A_1479 : i32
    %get3A_1481 = arith.index_cast %mul3A_1480 : i32 to index
    %get3A_1482 = arith.constant 0 : index
    %get3A_1483 = vector.load %arg2[%get3A_1481, %get3A_1482] : memref<16384x128xf32, #tpu.memory_space<vmem>>, vector<128x128xf32>
    %add3A_1484 = arith.addf %get3A_1478, %get3A_1483 : vector<128x128xf32>
    %swap3A_1485 = arith.index_cast %mul3A_1475 : i32 to index
    %swap3A_1486 = arith.constant 0 : index
    %swap3A_1487 = vector.load %arg3[%swap3A_1485, %swap3A_1486] : memref<1024x128xf32, #tpu.memory_space<vmem>>, vector<128x128xf32>
    tpu.vector_store %arg3[%swap3A_1485, %swap3A_1486], %add3A_1484 {strides = array<i32>} : memref<1024x128xf32, #tpu.memory_space<vmem>>, vector<128x128xf32>,
    %scan3A_1488 = arith.constant 71 : i32
    %mul3A_1489 = arith.constant 128 : i32
    %mul3A_1490 = arith.muli %arg0, %mul3A_1489 : i32
    %add3A_1491 = arith.addi %mul3A_1490, %scan3A_1488 : i32
    %get3A_1492 = arith.constant 0 : index
    %get3A_1493 = arith.index_cast %add3A_1491 : i32 to index
    %get3A_1494 = memref.load %arg1[%get3A_1492, %get3A_1493] : memref<1x1024xi32, #tpu.memory_space<smem>>
    %mul3A_1495 = arith.constant 128 : i32
    %mul3A_1496 = arith.muli %get3A_1494, %mul3A_1495 : i32
    %get3A_1497 = arith.index_cast %mul3A_1496 : i32 to index
    %get3A_1498 = arith.constant 0 : index
    %get3A_1499 = vector.load %arg3[%get3A_1497, %get3A_1498] : memref<1024x128xf32, #tpu.memory_space<vmem>>, vector<128x128xf32>
    %mul3A_1500 = arith.constant 128 : i32
    %mul3A_1501 = arith.muli %scan3A_1488, %mul3A_1500 : i32
    %get3A_1502 = arith.index_cast %mul3A_1501 : i32 to index
    %get3A_1503 = arith.constant 0 : index
    %get3A_1504 = vector.load %arg2[%get3A_1502, %get3A_1503] : memref<16384x128xf32, #tpu.memory_space<vmem>>, vector<128x128xf32>
    %add3A_1505 = arith.addf %get3A_1499, %get3A_1504 : vector<128x128xf32>
    %swap3A_1506 = arith.index_cast %mul3A_1496 : i32 to index
    %swap3A_1507 = arith.constant 0 : index
    %swap3A_1508 = vector.load %arg3[%swap3A_1506, %swap3A_1507] : memref<1024x128xf32, #tpu.memory_space<vmem>>, vector<128x128xf32>
    tpu.vector_store %arg3[%swap3A_1506, %swap3A_1507], %add3A_1505 {strides = array<i32>} : memref<1024x128xf32, #tpu.memory_space<vmem>>, vector<128x128xf32>,
    %scan3A_1509 = arith.constant 72 : i32
    %mul3A_1510 = arith.constant 128 : i32
    %mul3A_1511 = arith.muli %arg0, %mul3A_1510 : i32
    %add3A_1512 = arith.addi %mul3A_1511, %scan3A_1509 : i32
    %get3A_1513 = arith.constant 0 : index
    %get3A_1514 = arith.index_cast %add3A_1512 : i32 to index
    %get3A_1515 = memref.load %arg1[%get3A_1513, %get3A_1514] : memref<1x1024xi32, #tpu.memory_space<smem>>
    %mul3A_1516 = arith.constant 128 : i32
    %mul3A_1517 = arith.muli %get3A_1515, %mul3A_1516 : i32
    %get3A_1518 = arith.index_cast %mul3A_1517 : i32 to index
    %get3A_1519 = arith.constant 0 : index
    %get3A_1520 = vector.load %arg3[%get3A_1518, %get3A_1519] : memref<1024x128xf32, #tpu.memory_space<vmem>>, vector<128x128xf32>
    %mul3A_1521 = arith.constant 128 : i32
    %mul3A_1522 = arith.muli %scan3A_1509, %mul3A_1521 : i32
    %get3A_1523 = arith.index_cast %mul3A_1522 : i32 to index
    %get3A_1524 = arith.constant 0 : index
    %get3A_1525 = vector.load %arg2[%get3A_1523, %get3A_1524] : memref<16384x128xf32, #tpu.memory_space<vmem>>, vector<128x128xf32>
    %add3A_1526 = arith.addf %get3A_1520, %get3A_1525 : vector<128x128xf32>
    %swap3A_1527 = arith.index_cast %mul3A_1517 : i32 to index
    %swap3A_1528 = arith.constant 0 : index
    %swap3A_1529 = vector.load %arg3[%swap3A_1527, %swap3A_1528] : memref<1024x128xf32, #tpu.memory_space<vmem>>, vector<128x128xf32>
    tpu.vector_store %arg3[%swap3A_1527, %swap3A_1528], %add3A_1526 {strides = array<i32>} : memref<1024x128xf32, #tpu.memory_space<vmem>>, vector<128x128xf32>,
    %scan3A_1530 = arith.constant 73 : i32
    %mul3A_1531 = arith.constant 128 : i32
    %mul3A_1532 = arith.muli %arg0, %mul3A_1531 : i32
    %add3A_1533 = arith.addi %mul3A_1532, %scan3A_1530 : i32
    %get3A_1534 = arith.constant 0 : index
    %get3A_1535 = arith.index_cast %add3A_1533 : i32 to index
    %get3A_1536 = memref.load %arg1[%get3A_1534, %get3A_1535] : memref<1x1024xi32, #tpu.memory_space<smem>>
    %mul3A_1537 = arith.constant 128 : i32
    %mul3A_1538 = arith.muli %get3A_1536, %mul3A_1537 : i32
    %get3A_1539 = arith.index_cast %mul3A_1538 : i32 to index
    %get3A_1540 = arith.constant 0 : index
    %get3A_1541 = vector.load %arg3[%get3A_1539, %get3A_1540] : memref<1024x128xf32, #tpu.memory_space<vmem>>, vector<128x128xf32>
    %mul3A_1542 = arith.constant 128 : i32
    %mul3A_1543 = arith.muli %scan3A_1530, %mul3A_1542 : i32
    %get3A_1544 = arith.index_cast %mul3A_1543 : i32 to index
    %get3A_1545 = arith.constant 0 : index
    %get3A_1546 = vector.load %arg2[%get3A_1544, %get3A_1545] : memref<16384x128xf32, #tpu.memory_space<vmem>>, vector<128x128xf32>
    %add3A_1547 = arith.addf %get3A_1541, %get3A_1546 : vector<128x128xf32>
    %swap3A_1548 = arith.index_cast %mul3A_1538 : i32 to index
    %swap3A_1549 = arith.constant 0 : index
    %swap3A_1550 = vector.load %arg3[%swap3A_1548, %swap3A_1549] : memref<1024x128xf32, #tpu.memory_space<vmem>>, vector<128x128xf32>
    tpu.vector_store %arg3[%swap3A_1548, %swap3A_1549], %add3A_1547 {strides = array<i32>} : memref<1024x128xf32, #tpu.memory_space<vmem>>, vector<128x128xf32>,
    %scan3A_1551 = arith.constant 74 : i32
    %mul3A_1552 = arith.constant 128 : i32
    %mul3A_1553 = arith.muli %arg0, %mul3A_1552 : i32
    %add3A_1554 = arith.addi %mul3A_1553, %scan3A_1551 : i32
    %get3A_1555 = arith.constant 0 : index
    %get3A_1556 = arith.index_cast %add3A_1554 : i32 to index
    %get3A_1557 = memref.load %arg1[%get3A_1555, %get3A_1556] : memref<1x1024xi32, #tpu.memory_space<smem>>
    %mul3A_1558 = arith.constant 128 : i32
    %mul3A_1559 = arith.muli %get3A_1557, %mul3A_1558 : i32
    %get3A_1560 = arith.index_cast %mul3A_1559 : i32 to index
    %get3A_1561 = arith.constant 0 : index
    %get3A_1562 = vector.load %arg3[%get3A_1560, %get3A_1561] : memref<1024x128xf32, #tpu.memory_space<vmem>>, vector<128x128xf32>
    %mul3A_1563 = arith.constant 128 : i32
    %mul3A_1564 = arith.muli %scan3A_1551, %mul3A_1563 : i32
    %get3A_1565 = arith.index_cast %mul3A_1564 : i32 to index
    %get3A_1566 = arith.constant 0 : index
    %get3A_1567 = vector.load %arg2[%get3A_1565, %get3A_1566] : memref<16384x128xf32, #tpu.memory_space<vmem>>, vector<128x128xf32>
    %add3A_1568 = arith.addf %get3A_1562, %get3A_1567 : vector<128x128xf32>
    %swap3A_1569 = arith.index_cast %mul3A_1559 : i32 to index
    %swap3A_1570 = arith.constant 0 : index
    %swap3A_1571 = vector.load %arg3[%swap3A_1569, %swap3A_1570] : memref<1024x128xf32, #tpu.memory_space<vmem>>, vector<128x128xf32>
    tpu.vector_store %arg3[%swap3A_1569, %swap3A_1570], %add3A_1568 {strides = array<i32>} : memref<1024x128xf32, #tpu.memory_space<vmem>>, vector<128x128xf32>,
    %scan3A_1572 = arith.constant 75 : i32
    %mul3A_1573 = arith.constant 128 : i32
    %mul3A_1574 = arith.muli %arg0, %mul3A_1573 : i32
    %add3A_1575 = arith.addi %mul3A_1574, %scan3A_1572 : i32
    %get3A_1576 = arith.constant 0 : index
    %get3A_1577 = arith.index_cast %add3A_1575 : i32 to index
    %get3A_1578 = memref.load %arg1[%get3A_1576, %get3A_1577] : memref<1x1024xi32, #tpu.memory_space<smem>>
    %mul3A_1579 = arith.constant 128 : i32
    %mul3A_1580 = arith.muli %get3A_1578, %mul3A_1579 : i32
    %get3A_1581 = arith.index_cast %mul3A_1580 : i32 to index
    %get3A_1582 = arith.constant 0 : index
    %get3A_1583 = vector.load %arg3[%get3A_1581, %get3A_1582] : memref<1024x128xf32, #tpu.memory_space<vmem>>, vector<128x128xf32>
    %mul3A_1584 = arith.constant 128 : i32
    %mul3A_1585 = arith.muli %scan3A_1572, %mul3A_1584 : i32
    %get3A_1586 = arith.index_cast %mul3A_1585 : i32 to index
    %get3A_1587 = arith.constant 0 : index
    %get3A_1588 = vector.load %arg2[%get3A_1586, %get3A_1587] : memref<16384x128xf32, #tpu.memory_space<vmem>>, vector<128x128xf32>
    %add3A_1589 = arith.addf %get3A_1583, %get3A_1588 : vector<128x128xf32>
    %swap3A_1590 = arith.index_cast %mul3A_1580 : i32 to index
    %swap3A_1591 = arith.constant 0 : index
    %swap3A_1592 = vector.load %arg3[%swap3A_1590, %swap3A_1591] : memref<1024x128xf32, #tpu.memory_space<vmem>>, vector<128x128xf32>
    tpu.vector_store %arg3[%swap3A_1590, %swap3A_1591], %add3A_1589 {strides = array<i32>} : memref<1024x128xf32, #tpu.memory_space<vmem>>, vector<128x128xf32>,
    %scan3A_1593 = arith.constant 76 : i32
    %mul3A_1594 = arith.constant 128 : i32
    %mul3A_1595 = arith.muli %arg0, %mul3A_1594 : i32
    %add3A_1596 = arith.addi %mul3A_1595, %scan3A_1593 : i32
    %get3A_1597 = arith.constant 0 : index
    %get3A_1598 = arith.index_cast %add3A_1596 : i32 to index
    %get3A_1599 = memref.load %arg1[%get3A_1597, %get3A_1598] : memref<1x1024xi32, #tpu.memory_space<smem>>
    %mul3A_1600 = arith.constant 128 : i32
    %mul3A_1601 = arith.muli %get3A_1599, %mul3A_1600 : i32
    %get3A_1602 = arith.index_cast %mul3A_1601 : i32 to index
    %get3A_1603 = arith.constant 0 : index
    %get3A_1604 = vector.load %arg3[%get3A_1602, %get3A_1603] : memref<1024x128xf32, #tpu.memory_space<vmem>>, vector<128x128xf32>
    %mul3A_1605 = arith.constant 128 : i32
    %mul3A_1606 = arith.muli %scan3A_1593, %mul3A_1605 : i32
    %get3A_1607 = arith.index_cast %mul3A_1606 : i32 to index
    %get3A_1608 = arith.constant 0 : index
    %get3A_1609 = vector.load %arg2[%get3A_1607, %get3A_1608] : memref<16384x128xf32, #tpu.memory_space<vmem>>, vector<128x128xf32>
    %add3A_1610 = arith.addf %get3A_1604, %get3A_1609 : vector<128x128xf32>
    %swap3A_1611 = arith.index_cast %mul3A_1601 : i32 to index
    %swap3A_1612 = arith.constant 0 : index
    %swap3A_1613 = vector.load %arg3[%swap3A_1611, %swap3A_1612] : memref<1024x128xf32, #tpu.memory_space<vmem>>, vector<128x128xf32>
    tpu.vector_store %arg3[%swap3A_1611, %swap3A_1612], %add3A_1610 {strides = array<i32>} : memref<1024x128xf32, #tpu.memory_space<vmem>>, vector<128x128xf32>,
    %scan3A_1614 = arith.constant 77 : i32
    %mul3A_1615 = arith.constant 128 : i32
    %mul3A_1616 = arith.muli %arg0, %mul3A_1615 : i32
    %add3A_1617 = arith.addi %mul3A_1616, %scan3A_1614 : i32
    %get3A_1618 = arith.constant 0 : index
    %get3A_1619 = arith.index_cast %add3A_1617 : i32 to index
    %get3A_1620 = memref.load %arg1[%get3A_1618, %get3A_1619] : memref<1x1024xi32, #tpu.memory_space<smem>>
    %mul3A_1621 = arith.constant 128 : i32
    %mul3A_1622 = arith.muli %get3A_1620, %mul3A_1621 : i32
    %get3A_1623 = arith.index_cast %mul3A_1622 : i32 to index
    %get3A_1624 = arith.constant 0 : index
    %get3A_1625 = vector.load %arg3[%get3A_1623, %get3A_1624] : memref<1024x128xf32, #tpu.memory_space<vmem>>, vector<128x128xf32>
    %mul3A_1626 = arith.constant 128 : i32
    %mul3A_1627 = arith.muli %scan3A_1614, %mul3A_1626 : i32
    %get3A_1628 = arith.index_cast %mul3A_1627 : i32 to index
    %get3A_1629 = arith.constant 0 : index
    %get3A_1630 = vector.load %arg2[%get3A_1628, %get3A_1629] : memref<16384x128xf32, #tpu.memory_space<vmem>>, vector<128x128xf32>
    %add3A_1631 = arith.addf %get3A_1625, %get3A_1630 : vector<128x128xf32>
    %swap3A_1632 = arith.index_cast %mul3A_1622 : i32 to index
    %swap3A_1633 = arith.constant 0 : index
    %swap3A_1634 = vector.load %arg3[%swap3A_1632, %swap3A_1633] : memref<1024x128xf32, #tpu.memory_space<vmem>>, vector<128x128xf32>
    tpu.vector_store %arg3[%swap3A_1632, %swap3A_1633], %add3A_1631 {strides = array<i32>} : memref<1024x128xf32, #tpu.memory_space<vmem>>, vector<128x128xf32>,
    %scan3A_1635 = arith.constant 78 : i32
    %mul3A_1636 = arith.constant 128 : i32
    %mul3A_1637 = arith.muli %arg0, %mul3A_1636 : i32
    %add3A_1638 = arith.addi %mul3A_1637, %scan3A_1635 : i32
    %get3A_1639 = arith.constant 0 : index
    %get3A_1640 = arith.index_cast %add3A_1638 : i32 to index
    %get3A_1641 = memref.load %arg1[%get3A_1639, %get3A_1640] : memref<1x1024xi32, #tpu.memory_space<smem>>
    %mul3A_1642 = arith.constant 128 : i32
    %mul3A_1643 = arith.muli %get3A_1641, %mul3A_1642 : i32
    %get3A_1644 = arith.index_cast %mul3A_1643 : i32 to index
    %get3A_1645 = arith.constant 0 : index
    %get3A_1646 = vector.load %arg3[%get3A_1644, %get3A_1645] : memref<1024x128xf32, #tpu.memory_space<vmem>>, vector<128x128xf32>
    %mul3A_1647 = arith.constant 128 : i32
    %mul3A_1648 = arith.muli %scan3A_1635, %mul3A_1647 : i32
    %get3A_1649 = arith.index_cast %mul3A_1648 : i32 to index
    %get3A_1650 = arith.constant 0 : index
    %get3A_1651 = vector.load %arg2[%get3A_1649, %get3A_1650] : memref<16384x128xf32, #tpu.memory_space<vmem>>, vector<128x128xf32>
    %add3A_1652 = arith.addf %get3A_1646, %get3A_1651 : vector<128x128xf32>
    %swap3A_1653 = arith.index_cast %mul3A_1643 : i32 to index
    %swap3A_1654 = arith.constant 0 : index
    %swap3A_1655 = vector.load %arg3[%swap3A_1653, %swap3A_1654] : memref<1024x128xf32, #tpu.memory_space<vmem>>, vector<128x128xf32>
    tpu.vector_store %arg3[%swap3A_1653, %swap3A_1654], %add3A_1652 {strides = array<i32>} : memref<1024x128xf32, #tpu.memory_space<vmem>>, vector<128x128xf32>,
    %scan3A_1656 = arith.constant 79 : i32
    %mul3A_1657 = arith.constant 128 : i32
    %mul3A_1658 = arith.muli %arg0, %mul3A_1657 : i32
    %add3A_1659 = arith.addi %mul3A_1658, %scan3A_1656 : i32
    %get3A_1660 = arith.constant 0 : index
    %get3A_1661 = arith.index_cast %add3A_1659 : i32 to index
    %get3A_1662 = memref.load %arg1[%get3A_1660, %get3A_1661] : memref<1x1024xi32, #tpu.memory_space<smem>>
    %mul3A_1663 = arith.constant 128 : i32
    %mul3A_1664 = arith.muli %get3A_1662, %mul3A_1663 : i32
    %get3A_1665 = arith.index_cast %mul3A_1664 : i32 to index
    %get3A_1666 = arith.constant 0 : index
    %get3A_1667 = vector.load %arg3[%get3A_1665, %get3A_1666] : memref<1024x128xf32, #tpu.memory_space<vmem>>, vector<128x128xf32>
    %mul3A_1668 = arith.constant 128 : i32
    %mul3A_1669 = arith.muli %scan3A_1656, %mul3A_1668 : i32
    %get3A_1670 = arith.index_cast %mul3A_1669 : i32 to index
    %get3A_1671 = arith.constant 0 : index
    %get3A_1672 = vector.load %arg2[%get3A_1670, %get3A_1671] : memref<16384x128xf32, #tpu.memory_space<vmem>>, vector<128x128xf32>
    %add3A_1673 = arith.addf %get3A_1667, %get3A_1672 : vector<128x128xf32>
    %swap3A_1674 = arith.index_cast %mul3A_1664 : i32 to index
    %swap3A_1675 = arith.constant 0 : index
    %swap3A_1676 = vector.load %arg3[%swap3A_1674, %swap3A_1675] : memref<1024x128xf32, #tpu.memory_space<vmem>>, vector<128x128xf32>
    tpu.vector_store %arg3[%swap3A_1674, %swap3A_1675], %add3A_1673 {strides = array<i32>} : memref<1024x128xf32, #tpu.memory_space<vmem>>, vector<128x128xf32>,
    %scan3A_1677 = arith.constant 80 : i32
    %mul3A_1678 = arith.constant 128 : i32
    %mul3A_1679 = arith.muli %arg0, %mul3A_1678 : i32
    %add3A_1680 = arith.addi %mul3A_1679, %scan3A_1677 : i32
    %get3A_1681 = arith.constant 0 : index
    %get3A_1682 = arith.index_cast %add3A_1680 : i32 to index
    %get3A_1683 = memref.load %arg1[%get3A_1681, %get3A_1682] : memref<1x1024xi32, #tpu.memory_space<smem>>
    %mul3A_1684 = arith.constant 128 : i32
    %mul3A_1685 = arith.muli %get3A_1683, %mul3A_1684 : i32
    %get3A_1686 = arith.index_cast %mul3A_1685 : i32 to index
    %get3A_1687 = arith.constant 0 : index
    %get3A_1688 = vector.load %arg3[%get3A_1686, %get3A_1687] : memref<1024x128xf32, #tpu.memory_space<vmem>>, vector<128x128xf32>
    %mul3A_1689 = arith.constant 128 : i32
    %mul3A_1690 = arith.muli %scan3A_1677, %mul3A_1689 : i32
    %get3A_1691 = arith.index_cast %mul3A_1690 : i32 to index
    %get3A_1692 = arith.constant 0 : index
    %get3A_1693 = vector.load %arg2[%get3A_1691, %get3A_1692] : memref<16384x128xf32, #tpu.memory_space<vmem>>, vector<128x128xf32>
    %add3A_1694 = arith.addf %get3A_1688, %get3A_1693 : vector<128x128xf32>
    %swap3A_1695 = arith.index_cast %mul3A_1685 : i32 to index
    %swap3A_1696 = arith.constant 0 : index
    %swap3A_1697 = vector.load %arg3[%swap3A_1695, %swap3A_1696] : memref<1024x128xf32, #tpu.memory_space<vmem>>, vector<128x128xf32>
    tpu.vector_store %arg3[%swap3A_1695, %swap3A_1696], %add3A_1694 {strides = array<i32>} : memref<1024x128xf32, #tpu.memory_space<vmem>>, vector<128x128xf32>,
    %scan3A_1698 = arith.constant 81 : i32
    %mul3A_1699 = arith.constant 128 : i32
    %mul3A_1700 = arith.muli %arg0, %mul3A_1699 : i32
    %add3A_1701 = arith.addi %mul3A_1700, %scan3A_1698 : i32
    %get3A_1702 = arith.constant 0 : index
    %get3A_1703 = arith.index_cast %add3A_1701 : i32 to index
    %get3A_1704 = memref.load %arg1[%get3A_1702, %get3A_1703] : memref<1x1024xi32, #tpu.memory_space<smem>>
    %mul3A_1705 = arith.constant 128 : i32
    %mul3A_1706 = arith.muli %get3A_1704, %mul3A_1705 : i32
    %get3A_1707 = arith.index_cast %mul3A_1706 : i32 to index
    %get3A_1708 = arith.constant 0 : index
    %get3A_1709 = vector.load %arg3[%get3A_1707, %get3A_1708] : memref<1024x128xf32, #tpu.memory_space<vmem>>, vector<128x128xf32>
    %mul3A_1710 = arith.constant 128 : i32
    %mul3A_1711 = arith.muli %scan3A_1698, %mul3A_1710 : i32
    %get3A_1712 = arith.index_cast %mul3A_1711 : i32 to index
    %get3A_1713 = arith.constant 0 : index
    %get3A_1714 = vector.load %arg2[%get3A_1712, %get3A_1713] : memref<16384x128xf32, #tpu.memory_space<vmem>>, vector<128x128xf32>
    %add3A_1715 = arith.addf %get3A_1709, %get3A_1714 : vector<128x128xf32>
    %swap3A_1716 = arith.index_cast %mul3A_1706 : i32 to index
    %swap3A_1717 = arith.constant 0 : index
    %swap3A_1718 = vector.load %arg3[%swap3A_1716, %swap3A_1717] : memref<1024x128xf32, #tpu.memory_space<vmem>>, vector<128x128xf32>
    tpu.vector_store %arg3[%swap3A_1716, %swap3A_1717], %add3A_1715 {strides = array<i32>} : memref<1024x128xf32, #tpu.memory_space<vmem>>, vector<128x128xf32>,
    %scan3A_1719 = arith.constant 82 : i32
    %mul3A_1720 = arith.constant 128 : i32
    %mul3A_1721 = arith.muli %arg0, %mul3A_1720 : i32
    %add3A_1722 = arith.addi %mul3A_1721, %scan3A_1719 : i32
    %get3A_1723 = arith.constant 0 : index
    %get3A_1724 = arith.index_cast %add3A_1722 : i32 to index
    %get3A_1725 = memref.load %arg1[%get3A_1723, %get3A_1724] : memref<1x1024xi32, #tpu.memory_space<smem>>
    %mul3A_1726 = arith.constant 128 : i32
    %mul3A_1727 = arith.muli %get3A_1725, %mul3A_1726 : i32
    %get3A_1728 = arith.index_cast %mul3A_1727 : i32 to index
    %get3A_1729 = arith.constant 0 : index
    %get3A_1730 = vector.load %arg3[%get3A_1728, %get3A_1729] : memref<1024x128xf32, #tpu.memory_space<vmem>>, vector<128x128xf32>
    %mul3A_1731 = arith.constant 128 : i32
    %mul3A_1732 = arith.muli %scan3A_1719, %mul3A_1731 : i32
    %get3A_1733 = arith.index_cast %mul3A_1732 : i32 to index
    %get3A_1734 = arith.constant 0 : index
    %get3A_1735 = vector.load %arg2[%get3A_1733, %get3A_1734] : memref<16384x128xf32, #tpu.memory_space<vmem>>, vector<128x128xf32>
    %add3A_1736 = arith.addf %get3A_1730, %get3A_1735 : vector<128x128xf32>
    %swap3A_1737 = arith.index_cast %mul3A_1727 : i32 to index
    %swap3A_1738 = arith.constant 0 : index
    %swap3A_1739 = vector.load %arg3[%swap3A_1737, %swap3A_1738] : memref<1024x128xf32, #tpu.memory_space<vmem>>, vector<128x128xf32>
    tpu.vector_store %arg3[%swap3A_1737, %swap3A_1738], %add3A_1736 {strides = array<i32>} : memref<1024x128xf32, #tpu.memory_space<vmem>>, vector<128x128xf32>,
    %scan3A_1740 = arith.constant 83 : i32
    %mul3A_1741 = arith.constant 128 : i32
    %mul3A_1742 = arith.muli %arg0, %mul3A_1741 : i32
    %add3A_1743 = arith.addi %mul3A_1742, %scan3A_1740 : i32
    %get3A_1744 = arith.constant 0 : index
    %get3A_1745 = arith.index_cast %add3A_1743 : i32 to index
    %get3A_1746 = memref.load %arg1[%get3A_1744, %get3A_1745] : memref<1x1024xi32, #tpu.memory_space<smem>>
    %mul3A_1747 = arith.constant 128 : i32
    %mul3A_1748 = arith.muli %get3A_1746, %mul3A_1747 : i32
    %get3A_1749 = arith.index_cast %mul3A_1748 : i32 to index
    %get3A_1750 = arith.constant 0 : index
    %get3A_1751 = vector.load %arg3[%get3A_1749, %get3A_1750] : memref<1024x128xf32, #tpu.memory_space<vmem>>, vector<128x128xf32>
    %mul3A_1752 = arith.constant 128 : i32
    %mul3A_1753 = arith.muli %scan3A_1740, %mul3A_1752 : i32
    %get3A_1754 = arith.index_cast %mul3A_1753 : i32 to index
    %get3A_1755 = arith.constant 0 : index
    %get3A_1756 = vector.load %arg2[%get3A_1754, %get3A_1755] : memref<16384x128xf32, #tpu.memory_space<vmem>>, vector<128x128xf32>
    %add3A_1757 = arith.addf %get3A_1751, %get3A_1756 : vector<128x128xf32>
    %swap3A_1758 = arith.index_cast %mul3A_1748 : i32 to index
    %swap3A_1759 = arith.constant 0 : index
    %swap3A_1760 = vector.load %arg3[%swap3A_1758, %swap3A_1759] : memref<1024x128xf32, #tpu.memory_space<vmem>>, vector<128x128xf32>
    tpu.vector_store %arg3[%swap3A_1758, %swap3A_1759], %add3A_1757 {strides = array<i32>} : memref<1024x128xf32, #tpu.memory_space<vmem>>, vector<128x128xf32>,
    %scan3A_1761 = arith.constant 84 : i32
    %mul3A_1762 = arith.constant 128 : i32
    %mul3A_1763 = arith.muli %arg0, %mul3A_1762 : i32
    %add3A_1764 = arith.addi %mul3A_1763, %scan3A_1761 : i32
    %get3A_1765 = arith.constant 0 : index
    %get3A_1766 = arith.index_cast %add3A_1764 : i32 to index
    %get3A_1767 = memref.load %arg1[%get3A_1765, %get3A_1766] : memref<1x1024xi32, #tpu.memory_space<smem>>
    %mul3A_1768 = arith.constant 128 : i32
    %mul3A_1769 = arith.muli %get3A_1767, %mul3A_1768 : i32
    %get3A_1770 = arith.index_cast %mul3A_1769 : i32 to index
    %get3A_1771 = arith.constant 0 : index
    %get3A_1772 = vector.load %arg3[%get3A_1770, %get3A_1771] : memref<1024x128xf32, #tpu.memory_space<vmem>>, vector<128x128xf32>
    %mul3A_1773 = arith.constant 128 : i32
    %mul3A_1774 = arith.muli %scan3A_1761, %mul3A_1773 : i32
    %get3A_1775 = arith.index_cast %mul3A_1774 : i32 to index
    %get3A_1776 = arith.constant 0 : index
    %get3A_1777 = vector.load %arg2[%get3A_1775, %get3A_1776] : memref<16384x128xf32, #tpu.memory_space<vmem>>, vector<128x128xf32>
    %add3A_1778 = arith.addf %get3A_1772, %get3A_1777 : vector<128x128xf32>
    %swap3A_1779 = arith.index_cast %mul3A_1769 : i32 to index
    %swap3A_1780 = arith.constant 0 : index
    %swap3A_1781 = vector.load %arg3[%swap3A_1779, %swap3A_1780] : memref<1024x128xf32, #tpu.memory_space<vmem>>, vector<128x128xf32>
    tpu.vector_store %arg3[%swap3A_1779, %swap3A_1780], %add3A_1778 {strides = array<i32>} : memref<1024x128xf32, #tpu.memory_space<vmem>>, vector<128x128xf32>,
    %scan3A_1782 = arith.constant 85 : i32
    %mul3A_1783 = arith.constant 128 : i32
    %mul3A_1784 = arith.muli %arg0, %mul3A_1783 : i32
    %add3A_1785 = arith.addi %mul3A_1784, %scan3A_1782 : i32
    %get3A_1786 = arith.constant 0 : index
    %get3A_1787 = arith.index_cast %add3A_1785 : i32 to index
    %get3A_1788 = memref.load %arg1[%get3A_1786, %get3A_1787] : memref<1x1024xi32, #tpu.memory_space<smem>>
    %mul3A_1789 = arith.constant 128 : i32
    %mul3A_1790 = arith.muli %get3A_1788, %mul3A_1789 : i32
    %get3A_1791 = arith.index_cast %mul3A_1790 : i32 to index
    %get3A_1792 = arith.constant 0 : index
    %get3A_1793 = vector.load %arg3[%get3A_1791, %get3A_1792] : memref<1024x128xf32, #tpu.memory_space<vmem>>, vector<128x128xf32>
    %mul3A_1794 = arith.constant 128 : i32
    %mul3A_1795 = arith.muli %scan3A_1782, %mul3A_1794 : i32
    %get3A_1796 = arith.index_cast %mul3A_1795 : i32 to index
    %get3A_1797 = arith.constant 0 : index
    %get3A_1798 = vector.load %arg2[%get3A_1796, %get3A_1797] : memref<16384x128xf32, #tpu.memory_space<vmem>>, vector<128x128xf32>
    %add3A_1799 = arith.addf %get3A_1793, %get3A_1798 : vector<128x128xf32>
    %swap3A_1800 = arith.index_cast %mul3A_1790 : i32 to index
    %swap3A_1801 = arith.constant 0 : index
    %swap3A_1802 = vector.load %arg3[%swap3A_1800, %swap3A_1801] : memref<1024x128xf32, #tpu.memory_space<vmem>>, vector<128x128xf32>
    tpu.vector_store %arg3[%swap3A_1800, %swap3A_1801], %add3A_1799 {strides = array<i32>} : memref<1024x128xf32, #tpu.memory_space<vmem>>, vector<128x128xf32>,
    %scan3A_1803 = arith.constant 86 : i32
    %mul3A_1804 = arith.constant 128 : i32
    %mul3A_1805 = arith.muli %arg0, %mul3A_1804 : i32
    %add3A_1806 = arith.addi %mul3A_1805, %scan3A_1803 : i32
    %get3A_1807 = arith.constant 0 : index
    %get3A_1808 = arith.index_cast %add3A_1806 : i32 to index
    %get3A_1809 = memref.load %arg1[%get3A_1807, %get3A_1808] : memref<1x1024xi32, #tpu.memory_space<smem>>
    %mul3A_1810 = arith.constant 128 : i32
    %mul3A_1811 = arith.muli %get3A_1809, %mul3A_1810 : i32
    %get3A_1812 = arith.index_cast %mul3A_1811 : i32 to index
    %get3A_1813 = arith.constant 0 : index
    %get3A_1814 = vector.load %arg3[%get3A_1812, %get3A_1813] : memref<1024x128xf32, #tpu.memory_space<vmem>>, vector<128x128xf32>
    %mul3A_1815 = arith.constant 128 : i32
    %mul3A_1816 = arith.muli %scan3A_1803, %mul3A_1815 : i32
    %get3A_1817 = arith.index_cast %mul3A_1816 : i32 to index
    %get3A_1818 = arith.constant 0 : index
    %get3A_1819 = vector.load %arg2[%get3A_1817, %get3A_1818] : memref<16384x128xf32, #tpu.memory_space<vmem>>, vector<128x128xf32>
    %add3A_1820 = arith.addf %get3A_1814, %get3A_1819 : vector<128x128xf32>
    %swap3A_1821 = arith.index_cast %mul3A_1811 : i32 to index
    %swap3A_1822 = arith.constant 0 : index
    %swap3A_1823 = vector.load %arg3[%swap3A_1821, %swap3A_1822] : memref<1024x128xf32, #tpu.memory_space<vmem>>, vector<128x128xf32>
    tpu.vector_store %arg3[%swap3A_1821, %swap3A_1822], %add3A_1820 {strides = array<i32>} : memref<1024x128xf32, #tpu.memory_space<vmem>>, vector<128x128xf32>,
    %scan3A_1824 = arith.constant 87 : i32
    %mul3A_1825 = arith.constant 128 : i32
    %mul3A_1826 = arith.muli %arg0, %mul3A_1825 : i32
    %add3A_1827 = arith.addi %mul3A_1826, %scan3A_1824 : i32
    %get3A_1828 = arith.constant 0 : index
    %get3A_1829 = arith.index_cast %add3A_1827 : i32 to index
    %get3A_1830 = memref.load %arg1[%get3A_1828, %get3A_1829] : memref<1x1024xi32, #tpu.memory_space<smem>>
    %mul3A_1831 = arith.constant 128 : i32
    %mul3A_1832 = arith.muli %get3A_1830, %mul3A_1831 : i32
    %get3A_1833 = arith.index_cast %mul3A_1832 : i32 to index
    %get3A_1834 = arith.constant 0 : index
    %get3A_1835 = vector.load %arg3[%get3A_1833, %get3A_1834] : memref<1024x128xf32, #tpu.memory_space<vmem>>, vector<128x128xf32>
    %mul3A_1836 = arith.constant 128 : i32
    %mul3A_1837 = arith.muli %scan3A_1824, %mul3A_1836 : i32
    %get3A_1838 = arith.index_cast %mul3A_1837 : i32 to index
    %get3A_1839 = arith.constant 0 : index
    %get3A_1840 = vector.load %arg2[%get3A_1838, %get3A_1839] : memref<16384x128xf32, #tpu.memory_space<vmem>>, vector<128x128xf32>
    %add3A_1841 = arith.addf %get3A_1835, %get3A_1840 : vector<128x128xf32>
    %swap3A_1842 = arith.index_cast %mul3A_1832 : i32 to index
    %swap3A_1843 = arith.constant 0 : index
    %swap3A_1844 = vector.load %arg3[%swap3A_1842, %swap3A_1843] : memref<1024x128xf32, #tpu.memory_space<vmem>>, vector<128x128xf32>
    tpu.vector_store %arg3[%swap3A_1842, %swap3A_1843], %add3A_1841 {strides = array<i32>} : memref<1024x128xf32, #tpu.memory_space<vmem>>, vector<128x128xf32>,
    %scan3A_1845 = arith.constant 88 : i32
    %mul3A_1846 = arith.constant 128 : i32
    %mul3A_1847 = arith.muli %arg0, %mul3A_1846 : i32
    %add3A_1848 = arith.addi %mul3A_1847, %scan3A_1845 : i32
    %get3A_1849 = arith.constant 0 : index
    %get3A_1850 = arith.index_cast %add3A_1848 : i32 to index
    %get3A_1851 = memref.load %arg1[%get3A_1849, %get3A_1850] : memref<1x1024xi32, #tpu.memory_space<smem>>
    %mul3A_1852 = arith.constant 128 : i32
    %mul3A_1853 = arith.muli %get3A_1851, %mul3A_1852 : i32
    %get3A_1854 = arith.index_cast %mul3A_1853 : i32 to index
    %get3A_1855 = arith.constant 0 : index
    %get3A_1856 = vector.load %arg3[%get3A_1854, %get3A_1855] : memref<1024x128xf32, #tpu.memory_space<vmem>>, vector<128x128xf32>
    %mul3A_1857 = arith.constant 128 : i32
    %mul3A_1858 = arith.muli %scan3A_1845, %mul3A_1857 : i32
    %get3A_1859 = arith.index_cast %mul3A_1858 : i32 to index
    %get3A_1860 = arith.constant 0 : index
    %get3A_1861 = vector.load %arg2[%get3A_1859, %get3A_1860] : memref<16384x128xf32, #tpu.memory_space<vmem>>, vector<128x128xf32>
    %add3A_1862 = arith.addf %get3A_1856, %get3A_1861 : vector<128x128xf32>
    %swap3A_1863 = arith.index_cast %mul3A_1853 : i32 to index
    %swap3A_1864 = arith.constant 0 : index
    %swap3A_1865 = vector.load %arg3[%swap3A_1863, %swap3A_1864] : memref<1024x128xf32, #tpu.memory_space<vmem>>, vector<128x128xf32>
    tpu.vector_store %arg3[%swap3A_1863, %swap3A_1864], %add3A_1862 {strides = array<i32>} : memref<1024x128xf32, #tpu.memory_space<vmem>>, vector<128x128xf32>,
    %scan3A_1866 = arith.constant 89 : i32
    %mul3A_1867 = arith.constant 128 : i32
    %mul3A_1868 = arith.muli %arg0, %mul3A_1867 : i32
    %add3A_1869 = arith.addi %mul3A_1868, %scan3A_1866 : i32
    %get3A_1870 = arith.constant 0 : index
    %get3A_1871 = arith.index_cast %add3A_1869 : i32 to index
    %get3A_1872 = memref.load %arg1[%get3A_1870, %get3A_1871] : memref<1x1024xi32, #tpu.memory_space<smem>>
    %mul3A_1873 = arith.constant 128 : i32
    %mul3A_1874 = arith.muli %get3A_1872, %mul3A_1873 : i32
    %get3A_1875 = arith.index_cast %mul3A_1874 : i32 to index
    %get3A_1876 = arith.constant 0 : index
    %get3A_1877 = vector.load %arg3[%get3A_1875, %get3A_1876] : memref<1024x128xf32, #tpu.memory_space<vmem>>, vector<128x128xf32>
    %mul3A_1878 = arith.constant 128 : i32
    %mul3A_1879 = arith.muli %scan3A_1866, %mul3A_1878 : i32
    %get3A_1880 = arith.index_cast %mul3A_1879 : i32 to index
    %get3A_1881 = arith.constant 0 : index
    %get3A_1882 = vector.load %arg2[%get3A_1880, %get3A_1881] : memref<16384x128xf32, #tpu.memory_space<vmem>>, vector<128x128xf32>
    %add3A_1883 = arith.addf %get3A_1877, %get3A_1882 : vector<128x128xf32>
    %swap3A_1884 = arith.index_cast %mul3A_1874 : i32 to index
    %swap3A_1885 = arith.constant 0 : index
    %swap3A_1886 = vector.load %arg3[%swap3A_1884, %swap3A_1885] : memref<1024x128xf32, #tpu.memory_space<vmem>>, vector<128x128xf32>
    tpu.vector_store %arg3[%swap3A_1884, %swap3A_1885], %add3A_1883 {strides = array<i32>} : memref<1024x128xf32, #tpu.memory_space<vmem>>, vector<128x128xf32>,
    %scan3A_1887 = arith.constant 90 : i32
    %mul3A_1888 = arith.constant 128 : i32
    %mul3A_1889 = arith.muli %arg0, %mul3A_1888 : i32
    %add3A_1890 = arith.addi %mul3A_1889, %scan3A_1887 : i32
    %get3A_1891 = arith.constant 0 : index
    %get3A_1892 = arith.index_cast %add3A_1890 : i32 to index
    %get3A_1893 = memref.load %arg1[%get3A_1891, %get3A_1892] : memref<1x1024xi32, #tpu.memory_space<smem>>
    %mul3A_1894 = arith.constant 128 : i32
    %mul3A_1895 = arith.muli %get3A_1893, %mul3A_1894 : i32
    %get3A_1896 = arith.index_cast %mul3A_1895 : i32 to index
    %get3A_1897 = arith.constant 0 : index
    %get3A_1898 = vector.load %arg3[%get3A_1896, %get3A_1897] : memref<1024x128xf32, #tpu.memory_space<vmem>>, vector<128x128xf32>
    %mul3A_1899 = arith.constant 128 : i32
    %mul3A_1900 = arith.muli %scan3A_1887, %mul3A_1899 : i32
    %get3A_1901 = arith.index_cast %mul3A_1900 : i32 to index
    %get3A_1902 = arith.constant 0 : index
    %get3A_1903 = vector.load %arg2[%get3A_1901, %get3A_1902] : memref<16384x128xf32, #tpu.memory_space<vmem>>, vector<128x128xf32>
    %add3A_1904 = arith.addf %get3A_1898, %get3A_1903 : vector<128x128xf32>
    %swap3A_1905 = arith.index_cast %mul3A_1895 : i32 to index
    %swap3A_1906 = arith.constant 0 : index
    %swap3A_1907 = vector.load %arg3[%swap3A_1905, %swap3A_1906] : memref<1024x128xf32, #tpu.memory_space<vmem>>, vector<128x128xf32>
    tpu.vector_store %arg3[%swap3A_1905, %swap3A_1906], %add3A_1904 {strides = array<i32>} : memref<1024x128xf32, #tpu.memory_space<vmem>>, vector<128x128xf32>,
    %scan3A_1908 = arith.constant 91 : i32
    %mul3A_1909 = arith.constant 128 : i32
    %mul3A_1910 = arith.muli %arg0, %mul3A_1909 : i32
    %add3A_1911 = arith.addi %mul3A_1910, %scan3A_1908 : i32
    %get3A_1912 = arith.constant 0 : index
    %get3A_1913 = arith.index_cast %add3A_1911 : i32 to index
    %get3A_1914 = memref.load %arg1[%get3A_1912, %get3A_1913] : memref<1x1024xi32, #tpu.memory_space<smem>>
    %mul3A_1915 = arith.constant 128 : i32
    %mul3A_1916 = arith.muli %get3A_1914, %mul3A_1915 : i32
    %get3A_1917 = arith.index_cast %mul3A_1916 : i32 to index
    %get3A_1918 = arith.constant 0 : index
    %get3A_1919 = vector.load %arg3[%get3A_1917, %get3A_1918] : memref<1024x128xf32, #tpu.memory_space<vmem>>, vector<128x128xf32>
    %mul3A_1920 = arith.constant 128 : i32
    %mul3A_1921 = arith.muli %scan3A_1908, %mul3A_1920 : i32
    %get3A_1922 = arith.index_cast %mul3A_1921 : i32 to index
    %get3A_1923 = arith.constant 0 : index
    %get3A_1924 = vector.load %arg2[%get3A_1922, %get3A_1923] : memref<16384x128xf32, #tpu.memory_space<vmem>>, vector<128x128xf32>
    %add3A_1925 = arith.addf %get3A_1919, %get3A_1924 : vector<128x128xf32>
    %swap3A_1926 = arith.index_cast %mul3A_1916 : i32 to index
    %swap3A_1927 = arith.constant 0 : index
    %swap3A_1928 = vector.load %arg3[%swap3A_1926, %swap3A_1927] : memref<1024x128xf32, #tpu.memory_space<vmem>>, vector<128x128xf32>
    tpu.vector_store %arg3[%swap3A_1926, %swap3A_1927], %add3A_1925 {strides = array<i32>} : memref<1024x128xf32, #tpu.memory_space<vmem>>, vector<128x128xf32>,
    %scan3A_1929 = arith.constant 92 : i32
    %mul3A_1930 = arith.constant 128 : i32
    %mul3A_1931 = arith.muli %arg0, %mul3A_1930 : i32
    %add3A_1932 = arith.addi %mul3A_1931, %scan3A_1929 : i32
    %get3A_1933 = arith.constant 0 : index
    %get3A_1934 = arith.index_cast %add3A_1932 : i32 to index
    %get3A_1935 = memref.load %arg1[%get3A_1933, %get3A_1934] : memref<1x1024xi32, #tpu.memory_space<smem>>
    %mul3A_1936 = arith.constant 128 : i32
    %mul3A_1937 = arith.muli %get3A_1935, %mul3A_1936 : i32
    %get3A_1938 = arith.index_cast %mul3A_1937 : i32 to index
    %get3A_1939 = arith.constant 0 : index
    %get3A_1940 = vector.load %arg3[%get3A_1938, %get3A_1939] : memref<1024x128xf32, #tpu.memory_space<vmem>>, vector<128x128xf32>
    %mul3A_1941 = arith.constant 128 : i32
    %mul3A_1942 = arith.muli %scan3A_1929, %mul3A_1941 : i32
    %get3A_1943 = arith.index_cast %mul3A_1942 : i32 to index
    %get3A_1944 = arith.constant 0 : index
    %get3A_1945 = vector.load %arg2[%get3A_1943, %get3A_1944] : memref<16384x128xf32, #tpu.memory_space<vmem>>, vector<128x128xf32>
    %add3A_1946 = arith.addf %get3A_1940, %get3A_1945 : vector<128x128xf32>
    %swap3A_1947 = arith.index_cast %mul3A_1937 : i32 to index
    %swap3A_1948 = arith.constant 0 : index
    %swap3A_1949 = vector.load %arg3[%swap3A_1947, %swap3A_1948] : memref<1024x128xf32, #tpu.memory_space<vmem>>, vector<128x128xf32>
    tpu.vector_store %arg3[%swap3A_1947, %swap3A_1948], %add3A_1946 {strides = array<i32>} : memref<1024x128xf32, #tpu.memory_space<vmem>>, vector<128x128xf32>,
    %scan3A_1950 = arith.constant 93 : i32
    %mul3A_1951 = arith.constant 128 : i32
    %mul3A_1952 = arith.muli %arg0, %mul3A_1951 : i32
    %add3A_1953 = arith.addi %mul3A_1952, %scan3A_1950 : i32
    %get3A_1954 = arith.constant 0 : index
    %get3A_1955 = arith.index_cast %add3A_1953 : i32 to index
    %get3A_1956 = memref.load %arg1[%get3A_1954, %get3A_1955] : memref<1x1024xi32, #tpu.memory_space<smem>>
    %mul3A_1957 = arith.constant 128 : i32
    %mul3A_1958 = arith.muli %get3A_1956, %mul3A_1957 : i32
    %get3A_1959 = arith.index_cast %mul3A_1958 : i32 to index
    %get3A_1960 = arith.constant 0 : index
    %get3A_1961 = vector.load %arg3[%get3A_1959, %get3A_1960] : memref<1024x128xf32, #tpu.memory_space<vmem>>, vector<128x128xf32>
    %mul3A_1962 = arith.constant 128 : i32
    %mul3A_1963 = arith.muli %scan3A_1950, %mul3A_1962 : i32
    %get3A_1964 = arith.index_cast %mul3A_1963 : i32 to index
    %get3A_1965 = arith.constant 0 : index
    %get3A_1966 = vector.load %arg2[%get3A_1964, %get3A_1965] : memref<16384x128xf32, #tpu.memory_space<vmem>>, vector<128x128xf32>
    %add3A_1967 = arith.addf %get3A_1961, %get3A_1966 : vector<128x128xf32>
    %swap3A_1968 = arith.index_cast %mul3A_1958 : i32 to index
    %swap3A_1969 = arith.constant 0 : index
    %swap3A_1970 = vector.load %arg3[%swap3A_1968, %swap3A_1969] : memref<1024x128xf32, #tpu.memory_space<vmem>>, vector<128x128xf32>
    tpu.vector_store %arg3[%swap3A_1968, %swap3A_1969], %add3A_1967 {strides = array<i32>} : memref<1024x128xf32, #tpu.memory_space<vmem>>, vector<128x128xf32>,
    %scan3A_1971 = arith.constant 94 : i32
    %mul3A_1972 = arith.constant 128 : i32
    %mul3A_1973 = arith.muli %arg0, %mul3A_1972 : i32
    %add3A_1974 = arith.addi %mul3A_1973, %scan3A_1971 : i32
    %get3A_1975 = arith.constant 0 : index
    %get3A_1976 = arith.index_cast %add3A_1974 : i32 to index
    %get3A_1977 = memref.load %arg1[%get3A_1975, %get3A_1976] : memref<1x1024xi32, #tpu.memory_space<smem>>
    %mul3A_1978 = arith.constant 128 : i32
    %mul3A_1979 = arith.muli %get3A_1977, %mul3A_1978 : i32
    %get3A_1980 = arith.index_cast %mul3A_1979 : i32 to index
    %get3A_1981 = arith.constant 0 : index
    %get3A_1982 = vector.load %arg3[%get3A_1980, %get3A_1981] : memref<1024x128xf32, #tpu.memory_space<vmem>>, vector<128x128xf32>
    %mul3A_1983 = arith.constant 128 : i32
    %mul3A_1984 = arith.muli %scan3A_1971, %mul3A_1983 : i32
    %get3A_1985 = arith.index_cast %mul3A_1984 : i32 to index
    %get3A_1986 = arith.constant 0 : index
    %get3A_1987 = vector.load %arg2[%get3A_1985, %get3A_1986] : memref<16384x128xf32, #tpu.memory_space<vmem>>, vector<128x128xf32>
    %add3A_1988 = arith.addf %get3A_1982, %get3A_1987 : vector<128x128xf32>
    %swap3A_1989 = arith.index_cast %mul3A_1979 : i32 to index
    %swap3A_1990 = arith.constant 0 : index
    %swap3A_1991 = vector.load %arg3[%swap3A_1989, %swap3A_1990] : memref<1024x128xf32, #tpu.memory_space<vmem>>, vector<128x128xf32>
    tpu.vector_store %arg3[%swap3A_1989, %swap3A_1990], %add3A_1988 {strides = array<i32>} : memref<1024x128xf32, #tpu.memory_space<vmem>>, vector<128x128xf32>,
    %scan3A_1992 = arith.constant 95 : i32
    %mul3A_1993 = arith.constant 128 : i32
    %mul3A_1994 = arith.muli %arg0, %mul3A_1993 : i32
    %add3A_1995 = arith.addi %mul3A_1994, %scan3A_1992 : i32
    %get3A_1996 = arith.constant 0 : index
    %get3A_1997 = arith.index_cast %add3A_1995 : i32 to index
    %get3A_1998 = memref.load %arg1[%get3A_1996, %get3A_1997] : memref<1x1024xi32, #tpu.memory_space<smem>>
    %mul3A_1999 = arith.constant 128 : i32
    %mul3A_2000 = arith.muli %get3A_1998, %mul3A_1999 : i32
    %get3A_2001 = arith.index_cast %mul3A_2000 : i32 to index
    %get3A_2002 = arith.constant 0 : index
    %get3A_2003 = vector.load %arg3[%get3A_2001, %get3A_2002] : memref<1024x128xf32, #tpu.memory_space<vmem>>, vector<128x128xf32>
    %mul3A_2004 = arith.constant 128 : i32
    %mul3A_2005 = arith.muli %scan3A_1992, %mul3A_2004 : i32
    %get3A_2006 = arith.index_cast %mul3A_2005 : i32 to index
    %get3A_2007 = arith.constant 0 : index
    %get3A_2008 = vector.load %arg2[%get3A_2006, %get3A_2007] : memref<16384x128xf32, #tpu.memory_space<vmem>>, vector<128x128xf32>
    %add3A_2009 = arith.addf %get3A_2003, %get3A_2008 : vector<128x128xf32>
    %swap3A_2010 = arith.index_cast %mul3A_2000 : i32 to index
    %swap3A_2011 = arith.constant 0 : index
    %swap3A_2012 = vector.load %arg3[%swap3A_2010, %swap3A_2011] : memref<1024x128xf32, #tpu.memory_space<vmem>>, vector<128x128xf32>
    tpu.vector_store %arg3[%swap3A_2010, %swap3A_2011], %add3A_2009 {strides = array<i32>} : memref<1024x128xf32, #tpu.memory_space<vmem>>, vector<128x128xf32>,
    %scan3A_2013 = arith.constant 96 : i32
    %mul3A_2014 = arith.constant 128 : i32
    %mul3A_2015 = arith.muli %arg0, %mul3A_2014 : i32
    %add3A_2016 = arith.addi %mul3A_2015, %scan3A_2013 : i32
    %get3A_2017 = arith.constant 0 : index
    %get3A_2018 = arith.index_cast %add3A_2016 : i32 to index
    %get3A_2019 = memref.load %arg1[%get3A_2017, %get3A_2018] : memref<1x1024xi32, #tpu.memory_space<smem>>
    %mul3A_2020 = arith.constant 128 : i32
    %mul3A_2021 = arith.muli %get3A_2019, %mul3A_2020 : i32
    %get3A_2022 = arith.index_cast %mul3A_2021 : i32 to index
    %get3A_2023 = arith.constant 0 : index
    %get3A_2024 = vector.load %arg3[%get3A_2022, %get3A_2023] : memref<1024x128xf32, #tpu.memory_space<vmem>>, vector<128x128xf32>
    %mul3A_2025 = arith.constant 128 : i32
    %mul3A_2026 = arith.muli %scan3A_2013, %mul3A_2025 : i32
    %get3A_2027 = arith.index_cast %mul3A_2026 : i32 to index
    %get3A_2028 = arith.constant 0 : index
    %get3A_2029 = vector.load %arg2[%get3A_2027, %get3A_2028] : memref<16384x128xf32, #tpu.memory_space<vmem>>, vector<128x128xf32>
    %add3A_2030 = arith.addf %get3A_2024, %get3A_2029 : vector<128x128xf32>
    %swap3A_2031 = arith.index_cast %mul3A_2021 : i32 to index
    %swap3A_2032 = arith.constant 0 : index
    %swap3A_2033 = vector.load %arg3[%swap3A_2031, %swap3A_2032] : memref<1024x128xf32, #tpu.memory_space<vmem>>, vector<128x128xf32>
    tpu.vector_store %arg3[%swap3A_2031, %swap3A_2032], %add3A_2030 {strides = array<i32>} : memref<1024x128xf32, #tpu.memory_space<vmem>>, vector<128x128xf32>,
    %scan3A_2034 = arith.constant 97 : i32
    %mul3A_2035 = arith.constant 128 : i32
    %mul3A_2036 = arith.muli %arg0, %mul3A_2035 : i32
    %add3A_2037 = arith.addi %mul3A_2036, %scan3A_2034 : i32
    %get3A_2038 = arith.constant 0 : index
    %get3A_2039 = arith.index_cast %add3A_2037 : i32 to index
    %get3A_2040 = memref.load %arg1[%get3A_2038, %get3A_2039] : memref<1x1024xi32, #tpu.memory_space<smem>>
    %mul3A_2041 = arith.constant 128 : i32
    %mul3A_2042 = arith.muli %get3A_2040, %mul3A_2041 : i32
    %get3A_2043 = arith.index_cast %mul3A_2042 : i32 to index
    %get3A_2044 = arith.constant 0 : index
    %get3A_2045 = vector.load %arg3[%get3A_2043, %get3A_2044] : memref<1024x128xf32, #tpu.memory_space<vmem>>, vector<128x128xf32>
    %mul3A_2046 = arith.constant 128 : i32
    %mul3A_2047 = arith.muli %scan3A_2034, %mul3A_2046 : i32
    %get3A_2048 = arith.index_cast %mul3A_2047 : i32 to index
    %get3A_2049 = arith.constant 0 : index
    %get3A_2050 = vector.load %arg2[%get3A_2048, %get3A_2049] : memref<16384x128xf32, #tpu.memory_space<vmem>>, vector<128x128xf32>
    %add3A_2051 = arith.addf %get3A_2045, %get3A_2050 : vector<128x128xf32>
    %swap3A_2052 = arith.index_cast %mul3A_2042 : i32 to index
    %swap3A_2053 = arith.constant 0 : index
    %swap3A_2054 = vector.load %arg3[%swap3A_2052, %swap3A_2053] : memref<1024x128xf32, #tpu.memory_space<vmem>>, vector<128x128xf32>
    tpu.vector_store %arg3[%swap3A_2052, %swap3A_2053], %add3A_2051 {strides = array<i32>} : memref<1024x128xf32, #tpu.memory_space<vmem>>, vector<128x128xf32>,
    %scan3A_2055 = arith.constant 98 : i32
    %mul3A_2056 = arith.constant 128 : i32
    %mul3A_2057 = arith.muli %arg0, %mul3A_2056 : i32
    %add3A_2058 = arith.addi %mul3A_2057, %scan3A_2055 : i32
    %get3A_2059 = arith.constant 0 : index
    %get3A_2060 = arith.index_cast %add3A_2058 : i32 to index
    %get3A_2061 = memref.load %arg1[%get3A_2059, %get3A_2060] : memref<1x1024xi32, #tpu.memory_space<smem>>
    %mul3A_2062 = arith.constant 128 : i32
    %mul3A_2063 = arith.muli %get3A_2061, %mul3A_2062 : i32
    %get3A_2064 = arith.index_cast %mul3A_2063 : i32 to index
    %get3A_2065 = arith.constant 0 : index
    %get3A_2066 = vector.load %arg3[%get3A_2064, %get3A_2065] : memref<1024x128xf32, #tpu.memory_space<vmem>>, vector<128x128xf32>
    %mul3A_2067 = arith.constant 128 : i32
    %mul3A_2068 = arith.muli %scan3A_2055, %mul3A_2067 : i32
    %get3A_2069 = arith.index_cast %mul3A_2068 : i32 to index
    %get3A_2070 = arith.constant 0 : index
    %get3A_2071 = vector.load %arg2[%get3A_2069, %get3A_2070] : memref<16384x128xf32, #tpu.memory_space<vmem>>, vector<128x128xf32>
    %add3A_2072 = arith.addf %get3A_2066, %get3A_2071 : vector<128x128xf32>
    %swap3A_2073 = arith.index_cast %mul3A_2063 : i32 to index
    %swap3A_2074 = arith.constant 0 : index
    %swap3A_2075 = vector.load %arg3[%swap3A_2073, %swap3A_2074] : memref<1024x128xf32, #tpu.memory_space<vmem>>, vector<128x128xf32>
    tpu.vector_store %arg3[%swap3A_2073, %swap3A_2074], %add3A_2072 {strides = array<i32>} : memref<1024x128xf32, #tpu.memory_space<vmem>>, vector<128x128xf32>,
    %scan3A_2076 = arith.constant 99 : i32
    %mul3A_2077 = arith.constant 128 : i32
    %mul3A_2078 = arith.muli %arg0, %mul3A_2077 : i32
    %add3A_2079 = arith.addi %mul3A_2078, %scan3A_2076 : i32
    %get3A_2080 = arith.constant 0 : index
    %get3A_2081 = arith.index_cast %add3A_2079 : i32 to index
    %get3A_2082 = memref.load %arg1[%get3A_2080, %get3A_2081] : memref<1x1024xi32, #tpu.memory_space<smem>>
    %mul3A_2083 = arith.constant 128 : i32
    %mul3A_2084 = arith.muli %get3A_2082, %mul3A_2083 : i32
    %get3A_2085 = arith.index_cast %mul3A_2084 : i32 to index
    %get3A_2086 = arith.constant 0 : index
    %get3A_2087 = vector.load %arg3[%get3A_2085, %get3A_2086] : memref<1024x128xf32, #tpu.memory_space<vmem>>, vector<128x128xf32>
    %mul3A_2088 = arith.constant 128 : i32
    %mul3A_2089 = arith.muli %scan3A_2076, %mul3A_2088 : i32
    %get3A_2090 = arith.index_cast %mul3A_2089 : i32 to index
    %get3A_2091 = arith.constant 0 : index
    %get3A_2092 = vector.load %arg2[%get3A_2090, %get3A_2091] : memref<16384x128xf32, #tpu.memory_space<vmem>>, vector<128x128xf32>
    %add3A_2093 = arith.addf %get3A_2087, %get3A_2092 : vector<128x128xf32>
    %swap3A_2094 = arith.index_cast %mul3A_2084 : i32 to index
    %swap3A_2095 = arith.constant 0 : index
    %swap3A_2096 = vector.load %arg3[%swap3A_2094, %swap3A_2095] : memref<1024x128xf32, #tpu.memory_space<vmem>>, vector<128x128xf32>
    tpu.vector_store %arg3[%swap3A_2094, %swap3A_2095], %add3A_2093 {strides = array<i32>} : memref<1024x128xf32, #tpu.memory_space<vmem>>, vector<128x128xf32>,
    %scan3A_2097 = arith.constant 100 : i32
    %mul3A_2098 = arith.constant 128 : i32
    %mul3A_2099 = arith.muli %arg0, %mul3A_2098 : i32
    %add3A_2100 = arith.addi %mul3A_2099, %scan3A_2097 : i32
    %get3A_2101 = arith.constant 0 : index
    %get3A_2102 = arith.index_cast %add3A_2100 : i32 to index
    %get3A_2103 = memref.load %arg1[%get3A_2101, %get3A_2102] : memref<1x1024xi32, #tpu.memory_space<smem>>
    %mul3A_2104 = arith.constant 128 : i32
    %mul3A_2105 = arith.muli %get3A_2103, %mul3A_2104 : i32
    %get3A_2106 = arith.index_cast %mul3A_2105 : i32 to index
    %get3A_2107 = arith.constant 0 : index
    %get3A_2108 = vector.load %arg3[%get3A_2106, %get3A_2107] : memref<1024x128xf32, #tpu.memory_space<vmem>>, vector<128x128xf32>
    %mul3A_2109 = arith.constant 128 : i32
    %mul3A_2110 = arith.muli %scan3A_2097, %mul3A_2109 : i32
    %get3A_2111 = arith.index_cast %mul3A_2110 : i32 to index
    %get3A_2112 = arith.constant 0 : index
    %get3A_2113 = vector.load %arg2[%get3A_2111, %get3A_2112] : memref<16384x128xf32, #tpu.memory_space<vmem>>, vector<128x128xf32>
    %add3A_2114 = arith.addf %get3A_2108, %get3A_2113 : vector<128x128xf32>
    %swap3A_2115 = arith.index_cast %mul3A_2105 : i32 to index
    %swap3A_2116 = arith.constant 0 : index
    %swap3A_2117 = vector.load %arg3[%swap3A_2115, %swap3A_2116] : memref<1024x128xf32, #tpu.memory_space<vmem>>, vector<128x128xf32>
    tpu.vector_store %arg3[%swap3A_2115, %swap3A_2116], %add3A_2114 {strides = array<i32>} : memref<1024x128xf32, #tpu.memory_space<vmem>>, vector<128x128xf32>,
    %scan3A_2118 = arith.constant 101 : i32
    %mul3A_2119 = arith.constant 128 : i32
    %mul3A_2120 = arith.muli %arg0, %mul3A_2119 : i32
    %add3A_2121 = arith.addi %mul3A_2120, %scan3A_2118 : i32
    %get3A_2122 = arith.constant 0 : index
    %get3A_2123 = arith.index_cast %add3A_2121 : i32 to index
    %get3A_2124 = memref.load %arg1[%get3A_2122, %get3A_2123] : memref<1x1024xi32, #tpu.memory_space<smem>>
    %mul3A_2125 = arith.constant 128 : i32
    %mul3A_2126 = arith.muli %get3A_2124, %mul3A_2125 : i32
    %get3A_2127 = arith.index_cast %mul3A_2126 : i32 to index
    %get3A_2128 = arith.constant 0 : index
    %get3A_2129 = vector.load %arg3[%get3A_2127, %get3A_2128] : memref<1024x128xf32, #tpu.memory_space<vmem>>, vector<128x128xf32>
    %mul3A_2130 = arith.constant 128 : i32
    %mul3A_2131 = arith.muli %scan3A_2118, %mul3A_2130 : i32
    %get3A_2132 = arith.index_cast %mul3A_2131 : i32 to index
    %get3A_2133 = arith.constant 0 : index
    %get3A_2134 = vector.load %arg2[%get3A_2132, %get3A_2133] : memref<16384x128xf32, #tpu.memory_space<vmem>>, vector<128x128xf32>
    %add3A_2135 = arith.addf %get3A_2129, %get3A_2134 : vector<128x128xf32>
    %swap3A_2136 = arith.index_cast %mul3A_2126 : i32 to index
    %swap3A_2137 = arith.constant 0 : index
    %swap3A_2138 = vector.load %arg3[%swap3A_2136, %swap3A_2137] : memref<1024x128xf32, #tpu.memory_space<vmem>>, vector<128x128xf32>
    tpu.vector_store %arg3[%swap3A_2136, %swap3A_2137], %add3A_2135 {strides = array<i32>} : memref<1024x128xf32, #tpu.memory_space<vmem>>, vector<128x128xf32>,
    %scan3A_2139 = arith.constant 102 : i32
    %mul3A_2140 = arith.constant 128 : i32
    %mul3A_2141 = arith.muli %arg0, %mul3A_2140 : i32
    %add3A_2142 = arith.addi %mul3A_2141, %scan3A_2139 : i32
    %get3A_2143 = arith.constant 0 : index
    %get3A_2144 = arith.index_cast %add3A_2142 : i32 to index
    %get3A_2145 = memref.load %arg1[%get3A_2143, %get3A_2144] : memref<1x1024xi32, #tpu.memory_space<smem>>
    %mul3A_2146 = arith.constant 128 : i32
    %mul3A_2147 = arith.muli %get3A_2145, %mul3A_2146 : i32
    %get3A_2148 = arith.index_cast %mul3A_2147 : i32 to index
    %get3A_2149 = arith.constant 0 : index
    %get3A_2150 = vector.load %arg3[%get3A_2148, %get3A_2149] : memref<1024x128xf32, #tpu.memory_space<vmem>>, vector<128x128xf32>
    %mul3A_2151 = arith.constant 128 : i32
    %mul3A_2152 = arith.muli %scan3A_2139, %mul3A_2151 : i32
    %get3A_2153 = arith.index_cast %mul3A_2152 : i32 to index
    %get3A_2154 = arith.constant 0 : index
    %get3A_2155 = vector.load %arg2[%get3A_2153, %get3A_2154] : memref<16384x128xf32, #tpu.memory_space<vmem>>, vector<128x128xf32>
    %add3A_2156 = arith.addf %get3A_2150, %get3A_2155 : vector<128x128xf32>
    %swap3A_2157 = arith.index_cast %mul3A_2147 : i32 to index
    %swap3A_2158 = arith.constant 0 : index
    %swap3A_2159 = vector.load %arg3[%swap3A_2157, %swap3A_2158] : memref<1024x128xf32, #tpu.memory_space<vmem>>, vector<128x128xf32>
    tpu.vector_store %arg3[%swap3A_2157, %swap3A_2158], %add3A_2156 {strides = array<i32>} : memref<1024x128xf32, #tpu.memory_space<vmem>>, vector<128x128xf32>,
    %scan3A_2160 = arith.constant 103 : i32
    %mul3A_2161 = arith.constant 128 : i32
    %mul3A_2162 = arith.muli %arg0, %mul3A_2161 : i32
    %add3A_2163 = arith.addi %mul3A_2162, %scan3A_2160 : i32
    %get3A_2164 = arith.constant 0 : index
    %get3A_2165 = arith.index_cast %add3A_2163 : i32 to index
    %get3A_2166 = memref.load %arg1[%get3A_2164, %get3A_2165] : memref<1x1024xi32, #tpu.memory_space<smem>>
    %mul3A_2167 = arith.constant 128 : i32
    %mul3A_2168 = arith.muli %get3A_2166, %mul3A_2167 : i32
    %get3A_2169 = arith.index_cast %mul3A_2168 : i32 to index
    %get3A_2170 = arith.constant 0 : index
    %get3A_2171 = vector.load %arg3[%get3A_2169, %get3A_2170] : memref<1024x128xf32, #tpu.memory_space<vmem>>, vector<128x128xf32>
    %mul3A_2172 = arith.constant 128 : i32
    %mul3A_2173 = arith.muli %scan3A_2160, %mul3A_2172 : i32
    %get3A_2174 = arith.index_cast %mul3A_2173 : i32 to index
    %get3A_2175 = arith.constant 0 : index
    %get3A_2176 = vector.load %arg2[%get3A_2174, %get3A_2175] : memref<16384x128xf32, #tpu.memory_space<vmem>>, vector<128x128xf32>
    %add3A_2177 = arith.addf %get3A_2171, %get3A_2176 : vector<128x128xf32>
    %swap3A_2178 = arith.index_cast %mul3A_2168 : i32 to index
    %swap3A_2179 = arith.constant 0 : index
    %swap3A_2180 = vector.load %arg3[%swap3A_2178, %swap3A_2179] : memref<1024x128xf32, #tpu.memory_space<vmem>>, vector<128x128xf32>
    tpu.vector_store %arg3[%swap3A_2178, %swap3A_2179], %add3A_2177 {strides = array<i32>} : memref<1024x128xf32, #tpu.memory_space<vmem>>, vector<128x128xf32>,
    %scan3A_2181 = arith.constant 104 : i32
    %mul3A_2182 = arith.constant 128 : i32
    %mul3A_2183 = arith.muli %arg0, %mul3A_2182 : i32
    %add3A_2184 = arith.addi %mul3A_2183, %scan3A_2181 : i32
    %get3A_2185 = arith.constant 0 : index
    %get3A_2186 = arith.index_cast %add3A_2184 : i32 to index
    %get3A_2187 = memref.load %arg1[%get3A_2185, %get3A_2186] : memref<1x1024xi32, #tpu.memory_space<smem>>
    %mul3A_2188 = arith.constant 128 : i32
    %mul3A_2189 = arith.muli %get3A_2187, %mul3A_2188 : i32
    %get3A_2190 = arith.index_cast %mul3A_2189 : i32 to index
    %get3A_2191 = arith.constant 0 : index
    %get3A_2192 = vector.load %arg3[%get3A_2190, %get3A_2191] : memref<1024x128xf32, #tpu.memory_space<vmem>>, vector<128x128xf32>
    %mul3A_2193 = arith.constant 128 : i32
    %mul3A_2194 = arith.muli %scan3A_2181, %mul3A_2193 : i32
    %get3A_2195 = arith.index_cast %mul3A_2194 : i32 to index
    %get3A_2196 = arith.constant 0 : index
    %get3A_2197 = vector.load %arg2[%get3A_2195, %get3A_2196] : memref<16384x128xf32, #tpu.memory_space<vmem>>, vector<128x128xf32>
    %add3A_2198 = arith.addf %get3A_2192, %get3A_2197 : vector<128x128xf32>
    %swap3A_2199 = arith.index_cast %mul3A_2189 : i32 to index
    %swap3A_2200 = arith.constant 0 : index
    %swap3A_2201 = vector.load %arg3[%swap3A_2199, %swap3A_2200] : memref<1024x128xf32, #tpu.memory_space<vmem>>, vector<128x128xf32>
    tpu.vector_store %arg3[%swap3A_2199, %swap3A_2200], %add3A_2198 {strides = array<i32>} : memref<1024x128xf32, #tpu.memory_space<vmem>>, vector<128x128xf32>,
    %scan3A_2202 = arith.constant 105 : i32
    %mul3A_2203 = arith.constant 128 : i32
    %mul3A_2204 = arith.muli %arg0, %mul3A_2203 : i32
    %add3A_2205 = arith.addi %mul3A_2204, %scan3A_2202 : i32
    %get3A_2206 = arith.constant 0 : index
    %get3A_2207 = arith.index_cast %add3A_2205 : i32 to index
    %get3A_2208 = memref.load %arg1[%get3A_2206, %get3A_2207] : memref<1x1024xi32, #tpu.memory_space<smem>>
    %mul3A_2209 = arith.constant 128 : i32
    %mul3A_2210 = arith.muli %get3A_2208, %mul3A_2209 : i32
    %get3A_2211 = arith.index_cast %mul3A_2210 : i32 to index
    %get3A_2212 = arith.constant 0 : index
    %get3A_2213 = vector.load %arg3[%get3A_2211, %get3A_2212] : memref<1024x128xf32, #tpu.memory_space<vmem>>, vector<128x128xf32>
    %mul3A_2214 = arith.constant 128 : i32
    %mul3A_2215 = arith.muli %scan3A_2202, %mul3A_2214 : i32
    %get3A_2216 = arith.index_cast %mul3A_2215 : i32 to index
    %get3A_2217 = arith.constant 0 : index
    %get3A_2218 = vector.load %arg2[%get3A_2216, %get3A_2217] : memref<16384x128xf32, #tpu.memory_space<vmem>>, vector<128x128xf32>
    %add3A_2219 = arith.addf %get3A_2213, %get3A_2218 : vector<128x128xf32>
    %swap3A_2220 = arith.index_cast %mul3A_2210 : i32 to index
    %swap3A_2221 = arith.constant 0 : index
    %swap3A_2222 = vector.load %arg3[%swap3A_2220, %swap3A_2221] : memref<1024x128xf32, #tpu.memory_space<vmem>>, vector<128x128xf32>
    tpu.vector_store %arg3[%swap3A_2220, %swap3A_2221], %add3A_2219 {strides = array<i32>} : memref<1024x128xf32, #tpu.memory_space<vmem>>, vector<128x128xf32>,
    %scan3A_2223 = arith.constant 106 : i32
    %mul3A_2224 = arith.constant 128 : i32
    %mul3A_2225 = arith.muli %arg0, %mul3A_2224 : i32
    %add3A_2226 = arith.addi %mul3A_2225, %scan3A_2223 : i32
    %get3A_2227 = arith.constant 0 : index
    %get3A_2228 = arith.index_cast %add3A_2226 : i32 to index
    %get3A_2229 = memref.load %arg1[%get3A_2227, %get3A_2228] : memref<1x1024xi32, #tpu.memory_space<smem>>
    %mul3A_2230 = arith.constant 128 : i32
    %mul3A_2231 = arith.muli %get3A_2229, %mul3A_2230 : i32
    %get3A_2232 = arith.index_cast %mul3A_2231 : i32 to index
    %get3A_2233 = arith.constant 0 : index
    %get3A_2234 = vector.load %arg3[%get3A_2232, %get3A_2233] : memref<1024x128xf32, #tpu.memory_space<vmem>>, vector<128x128xf32>
    %mul3A_2235 = arith.constant 128 : i32
    %mul3A_2236 = arith.muli %scan3A_2223, %mul3A_2235 : i32
    %get3A_2237 = arith.index_cast %mul3A_2236 : i32 to index
    %get3A_2238 = arith.constant 0 : index
    %get3A_2239 = vector.load %arg2[%get3A_2237, %get3A_2238] : memref<16384x128xf32, #tpu.memory_space<vmem>>, vector<128x128xf32>
    %add3A_2240 = arith.addf %get3A_2234, %get3A_2239 : vector<128x128xf32>
    %swap3A_2241 = arith.index_cast %mul3A_2231 : i32 to index
    %swap3A_2242 = arith.constant 0 : index
    %swap3A_2243 = vector.load %arg3[%swap3A_2241, %swap3A_2242] : memref<1024x128xf32, #tpu.memory_space<vmem>>, vector<128x128xf32>
    tpu.vector_store %arg3[%swap3A_2241, %swap3A_2242], %add3A_2240 {strides = array<i32>} : memref<1024x128xf32, #tpu.memory_space<vmem>>, vector<128x128xf32>,
    %scan3A_2244 = arith.constant 107 : i32
    %mul3A_2245 = arith.constant 128 : i32
    %mul3A_2246 = arith.muli %arg0, %mul3A_2245 : i32
    %add3A_2247 = arith.addi %mul3A_2246, %scan3A_2244 : i32
    %get3A_2248 = arith.constant 0 : index
    %get3A_2249 = arith.index_cast %add3A_2247 : i32 to index
    %get3A_2250 = memref.load %arg1[%get3A_2248, %get3A_2249] : memref<1x1024xi32, #tpu.memory_space<smem>>
    %mul3A_2251 = arith.constant 128 : i32
    %mul3A_2252 = arith.muli %get3A_2250, %mul3A_2251 : i32
    %get3A_2253 = arith.index_cast %mul3A_2252 : i32 to index
    %get3A_2254 = arith.constant 0 : index
    %get3A_2255 = vector.load %arg3[%get3A_2253, %get3A_2254] : memref<1024x128xf32, #tpu.memory_space<vmem>>, vector<128x128xf32>
    %mul3A_2256 = arith.constant 128 : i32
    %mul3A_2257 = arith.muli %scan3A_2244, %mul3A_2256 : i32
    %get3A_2258 = arith.index_cast %mul3A_2257 : i32 to index
    %get3A_2259 = arith.constant 0 : index
    %get3A_2260 = vector.load %arg2[%get3A_2258, %get3A_2259] : memref<16384x128xf32, #tpu.memory_space<vmem>>, vector<128x128xf32>
    %add3A_2261 = arith.addf %get3A_2255, %get3A_2260 : vector<128x128xf32>
    %swap3A_2262 = arith.index_cast %mul3A_2252 : i32 to index
    %swap3A_2263 = arith.constant 0 : index
    %swap3A_2264 = vector.load %arg3[%swap3A_2262, %swap3A_2263] : memref<1024x128xf32, #tpu.memory_space<vmem>>, vector<128x128xf32>
    tpu.vector_store %arg3[%swap3A_2262, %swap3A_2263], %add3A_2261 {strides = array<i32>} : memref<1024x128xf32, #tpu.memory_space<vmem>>, vector<128x128xf32>,
    %scan3A_2265 = arith.constant 108 : i32
    %mul3A_2266 = arith.constant 128 : i32
    %mul3A_2267 = arith.muli %arg0, %mul3A_2266 : i32
    %add3A_2268 = arith.addi %mul3A_2267, %scan3A_2265 : i32
    %get3A_2269 = arith.constant 0 : index
    %get3A_2270 = arith.index_cast %add3A_2268 : i32 to index
    %get3A_2271 = memref.load %arg1[%get3A_2269, %get3A_2270] : memref<1x1024xi32, #tpu.memory_space<smem>>
    %mul3A_2272 = arith.constant 128 : i32
    %mul3A_2273 = arith.muli %get3A_2271, %mul3A_2272 : i32
    %get3A_2274 = arith.index_cast %mul3A_2273 : i32 to index
    %get3A_2275 = arith.constant 0 : index
    %get3A_2276 = vector.load %arg3[%get3A_2274, %get3A_2275] : memref<1024x128xf32, #tpu.memory_space<vmem>>, vector<128x128xf32>
    %mul3A_2277 = arith.constant 128 : i32
    %mul3A_2278 = arith.muli %scan3A_2265, %mul3A_2277 : i32
    %get3A_2279 = arith.index_cast %mul3A_2278 : i32 to index
    %get3A_2280 = arith.constant 0 : index
    %get3A_2281 = vector.load %arg2[%get3A_2279, %get3A_2280] : memref<16384x128xf32, #tpu.memory_space<vmem>>, vector<128x128xf32>
    %add3A_2282 = arith.addf %get3A_2276, %get3A_2281 : vector<128x128xf32>
    %swap3A_2283 = arith.index_cast %mul3A_2273 : i32 to index
    %swap3A_2284 = arith.constant 0 : index
    %swap3A_2285 = vector.load %arg3[%swap3A_2283, %swap3A_2284] : memref<1024x128xf32, #tpu.memory_space<vmem>>, vector<128x128xf32>
    tpu.vector_store %arg3[%swap3A_2283, %swap3A_2284], %add3A_2282 {strides = array<i32>} : memref<1024x128xf32, #tpu.memory_space<vmem>>, vector<128x128xf32>,
    %scan3A_2286 = arith.constant 109 : i32
    %mul3A_2287 = arith.constant 128 : i32
    %mul3A_2288 = arith.muli %arg0, %mul3A_2287 : i32
    %add3A_2289 = arith.addi %mul3A_2288, %scan3A_2286 : i32
    %get3A_2290 = arith.constant 0 : index
    %get3A_2291 = arith.index_cast %add3A_2289 : i32 to index
    %get3A_2292 = memref.load %arg1[%get3A_2290, %get3A_2291] : memref<1x1024xi32, #tpu.memory_space<smem>>
    %mul3A_2293 = arith.constant 128 : i32
    %mul3A_2294 = arith.muli %get3A_2292, %mul3A_2293 : i32
    %get3A_2295 = arith.index_cast %mul3A_2294 : i32 to index
    %get3A_2296 = arith.constant 0 : index
    %get3A_2297 = vector.load %arg3[%get3A_2295, %get3A_2296] : memref<1024x128xf32, #tpu.memory_space<vmem>>, vector<128x128xf32>
    %mul3A_2298 = arith.constant 128 : i32
    %mul3A_2299 = arith.muli %scan3A_2286, %mul3A_2298 : i32
    %get3A_2300 = arith.index_cast %mul3A_2299 : i32 to index
    %get3A_2301 = arith.constant 0 : index
    %get3A_2302 = vector.load %arg2[%get3A_2300, %get3A_2301] : memref<16384x128xf32, #tpu.memory_space<vmem>>, vector<128x128xf32>
    %add3A_2303 = arith.addf %get3A_2297, %get3A_2302 : vector<128x128xf32>
    %swap3A_2304 = arith.index_cast %mul3A_2294 : i32 to index
    %swap3A_2305 = arith.constant 0 : index
    %swap3A_2306 = vector.load %arg3[%swap3A_2304, %swap3A_2305] : memref<1024x128xf32, #tpu.memory_space<vmem>>, vector<128x128xf32>
    tpu.vector_store %arg3[%swap3A_2304, %swap3A_2305], %add3A_2303 {strides = array<i32>} : memref<1024x128xf32, #tpu.memory_space<vmem>>, vector<128x128xf32>,
    %scan3A_2307 = arith.constant 110 : i32
    %mul3A_2308 = arith.constant 128 : i32
    %mul3A_2309 = arith.muli %arg0, %mul3A_2308 : i32
    %add3A_2310 = arith.addi %mul3A_2309, %scan3A_2307 : i32
    %get3A_2311 = arith.constant 0 : index
    %get3A_2312 = arith.index_cast %add3A_2310 : i32 to index
    %get3A_2313 = memref.load %arg1[%get3A_2311, %get3A_2312] : memref<1x1024xi32, #tpu.memory_space<smem>>
    %mul3A_2314 = arith.constant 128 : i32
    %mul3A_2315 = arith.muli %get3A_2313, %mul3A_2314 : i32
    %get3A_2316 = arith.index_cast %mul3A_2315 : i32 to index
    %get3A_2317 = arith.constant 0 : index
    %get3A_2318 = vector.load %arg3[%get3A_2316, %get3A_2317] : memref<1024x128xf32, #tpu.memory_space<vmem>>, vector<128x128xf32>
    %mul3A_2319 = arith.constant 128 : i32
    %mul3A_2320 = arith.muli %scan3A_2307, %mul3A_2319 : i32
    %get3A_2321 = arith.index_cast %mul3A_2320 : i32 to index
    %get3A_2322 = arith.constant 0 : index
    %get3A_2323 = vector.load %arg2[%get3A_2321, %get3A_2322] : memref<16384x128xf32, #tpu.memory_space<vmem>>, vector<128x128xf32>
    %add3A_2324 = arith.addf %get3A_2318, %get3A_2323 : vector<128x128xf32>
    %swap3A_2325 = arith.index_cast %mul3A_2315 : i32 to index
    %swap3A_2326 = arith.constant 0 : index
    %swap3A_2327 = vector.load %arg3[%swap3A_2325, %swap3A_2326] : memref<1024x128xf32, #tpu.memory_space<vmem>>, vector<128x128xf32>
    tpu.vector_store %arg3[%swap3A_2325, %swap3A_2326], %add3A_2324 {strides = array<i32>} : memref<1024x128xf32, #tpu.memory_space<vmem>>, vector<128x128xf32>,
    %scan3A_2328 = arith.constant 111 : i32
    %mul3A_2329 = arith.constant 128 : i32
    %mul3A_2330 = arith.muli %arg0, %mul3A_2329 : i32
    %add3A_2331 = arith.addi %mul3A_2330, %scan3A_2328 : i32
    %get3A_2332 = arith.constant 0 : index
    %get3A_2333 = arith.index_cast %add3A_2331 : i32 to index
    %get3A_2334 = memref.load %arg1[%get3A_2332, %get3A_2333] : memref<1x1024xi32, #tpu.memory_space<smem>>
    %mul3A_2335 = arith.constant 128 : i32
    %mul3A_2336 = arith.muli %get3A_2334, %mul3A_2335 : i32
    %get3A_2337 = arith.index_cast %mul3A_2336 : i32 to index
    %get3A_2338 = arith.constant 0 : index
    %get3A_2339 = vector.load %arg3[%get3A_2337, %get3A_2338] : memref<1024x128xf32, #tpu.memory_space<vmem>>, vector<128x128xf32>
    %mul3A_2340 = arith.constant 128 : i32
    %mul3A_2341 = arith.muli %scan3A_2328, %mul3A_2340 : i32
    %get3A_2342 = arith.index_cast %mul3A_2341 : i32 to index
    %get3A_2343 = arith.constant 0 : index
    %get3A_2344 = vector.load %arg2[%get3A_2342, %get3A_2343] : memref<16384x128xf32, #tpu.memory_space<vmem>>, vector<128x128xf32>
    %add3A_2345 = arith.addf %get3A_2339, %get3A_2344 : vector<128x128xf32>
    %swap3A_2346 = arith.index_cast %mul3A_2336 : i32 to index
    %swap3A_2347 = arith.constant 0 : index
    %swap3A_2348 = vector.load %arg3[%swap3A_2346, %swap3A_2347] : memref<1024x128xf32, #tpu.memory_space<vmem>>, vector<128x128xf32>
    tpu.vector_store %arg3[%swap3A_2346, %swap3A_2347], %add3A_2345 {strides = array<i32>} : memref<1024x128xf32, #tpu.memory_space<vmem>>, vector<128x128xf32>,
    %scan3A_2349 = arith.constant 112 : i32
    %mul3A_2350 = arith.constant 128 : i32
    %mul3A_2351 = arith.muli %arg0, %mul3A_2350 : i32
    %add3A_2352 = arith.addi %mul3A_2351, %scan3A_2349 : i32
    %get3A_2353 = arith.constant 0 : index
    %get3A_2354 = arith.index_cast %add3A_2352 : i32 to index
    %get3A_2355 = memref.load %arg1[%get3A_2353, %get3A_2354] : memref<1x1024xi32, #tpu.memory_space<smem>>
    %mul3A_2356 = arith.constant 128 : i32
    %mul3A_2357 = arith.muli %get3A_2355, %mul3A_2356 : i32
    %get3A_2358 = arith.index_cast %mul3A_2357 : i32 to index
    %get3A_2359 = arith.constant 0 : index
    %get3A_2360 = vector.load %arg3[%get3A_2358, %get3A_2359] : memref<1024x128xf32, #tpu.memory_space<vmem>>, vector<128x128xf32>
    %mul3A_2361 = arith.constant 128 : i32
    %mul3A_2362 = arith.muli %scan3A_2349, %mul3A_2361 : i32
    %get3A_2363 = arith.index_cast %mul3A_2362 : i32 to index
    %get3A_2364 = arith.constant 0 : index
    %get3A_2365 = vector.load %arg2[%get3A_2363, %get3A_2364] : memref<16384x128xf32, #tpu.memory_space<vmem>>, vector<128x128xf32>
    %add3A_2366 = arith.addf %get3A_2360, %get3A_2365 : vector<128x128xf32>
    %swap3A_2367 = arith.index_cast %mul3A_2357 : i32 to index
    %swap3A_2368 = arith.constant 0 : index
    %swap3A_2369 = vector.load %arg3[%swap3A_2367, %swap3A_2368] : memref<1024x128xf32, #tpu.memory_space<vmem>>, vector<128x128xf32>
    tpu.vector_store %arg3[%swap3A_2367, %swap3A_2368], %add3A_2366 {strides = array<i32>} : memref<1024x128xf32, #tpu.memory_space<vmem>>, vector<128x128xf32>,
    %scan3A_2370 = arith.constant 113 : i32
    %mul3A_2371 = arith.constant 128 : i32
    %mul3A_2372 = arith.muli %arg0, %mul3A_2371 : i32
    %add3A_2373 = arith.addi %mul3A_2372, %scan3A_2370 : i32
    %get3A_2374 = arith.constant 0 : index
    %get3A_2375 = arith.index_cast %add3A_2373 : i32 to index
    %get3A_2376 = memref.load %arg1[%get3A_2374, %get3A_2375] : memref<1x1024xi32, #tpu.memory_space<smem>>
    %mul3A_2377 = arith.constant 128 : i32
    %mul3A_2378 = arith.muli %get3A_2376, %mul3A_2377 : i32
    %get3A_2379 = arith.index_cast %mul3A_2378 : i32 to index
    %get3A_2380 = arith.constant 0 : index
    %get3A_2381 = vector.load %arg3[%get3A_2379, %get3A_2380] : memref<1024x128xf32, #tpu.memory_space<vmem>>, vector<128x128xf32>
    %mul3A_2382 = arith.constant 128 : i32
    %mul3A_2383 = arith.muli %scan3A_2370, %mul3A_2382 : i32
    %get3A_2384 = arith.index_cast %mul3A_2383 : i32 to index
    %get3A_2385 = arith.constant 0 : index
    %get3A_2386 = vector.load %arg2[%get3A_2384, %get3A_2385] : memref<16384x128xf32, #tpu.memory_space<vmem>>, vector<128x128xf32>
    %add3A_2387 = arith.addf %get3A_2381, %get3A_2386 : vector<128x128xf32>
    %swap3A_2388 = arith.index_cast %mul3A_2378 : i32 to index
    %swap3A_2389 = arith.constant 0 : index
    %swap3A_2390 = vector.load %arg3[%swap3A_2388, %swap3A_2389] : memref<1024x128xf32, #tpu.memory_space<vmem>>, vector<128x128xf32>
    tpu.vector_store %arg3[%swap3A_2388, %swap3A_2389], %add3A_2387 {strides = array<i32>} : memref<1024x128xf32, #tpu.memory_space<vmem>>, vector<128x128xf32>,
    %scan3A_2391 = arith.constant 114 : i32
    %mul3A_2392 = arith.constant 128 : i32
    %mul3A_2393 = arith.muli %arg0, %mul3A_2392 : i32
    %add3A_2394 = arith.addi %mul3A_2393, %scan3A_2391 : i32
    %get3A_2395 = arith.constant 0 : index
    %get3A_2396 = arith.index_cast %add3A_2394 : i32 to index
    %get3A_2397 = memref.load %arg1[%get3A_2395, %get3A_2396] : memref<1x1024xi32, #tpu.memory_space<smem>>
    %mul3A_2398 = arith.constant 128 : i32
    %mul3A_2399 = arith.muli %get3A_2397, %mul3A_2398 : i32
    %get3A_2400 = arith.index_cast %mul3A_2399 : i32 to index
    %get3A_2401 = arith.constant 0 : index
    %get3A_2402 = vector.load %arg3[%get3A_2400, %get3A_2401] : memref<1024x128xf32, #tpu.memory_space<vmem>>, vector<128x128xf32>
    %mul3A_2403 = arith.constant 128 : i32
    %mul3A_2404 = arith.muli %scan3A_2391, %mul3A_2403 : i32
    %get3A_2405 = arith.index_cast %mul3A_2404 : i32 to index
    %get3A_2406 = arith.constant 0 : index
    %get3A_2407 = vector.load %arg2[%get3A_2405, %get3A_2406] : memref<16384x128xf32, #tpu.memory_space<vmem>>, vector<128x128xf32>
    %add3A_2408 = arith.addf %get3A_2402, %get3A_2407 : vector<128x128xf32>
    %swap3A_2409 = arith.index_cast %mul3A_2399 : i32 to index
    %swap3A_2410 = arith.constant 0 : index
    %swap3A_2411 = vector.load %arg3[%swap3A_2409, %swap3A_2410] : memref<1024x128xf32, #tpu.memory_space<vmem>>, vector<128x128xf32>
    tpu.vector_store %arg3[%swap3A_2409, %swap3A_2410], %add3A_2408 {strides = array<i32>} : memref<1024x128xf32, #tpu.memory_space<vmem>>, vector<128x128xf32>,
    %scan3A_2412 = arith.constant 115 : i32
    %mul3A_2413 = arith.constant 128 : i32
    %mul3A_2414 = arith.muli %arg0, %mul3A_2413 : i32
    %add3A_2415 = arith.addi %mul3A_2414, %scan3A_2412 : i32
    %get3A_2416 = arith.constant 0 : index
    %get3A_2417 = arith.index_cast %add3A_2415 : i32 to index
    %get3A_2418 = memref.load %arg1[%get3A_2416, %get3A_2417] : memref<1x1024xi32, #tpu.memory_space<smem>>
    %mul3A_2419 = arith.constant 128 : i32
    %mul3A_2420 = arith.muli %get3A_2418, %mul3A_2419 : i32
    %get3A_2421 = arith.index_cast %mul3A_2420 : i32 to index
    %get3A_2422 = arith.constant 0 : index
    %get3A_2423 = vector.load %arg3[%get3A_2421, %get3A_2422] : memref<1024x128xf32, #tpu.memory_space<vmem>>, vector<128x128xf32>
    %mul3A_2424 = arith.constant 128 : i32
    %mul3A_2425 = arith.muli %scan3A_2412, %mul3A_2424 : i32
    %get3A_2426 = arith.index_cast %mul3A_2425 : i32 to index
    %get3A_2427 = arith.constant 0 : index
    %get3A_2428 = vector.load %arg2[%get3A_2426, %get3A_2427] : memref<16384x128xf32, #tpu.memory_space<vmem>>, vector<128x128xf32>
    %add3A_2429 = arith.addf %get3A_2423, %get3A_2428 : vector<128x128xf32>
    %swap3A_2430 = arith.index_cast %mul3A_2420 : i32 to index
    %swap3A_2431 = arith.constant 0 : index
    %swap3A_2432 = vector.load %arg3[%swap3A_2430, %swap3A_2431] : memref<1024x128xf32, #tpu.memory_space<vmem>>, vector<128x128xf32>
    tpu.vector_store %arg3[%swap3A_2430, %swap3A_2431], %add3A_2429 {strides = array<i32>} : memref<1024x128xf32, #tpu.memory_space<vmem>>, vector<128x128xf32>,
    %scan3A_2433 = arith.constant 116 : i32
    %mul3A_2434 = arith.constant 128 : i32
    %mul3A_2435 = arith.muli %arg0, %mul3A_2434 : i32
    %add3A_2436 = arith.addi %mul3A_2435, %scan3A_2433 : i32
    %get3A_2437 = arith.constant 0 : index
    %get3A_2438 = arith.index_cast %add3A_2436 : i32 to index
    %get3A_2439 = memref.load %arg1[%get3A_2437, %get3A_2438] : memref<1x1024xi32, #tpu.memory_space<smem>>
    %mul3A_2440 = arith.constant 128 : i32
    %mul3A_2441 = arith.muli %get3A_2439, %mul3A_2440 : i32
    %get3A_2442 = arith.index_cast %mul3A_2441 : i32 to index
    %get3A_2443 = arith.constant 0 : index
    %get3A_2444 = vector.load %arg3[%get3A_2442, %get3A_2443] : memref<1024x128xf32, #tpu.memory_space<vmem>>, vector<128x128xf32>
    %mul3A_2445 = arith.constant 128 : i32
    %mul3A_2446 = arith.muli %scan3A_2433, %mul3A_2445 : i32
    %get3A_2447 = arith.index_cast %mul3A_2446 : i32 to index
    %get3A_2448 = arith.constant 0 : index
    %get3A_2449 = vector.load %arg2[%get3A_2447, %get3A_2448] : memref<16384x128xf32, #tpu.memory_space<vmem>>, vector<128x128xf32>
    %add3A_2450 = arith.addf %get3A_2444, %get3A_2449 : vector<128x128xf32>
    %swap3A_2451 = arith.index_cast %mul3A_2441 : i32 to index
    %swap3A_2452 = arith.constant 0 : index
    %swap3A_2453 = vector.load %arg3[%swap3A_2451, %swap3A_2452] : memref<1024x128xf32, #tpu.memory_space<vmem>>, vector<128x128xf32>
    tpu.vector_store %arg3[%swap3A_2451, %swap3A_2452], %add3A_2450 {strides = array<i32>} : memref<1024x128xf32, #tpu.memory_space<vmem>>, vector<128x128xf32>,
    %scan3A_2454 = arith.constant 117 : i32
    %mul3A_2455 = arith.constant 128 : i32
    %mul3A_2456 = arith.muli %arg0, %mul3A_2455 : i32
    %add3A_2457 = arith.addi %mul3A_2456, %scan3A_2454 : i32
    %get3A_2458 = arith.constant 0 : index
    %get3A_2459 = arith.index_cast %add3A_2457 : i32 to index
    %get3A_2460 = memref.load %arg1[%get3A_2458, %get3A_2459] : memref<1x1024xi32, #tpu.memory_space<smem>>
    %mul3A_2461 = arith.constant 128 : i32
    %mul3A_2462 = arith.muli %get3A_2460, %mul3A_2461 : i32
    %get3A_2463 = arith.index_cast %mul3A_2462 : i32 to index
    %get3A_2464 = arith.constant 0 : index
    %get3A_2465 = vector.load %arg3[%get3A_2463, %get3A_2464] : memref<1024x128xf32, #tpu.memory_space<vmem>>, vector<128x128xf32>
    %mul3A_2466 = arith.constant 128 : i32
    %mul3A_2467 = arith.muli %scan3A_2454, %mul3A_2466 : i32
    %get3A_2468 = arith.index_cast %mul3A_2467 : i32 to index
    %get3A_2469 = arith.constant 0 : index
    %get3A_2470 = vector.load %arg2[%get3A_2468, %get3A_2469] : memref<16384x128xf32, #tpu.memory_space<vmem>>, vector<128x128xf32>
    %add3A_2471 = arith.addf %get3A_2465, %get3A_2470 : vector<128x128xf32>
    %swap3A_2472 = arith.index_cast %mul3A_2462 : i32 to index
    %swap3A_2473 = arith.constant 0 : index
    %swap3A_2474 = vector.load %arg3[%swap3A_2472, %swap3A_2473] : memref<1024x128xf32, #tpu.memory_space<vmem>>, vector<128x128xf32>
    tpu.vector_store %arg3[%swap3A_2472, %swap3A_2473], %add3A_2471 {strides = array<i32>} : memref<1024x128xf32, #tpu.memory_space<vmem>>, vector<128x128xf32>,
    %scan3A_2475 = arith.constant 118 : i32
    %mul3A_2476 = arith.constant 128 : i32
    %mul3A_2477 = arith.muli %arg0, %mul3A_2476 : i32
    %add3A_2478 = arith.addi %mul3A_2477, %scan3A_2475 : i32
    %get3A_2479 = arith.constant 0 : index
    %get3A_2480 = arith.index_cast %add3A_2478 : i32 to index
    %get3A_2481 = memref.load %arg1[%get3A_2479, %get3A_2480] : memref<1x1024xi32, #tpu.memory_space<smem>>
    %mul3A_2482 = arith.constant 128 : i32
    %mul3A_2483 = arith.muli %get3A_2481, %mul3A_2482 : i32
    %get3A_2484 = arith.index_cast %mul3A_2483 : i32 to index
    %get3A_2485 = arith.constant 0 : index
    %get3A_2486 = vector.load %arg3[%get3A_2484, %get3A_2485] : memref<1024x128xf32, #tpu.memory_space<vmem>>, vector<128x128xf32>
    %mul3A_2487 = arith.constant 128 : i32
    %mul3A_2488 = arith.muli %scan3A_2475, %mul3A_2487 : i32
    %get3A_2489 = arith.index_cast %mul3A_2488 : i32 to index
    %get3A_2490 = arith.constant 0 : index
    %get3A_2491 = vector.load %arg2[%get3A_2489, %get3A_2490] : memref<16384x128xf32, #tpu.memory_space<vmem>>, vector<128x128xf32>
    %add3A_2492 = arith.addf %get3A_2486, %get3A_2491 : vector<128x128xf32>
    %swap3A_2493 = arith.index_cast %mul3A_2483 : i32 to index
    %swap3A_2494 = arith.constant 0 : index
    %swap3A_2495 = vector.load %arg3[%swap3A_2493, %swap3A_2494] : memref<1024x128xf32, #tpu.memory_space<vmem>>, vector<128x128xf32>
    tpu.vector_store %arg3[%swap3A_2493, %swap3A_2494], %add3A_2492 {strides = array<i32>} : memref<1024x128xf32, #tpu.memory_space<vmem>>, vector<128x128xf32>,
    %scan3A_2496 = arith.constant 119 : i32
    %mul3A_2497 = arith.constant 128 : i32
    %mul3A_2498 = arith.muli %arg0, %mul3A_2497 : i32
    %add3A_2499 = arith.addi %mul3A_2498, %scan3A_2496 : i32
    %get3A_2500 = arith.constant 0 : index
    %get3A_2501 = arith.index_cast %add3A_2499 : i32 to index
    %get3A_2502 = memref.load %arg1[%get3A_2500, %get3A_2501] : memref<1x1024xi32, #tpu.memory_space<smem>>
    %mul3A_2503 = arith.constant 128 : i32
    %mul3A_2504 = arith.muli %get3A_2502, %mul3A_2503 : i32
    %get3A_2505 = arith.index_cast %mul3A_2504 : i32 to index
    %get3A_2506 = arith.constant 0 : index
    %get3A_2507 = vector.load %arg3[%get3A_2505, %get3A_2506] : memref<1024x128xf32, #tpu.memory_space<vmem>>, vector<128x128xf32>
    %mul3A_2508 = arith.constant 128 : i32
    %mul3A_2509 = arith.muli %scan3A_2496, %mul3A_2508 : i32
    %get3A_2510 = arith.index_cast %mul3A_2509 : i32 to index
    %get3A_2511 = arith.constant 0 : index
    %get3A_2512 = vector.load %arg2[%get3A_2510, %get3A_2511] : memref<16384x128xf32, #tpu.memory_space<vmem>>, vector<128x128xf32>
    %add3A_2513 = arith.addf %get3A_2507, %get3A_2512 : vector<128x128xf32>
    %swap3A_2514 = arith.index_cast %mul3A_2504 : i32 to index
    %swap3A_2515 = arith.constant 0 : index
    %swap3A_2516 = vector.load %arg3[%swap3A_2514, %swap3A_2515] : memref<1024x128xf32, #tpu.memory_space<vmem>>, vector<128x128xf32>
    tpu.vector_store %arg3[%swap3A_2514, %swap3A_2515], %add3A_2513 {strides = array<i32>} : memref<1024x128xf32, #tpu.memory_space<vmem>>, vector<128x128xf32>,
    %scan3A_2517 = arith.constant 120 : i32
    %mul3A_2518 = arith.constant 128 : i32
    %mul3A_2519 = arith.muli %arg0, %mul3A_2518 : i32
    %add3A_2520 = arith.addi %mul3A_2519, %scan3A_2517 : i32
    %get3A_2521 = arith.constant 0 : index
    %get3A_2522 = arith.index_cast %add3A_2520 : i32 to index
    %get3A_2523 = memref.load %arg1[%get3A_2521, %get3A_2522] : memref<1x1024xi32, #tpu.memory_space<smem>>
    %mul3A_2524 = arith.constant 128 : i32
    %mul3A_2525 = arith.muli %get3A_2523, %mul3A_2524 : i32
    %get3A_2526 = arith.index_cast %mul3A_2525 : i32 to index
    %get3A_2527 = arith.constant 0 : index
    %get3A_2528 = vector.load %arg3[%get3A_2526, %get3A_2527] : memref<1024x128xf32, #tpu.memory_space<vmem>>, vector<128x128xf32>
    %mul3A_2529 = arith.constant 128 : i32
    %mul3A_2530 = arith.muli %scan3A_2517, %mul3A_2529 : i32
    %get3A_2531 = arith.index_cast %mul3A_2530 : i32 to index
    %get3A_2532 = arith.constant 0 : index
    %get3A_2533 = vector.load %arg2[%get3A_2531, %get3A_2532] : memref<16384x128xf32, #tpu.memory_space<vmem>>, vector<128x128xf32>
    %add3A_2534 = arith.addf %get3A_2528, %get3A_2533 : vector<128x128xf32>
    %swap3A_2535 = arith.index_cast %mul3A_2525 : i32 to index
    %swap3A_2536 = arith.constant 0 : index
    %swap3A_2537 = vector.load %arg3[%swap3A_2535, %swap3A_2536] : memref<1024x128xf32, #tpu.memory_space<vmem>>, vector<128x128xf32>
    tpu.vector_store %arg3[%swap3A_2535, %swap3A_2536], %add3A_2534 {strides = array<i32>} : memref<1024x128xf32, #tpu.memory_space<vmem>>, vector<128x128xf32>,
    %scan3A_2538 = arith.constant 121 : i32
    %mul3A_2539 = arith.constant 128 : i32
    %mul3A_2540 = arith.muli %arg0, %mul3A_2539 : i32
    %add3A_2541 = arith.addi %mul3A_2540, %scan3A_2538 : i32
    %get3A_2542 = arith.constant 0 : index
    %get3A_2543 = arith.index_cast %add3A_2541 : i32 to index
    %get3A_2544 = memref.load %arg1[%get3A_2542, %get3A_2543] : memref<1x1024xi32, #tpu.memory_space<smem>>
    %mul3A_2545 = arith.constant 128 : i32
    %mul3A_2546 = arith.muli %get3A_2544, %mul3A_2545 : i32
    %get3A_2547 = arith.index_cast %mul3A_2546 : i32 to index
    %get3A_2548 = arith.constant 0 : index
    %get3A_2549 = vector.load %arg3[%get3A_2547, %get3A_2548] : memref<1024x128xf32, #tpu.memory_space<vmem>>, vector<128x128xf32>
    %mul3A_2550 = arith.constant 128 : i32
    %mul3A_2551 = arith.muli %scan3A_2538, %mul3A_2550 : i32
    %get3A_2552 = arith.index_cast %mul3A_2551 : i32 to index
    %get3A_2553 = arith.constant 0 : index
    %get3A_2554 = vector.load %arg2[%get3A_2552, %get3A_2553] : memref<16384x128xf32, #tpu.memory_space<vmem>>, vector<128x128xf32>
    %add3A_2555 = arith.addf %get3A_2549, %get3A_2554 : vector<128x128xf32>
    %swap3A_2556 = arith.index_cast %mul3A_2546 : i32 to index
    %swap3A_2557 = arith.constant 0 : index
    %swap3A_2558 = vector.load %arg3[%swap3A_2556, %swap3A_2557] : memref<1024x128xf32, #tpu.memory_space<vmem>>, vector<128x128xf32>
    tpu.vector_store %arg3[%swap3A_2556, %swap3A_2557], %add3A_2555 {strides = array<i32>} : memref<1024x128xf32, #tpu.memory_space<vmem>>, vector<128x128xf32>,
    %scan3A_2559 = arith.constant 122 : i32
    %mul3A_2560 = arith.constant 128 : i32
    %mul3A_2561 = arith.muli %arg0, %mul3A_2560 : i32
    %add3A_2562 = arith.addi %mul3A_2561, %scan3A_2559 : i32
    %get3A_2563 = arith.constant 0 : index
    %get3A_2564 = arith.index_cast %add3A_2562 : i32 to index
    %get3A_2565 = memref.load %arg1[%get3A_2563, %get3A_2564] : memref<1x1024xi32, #tpu.memory_space<smem>>
    %mul3A_2566 = arith.constant 128 : i32
    %mul3A_2567 = arith.muli %get3A_2565, %mul3A_2566 : i32
    %get3A_2568 = arith.index_cast %mul3A_2567 : i32 to index
    %get3A_2569 = arith.constant 0 : index
    %get3A_2570 = vector.load %arg3[%get3A_2568, %get3A_2569] : memref<1024x128xf32, #tpu.memory_space<vmem>>, vector<128x128xf32>
    %mul3A_2571 = arith.constant 128 : i32
    %mul3A_2572 = arith.muli %scan3A_2559, %mul3A_2571 : i32
    %get3A_2573 = arith.index_cast %mul3A_2572 : i32 to index
    %get3A_2574 = arith.constant 0 : index
    %get3A_2575 = vector.load %arg2[%get3A_2573, %get3A_2574] : memref<16384x128xf32, #tpu.memory_space<vmem>>, vector<128x128xf32>
    %add3A_2576 = arith.addf %get3A_2570, %get3A_2575 : vector<128x128xf32>
    %swap3A_2577 = arith.index_cast %mul3A_2567 : i32 to index
    %swap3A_2578 = arith.constant 0 : index
    %swap3A_2579 = vector.load %arg3[%swap3A_2577, %swap3A_2578] : memref<1024x128xf32, #tpu.memory_space<vmem>>, vector<128x128xf32>
    tpu.vector_store %arg3[%swap3A_2577, %swap3A_2578], %add3A_2576 {strides = array<i32>} : memref<1024x128xf32, #tpu.memory_space<vmem>>, vector<128x128xf32>,
    %scan3A_2580 = arith.constant 123 : i32
    %mul3A_2581 = arith.constant 128 : i32
    %mul3A_2582 = arith.muli %arg0, %mul3A_2581 : i32
    %add3A_2583 = arith.addi %mul3A_2582, %scan3A_2580 : i32
    %get3A_2584 = arith.constant 0 : index
    %get3A_2585 = arith.index_cast %add3A_2583 : i32 to index
    %get3A_2586 = memref.load %arg1[%get3A_2584, %get3A_2585] : memref<1x1024xi32, #tpu.memory_space<smem>>
    %mul3A_2587 = arith.constant 128 : i32
    %mul3A_2588 = arith.muli %get3A_2586, %mul3A_2587 : i32
    %get3A_2589 = arith.index_cast %mul3A_2588 : i32 to index
    %get3A_2590 = arith.constant 0 : index
    %get3A_2591 = vector.load %arg3[%get3A_2589, %get3A_2590] : memref<1024x128xf32, #tpu.memory_space<vmem>>, vector<128x128xf32>
    %mul3A_2592 = arith.constant 128 : i32
    %mul3A_2593 = arith.muli %scan3A_2580, %mul3A_2592 : i32
    %get3A_2594 = arith.index_cast %mul3A_2593 : i32 to index
    %get3A_2595 = arith.constant 0 : index
    %get3A_2596 = vector.load %arg2[%get3A_2594, %get3A_2595] : memref<16384x128xf32, #tpu.memory_space<vmem>>, vector<128x128xf32>
    %add3A_2597 = arith.addf %get3A_2591, %get3A_2596 : vector<128x128xf32>
    %swap3A_2598 = arith.index_cast %mul3A_2588 : i32 to index
    %swap3A_2599 = arith.constant 0 : index
    %swap3A_2600 = vector.load %arg3[%swap3A_2598, %swap3A_2599] : memref<1024x128xf32, #tpu.memory_space<vmem>>, vector<128x128xf32>
    tpu.vector_store %arg3[%swap3A_2598, %swap3A_2599], %add3A_2597 {strides = array<i32>} : memref<1024x128xf32, #tpu.memory_space<vmem>>, vector<128x128xf32>,
    %scan3A_2601 = arith.constant 124 : i32
    %mul3A_2602 = arith.constant 128 : i32
    %mul3A_2603 = arith.muli %arg0, %mul3A_2602 : i32
    %add3A_2604 = arith.addi %mul3A_2603, %scan3A_2601 : i32
    %get3A_2605 = arith.constant 0 : index
    %get3A_2606 = arith.index_cast %add3A_2604 : i32 to index
    %get3A_2607 = memref.load %arg1[%get3A_2605, %get3A_2606] : memref<1x1024xi32, #tpu.memory_space<smem>>
    %mul3A_2608 = arith.constant 128 : i32
    %mul3A_2609 = arith.muli %get3A_2607, %mul3A_2608 : i32
    %get3A_2610 = arith.index_cast %mul3A_2609 : i32 to index
    %get3A_2611 = arith.constant 0 : index
    %get3A_2612 = vector.load %arg3[%get3A_2610, %get3A_2611] : memref<1024x128xf32, #tpu.memory_space<vmem>>, vector<128x128xf32>
    %mul3A_2613 = arith.constant 128 : i32
    %mul3A_2614 = arith.muli %scan3A_2601, %mul3A_2613 : i32
    %get3A_2615 = arith.index_cast %mul3A_2614 : i32 to index
    %get3A_2616 = arith.constant 0 : index
    %get3A_2617 = vector.load %arg2[%get3A_2615, %get3A_2616] : memref<16384x128xf32, #tpu.memory_space<vmem>>, vector<128x128xf32>
    %add3A_2618 = arith.addf %get3A_2612, %get3A_2617 : vector<128x128xf32>
    %swap3A_2619 = arith.index_cast %mul3A_2609 : i32 to index
    %swap3A_2620 = arith.constant 0 : index
    %swap3A_2621 = vector.load %arg3[%swap3A_2619, %swap3A_2620] : memref<1024x128xf32, #tpu.memory_space<vmem>>, vector<128x128xf32>
    tpu.vector_store %arg3[%swap3A_2619, %swap3A_2620], %add3A_2618 {strides = array<i32>} : memref<1024x128xf32, #tpu.memory_space<vmem>>, vector<128x128xf32>,
    %scan3A_2622 = arith.constant 125 : i32
    %mul3A_2623 = arith.constant 128 : i32
    %mul3A_2624 = arith.muli %arg0, %mul3A_2623 : i32
    %add3A_2625 = arith.addi %mul3A_2624, %scan3A_2622 : i32
    %get3A_2626 = arith.constant 0 : index
    %get3A_2627 = arith.index_cast %add3A_2625 : i32 to index
    %get3A_2628 = memref.load %arg1[%get3A_2626, %get3A_2627] : memref<1x1024xi32, #tpu.memory_space<smem>>
    %mul3A_2629 = arith.constant 128 : i32
    %mul3A_2630 = arith.muli %get3A_2628, %mul3A_2629 : i32
    %get3A_2631 = arith.index_cast %mul3A_2630 : i32 to index
    %get3A_2632 = arith.constant 0 : index
    %get3A_2633 = vector.load %arg3[%get3A_2631, %get3A_2632] : memref<1024x128xf32, #tpu.memory_space<vmem>>, vector<128x128xf32>
    %mul3A_2634 = arith.constant 128 : i32
    %mul3A_2635 = arith.muli %scan3A_2622, %mul3A_2634 : i32
    %get3A_2636 = arith.index_cast %mul3A_2635 : i32 to index
    %get3A_2637 = arith.constant 0 : index
    %get3A_2638 = vector.load %arg2[%get3A_2636, %get3A_2637] : memref<16384x128xf32, #tpu.memory_space<vmem>>, vector<128x128xf32>
    %add3A_2639 = arith.addf %get3A_2633, %get3A_2638 : vector<128x128xf32>
    %swap3A_2640 = arith.index_cast %mul3A_2630 : i32 to index
    %swap3A_2641 = arith.constant 0 : index
    %swap3A_2642 = vector.load %arg3[%swap3A_2640, %swap3A_2641] : memref<1024x128xf32, #tpu.memory_space<vmem>>, vector<128x128xf32>
    tpu.vector_store %arg3[%swap3A_2640, %swap3A_2641], %add3A_2639 {strides = array<i32>} : memref<1024x128xf32, #tpu.memory_space<vmem>>, vector<128x128xf32>,
    %scan3A_2643 = arith.constant 126 : i32
    %mul3A_2644 = arith.constant 128 : i32
    %mul3A_2645 = arith.muli %arg0, %mul3A_2644 : i32
    %add3A_2646 = arith.addi %mul3A_2645, %scan3A_2643 : i32
    %get3A_2647 = arith.constant 0 : index
    %get3A_2648 = arith.index_cast %add3A_2646 : i32 to index
    %get3A_2649 = memref.load %arg1[%get3A_2647, %get3A_2648] : memref<1x1024xi32, #tpu.memory_space<smem>>
    %mul3A_2650 = arith.constant 128 : i32
    %mul3A_2651 = arith.muli %get3A_2649, %mul3A_2650 : i32
    %get3A_2652 = arith.index_cast %mul3A_2651 : i32 to index
    %get3A_2653 = arith.constant 0 : index
    %get3A_2654 = vector.load %arg3[%get3A_2652, %get3A_2653] : memref<1024x128xf32, #tpu.memory_space<vmem>>, vector<128x128xf32>
    %mul3A_2655 = arith.constant 128 : i32
    %mul3A_2656 = arith.muli %scan3A_2643, %mul3A_2655 : i32
    %get3A_2657 = arith.index_cast %mul3A_2656 : i32 to index
    %get3A_2658 = arith.constant 0 : index
    %get3A_2659 = vector.load %arg2[%get3A_2657, %get3A_2658] : memref<16384x128xf32, #tpu.memory_space<vmem>>, vector<128x128xf32>
    %add3A_2660 = arith.addf %get3A_2654, %get3A_2659 : vector<128x128xf32>
    %swap3A_2661 = arith.index_cast %mul3A_2651 : i32 to index
    %swap3A_2662 = arith.constant 0 : index
    %swap3A_2663 = vector.load %arg3[%swap3A_2661, %swap3A_2662] : memref<1024x128xf32, #tpu.memory_space<vmem>>, vector<128x128xf32>
    tpu.vector_store %arg3[%swap3A_2661, %swap3A_2662], %add3A_2660 {strides = array<i32>} : memref<1024x128xf32, #tpu.memory_space<vmem>>, vector<128x128xf32>,
    %scan3A_2664 = arith.constant 127 : i32
    %mul3A_2665 = arith.constant 128 : i32
    %mul3A_2666 = arith.muli %arg0, %mul3A_2665 : i32
    %add3A_2667 = arith.addi %mul3A_2666, %scan3A_2664 : i32
    %get3A_2668 = arith.constant 0 : index
    %get3A_2669 = arith.index_cast %add3A_2667 : i32 to index
    %get3A_2670 = memref.load %arg1[%get3A_2668, %get3A_2669] : memref<1x1024xi32, #tpu.memory_space<smem>>
    %mul3A_2671 = arith.constant 128 : i32
    %mul3A_2672 = arith.muli %get3A_2670, %mul3A_2671 : i32
    %get3A_2673 = arith.index_cast %mul3A_2672 : i32 to index
    %get3A_2674 = arith.constant 0 : index
    %get3A_2675 = vector.load %arg3[%get3A_2673, %get3A_2674] : memref<1024x128xf32, #tpu.memory_space<vmem>>, vector<128x128xf32>
    %mul3A_2676 = arith.constant 128 : i32
    %mul3A_2677 = arith.muli %scan3A_2664, %mul3A_2676 : i32
    %get3A_2678 = arith.index_cast %mul3A_2677 : i32 to index
    %get3A_2679 = arith.constant 0 : index
    %get3A_2680 = vector.load %arg2[%get3A_2678, %get3A_2679] : memref<16384x128xf32, #tpu.memory_space<vmem>>, vector<128x128xf32>
    %add3A_2681 = arith.addf %get3A_2675, %get3A_2680 : vector<128x128xf32>
    %swap3A_2682 = arith.index_cast %mul3A_2672 : i32 to index
    %swap3A_2683 = arith.constant 0 : index
    %swap3A_2684 = vector.load %arg3[%swap3A_2682, %swap3A_2683] : memref<1024x128xf32, #tpu.memory_space<vmem>>, vector<128x128xf32>
    tpu.vector_store %arg3[%swap3A_2682, %swap3A_2683], %add3A_2681 {strides = array<i32>} : memref<1024x128xf32, #tpu.memory_space<vmem>>, vector<128x128xf32>,
    %scan3A_2685 = arith.constant 128 : i32
    return
  }
  func.func @transform_0(%arg0: i32) -> (i32, i32) {
    %c0_i32 = arith.constant 0 : i32
    %c0_i32_0 = arith.constant 0 : i32
    %c0_i32_1 = arith.constant 0 : i32
    return %c0_i32, %c0_i32_0 : i32, i32
  }
  func.func @transform_1(%arg0: i32) -> (i32, i32) {
    %c0_i32 = arith.constant 0 : i32
    %c0_i32_0 = arith.constant 0 : i32
    return %arg0, %c0_i32 : i32, i32
  }
  func.func @transform_2(%arg0: i32) -> (i32, i32) {
    %c0_i32 = arith.constant 0 : i32
    %c0_i32_0 = arith.constant 0 : i32
    %c0_i32_1 = arith.constant 0 : i32
    return %c0_i32, %c0_i32_0 : i32, i32
  }
}

</mosaic_0001>

<sc_bundles>
// kernel: kernel.5.cloned.1.call-start
scs
__scs_entry_jumppad:
0x0: {  	(pc) =	sbr.rel $0x88, $3  }
0x1: {  	(tag) =	ssettag $0x0;
	lr =	simm.s32 $0x1  }
0x2: {  	[smem:$0x3F9F] =	sst lr;
	_ =	strace $0xD0000000  }
0x3: {  	_ = 	snop  }
0x4: {  	_ = 	snop  }
0x5: {  	_ = 	snop  }
0x6: {  	_ = 	snop  }
0x7: {  	_ = 	snop  }
__scs_overlays_trampoline_lowered:
0x8: {  	[smem:$0x3FAE] =	sst s0  }
0x9: {  	[smem:$0x3FAF] =	sst s1  }
0xa: {  	[smem:$0x3FB0] =	sst s2  }
0xb: {  	[smem:$0x3FB1] =	sst s3  }
0xc: {  	[smem:$0x3FB2] =	sst s4  }
0xd: {  	[smem:$0x3FB3] =	sst s5  }
0xe: {  	[smem:$0x3FB4] =	sst s6  }
0xf: {  	[smem:$0x3FB5] =	sst s7  }
0x10: {  	[smem:$0x3FB6] =	sst s8  }
0x11: {  	[smem:$0x3FB7] =	sst s9;
	s0 =	simm.s32 @!p0 $0x0  }
0x12: {  	s1 =	sld [smem:$0x3F9D];
	s0 =	simm.s32 @p0 $0x1  }
0x13: {  	[smem:$0x3FB8] =	sst s0;
	s0 =	simm.s32 @!p1 $0x0  }
0x14: {  	s2 =	sld [smem:$0x3F9C];
	s0 =	simm.s32 @p1 $0x1  }
0x15: {  	[smem:$0x3FB9] =	sst s0;
	s0 =	simm.s32 @!p2 $0x0  }
0x16: {  	s3 =	sld [smem:$0x3FDB];
	s0 =	simm.s32 @p2 $0x1  }
0x17: {  	s4 =	simm.s32 $0x1BF5;
	[smem:$0x3FBB] =	sst s0  }
0x18: {  	s0 =	sld [smem:$0x3F9E];
	_ =	swait.ge [sflag:s4], $0x0  }
0x19: {  	s7 =	sld [smem:$0x3F9F]  }
0x1a: {  	s8 =	sadd.s32 $0xFFFFE003, lr  }
0x1b: {  	s9 =	sadd.s32 $0xFFFFFEF7, lr;
	s5 =	simm.s32 $0xFFFFFFFF;
	p2 =	slt.u32 s8, $0xFFFFF086  }
0x1c: {  	p1 =	slt.u32 s9, $0xF7A;
	s5 =	simm.s32 @!p2 $0x0  }
0x1d: {  	s5 =	simm.s32 @p1 $0x1;
	p0 =	seq.s32 s7, s2  }
0x1e: {  	s7 =	smul.u32 @!p0 $0xF7A, s2;
	p2 =	seq.s32 @!p0 s5, $0x0  }
0x1f: {  	s9 =	smul.u32 $0xF7A, s1;
	s8 =	simm.s32 @!p0 $0x1BF5;
	p2 =	por !p2, p0  }
0x20: {  	[sflag:s8] =	ssyncset.s32 @!p0 $0xFFFFF086;
	s6 =	sadd.s32 @!p0 s3, s7;
	s7 =	simm.s32 @!p0 $0x108  }
0x21: {  	s3 =	sadd.s32 s3, s9;
	s6 =	sadd.s32 @!p0 $0x88, s6;
	s7 =	simm.s32 @p2 $0x1082  }
0x22: {  	[simem:s7], [sflag:s8] =	dma.local @!p0 [hbm:s6], $0xF7A  }
0x23: {  	s9 =	sor.u32 $0xD0000000, s2;
	s6 =	simm.s32 $0x108;
	_ =	swait.ge @!p0 [sflag:s8], $0x0  }
0x24: {  	s3 =	sadd.s32 $0x88, s3;
	s6 =	simm.s32 @!p1 $0x1082;
	[sflag:s4] =	ssyncset.s32 $0xFFFFF086  }
0x25: {  	[simem:s6], [sflag:s4] =	dma.local [hbm:s3], $0xF7A  }
0x26: {  	[smem:$0x3F9F] =	sst s1;
	(tag) =	ssettag s2;
	_ =	strace s9  }
0x27: {  	s1 =	sld [smem:$0x3FAF]  }
0x28: {  	s2 =	sld [smem:$0x3FB0]  }
0x29: {  	s4 =	sld [smem:$0x3FB2]  }
0x2a: {  	p0 =	seq.s32 s5, $0x0;
	s5 =	sld [smem:$0x3FB3]  }
0x2b: {  	s6 =	sld [smem:$0x3FB4]  }
0x2c: {  	s7 =	sld [smem:$0x3FB5]  }
0x2d: {  	s3 =	simm.s32 $0x108;
	s8 =	sld [smem:$0x3FB6]  }
0x2e: {  	s3 =	simm.s32 @!p0 $0x1082;
	s9 =	sld [smem:$0x3FB7]  }
0x2f: {  	lr =	sadd.s32 s0, s3;
	s0 =	sld [smem:$0x3FAE]  }
0x30: {  	s3 =	sld [smem:$0x3FB1]  }
0x31: {  	[smem:$0x3FBA] =	sst s10  }
0x32: {  	s10 =	sld [smem:$0x3FB8];
	_ =	sdelay $0x3  }
0x33: {  	p0 =	seq.s32 s10, $0x1;
	s10 =	sld [smem:$0x3FBA];
	_ =	sdelay $0x3  }
0x34: {  	[smem:$0x3FBA] =	sst s10  }
0x35: {  	s10 =	sld [smem:$0x3FB9];
	_ =	sdelay $0x3  }
0x36: {  	p1 =	seq.s32 s10, $0x1;
	s10 =	sld [smem:$0x3FBA];
	_ =	sdelay $0x3  }
0x37: {  	[smem:$0x3FBA] =	sst s10  }
0x38: {  	s10 =	sld [smem:$0x3FBB]  }
0x39: {  	_ = 	snop;
	(pc) =	sbr.ind lr, $3  }
0x3a: {  	_ = 	snop  }
0x3b: {  	_ = 	snop  }
0x3c: {  	p2 =	seq.s32 s10, $0x1;
	s10 =	sld [smem:$0x3FBA]  }
0x3d: {  	_ =	shalt  }
0x3e: {  	_ =	shalt  }
0x3f: {  	_ =	shalt  }
0x40: {  	_ =	shalt  }
0x41: {  	_ =	shalt  }
0x42: {  	_ =	shalt  }
0x43: {  	_ =	shalt  }
0x44: {  	_ =	shalt  }
0x45: {  	_ =	shalt  }
0x46: {  	_ =	shalt  }
0x47: {  	_ =	shalt  }
0x48: {  	_ =	shalt  }
0x49: {  	_ =	shalt  }
0x4a: {  	_ =	shalt  }
0x4b: {  	_ =	shalt  }
0x4c: {  	_ =	shalt  }
0x4d: {  	_ =	shalt  }
0x4e: {  	_ =	shalt  }
0x4f: {  	_ =	shalt  }
0x50: {  	_ =	shalt  }
0x51: {  	_ =	shalt  }
0x52: {  	_ =	shalt  }
0x53: {  	_ =	shalt  }
0x54: {  	_ =	shalt  }
0x55: {  	_ =	shalt  }
0x56: {  	_ =	shalt  }
0x57: {  	_ =	shalt  }
0x58: {  	_ =	shalt  }
0x59: {  	_ =	shalt  }
0x5a: {  	_ =	shalt  }
0x5b: {  	_ =	shalt  }
0x5c: {  	_ =	shalt  }
0x5d: {  	_ =	shalt  }
0x5e: {  	_ =	shalt  }
0x5f: {  	_ =	shalt  }
0x60: {  	_ =	shalt  }
0x61: {  	_ =	shalt  }
0x62: {  	_ =	shalt  }
0x63: {  	_ =	shalt  }
0x64: {  	_ =	shalt  }
0x65: {  	_ =	shalt  }
0x66: {  	_ =	shalt  }
0x67: {  	_ =	shalt  }
0x68: {  	_ =	shalt  }
0x69: {  	_ =	shalt  }
0x6a: {  	_ =	shalt  }
0x6b: {  	_ =	shalt  }
0x6c: {  	_ =	shalt  }
0x6d: {  	_ =	shalt  }
0x6e: {  	_ =	shalt  }
0x6f: {  	_ =	shalt  }
0x70: {  	_ =	shalt  }
0x71: {  	_ =	shalt  }
0x72: {  	_ =	shalt  }
0x73: {  	_ =	shalt  }
0x74: {  	_ =	shalt  }
0x75: {  	_ =	shalt  }
0x76: {  	_ =	shalt  }
0x77: {  	_ =	shalt  }
0x78: {  	_ =	shalt  }
0x79: {  	_ =	shalt  }
0x7a: {  	_ =	shalt  }
0x7b: {  	_ =	shalt  }
0x7c: {  	_ =	shalt  }
0x7d: {  	_ =	shalt  }
0x7e: {  	_ =	shalt  }
0x7f: {  	_ =	shalt  }
0x80: {  	_ =	shalt  }
0x81: {  	_ =	shalt  }
0x82: {  	_ =	shalt  }
0x83: {  	_ =	shalt  }
0x84: {  	_ =	shalt  }
0x85: {  	_ =	shalt  }
0x86: {  	_ =	shalt  }
0x87: {  	_ =	shalt  }
.Lfunc_end0:
.L_simem_size_0:
called_computation_lowered:
.L_overlay_start_0:
0x88: {  	s2 =	sld [smem:$0x3FD9]  }
0x89: {  	s3 =	sld [smem:$0x3FFE];
	_ =	sdelay $0x1  }
0x8a: {  	s1 =	srdreg.scid  }
0x8b: {  	s0 =	sand.u32 $0x1, s1  }
0x8c: {  	s17 =	sshll.u32 s0, $0xA;
	s2 =	sadd.s32 s3, s2  }
0x8d: {  	s2 =	sadd.s32 s2, s17  }
0x8e: {  	[smem:$0x3FC6] =	sst s2  }
0x8f: {  	_ = 	snop  }
0x90: {  	s2 =	sld [smem:$0x3FC9];
	(tm) =	ssettm $0x1  }
0x91: {  	s18 =	sld [smem:$0x3FFB];
	_ =	sdelay $0x3  }
0x92: {  	_ =	strace s18  }
0x93: {  	s3 =	sld [smem:$0x3FFC];
	_ =	sdelay $0x3  }
0x94: {  	_ =	strace s3  }
0x95: {  	s3 =	sld [smem:$0x3FFD];
	_ =	sdelay $0x3  }
0x96: {  	_ =	strace s3  }
0x97: {  	_ =	strace $0x8FFFFFFF  }
0x98: {  	s19 =	sld [smem:$0x3FDB];
	_ =	sdelay $0x1  }
0x99: {  	s4 =	simm.s32 $_scs_section_size  }
0x9a: {  	s5 =	simm.s32 $_size__tile_overlayer_lowered;
	s6 =	simm.s32 $_tile_overlayer_lowered  }
0x9b: {  	s22 =	simm.s32 $0x1BFF;
	s21 =	sshll.u32 s6, $0x1;
	s3 =	sadd.s32 s4, s19  }
0x9c: {  	s7 =	simm.s32 $0x0;
	s20 =	sshll.u32 s5, $0x1;
	s5 =	sadd.s32 s21, s3  }
0x9d: {  	[timem:s7], [sflag:s22] =	dma.local [hbm:s5], s20  }
0x9e: {  	_ =	swait.ge [sflag:s22], s20  }
0x9f: {  	s4 =	ssub.s32 $0x0, s20;
	[sflag:s22] =	ssyncset.done $0x0  }
0xa0: {  	[sflag:s22] =	ssyncadd.s32 s4;
	_ =	sdelay $0x1  }
0xa1: {  	s23 =	simm.s32 $0x1B8B  }
0xa2: {  	_ =	swait.ge [sflag:s23], $0x1  }
0xa3: {  	[sflag:s23] =	ssyncset.done $0x0  }
0xa4: {  	s25 =	simm.s32 $0x1B8E;
	s24 =	sld [smem:$0x3FFE];
	[sflag:s23] =	ssyncadd.s32 $0xFFFFFFFF  }
0xa5: {  	s26 =	simm.s32 $execute0_lowered;
	[smem:$0x3FD2] =	sst s25  }
0xa6: {  	s5 =	sshll.u32 s26, $0x1;
	_ =	strace $0x80000046;
	[dreg:$0x1] =	wrdreg $0xFFFFFFFF  }
0xa7: {  	s28 =	simm.s32 $_size_execute0_lowered;
	s3 =	sadd.s32 s3, s5;
	[dreg:$0x0] =	wrdreg $0x0  }
0xa8: {  	s5 =	sshll.u32 s28, $0x1;
	[dreg:$0x2] =	wrdreg s3  }
0xa9: {  	[dreg:$0x3] =	wrdreg s5  }
0xaa: {  	[dreg:$0x4] =	wrdreg $0xC0  }
0xab: {  	_ =	task [dreg:s7], $0x5FFFF  }
0xac: {  	[dreg:$0x1] =	wrdreg $0xFFFFFFFF  }
0xad: {  	[dreg:$0x0] =	wrdreg $0x60  }
0xae: {  	[dreg:$0x2] =	wrdreg s2  }
0xaf: {  	[dreg:$0x3] =	wrdreg s24  }
0xb0: {  	[dreg:$0x4] =	wrdreg $0x84000  }
0xb1: {  	[dreg:$0x5] =	wrdreg $0x9  }
0xb2: {  	_ =	task.clear_ibuf [dreg:s7], $0x6FFFF;
	_ =	strace $0x90000046  }
0xb3: {  	s29 =	simm.s32 $0x9;
	_ =	strace $0x80000048  }
0xb4: {  	_ =	swait.ge [sflag:s29], $0x1  }
0xb5: {  	[sflag:s29] =	ssyncadd.s32 $0xFFFFFFFF  }
0xb6: {  	_ =	strace $0x90000048  }
0xb7: {  	_ =	sfence  }
0xb8: {  	s30 =	sld [smem:$0x0];
	_ =	sdelay $0x2  }
0xb9: {  	s31 =	sshll.u32 s1, $0xD;
	s1 =	sshrl.u32 s1, $0x2  }
0xba: {  	s3 =	sand.u32 $0x4000, s31;
	s1 =	sadd.s32 s1, s30  }
0xbb: {  	s0 =	sor.u32 s3, s0;
	s1 =	sshll.u32 s1, $0x11  }
0xbc: {  	s0 =	sor.u32 s1, s0  }
0xbd: {  	s0 =	sadd.s32 $0x8F2B, s0  }
0xbe: {  	[sflag:s0] =	ssyncadd.remote.s32 $0x1  }
0xbf: {  	_ =	sfence.sel $0xFFFF  }
0xc0: {  	[dreg:$0x0] =	wrdreg $0xFFFFFFFF;
	(pc) =	sbr.abs _section_cstart, $3  }
0xc1: {  	[dreg:$0x1] =	wrdreg $0xFFFFFFFF  }
0xc2: {  	_ =	task.clear_ibuf [dreg:s7], $0x2FFFF;
	_ =	strace $0x9FFFFFFF  }
0xc3: {  	(tm) =	ssettm $0x7FFFFFFF  }
tec
execute0_lowered:
.L_overlay_start_1:
0x0: {  	(tag) =	ssettag $0x1  }
0x1: {  	s3 =	rddreg [dreg:$0x0]  }
0x2: {  	s0 =	srdreg.scid;
	s6 =	rddreg [dreg:$0x1]  }
0x3: {  	s4 =	stileid.u32;
	s1 =	rddreg [dreg:$0x2];
	s22 =	simm.s32 $0x100  }
0x4: {  	s20 =	simm.s32 $0x180;
	s18 =	simm.s32 $0x200;
	s16 =	simm.s32 $0x280  }
0x5: {  	p1 =	por $0x0, $0x0;
	s15 =	simm.s32 $0x300;
	s5 =	sand.u32 $0x1, s0  }
0x6: {  	s2 =	sshll.u32 s4, $0x3;
	s25 =	sadd.s32 $0x4800, s6;
	p0 =	sne.s32 s4, $0x0  }
0x7: {  	s0 =	sshll.u32 s5, $0x7;
	s10 =	ssub.s32 $0x2, s5;
	s5 =	sshll.u32 s5, $0xE  }
0x8: {  	s4 =	sshrl.u32 @!p0 s1, $0x3;
	s7 =	sor.u32 s2, s0;
	s0 =	rddreg [dreg:$0x3]  }
0x9: {  	s2 =	simm.s32 $0x0;
	s11 =	sshrl.u32 s10, $0x1;
	s5 =	sadd.s32 s5, s6  }
0xa: {  	s8 =	sor.u32 $0x300, s7;
	[smem:$0x7FF] =	sst s2;
	s31 =	ssub.s32 s10, s11  }
0xb: {  	s7 =	sshll.u32 s7, $0xB;
	s10 =	simm.s32 $0x400;
	s11 =	simm.s32 $0x1  }
0xc: {  	s9 =	sshll.u32 s8, $0x4;
	_ =	strace $0x80000047;
	s13 =	smax.u32 s31, $0x1  }
0xd: {  	s8 =	sshll.u32 s8, $0xB;
	s7 =	sadd.s32 s7, s3;
	s30 =	sadd.s32 $0xFFFFFFFF, s13  }
0xe: {  	s9 =	sadd.s32 s9, s6;
	s24 =	sadd.s32 $0x180800, s7;
	p2 =	sne.s32 s30, $0x0  }
.Ltmp0:
0xf: {  	s23 =	sadd.s32 s3, s8;
	s19 =	sadd.s32 $0x181800, s7;
	(pc) =	sbr.rel @!p2 .LBB2_3-.Ltmp0, $4  }
0x10: {  	s21 =	sadd.s32 $0x181000, s7;
	s17 =	sadd.s32 $0x182000, s7;
	s14 =	sadd.s32 $0x182800, s7  }
0x11: {  	s12 =	sadd.s32 $0x183000, s7;
	s8 =	sadd.s32 $0x183800, s7;
	s3 =	sadd.s32 $0x8800, s5  }
0x12: {  	s5 =	simm.s32 $0x3;
	s6 =	simm.s32 $0x4400;
	s7 =	simm.s32 $0x80  }
0x13: {  	s13 =	simm.s32 $0x380;
	s26 =	sadd.s32 $0x800, s9;
	s9 =	simm.s32 $0x2  }
0x14: {  	s29 =	simm.s32 @!p0 $0x1C03;
	s28 =	simm.s32 @!p0 $0x3  }
0x15: {  	[spmem:s4], [sflag:s29] =	dma.local @!p0 [hbm:s25], $0x4000  }
0x16: {  	_ =	swait.ge @!p0 [sflag:s28], $0x4000  }
0x17: {  	[sflag:s28] =	ssyncset.done @!p0 $0x0  }
0x18: {  	[sflag:s28] =	ssyncadd.s32 @!p0 $0xFFFFC000  }
0x19: {  	[bflag:$0x0] =	sbarrier.arrive $0xFFFF  }
0x1a: {  	[tilespmem:s2], [sflag:$0x3] =	stream.linear.gather [hbm4b:s26+s2], $0x400, $0x38;
	[tilespmem:$0xA400] =	vst v63  }
0x1b: {  	_ =	swait.ge [sflag:s5], $0x400  }
0x1c: {  	[sflag:s5] =	ssyncset.done $0x0  }
0x1d: {  	[sflag:s5] =	ssyncadd.s32 $0xFFFFFC00  }
0x1e: {  	[tilespmem:s10], [sflag:$0x1] =	stream.linear.gather [hbm4b:s23+s2], $0x4000, $0x38;
	[tilespmem:$0xA400] =	vst v63  }
0x1f: {  	_ = 	snop  }
0x20: {  	[tilespmem:s6], [sflag:$0x2] =	stream.linear.gather [hbm4b:s24+s2], $0x4000, $0x38;
	[tilespmem:$0xA400] =	vst v63  }
0x21: {  	_ =	swait.ge [sflag:s11], $0x4000  }
0x22: {  	[sflag:s11] =	ssyncset.done $0x0  }
0x23: {  	[sflag:s11] =	ssyncadd.s32 $0xFFFFC000  }
0x24: {  	[spmem:s1] =	stream.indirect.scatter.add.f32 [tilespmem:s10], [sflag:$0x3], $0x80, s2, s7, $0xb8;
	[tilespmem:$0xA400] =	vst v63  }
0x25: {  	_ =	swait.ge [sflag:s5], $0x4000  }
0x26: {  	[sflag:s5] =	ssyncset.done $0x0  }
0x27: {  	[sflag:s5] =	ssyncadd.s32 $0xFFFFC000  }
0x28: {  	[tilespmem:s10], [sflag:$0x1] =	stream.linear.gather [hbm4b:s21+s2], $0x4000, $0x38;
	[tilespmem:$0xA400] =	vst v63  }
0x29: {  	_ =	swait.ge [sflag:s9], $0x4000  }
0x2a: {  	[sflag:s9] =	ssyncset.done $0x0  }
0x2b: {  	[sflag:s9] =	ssyncadd.s32 $0xFFFFC000  }
0x2c: {  	[spmem:s1] =	stream.indirect.scatter.add.f32 [tilespmem:s6], [sflag:$0x3], $0x80, s7, s7, $0xb8;
	[tilespmem:$0xA400] =	vst v63  }
0x2d: {  	_ =	swait.ge [sflag:s5], $0x4000  }
0x2e: {  	[sflag:s5] =	ssyncset.done $0x0  }
0x2f: {  	[sflag:s5] =	ssyncadd.s32 $0xFFFFC000  }
0x30: {  	[tilespmem:s6], [sflag:$0x2] =	stream.linear.gather [hbm4b:s19+s2], $0x4000, $0x38;
	[tilespmem:$0xA400] =	vst v63  }
0x31: {  	_ =	swait.ge [sflag:s11], $0x4000  }
0x32: {  	[sflag:s11] =	ssyncset.done $0x0  }
0x33: {  	[sflag:s11] =	ssyncadd.s32 $0xFFFFC000  }
0x34: {  	[spmem:s1] =	stream.indirect.scatter.add.f32 [tilespmem:s10], [sflag:$0x3], $0x80, s22, s7, $0xb8;
	[tilespmem:$0xA400] =	vst v63  }
0x35: {  	_ =	swait.ge [sflag:s5], $0x4000  }
0x36: {  	[sflag:s5] =	ssyncset.done $0x0  }
0x37: {  	[sflag:s5] =	ssyncadd.s32 $0xFFFFC000  }
0x38: {  	[tilespmem:s10], [sflag:$0x1] =	stream.linear.gather [hbm4b:s17+s2], $0x4000, $0x38;
	[tilespmem:$0xA400] =	vst v63  }
0x39: {  	_ =	swait.ge [sflag:s9], $0x4000  }
0x3a: {  	[sflag:s9] =	ssyncset.done $0x0  }
0x3b: {  	[sflag:s9] =	ssyncadd.s32 $0xFFFFC000  }
0x3c: {  	[spmem:s1] =	stream.indirect.scatter.add.f32 [tilespmem:s6], [sflag:$0x3], $0x80, s20, s7, $0xb8;
	[tilespmem:$0xA400] =	vst v63  }
0x3d: {  	_ =	swait.ge [sflag:s5], $0x4000  }
0x3e: {  	[sflag:s5] =	ssyncset.done $0x0  }
0x3f: {  	[sflag:s5] =	ssyncadd.s32 $0xFFFFC000  }
0x40: {  	[tilespmem:s6], [sflag:$0x2] =	stream.linear.gather [hbm4b:s14+s2], $0x4000, $0x38;
	[tilespmem:$0xA400] =	vst v63  }
0x41: {  	_ =	swait.ge [sflag:s11], $0x4000  }
0x42: {  	[sflag:s11] =	ssyncset.done $0x0  }
0x43: {  	[sflag:s11] =	ssyncadd.s32 $0xFFFFC000  }
0x44: {  	[spmem:s1] =	stream.indirect.scatter.add.f32 [tilespmem:s10], [sflag:$0x3], $0x80, s18, s7, $0xb8;
	[tilespmem:$0xA400] =	vst v63  }
0x45: {  	_ =	swait.ge [sflag:s5], $0x4000  }
0x46: {  	[sflag:s5] =	ssyncset.done $0x0  }
0x47: {  	[sflag:s5] =	ssyncadd.s32 $0xFFFFC000  }
0x48: {  	[tilespmem:s10], [sflag:$0x1] =	stream.linear.gather [hbm4b:s12+s2], $0x4000, $0x38;
	[tilespmem:$0xA400] =	vst v63  }
0x49: {  	_ =	swait.ge [sflag:s9], $0x4000  }
0x4a: {  	[sflag:s9] =	ssyncset.done $0x0  }
0x4b: {  	[sflag:s9] =	ssyncadd.s32 $0xFFFFC000  }
0x4c: {  	[spmem:s1] =	stream.indirect.scatter.add.f32 [tilespmem:s6], [sflag:$0x3], $0x80, s16, s7, $0xb8;
	[tilespmem:$0xA400] =	vst v63  }
0x4d: {  	_ =	swait.ge [sflag:s5], $0x4000  }
0x4e: {  	[sflag:s5] =	ssyncset.done $0x0  }
0x4f: {  	[sflag:s5] =	ssyncadd.s32 $0xFFFFC000  }
0x50: {  	[tilespmem:s6], [sflag:$0x2] =	stream.linear.gather [hbm4b:s8+s2], $0x4000, $0x38;
	[tilespmem:$0xA400] =	vst v63  }
0x51: {  	_ =	swait.ge [sflag:s11], $0x4000  }
0x52: {  	[sflag:s11] =	ssyncset.done $0x0  }
0x53: {  	[sflag:s11] =	ssyncadd.s32 $0xFFFFC000  }
0x54: {  	[spmem:s1] =	stream.indirect.scatter.add.f32 [tilespmem:s10], [sflag:$0x3], $0x80, s15, s7, $0xb8;
	[tilespmem:$0xA400] =	vst v63  }
0x55: {  	_ =	swait.ge [sflag:s5], $0x4000  }
0x56: {  	[sflag:s5] =	ssyncset.done $0x0  }
0x57: {  	[sflag:s5] =	ssyncadd.s32 $0xFFFFC000  }
0x58: {  	_ =	swait.ge [sflag:s9], $0x4000  }
0x59: {  	[sflag:s9] =	ssyncset.done $0x0  }
0x5a: {  	[sflag:s9] =	ssyncadd.s32 $0xFFFFC000  }
0x5b: {  	[spmem:s1] =	stream.indirect.scatter.add.f32 [tilespmem:s6], [sflag:$0x3], $0x80, s13, s7, $0xb8;
	[tilespmem:$0xA400] =	vst v63  }
0x5c: {  	s30 =	sadd.s32 $0xFFFFFFFF, s30;
	_ =	swait.ge [sflag:s5], $0x4000  }
0x5d: {  	p2 =	sne.s32 s30, $0x0;
	[sflag:s5] =	ssyncset.done $0x0  }
.Ltmp1:
0x5e: {  	[sflag:s5] =	ssyncadd.s32 $0xFFFFC000;
	(pc) =	sbr.rel @!p2 .LBB2_3-.Ltmp1, $4  }
0x5f: {  	[bflag:$0x0] =	sbarrier.arrive $0xFFFF  }
0x60: {  	[hbm:s3], [sflag:s29] =	dma.local @!p0 [spmem:s4], $0x4000  }
0x61: {  	_ =	swait.ge @!p0 [sflag:s28], $0x4000  }
0x62: {  	p1 =	por $0x1, $0x1;
	[sflag:s28] =	ssyncset.done @!p0 $0x0  }
.LBB2_2:
0x63: {  	[sflag:s28] =	ssyncadd.s32 @!p0 $0xFFFFC000  }
0x64: {  	[spmem:s4], [sflag:s29] =	dma.local @!p0 [hbm:s25], $0x4000  }
0x65: {  	s30 =	sadd.s32 $0xFFFFFFFF, s30;
	_ =	swait.ge @!p0 [sflag:s28], $0x4000  }
0x66: {  	p2 =	sne.s32 s30, $0x0;
	[sflag:s28] =	ssyncset.done @!p0 $0x0  }
0x67: {  	[sflag:s28] =	ssyncadd.s32 @!p0 $0xFFFFC000  }
0x68: {  	[bflag:$0x0] =	sbarrier.arrive $0xFFFF  }
0x69: {  	[tilespmem:s2], [sflag:$0x3] =	stream.linear.gather [hbm4b:s26+s2], $0x400, $0x38;
	[tilespmem:$0xA400] =	vst v63  }
0x6a: {  	_ =	swait.ge [sflag:s5], $0x400  }
0x6b: {  	[sflag:s5] =	ssyncset.done $0x0  }
0x6c: {  	[sflag:s5] =	ssyncadd.s32 $0xFFFFFC00  }
0x6d: {  	[tilespmem:s10], [sflag:$0x1] =	stream.linear.gather [hbm4b:s23+s2], $0x4000, $0x38;
	[tilespmem:$0xA400] =	vst v63  }
0x6e: {  	_ = 	snop  }
0x6f: {  	[tilespmem:s6], [sflag:$0x2] =	stream.linear.gather [hbm4b:s24+s2], $0x4000, $0x38;
	[tilespmem:$0xA400] =	vst v63  }
0x70: {  	_ =	swait.ge [sflag:s11], $0x4000  }
0x71: {  	[sflag:s11] =	ssyncset.done $0x0  }
0x72: {  	[sflag:s11] =	ssyncadd.s32 $0xFFFFC000  }
0x73: {  	[spmem:s1] =	stream.indirect.scatter.add.f32 [tilespmem:s10], [sflag:$0x3], $0x80, s2, s7, $0xb8;
	[tilespmem:$0xA400] =	vst v63  }
0x74: {  	_ =	swait.ge [sflag:s5], $0x4000  }
0x75: {  	[sflag:s5] =	ssyncset.done $0x0  }
0x76: {  	[sflag:s5] =	ssyncadd.s32 $0xFFFFC000  }
0x77: {  	[tilespmem:s10], [sflag:$0x1] =	stream.linear.gather [hbm4b:s21+s2], $0x4000, $0x38;
	[tilespmem:$0xA400] =	vst v63  }
0x78: {  	_ =	swait.ge [sflag:s9], $0x4000  }
0x79: {  	[sflag:s9] =	ssyncset.done $0x0  }
0x7a: {  	[sflag:s9] =	ssyncadd.s32 $0xFFFFC000  }
0x7b: {  	[spmem:s1] =	stream.indirect.scatter.add.f32 [tilespmem:s6], [sflag:$0x3], $0x80, s7, s7, $0xb8;
	[tilespmem:$0xA400] =	vst v63  }
0x7c: {  	_ =	swait.ge [sflag:s5], $0x4000  }
0x7d: {  	[sflag:s5] =	ssyncset.done $0x0  }
0x7e: {  	[sflag:s5] =	ssyncadd.s32 $0xFFFFC000  }
0x7f: {  	[tilespmem:s6], [sflag:$0x2] =	stream.linear.gather [hbm4b:s19+s2], $0x4000, $0x38;
	[tilespmem:$0xA400] =	vst v63  }
0x80: {  	_ =	swait.ge [sflag:s11], $0x4000  }
0x81: {  	[sflag:s11] =	ssyncset.done $0x0  }
0x82: {  	[sflag:s11] =	ssyncadd.s32 $0xFFFFC000  }
0x83: {  	[spmem:s1] =	stream.indirect.scatter.add.f32 [tilespmem:s10], [sflag:$0x3], $0x80, s22, s7, $0xb8;
	[tilespmem:$0xA400] =	vst v63  }
0x84: {  	_ =	swait.ge [sflag:s5], $0x4000  }
0x85: {  	[sflag:s5] =	ssyncset.done $0x0  }
0x86: {  	[sflag:s5] =	ssyncadd.s32 $0xFFFFC000  }
0x87: {  	[tilespmem:s10], [sflag:$0x1] =	stream.linear.gather [hbm4b:s17+s2], $0x4000, $0x38;
	[tilespmem:$0xA400] =	vst v63  }
0x88: {  	_ =	swait.ge [sflag:s9], $0x4000  }
0x89: {  	[sflag:s9] =	ssyncset.done $0x0  }
0x8a: {  	[sflag:s9] =	ssyncadd.s32 $0xFFFFC000  }
0x8b: {  	[spmem:s1] =	stream.indirect.scatter.add.f32 [tilespmem:s6], [sflag:$0x3], $0x80, s20, s7, $0xb8;
	[tilespmem:$0xA400] =	vst v63  }
0x8c: {  	_ =	swait.ge [sflag:s5], $0x4000  }
0x8d: {  	[sflag:s5] =	ssyncset.done $0x0  }
0x8e: {  	[sflag:s5] =	ssyncadd.s32 $0xFFFFC000  }
0x8f: {  	[tilespmem:s6], [sflag:$0x2] =	stream.linear.gather [hbm4b:s14+s2], $0x4000, $0x38;
	[tilespmem:$0xA400] =	vst v63  }
0x90: {  	_ =	swait.ge [sflag:s11], $0x4000  }
0x91: {  	[sflag:s11] =	ssyncset.done $0x0  }
0x92: {  	[sflag:s11] =	ssyncadd.s32 $0xFFFFC000  }
0x93: {  	[spmem:s1] =	stream.indirect.scatter.add.f32 [tilespmem:s10], [sflag:$0x3], $0x80, s18, s7, $0xb8;
	[tilespmem:$0xA400] =	vst v63  }
0x94: {  	_ =	swait.ge [sflag:s5], $0x4000  }
0x95: {  	[sflag:s5] =	ssyncset.done $0x0  }
0x96: {  	[sflag:s5] =	ssyncadd.s32 $0xFFFFC000  }
0x97: {  	[tilespmem:s10], [sflag:$0x1] =	stream.linear.gather [hbm4b:s12+s2], $0x4000, $0x38;
	[tilespmem:$0xA400] =	vst v63  }
0x98: {  	_ =	swait.ge [sflag:s9], $0x4000  }
0x99: {  	[sflag:s9] =	ssyncset.done $0x0  }
0x9a: {  	[sflag:s9] =	ssyncadd.s32 $0xFFFFC000  }
0x9b: {  	[spmem:s1] =	stream.indirect.scatter.add.f32 [tilespmem:s6], [sflag:$0x3], $0x80, s16, s7, $0xb8;
	[tilespmem:$0xA400] =	vst v63  }
0x9c: {  	_ =	swait.ge [sflag:s5], $0x4000  }
0x9d: {  	[sflag:s5] =	ssyncset.done $0x0  }
0x9e: {  	[sflag:s5] =	ssyncadd.s32 $0xFFFFC000  }
0x9f: {  	[tilespmem:s6], [sflag:$0x2] =	stream.linear.gather [hbm4b:s8+s2], $0x4000, $0x38;
	[tilespmem:$0xA400] =	vst v63  }
0xa0: {  	_ =	swait.ge [sflag:s11], $0x4000  }
0xa1: {  	[sflag:s11] =	ssyncset.done $0x0  }
0xa2: {  	[sflag:s11] =	ssyncadd.s32 $0xFFFFC000  }
0xa3: {  	[spmem:s1] =	stream.indirect.scatter.add.f32 [tilespmem:s10], [sflag:$0x3], $0x80, s15, s7, $0xb8;
	[tilespmem:$0xA400] =	vst v63  }
0xa4: {  	_ =	swait.ge [sflag:s5], $0x4000  }
0xa5: {  	[sflag:s5] =	ssyncset.done $0x0  }
0xa6: {  	[sflag:s5] =	ssyncadd.s32 $0xFFFFC000  }
0xa7: {  	_ =	swait.ge [sflag:s9], $0x4000  }
0xa8: {  	[sflag:s9] =	ssyncset.done $0x0  }
0xa9: {  	[sflag:s9] =	ssyncadd.s32 $0xFFFFC000  }
0xaa: {  	[spmem:s1] =	stream.indirect.scatter.add.f32 [tilespmem:s6], [sflag:$0x3], $0x80, s13, s7, $0xb8;
	[tilespmem:$0xA400] =	vst v63  }
0xab: {  	_ =	swait.ge [sflag:s5], $0x4000  }
0xac: {  	[sflag:s5] =	ssyncset.done $0x0  }
.Ltmp2:
0xad: {  	[sflag:s5] =	ssyncadd.s32 $0xFFFFC000;
	(pc) =	sbr.rel @p2 .LBB2_2-.Ltmp2, $4  }
0xae: {  	[bflag:$0x0] =	sbarrier.arrive $0xFFFF  }
0xaf: {  	[hbm:s3], [sflag:s29] =	dma.local @!p0 [spmem:s4], $0x4000  }
0xb0: {  	_ =	swait.ge @!p0 [sflag:s28], $0x4000  }
0xb1: {  	[sflag:s28] =	ssyncset.done @!p0 $0x0  }
.LBB2_3:
0xb2: {  	p1 =	por p0, !p1  }
0xb3: {  	[sflag:s28] =	ssyncadd.s32 @!p1 $0xFFFFC000;
	s28 =	simm.s32 @!p0 $0x1C03  }
0xb4: {  	[spmem:s4], [sflag:s28] =	dma.local @!p0 [hbm:s25], $0x4000  }
0xb5: {  	s25 =	simm.s32 @!p0 $0x3  }
0xb6: {  	_ =	swait.ge @!p0 [sflag:s25], $0x4000  }
0xb7: {  	[sflag:s25] =	ssyncset.done @!p0 $0x0  }
0xb8: {  	[sflag:s25] =	ssyncadd.s32 @!p0 $0xFFFFC000  }
0xb9: {  	[bflag:$0x0] =	sbarrier.arrive $0xFFFF  }
0xba: {  	[tilespmem:s2], [sflag:$0x3] =	stream.linear.gather [hbm4b:s26+s2], $0x400, $0x38;
	[tilespmem:$0xA400] =	vst v63  }
0xbb: {  	_ =	swait.ge [sflag:s5], $0x400  }
0xbc: {  	[sflag:s5] =	ssyncset.done $0x0  }
0xbd: {  	[sflag:s5] =	ssyncadd.s32 $0xFFFFFC00  }
0xbe: {  	[tilespmem:s10], [sflag:$0x1] =	stream.linear.gather [hbm4b:s23+s2], $0x4000, $0x38;
	[tilespmem:$0xA400] =	vst v63  }
0xbf: {  	_ = 	snop  }
0xc0: {  	[tilespmem:s6], [sflag:$0x2] =	stream.linear.gather [hbm4b:s24+s2], $0x4000, $0x38;
	[tilespmem:$0xA400] =	vst v63  }
0xc1: {  	_ =	swait.ge [sflag:s11], $0x4000  }
0xc2: {  	[sflag:s11] =	ssyncset.done $0x0  }
0xc3: {  	[sflag:s11] =	ssyncadd.s32 $0xFFFFC000  }
0xc4: {  	[spmem:s1] =	stream.indirect.scatter.add.f32 [tilespmem:s10], [sflag:$0x3], $0x80, s2, s7, $0xb8;
	[tilespmem:$0xA400] =	vst v63  }
0xc5: {  	_ =	swait.ge [sflag:s5], $0x4000  }
0xc6: {  	[sflag:s5] =	ssyncset.done $0x0  }
0xc7: {  	[sflag:s5] =	ssyncadd.s32 $0xFFFFC000  }
0xc8: {  	[tilespmem:s10], [sflag:$0x1] =	stream.linear.gather [hbm4b:s21+s2], $0x4000, $0x38;
	[tilespmem:$0xA400] =	vst v63  }
0xc9: {  	_ =	swait.ge [sflag:s9], $0x4000  }
0xca: {  	[sflag:s9] =	ssyncset.done $0x0  }
0xcb: {  	[sflag:s9] =	ssyncadd.s32 $0xFFFFC000  }
0xcc: {  	[spmem:s1] =	stream.indirect.scatter.add.f32 [tilespmem:s6], [sflag:$0x3], $0x80, s7, s7, $0xb8;
	[tilespmem:$0xA400] =	vst v63  }
0xcd: {  	_ =	swait.ge [sflag:s5], $0x4000  }
0xce: {  	[sflag:s5] =	ssyncset.done $0x0  }
0xcf: {  	[sflag:s5] =	ssyncadd.s32 $0xFFFFC000  }
0xd0: {  	[tilespmem:s6], [sflag:$0x2] =	stream.linear.gather [hbm4b:s19+s2], $0x4000, $0x38;
	[tilespmem:$0xA400] =	vst v63  }
0xd1: {  	_ =	swait.ge [sflag:s11], $0x4000  }
0xd2: {  	[sflag:s11] =	ssyncset.done $0x0  }
0xd3: {  	[sflag:s11] =	ssyncadd.s32 $0xFFFFC000  }
0xd4: {  	[spmem:s1] =	stream.indirect.scatter.add.f32 [tilespmem:s10], [sflag:$0x3], $0x80, s22, s7, $0xb8;
	[tilespmem:$0xA400] =	vst v63  }
0xd5: {  	_ =	swait.ge [sflag:s5], $0x4000  }
0xd6: {  	[sflag:s5] =	ssyncset.done $0x0  }
0xd7: {  	[sflag:s5] =	ssyncadd.s32 $0xFFFFC000  }
0xd8: {  	[tilespmem:s10], [sflag:$0x1] =	stream.linear.gather [hbm4b:s17+s2], $0x4000, $0x38;
	[tilespmem:$0xA400] =	vst v63  }
0xd9: {  	_ =	swait.ge [sflag:s9], $0x4000  }
0xda: {  	[sflag:s9] =	ssyncset.done $0x0  }
0xdb: {  	[sflag:s9] =	ssyncadd.s32 $0xFFFFC000  }
0xdc: {  	[spmem:s1] =	stream.indirect.scatter.add.f32 [tilespmem:s6], [sflag:$0x3], $0x80, s20, s7, $0xb8;
	[tilespmem:$0xA400] =	vst v63  }
0xdd: {  	_ =	swait.ge [sflag:s5], $0x4000  }
0xde: {  	[sflag:s5] =	ssyncset.done $0x0  }
0xdf: {  	[sflag:s5] =	ssyncadd.s32 $0xFFFFC000  }
0xe0: {  	[tilespmem:s6], [sflag:$0x2] =	stream.linear.gather [hbm4b:s14+s2], $0x4000, $0x38;
	[tilespmem:$0xA400] =	vst v63  }
0xe1: {  	_ =	swait.ge [sflag:s11], $0x4000  }
0xe2: {  	[sflag:s11] =	ssyncset.done $0x0  }
0xe3: {  	[sflag:s11] =	ssyncadd.s32 $0xFFFFC000  }
0xe4: {  	[spmem:s1] =	stream.indirect.scatter.add.f32 [tilespmem:s10], [sflag:$0x3], $0x80, s18, s7, $0xb8;
	[tilespmem:$0xA400] =	vst v63  }
0xe5: {  	_ =	swait.ge [sflag:s5], $0x4000  }
0xe6: {  	[sflag:s5] =	ssyncset.done $0x0  }
0xe7: {  	[sflag:s5] =	ssyncadd.s32 $0xFFFFC000  }
0xe8: {  	[tilespmem:s10], [sflag:$0x1] =	stream.linear.gather [hbm4b:s12+s2], $0x4000, $0x38;
	[tilespmem:$0xA400] =	vst v63  }
0xe9: {  	_ =	swait.ge [sflag:s9], $0x4000  }
0xea: {  	[sflag:s9] =	ssyncset.done $0x0  }
0xeb: {  	[sflag:s9] =	ssyncadd.s32 $0xFFFFC000  }
0xec: {  	[spmem:s1] =	stream.indirect.scatter.add.f32 [tilespmem:s6], [sflag:$0x3], $0x80, s16, s7, $0xb8;
	[tilespmem:$0xA400] =	vst v63  }
0xed: {  	_ =	swait.ge [sflag:s5], $0x4000  }
0xee: {  	[sflag:s5] =	ssyncset.done $0x0  }
0xef: {  	[sflag:s5] =	ssyncadd.s32 $0xFFFFC000  }
0xf0: {  	[tilespmem:s6], [sflag:$0x2] =	stream.linear.gather [hbm4b:s8+s2], $0x4000, $0x38;
	[tilespmem:$0xA400] =	vst v63  }
0xf1: {  	_ =	swait.ge [sflag:s11], $0x4000  }
0xf2: {  	[sflag:s11] =	ssyncset.done $0x0  }
0xf3: {  	[sflag:s11] =	ssyncadd.s32 $0xFFFFC000  }
0xf4: {  	[spmem:s1] =	stream.indirect.scatter.add.f32 [tilespmem:s10], [sflag:$0x3], $0x80, s15, s7, $0xb8;
	[tilespmem:$0xA400] =	vst v63  }
0xf5: {  	_ =	swait.ge [sflag:s5], $0x4000  }
0xf6: {  	[sflag:s5] =	ssyncset.done $0x0  }
0xf7: {  	[sflag:s5] =	ssyncadd.s32 $0xFFFFC000  }
0xf8: {  	_ =	swait.ge [sflag:s9], $0x4000  }
0xf9: {  	[sflag:s9] =	ssyncset.done $0x0  }
0xfa: {  	[sflag:s9] =	ssyncadd.s32 $0xFFFFC000  }
0xfb: {  	[spmem:s1] =	stream.indirect.scatter.add.f32 [tilespmem:s6], [sflag:$0x3], $0x80, s13, s7, $0xb8;
	[tilespmem:$0xA400] =	vst v63  }
0xfc: {  	_ =	swait.ge [sflag:s5], $0x4000  }
0xfd: {  	[sflag:s5] =	ssyncset.done $0x0  }
0xfe: {  	[sflag:s5] =	ssyncadd.s32 $0xFFFFC000  }
0xff: {  	[bflag:$0x0] =	sbarrier.arrive $0xFFFF  }
0x100: {  	[hbm:s3], [sflag:s28] =	dma.local @!p0 [spmem:s4], $0x4000  }
0x101: {  	_ =	swait.ge @!p0 [sflag:s25], $0x4000  }
0x102: {  	[sflag:s25] =	ssyncset.done @!p0 $0x0  }
0x103: {  	[sflag:s25] =	ssyncadd.s32 @!p0 $0xFFFFC000  }
0x104: {  	_ =	sfence.sel $0x180000  }
0x105: {  	[bflag:$0x0] =	sbarrier.arrive $0xFFFF  }
0x106: {  	_ =	strace $0x90000047  }
0x107: {  	s0 =	sadd.s32 @!p0 $0x100000, s0;
	[bflag:$0x2] =	sbarrier.arrive $0xFFFF  }
0x108: {  	[sflag:s0] =	ssyncadd.tile.s32 @!p0 $0x1;
	_ =	shalt  }
.Lfunc_end2:
_tile_overlayer_lowered:
.L_overlay_start_2:
0x109: {  	(tag) =	ssettag $0x2  }
0x10a: {  	s0 =	rddreg [dreg:$0x0];
	s2 =	stileid.u32  }
0x10b: {  	s1 =	rddreg [dreg:$0x1];
	p0 =	sne.s32 s2, $0x0  }
0x10c: {  	s3 =	rddreg [dreg:$0x2];
	[bflag:$0x3] =	sbarrier.arrive $0xFFFF;
	s2 =	simm.s32 @!p0 $0x1C03  }
0x10d: {  	[timem:s3], [sflag:s2] =	dma.local @!p0 [hbm:s0], s1  }
0x10e: {  	s0 =	simm.s32 @!p0 $0x3  }
0x10f: {  	_ =	swait.ge @!p0 [sflag:s0], s1  }
0x110: {  	s1 =	ssub.s32 @!p0 $0x0, s1;
	[sflag:s0] =	ssyncset.done @!p0 $0x0  }
0x111: {  	[sflag:s0] =	ssyncadd.s32 @!p0 s1  }
0x112: {  	[bflag:$0x3] =	sbarrier.arrive $0xFFFF  }
0x113: {  	_ =	shalt  }

</sc_bundles>
